<compile_context>
chip_gen: v7x
topology: tpu7x:2x2x1
jax: 0.10.2.dev20260603
libtpu: 0.0.44.dev20260713+nightly
codegen_flags: <defaults>
</compile_context>

<pallas_src>
import functools
import math

import jax
import jax.numpy as jnp
from jax import lax
from jax.experimental import pallas as pl
from jax.experimental.pallas import tpu as pltpu
from jax.experimental.pallas import tpu_sc as plsc

_N = 10000
_E = 320000
_D = 192
_DA = 88
_L = 4
_BR = 400
_GRID = _N // _BR
_NPAD = 10112
_DE = 16

_NC = 2
_NS = 16
_NW = _NC * _NS
_EB = 128
_NBATCH = 79
_EPW = _NBATCH * _EB
_EPAD = _EPW * _NW
_RPT = _NPAD // _NS
_DH = _D // 2
_NBATCH2 = 157
_EPW2 = _NBATCH2 * _EB
_EPAD2 = _EPW2 * _NS


def _gelu(x):
    return 0.5 * x * (1.0 + lax.erf(x * (1.0 / math.sqrt(2.0))))


def _atom_body(x_ref, w_ref, b_ref, o_ref):
    h = (
        jnp.dot(x_ref[...], w_ref[...], preferred_element_type=jnp.float32)
        + b_ref[...]
    )
    o_ref[0] = h[:, :_DH]
    o_ref[1] = h[:, _DH:]


def _atom_fc(x, atom_W, atom_b):
    return pl.pallas_call(
        _atom_body,
        grid=(_GRID,),
        in_specs=[
            pl.BlockSpec((_BR, _DA), lambda i: (i, 0)),
            pl.BlockSpec((_DA, _D), lambda i: (0, 0)),
            pl.BlockSpec((1, _D), lambda i: (0, 0)),
        ],
        out_specs=pl.BlockSpec((2, _BR, _DH), lambda i: (0, i, 0)),
        out_shape=jax.ShapeDtypeStruct((2, _N, _DH), jnp.float32),
    )(x, atom_W, atom_b.reshape(1, _D))


def _layer_body(h_ref, agg_ref, ea_ref, w8_ref, w1_ref, b1_ref, w2_ref, b2_ref,
                o_ref):
    ob = (
        jnp.concatenate([h_ref[0], h_ref[1]], axis=1)
        + jnp.concatenate([agg_ref[0], agg_ref[1]], axis=1)
        + jnp.dot(ea_ref[0] + ea_ref[1], w8_ref[...],
                  preferred_element_type=jnp.float32)
    )
    t = jnp.dot(ob, w1_ref[...], preferred_element_type=jnp.float32) + b1_ref[...]
    t = _gelu(t)
    hn = (
        jnp.dot(t, w2_ref[...], preferred_element_type=jnp.float32) + b2_ref[...]
    )
    o_ref[0] = hn[:, :_DH]
    o_ref[1] = hn[:, _DH:]


def _layer(h, agg2, ea2, w8, w1, b1, w2, b2):
    return pl.pallas_call(
        _layer_body,
        grid=(_GRID,),
        in_specs=[
            pl.BlockSpec((2, _BR, _DH), lambda i: (0, i, 0)),
            pl.BlockSpec((2, _BR, _DH), lambda i: (0, i, 0)),
            pl.BlockSpec((2, _BR, _DE), lambda i: (0, i, 0)),
            pl.BlockSpec((_DE, _D), lambda i: (0, 0)),
            pl.BlockSpec((_D, _D), lambda i: (0, 0)),
            pl.BlockSpec((1, _D), lambda i: (0, 0)),
            pl.BlockSpec((_D, _D), lambda i: (0, 0)),
            pl.BlockSpec((1, _D), lambda i: (0, 0)),
        ],
        out_specs=pl.BlockSpec((2, _BR, _DH), lambda i: (0, i, 0)),
        out_shape=jax.ShapeDtypeStruct((2, _N, _DH), jnp.float32),
    )(h, agg2, ea2, w8, w1, b1.reshape(1, _D), w2, b2.reshape(1, _D))


def _final_body(h_ref, agg_ref, ea_ref, w8_ref, w1_ref, b1_ref, w2_ref, b2_ref,
                muW_ref, mub_ref, lvW_ref, lvb_ref, eps_ref, o_ref, pool_ref):
    i = pl.program_id(0)

    ob = (
        jnp.concatenate([h_ref[0], h_ref[1]], axis=1)
        + jnp.concatenate([agg_ref[0], agg_ref[1]], axis=1)
        + jnp.dot(ea_ref[0] + ea_ref[1], w8_ref[...],
                  preferred_element_type=jnp.float32)
    )
    t = jnp.dot(ob, w1_ref[...], preferred_element_type=jnp.float32) + b1_ref[...]
    t = _gelu(t)
    hn = jnp.dot(t, w2_ref[...], preferred_element_type=jnp.float32) + b2_ref[...]

    part = jnp.sum(hn, axis=0, keepdims=True)

    @pl.when(i == 0)
    def _():
        pool_ref[...] = part

    @pl.when(i > 0)
    def _():
        pool_ref[...] += part

    @pl.when(i == pl.num_programs(0) - 1)
    def _():
        pooled = pool_ref[...]
        mu = jnp.dot(pooled, muW_ref[...], preferred_element_type=jnp.float32) \
            + mub_ref[...]
        lv = jnp.dot(pooled, lvW_ref[...], preferred_element_type=jnp.float32) \
            + lvb_ref[...]
        z = mu + jnp.exp(0.5 * lv) * eps_ref[...]
        o_ref[...] = jnp.concatenate([z, mu, lv], axis=0)


def _final_layer(h, agg2, ea2, w8, w1, b1, w2, b2, mu_W, mu_b, lv_W, lv_b, eps):
    return pl.pallas_call(
        _final_body,
        grid=(_GRID,),
        in_specs=[
            pl.BlockSpec((2, _BR, _DH), lambda i: (0, i, 0)),
            pl.BlockSpec((2, _BR, _DH), lambda i: (0, i, 0)),
            pl.BlockSpec((2, _BR, _DE), lambda i: (0, i, 0)),
            pl.BlockSpec((_DE, _D), lambda i: (0, 0)),
            pl.BlockSpec((_D, _D), lambda i: (0, 0)),
            pl.BlockSpec((1, _D), lambda i: (0, 0)),
            pl.BlockSpec((_D, _D), lambda i: (0, 0)),
            pl.BlockSpec((1, _D), lambda i: (0, 0)),
            pl.BlockSpec((_D, _D), lambda i: (0, 0)),
            pl.BlockSpec((1, _D), lambda i: (0, 0)),
            pl.BlockSpec((_D, _D), lambda i: (0, 0)),
            pl.BlockSpec((1, _D), lambda i: (0, 0)),
            pl.BlockSpec((1, _D), lambda i: (0, 0)),
        ],
        out_specs=pl.BlockSpec((3, _D), lambda i: (0, 0)),
        out_shape=jax.ShapeDtypeStruct((3, _D), jnp.float32),
        scratch_shapes=[pltpu.VMEM((1, _D), jnp.float32)],
    )(h, agg2, ea2, w8, w1, b1.reshape(1, _D), w2, b2.reshape(1, _D),
      mu_W, mu_b.reshape(1, _D), lv_W, lv_b.reshape(1, _D), eps.reshape(1, _D))


_SC_MESH = plsc.VectorSubcoreMesh(
    core_axis_name="c", subcore_axis_name="s", num_cores=_NC, num_subcores=_NS)

def _zero_vmem(buf, rows, cols):
    z16 = jnp.zeros((16,), jnp.float32)
    def body(r, carry):
        for c in range(cols // 16):
            buf[r, pl.ds(c * 16, 16)] = z16
        return carry
    lax.fori_loop(0, rows, body, 0)


def _zero_accum_slice(zsrc, accum, base, cols):
    for k in range((_RPT + _EB - 1) // _EB):
        r0 = k * _EB
        nr = min(_EB, _RPT - r0)
        pltpu.sync_copy(zsrc.at[pl.ds(0, nr)], accum.at[pl.ds(base + r0, nr)])


def _sc_agg_body(nb, split_edges, hv_hbm, src_hbm, dst_hbm, agg_hbm,
                 src_v, dst_v, g0, g1, accum, sem0, sem1):
    cid = lax.axis_index("c")
    sid = lax.axis_index("s")
    base = sid * _RPT

    _zero_vmem(g0, _EB, _DH)
    _zero_accum_slice(g0, accum, base, _DH)
    plsc.subcore_barrier()

    if split_edges:
        w = cid * _NS + sid
        pltpu.sync_copy(src_hbm.at[w], src_v)
        pltpu.sync_copy(dst_hbm.at[w], dst_v)
    else:
        pltpu.sync_copy(src_hbm.at[cid, sid], src_v)
        pltpu.sync_copy(dst_hbm.at[sid], dst_v)

    pltpu.async_copy(hv_hbm.at[src_v.at[0]], g0, sem0)

    def batch2(i, carry):
        b0 = 2 * i
        pltpu.async_copy(hv_hbm.at[src_v.at[b0 + 1]], g1, sem1)
        pltpu.make_async_copy(hv_hbm.at[src_v.at[b0]], g0, sem0).wait()
        pltpu.sync_copy(g0, accum.at[dst_v.at[b0]], add=True)
        pltpu.async_copy(hv_hbm.at[src_v.at[b0 + 2]], g0, sem0)
        pltpu.make_async_copy(hv_hbm.at[src_v.at[b0 + 1]], g1, sem1).wait()
        pltpu.sync_copy(g1, accum.at[dst_v.at[b0 + 1]], add=True)
        return carry
    lax.fori_loop(0, (nb - 1) // 2, batch2, 0)
    last = nb - 1
    pltpu.make_async_copy(hv_hbm.at[src_v.at[last]], g0, sem0).wait()
    pltpu.sync_copy(g0, accum.at[dst_v.at[last]], add=True)
    plsc.subcore_barrier()

    pltpu.sync_copy(accum.at[pl.ds(base, _RPT)],
                    agg_hbm.at[cid, pl.ds(base, _RPT)])


def _sc_agg(hv, srcx_p, dst_p):
    return pl.kernel(
        functools.partial(_sc_agg_body, _NBATCH2, False),
        out_type=jax.ShapeDtypeStruct((2, _NPAD, _DH), jnp.float32),
        mesh=_SC_MESH,
        scratch_types=[
            pltpu.VMEM((_NBATCH2, _EB), jnp.int32),
            pltpu.VMEM((_NBATCH2, _EB), jnp.int32),
            pltpu.VMEM((_EB, _DH), jnp.float32),
            pltpu.VMEM((_EB, _DH), jnp.float32),
            pltpu.VMEM_SHARED((_NPAD, _DH), jnp.float32),
            pltpu.SemaphoreType.DMA,
            pltpu.SemaphoreType.DMA,
        ],
        compiler_params=pltpu.CompilerParams(use_tc_tiling_on_sc=False),
    )(hv, srcx_p, dst_p)


def _sc_ea_body(ea_hbm, dst_hbm, eao_hbm, dst_v, ebuf, eaccum):
    cid = lax.axis_index("c")
    sid = lax.axis_index("s")
    w = cid * _NS + sid
    base = sid * _RPT

    _zero_vmem(ebuf, _EB, _DE)
    _zero_accum_slice(ebuf, eaccum, base, _DE)
    plsc.subcore_barrier()

    pltpu.sync_copy(dst_hbm.at[w], dst_v)

    def batch(j, carry):
        pltpu.sync_copy(ea_hbm.at[w, pl.ds(j * _EB, _EB)], ebuf)
        pltpu.sync_copy(ebuf, eaccum.at[dst_v.at[j]], add=True)
        return carry
    lax.fori_loop(0, _NBATCH, batch, 0)
    plsc.subcore_barrier()

    pltpu.sync_copy(eaccum.at[pl.ds(base, _RPT)],
                    eao_hbm.at[cid, pl.ds(base, _RPT)])


def _sc_ea(ea_p, dst_p):
    return pl.kernel(
        _sc_ea_body,
        out_type=jax.ShapeDtypeStruct((2, _NPAD, _DE), jnp.float32),
        mesh=_SC_MESH,
        scratch_types=[
            pltpu.VMEM((_NBATCH, _EB), jnp.int32),
            pltpu.VMEM((_EB, _DE), jnp.float32),
            pltpu.VMEM_SHARED((_NPAD, _DE), jnp.float32),
        ],
        compiler_params=pltpu.CompilerParams(use_tc_tiling_on_sc=False),
    )(ea_p, dst_p)


def kernel(x, edge_index, edge_attr, atom_W, atom_b, edge_W, edge_b,
           mlp_W1, mlp_b1, mlp_W2, mlp_b2, mu_W, mu_b, lv_W, lv_b, eps):
    pad = _EPAD - _E
    pad2 = _EPAD2 - _E
    src = edge_index[:, 0]
    dst = edge_index[:, 1]
    scratch2 = _N + (jnp.arange(pad2, dtype=jnp.int32) % (_NPAD - _N))
    scratch32 = _N + (jnp.arange(pad, dtype=jnp.int32) % (_NPAD - _N))
    src2 = jnp.concatenate([src, jnp.zeros((pad2,), jnp.int32)])
    srcx_p = jnp.stack([src2, src2 + _N]).reshape(2, _NS, _NBATCH2, _EB)
    dst_p = jnp.concatenate(
        [dst, scratch2]).reshape(_NS, _NBATCH2, _EB)
    dst_p32 = jnp.concatenate(
        [dst, scratch32]).reshape(_NW, _NBATCH, _EB)
    ea_aug = jnp.concatenate(
        [edge_attr, jnp.ones((_E, 1), jnp.float32),
         jnp.zeros((_E, _DE - 7), jnp.float32)], axis=1)
    ea_p = jnp.concatenate(
        [ea_aug, jnp.zeros((pad, _DE), jnp.float32)]).reshape(_NW, _EPW, _DE)
    w8 = jnp.concatenate(
        [edge_W, edge_b[:, None, :], jnp.zeros((_L, _DE - 7, _D), jnp.float32)],
        axis=1)

    h = _atom_fc(x, atom_W, atom_b)
    ea2 = _sc_ea(ea_p, dst_p32)
    for l in range(_L):
        agg2 = _sc_agg(h.reshape(2 * _N, _DH), srcx_p, dst_p)
        if l < _L - 1:
            h = _layer(h, agg2, ea2, w8[l], mlp_W1[l], mlp_b1[l],
                       mlp_W2[l], mlp_b2[l])
        else:
            out = _final_layer(h, agg2, ea2, w8[l], mlp_W1[l], mlp_b1[l],
                               mlp_W2[l], mlp_b2[l],
                               mu_W, mu_b, lv_W, lv_b, eps)
    return out

# --- scband reference (transcript-rebuilt; emitter-appended) ---
"""Pipeline reference for scband-drug-encoder-vae-74053826117702 (READ-ONLY COPY).

The authoritative reference and input builder live on the scoring server;
editing this copy changes nothing except your own understanding.
"""

import jax, jax.numpy as jnp
import numpy as np

N = 10000
E = 320000
D_ATOM = 88
D_BOND = 6
D = 192
L = 4


def setup_inputs(seed: int = 0) -> dict:
    key = jax.random.key(seed)
    ks = jax.random.split(key, 12)
    s = 0.02
    x = jax.random.normal(ks[0], (N, D_ATOM), dtype=jnp.float32)
    edge_index = jax.random.randint(ks[1], (E, 2), 0, N, dtype=jnp.int32)
    edge_attr = jax.random.uniform(ks[2], (E, D_BOND), dtype=jnp.float32)
    atom_W = jax.random.normal(ks[3], (D_ATOM, D), dtype=jnp.float32) * s
    atom_b = jnp.zeros((D,), dtype=jnp.float32)
    edge_W = jax.random.normal(ks[4], (L, D_BOND, D), dtype=jnp.float32) * s
    edge_b = jnp.zeros((L, D), dtype=jnp.float32)
    mlp_W1 = jax.random.normal(ks[5], (L, D, D), dtype=jnp.float32) * s
    mlp_b1 = jnp.zeros((L, D), dtype=jnp.float32)
    mlp_W2 = jax.random.normal(ks[6], (L, D, D), dtype=jnp.float32) * s
    mlp_b2 = jnp.zeros((L, D), dtype=jnp.float32)
    mu_W = jax.random.normal(ks[7], (D, D), dtype=jnp.float32) * s
    mu_b = jnp.zeros((D,), dtype=jnp.float32)
    lv_W = jax.random.normal(ks[8], (D, D), dtype=jnp.float32) * 0.001
    lv_b = jnp.zeros((D,), dtype=jnp.float32)
    eps = jax.random.normal(ks[9], (D,), dtype=jnp.float32)
    return {"x": x, "edge_index": edge_index, "edge_attr": edge_attr,
            "atom_W": atom_W, "atom_b": atom_b, "edge_W": edge_W, "edge_b": edge_b,
            "mlp_W1": mlp_W1, "mlp_b1": mlp_b1, "mlp_W2": mlp_W2, "mlp_b2": mlp_b2,
            "mu_W": mu_W, "mu_b": mu_b, "lv_W": lv_W, "lv_b": lv_b, "eps": eps}


def reference(x, edge_index, edge_attr, atom_W, atom_b, edge_W, edge_b,
              mlp_W1, mlp_b1, mlp_W2, mlp_b2, mu_W, mu_b, lv_W, lv_b, eps):
    # atom_fc
    h = x @ atom_W + atom_b
    src = edge_index[:, 0]
    dst = edge_index[:, 1]
    # stacked _SimpleGINLayer: msg = h[src] + edge_fc(edge_attr); agg = scatter_add by dst;
    # out = MLP(h + agg) with MLP = Linear -> GELU -> Linear
    for l in range(L):
        msg = h[src] + (edge_attr @ edge_W[l] + edge_b[l])
        agg = jnp.zeros_like(h).at[dst].add(msg)
        out = h + agg
        h = jax.nn.gelu(out @ mlp_W1[l] + mlp_b1[l], approximate=False) @ mlp_W2[l] + mlp_b2[l]
    # sum pooling over nodes of the (single) drug graph
    pooled = jnp.sum(h, axis=0)
    mu = pooled @ mu_W + mu_b
    logvar = pooled @ lv_W + lv_b
    z = mu + jnp.exp(0.5 * logvar) * eps  # VAE reparameterization with fixed eps
    return jnp.stack([z, mu, logvar], axis=0)

if __name__ == "__main__":
    import jax
    _d = setup_inputs()
    print(jax.jit(kernel)(*tuple(_d.values())))

</pallas_src>

<mosaic_0001>
#map = affine_map<(d0, d1) -> (0, 0)>
#map1 = affine_map<(d0, d1) -> (0, 0, 0, 0)>
#map2 = affine_map<(d0, d1) -> (0, 0, 0)>
module attributes {stable_mosaic.version = 14 : i64} {
  func.func @_sc_agg_body(%arg0: i32, %arg1: i32, %arg2: memref<20000x96xf32, #tpu.memory_space<hbm>>, %arg3: memref<2x16x157x128xi32, #tpu.memory_space<hbm>>, %arg4: memref<16x157x128xi32, #tpu.memory_space<hbm>>, %arg5: memref<2x10112x96xf32, #tpu.memory_space<hbm>>, %arg6: memref<157x128xi32, #tpu.memory_space<vmem>>, %arg7: memref<157x128xi32, #tpu.memory_space<vmem>>, %arg8: memref<128x96xf32, #tpu.memory_space<vmem>>, %arg9: memref<128x96xf32, #tpu.memory_space<vmem>>, %arg10: memref<10112x96xf32, #tpu.memory_space<vmem_shared>>, %arg11: memref<!tpu.dma_semaphore, #tpu.memory_space<semaphore_mem>>, %arg12: memref<!tpu.dma_semaphore, #tpu.memory_space<semaphore_mem>>) attributes {dimension_semantics = [#tpu.dimension_semantics<core_parallel>, #tpu.dimension_semantics<subcore_parallel>], iteration_bounds = array<i64: 2, 16>, scalar_prefetch = 0 : i64, scratch_operands = 7 : i64, tpu.core_type = #tpu.core_type<sc_vector_subcore>, window_params = [{transform_indices = #map}, {transform_indices = #map1}, {transform_indices = #map2}, {transform_indices = #map2}]} {
    %mul3A = arith.constant 632 : i32
    %mul3A_0 = arith.muli %arg1, %mul3A : i32
    %broadcast_in_dim3A = arith.constant 0.000000e+00 : f32
    %broadcast_in_dim3A_1 = vector.broadcast %broadcast_in_dim3A : f32 to vector<16xf32>
    %scan3A = arith.constant 0 : i32
    %scan3A_2 = arith.constant 0 : i32
    %scan3A_3 = arith.constant 128 : i32
    %scan3A_4 = arith.addi %scan3A_2, %scan3A_3 : i32
    %scan3A_5 = arith.constant 1 : i32
    scf.for %scan3A_35 = %scan3A_2 to %scan3A_4 step %scan3A_5  : i32 {
      %swap3A = arith.index_cast %scan3A_35 : i32 to index
      %swap3A_36 = arith.constant 0 : index
      %swap3A_37 = tpu.vector_load %arg8[%swap3A, %swap3A_36] {strides = array<i32>} : memref<128x96xf32, #tpu.memory_space<vmem>>, vector<1x16xf32>,
      %swap3A_38 = vector.shape_cast %swap3A_37 : vector<1x16xf32> to vector<16xf32>
      %swap3A_39 = vector.shape_cast %broadcast_in_dim3A_1 : vector<16xf32> to vector<1x16xf32>
      tpu.vector_store %arg8[%swap3A, %swap3A_36], %swap3A_39 {strides = array<i32>} : memref<128x96xf32, #tpu.memory_space<vmem>>, vector<1x16xf32>,
      %swap3A_40 = arith.index_cast %scan3A_35 : i32 to index
      %swap3A_41 = arith.constant 16 : index
      %swap3A_42 = tpu.vector_load %arg8[%swap3A_40, %swap3A_41] {strides = array<i32>} : memref<128x96xf32, #tpu.memory_space<vmem>>, vector<1x16xf32>,
      %swap3A_43 = vector.shape_cast %swap3A_42 : vector<1x16xf32> to vector<16xf32>
      %swap3A_44 = vector.shape_cast %broadcast_in_dim3A_1 : vector<16xf32> to vector<1x16xf32>
      tpu.vector_store %arg8[%swap3A_40, %swap3A_41], %swap3A_44 {strides = array<i32>} : memref<128x96xf32, #tpu.memory_space<vmem>>, vector<1x16xf32>,
      %swap3A_45 = arith.index_cast %scan3A_35 : i32 to index
      %swap3A_46 = arith.constant 32 : index
      %swap3A_47 = tpu.vector_load %arg8[%swap3A_45, %swap3A_46] {strides = array<i32>} : memref<128x96xf32, #tpu.memory_space<vmem>>, vector<1x16xf32>,
      %swap3A_48 = vector.shape_cast %swap3A_47 : vector<1x16xf32> to vector<16xf32>
      %swap3A_49 = vector.shape_cast %broadcast_in_dim3A_1 : vector<16xf32> to vector<1x16xf32>
      tpu.vector_store %arg8[%swap3A_45, %swap3A_46], %swap3A_49 {strides = array<i32>} : memref<128x96xf32, #tpu.memory_space<vmem>>, vector<1x16xf32>,
      %swap3A_50 = arith.index_cast %scan3A_35 : i32 to index
      %swap3A_51 = arith.constant 48 : index
      %swap3A_52 = tpu.vector_load %arg8[%swap3A_50, %swap3A_51] {strides = array<i32>} : memref<128x96xf32, #tpu.memory_space<vmem>>, vector<1x16xf32>,
      %swap3A_53 = vector.shape_cast %swap3A_52 : vector<1x16xf32> to vector<16xf32>
      %swap3A_54 = vector.shape_cast %broadcast_in_dim3A_1 : vector<16xf32> to vector<1x16xf32>
      tpu.vector_store %arg8[%swap3A_50, %swap3A_51], %swap3A_54 {strides = array<i32>} : memref<128x96xf32, #tpu.memory_space<vmem>>, vector<1x16xf32>,
      %swap3A_55 = arith.index_cast %scan3A_35 : i32 to index
      %swap3A_56 = arith.constant 64 : index
      %swap3A_57 = tpu.vector_load %arg8[%swap3A_55, %swap3A_56] {strides = array<i32>} : memref<128x96xf32, #tpu.memory_space<vmem>>, vector<1x16xf32>,
      %swap3A_58 = vector.shape_cast %swap3A_57 : vector<1x16xf32> to vector<16xf32>
      %swap3A_59 = vector.shape_cast %broadcast_in_dim3A_1 : vector<16xf32> to vector<1x16xf32>
      tpu.vector_store %arg8[%swap3A_55, %swap3A_56], %swap3A_59 {strides = array<i32>} : memref<128x96xf32, #tpu.memory_space<vmem>>, vector<1x16xf32>,
      %swap3A_60 = arith.index_cast %scan3A_35 : i32 to index
      %swap3A_61 = arith.constant 80 : index
      %swap3A_62 = tpu.vector_load %arg8[%swap3A_60, %swap3A_61] {strides = array<i32>} : memref<128x96xf32, #tpu.memory_space<vmem>>, vector<1x16xf32>,
      %swap3A_63 = vector.shape_cast %swap3A_62 : vector<1x16xf32> to vector<16xf32>
      %swap3A_64 = vector.shape_cast %broadcast_in_dim3A_1 : vector<16xf32> to vector<1x16xf32>
      tpu.vector_store %arg8[%swap3A_60, %swap3A_61], %swap3A_64 {strides = array<i32>} : memref<128x96xf32, #tpu.memory_space<vmem>>, vector<1x16xf32>,
    }
    %scan3A_6 = arith.constant 128 : i32
    %add3A = arith.constant 0 : i32
    %add3A_7 = arith.addi %mul3A_0, %add3A : i32
    "tpu.region"() ({
      %run_scoped3A_35 = tpu.sem_alloc : memref<!tpu.dma_semaphore, #tpu.memory_space<semaphore_mem>>
      %dma_start3A_36 = arith.constant 0 : i32
      %dma_start3A_37 = arith.constant 0 : i32
      %dma_start3A_38 = tpu.memref_slice %arg8[%dma_start3A_36, %dma_start3A_37] : memref<128x96xf32, #tpu.memory_space<vmem>> -> memref<128x96xf32, #tpu.memory_space<vmem>>
      %dma_start3A_39 = arith.constant 0 : i32
      %dma_start3A_40 = tpu.memref_slice %arg10[%add3A_7, %dma_start3A_39] : memref<10112x96xf32, #tpu.memory_space<vmem_shared>> -> memref<128x96xf32, #tpu.memory_space<vmem_shared>>
      %dma_start3A_41 = arith.constant 0 : i32
      %dma_start3A_42 = tpu.memref_slice %arg10[%add3A_7, %dma_start3A_41] : memref<10112x96xf32, #tpu.memory_space<vmem_shared>> -> memref<128x96xf32, #tpu.memory_space<vmem_shared>>
      %dma_start3A_43 = arith.constant 0 : i32
      %dma_start3A_44 = arith.constant 0 : i32
      %dma_start3A_45 = tpu.memref_slice %arg8[%dma_start3A_43, %dma_start3A_44] : memref<128x96xf32, #tpu.memory_space<vmem>> -> memref<128x96xf32, #tpu.memory_space<vmem>>
      tpu.enqueue_dma source(%dma_start3A_45 : memref<128x96xf32, #tpu.memory_space<vmem>>) target(%dma_start3A_42 : memref<128x96xf32, #tpu.memory_space<vmem_shared>>) target_semaphore(%run_scoped3A_35 : memref<!tpu.dma_semaphore, #tpu.memory_space<semaphore_mem>>)
      %dma_wait3A_46 = arith.constant 0 : i32
      %dma_wait3A_47 = arith.constant 0 : i32
      %dma_wait3A_48 = tpu.memref_slice %arg8[%dma_wait3A_46, %dma_wait3A_47] : memref<128x96xf32, #tpu.memory_space<vmem>> -> memref<128x96xf32, #tpu.memory_space<vmem>>
      %dma_wait3A_49 = arith.constant 0 : i32
      %dma_wait3A_50 = tpu.memref_slice %arg10[%add3A_7, %dma_wait3A_49] : memref<10112x96xf32, #tpu.memory_space<vmem_shared>> -> memref<128x96xf32, #tpu.memory_space<vmem_shared>>
      %dma_wait3A_51 = arith.constant 0 : i32
      %dma_wait3A_52 = tpu.memref_slice %arg10[%add3A_7, %dma_wait3A_51] : memref<10112x96xf32, #tpu.memory_space<vmem_shared>> -> memref<128x96xf32, #tpu.memory_space<vmem_shared>>
      %dma_wait3A_53 = arith.constant 0 : i32
      %dma_wait3A_54 = arith.constant 0 : i32
      %dma_wait3A_55 = tpu.memref_slice %arg8[%dma_wait3A_53, %dma_wait3A_54] : memref<128x96xf32, #tpu.memory_space<vmem>> -> memref<128x96xf32, #tpu.memory_space<vmem>>
      tpu.wait_dma2 semaphore(%run_scoped3A_35 : memref<!tpu.dma_semaphore, #tpu.memory_space<semaphore_mem>>) src(%dma_wait3A_55 : memref<128x96xf32, #tpu.memory_space<vmem>>) dst(%dma_wait3A_52 : memref<128x96xf32, #tpu.memory_space<vmem_shared>>)
      tpu.yield
    }) : () -> ()
    %add3A_8 = arith.constant 128 : i32
    %add3A_9 = arith.addi %mul3A_0, %add3A_8 : i32
    "tpu.region"() ({
      %run_scoped3A_35 = tpu.sem_alloc : memref<!tpu.dma_semaphore, #tpu.memory_space<semaphore_mem>>
      %dma_start3A_36 = arith.constant 0 : i32
      %dma_start3A_37 = arith.constant 0 : i32
      %dma_start3A_38 = tpu.memref_slice %arg8[%dma_start3A_36, %dma_start3A_37] : memref<128x96xf32, #tpu.memory_space<vmem>> -> memref<128x96xf32, #tpu.memory_space<vmem>>
      %dma_start3A_39 = arith.constant 0 : i32
      %dma_start3A_40 = tpu.memref_slice %arg10[%add3A_9, %dma_start3A_39] : memref<10112x96xf32, #tpu.memory_space<vmem_shared>> -> memref<128x96xf32, #tpu.memory_space<vmem_shared>>
      %dma_start3A_41 = arith.constant 0 : i32
      %dma_start3A_42 = tpu.memref_slice %arg10[%add3A_9, %dma_start3A_41] : memref<10112x96xf32, #tpu.memory_space<vmem_shared>> -> memref<128x96xf32, #tpu.memory_space<vmem_shared>>
      %dma_start3A_43 = arith.constant 0 : i32
      %dma_start3A_44 = arith.constant 0 : i32
      %dma_start3A_45 = tpu.memref_slice %arg8[%dma_start3A_43, %dma_start3A_44] : memref<128x96xf32, #tpu.memory_space<vmem>> -> memref<128x96xf32, #tpu.memory_space<vmem>>
      tpu.enqueue_dma source(%dma_start3A_45 : memref<128x96xf32, #tpu.memory_space<vmem>>) target(%dma_start3A_42 : memref<128x96xf32, #tpu.memory_space<vmem_shared>>) target_semaphore(%run_scoped3A_35 : memref<!tpu.dma_semaphore, #tpu.memory_space<semaphore_mem>>)
      %dma_wait3A_46 = arith.constant 0 : i32
      %dma_wait3A_47 = arith.constant 0 : i32
      %dma_wait3A_48 = tpu.memref_slice %arg8[%dma_wait3A_46, %dma_wait3A_47] : memref<128x96xf32, #tpu.memory_space<vmem>> -> memref<128x96xf32, #tpu.memory_space<vmem>>
      %dma_wait3A_49 = arith.constant 0 : i32
      %dma_wait3A_50 = tpu.memref_slice %arg10[%add3A_9, %dma_wait3A_49] : memref<10112x96xf32, #tpu.memory_space<vmem_shared>> -> memref<128x96xf32, #tpu.memory_space<vmem_shared>>
      %dma_wait3A_51 = arith.constant 0 : i32
      %dma_wait3A_52 = tpu.memref_slice %arg10[%add3A_9, %dma_wait3A_51] : memref<10112x96xf32, #tpu.memory_space<vmem_shared>> -> memref<128x96xf32, #tpu.memory_space<vmem_shared>>
      %dma_wait3A_53 = arith.constant 0 : i32
      %dma_wait3A_54 = arith.constant 0 : i32
      %dma_wait3A_55 = tpu.memref_slice %arg8[%dma_wait3A_53, %dma_wait3A_54] : memref<128x96xf32, #tpu.memory_space<vmem>> -> memref<128x96xf32, #tpu.memory_space<vmem>>
      tpu.wait_dma2 semaphore(%run_scoped3A_35 : memref<!tpu.dma_semaphore, #tpu.memory_space<semaphore_mem>>) src(%dma_wait3A_55 : memref<128x96xf32, #tpu.memory_space<vmem>>) dst(%dma_wait3A_52 : memref<128x96xf32, #tpu.memory_space<vmem_shared>>)
      tpu.yield
    }) : () -> ()
    %add3A_10 = arith.constant 256 : i32
    %add3A_11 = arith.addi %mul3A_0, %add3A_10 : i32
    "tpu.region"() ({
      %run_scoped3A_35 = tpu.sem_alloc : memref<!tpu.dma_semaphore, #tpu.memory_space<semaphore_mem>>
      %dma_start3A_36 = arith.constant 0 : i32
      %dma_start3A_37 = arith.constant 0 : i32
      %dma_start3A_38 = tpu.memref_slice %arg8[%dma_start3A_36, %dma_start3A_37] : memref<128x96xf32, #tpu.memory_space<vmem>> -> memref<128x96xf32, #tpu.memory_space<vmem>>
      %dma_start3A_39 = arith.constant 0 : i32
      %dma_start3A_40 = tpu.memref_slice %arg10[%add3A_11, %dma_start3A_39] : memref<10112x96xf32, #tpu.memory_space<vmem_shared>> -> memref<128x96xf32, #tpu.memory_space<vmem_shared>>
      %dma_start3A_41 = arith.constant 0 : i32
      %dma_start3A_42 = tpu.memref_slice %arg10[%add3A_11, %dma_start3A_41] : memref<10112x96xf32, #tpu.memory_space<vmem_shared>> -> memref<128x96xf32, #tpu.memory_space<vmem_shared>>
      %dma_start3A_43 = arith.constant 0 : i32
      %dma_start3A_44 = arith.constant 0 : i32
      %dma_start3A_45 = tpu.memref_slice %arg8[%dma_start3A_43, %dma_start3A_44] : memref<128x96xf32, #tpu.memory_space<vmem>> -> memref<128x96xf32, #tpu.memory_space<vmem>>
      tpu.enqueue_dma source(%dma_start3A_45 : memref<128x96xf32, #tpu.memory_space<vmem>>) target(%dma_start3A_42 : memref<128x96xf32, #tpu.memory_space<vmem_shared>>) target_semaphore(%run_scoped3A_35 : memref<!tpu.dma_semaphore, #tpu.memory_space<semaphore_mem>>)
      %dma_wait3A_46 = arith.constant 0 : i32
      %dma_wait3A_47 = arith.constant 0 : i32
      %dma_wait3A_48 = tpu.memref_slice %arg8[%dma_wait3A_46, %dma_wait3A_47] : memref<128x96xf32, #tpu.memory_space<vmem>> -> memref<128x96xf32, #tpu.memory_space<vmem>>
      %dma_wait3A_49 = arith.constant 0 : i32
      %dma_wait3A_50 = tpu.memref_slice %arg10[%add3A_11, %dma_wait3A_49] : memref<10112x96xf32, #tpu.memory_space<vmem_shared>> -> memref<128x96xf32, #tpu.memory_space<vmem_shared>>
      %dma_wait3A_51 = arith.constant 0 : i32
      %dma_wait3A_52 = tpu.memref_slice %arg10[%add3A_11, %dma_wait3A_51] : memref<10112x96xf32, #tpu.memory_space<vmem_shared>> -> memref<128x96xf32, #tpu.memory_space<vmem_shared>>
      %dma_wait3A_53 = arith.constant 0 : i32
      %dma_wait3A_54 = arith.constant 0 : i32
      %dma_wait3A_55 = tpu.memref_slice %arg8[%dma_wait3A_53, %dma_wait3A_54] : memref<128x96xf32, #tpu.memory_space<vmem>> -> memref<128x96xf32, #tpu.memory_space<vmem>>
      tpu.wait_dma2 semaphore(%run_scoped3A_35 : memref<!tpu.dma_semaphore, #tpu.memory_space<semaphore_mem>>) src(%dma_wait3A_55 : memref<128x96xf32, #tpu.memory_space<vmem>>) dst(%dma_wait3A_52 : memref<128x96xf32, #tpu.memory_space<vmem_shared>>)
      tpu.yield
    }) : () -> ()
    %add3A_12 = arith.constant 384 : i32
    %add3A_13 = arith.addi %mul3A_0, %add3A_12 : i32
    "tpu.region"() ({
      %run_scoped3A_35 = tpu.sem_alloc : memref<!tpu.dma_semaphore, #tpu.memory_space<semaphore_mem>>
      %dma_start3A_36 = arith.constant 0 : i32
      %dma_start3A_37 = arith.constant 0 : i32
      %dma_start3A_38 = tpu.memref_slice %arg8[%dma_start3A_36, %dma_start3A_37] : memref<128x96xf32, #tpu.memory_space<vmem>> -> memref<128x96xf32, #tpu.memory_space<vmem>>
      %dma_start3A_39 = arith.constant 0 : i32
      %dma_start3A_40 = tpu.memref_slice %arg10[%add3A_13, %dma_start3A_39] : memref<10112x96xf32, #tpu.memory_space<vmem_shared>> -> memref<128x96xf32, #tpu.memory_space<vmem_shared>>
      %dma_start3A_41 = arith.constant 0 : i32
      %dma_start3A_42 = tpu.memref_slice %arg10[%add3A_13, %dma_start3A_41] : memref<10112x96xf32, #tpu.memory_space<vmem_shared>> -> memref<128x96xf32, #tpu.memory_space<vmem_shared>>
      %dma_start3A_43 = arith.constant 0 : i32
      %dma_start3A_44 = arith.constant 0 : i32
      %dma_start3A_45 = tpu.memref_slice %arg8[%dma_start3A_43, %dma_start3A_44] : memref<128x96xf32, #tpu.memory_space<vmem>> -> memref<128x96xf32, #tpu.memory_space<vmem>>
      tpu.enqueue_dma source(%dma_start3A_45 : memref<128x96xf32, #tpu.memory_space<vmem>>) target(%dma_start3A_42 : memref<128x96xf32, #tpu.memory_space<vmem_shared>>) target_semaphore(%run_scoped3A_35 : memref<!tpu.dma_semaphore, #tpu.memory_space<semaphore_mem>>)
      %dma_wait3A_46 = arith.constant 0 : i32
      %dma_wait3A_47 = arith.constant 0 : i32
      %dma_wait3A_48 = tpu.memref_slice %arg8[%dma_wait3A_46, %dma_wait3A_47] : memref<128x96xf32, #tpu.memory_space<vmem>> -> memref<128x96xf32, #tpu.memory_space<vmem>>
      %dma_wait3A_49 = arith.constant 0 : i32
      %dma_wait3A_50 = tpu.memref_slice %arg10[%add3A_13, %dma_wait3A_49] : memref<10112x96xf32, #tpu.memory_space<vmem_shared>> -> memref<128x96xf32, #tpu.memory_space<vmem_shared>>
      %dma_wait3A_51 = arith.constant 0 : i32
      %dma_wait3A_52 = tpu.memref_slice %arg10[%add3A_13, %dma_wait3A_51] : memref<10112x96xf32, #tpu.memory_space<vmem_shared>> -> memref<128x96xf32, #tpu.memory_space<vmem_shared>>
      %dma_wait3A_53 = arith.constant 0 : i32
      %dma_wait3A_54 = arith.constant 0 : i32
      %dma_wait3A_55 = tpu.memref_slice %arg8[%dma_wait3A_53, %dma_wait3A_54] : memref<128x96xf32, #tpu.memory_space<vmem>> -> memref<128x96xf32, #tpu.memory_space<vmem>>
      tpu.wait_dma2 semaphore(%run_scoped3A_35 : memref<!tpu.dma_semaphore, #tpu.memory_space<semaphore_mem>>) src(%dma_wait3A_55 : memref<128x96xf32, #tpu.memory_space<vmem>>) dst(%dma_wait3A_52 : memref<128x96xf32, #tpu.memory_space<vmem_shared>>)
      tpu.yield
    }) : () -> ()
    %add3A_14 = arith.constant 512 : i32
    %add3A_15 = arith.addi %mul3A_0, %add3A_14 : i32
    "tpu.region"() ({
      %run_scoped3A_35 = tpu.sem_alloc : memref<!tpu.dma_semaphore, #tpu.memory_space<semaphore_mem>>
      %dma_start3A_36 = arith.constant 0 : i32
      %dma_start3A_37 = arith.constant 0 : i32
      %dma_start3A_38 = tpu.memref_slice %arg8[%dma_start3A_36, %dma_start3A_37] : memref<128x96xf32, #tpu.memory_space<vmem>> -> memref<120x96xf32, #tpu.memory_space<vmem>>
      %dma_start3A_39 = arith.constant 0 : i32
      %dma_start3A_40 = tpu.memref_slice %arg10[%add3A_15, %dma_start3A_39] : memref<10112x96xf32, #tpu.memory_space<vmem_shared>> -> memref<120x96xf32, #tpu.memory_space<vmem_shared>>
      %dma_start3A_41 = arith.constant 0 : i32
      %dma_start3A_42 = tpu.memref_slice %arg10[%add3A_15, %dma_start3A_41] : memref<10112x96xf32, #tpu.memory_space<vmem_shared>> -> memref<120x96xf32, #tpu.memory_space<vmem_shared>>
      %dma_start3A_43 = arith.constant 0 : i32
      %dma_start3A_44 = arith.constant 0 : i32
      %dma_start3A_45 = tpu.memref_slice %arg8[%dma_start3A_43, %dma_start3A_44] : memref<128x96xf32, #tpu.memory_space<vmem>> -> memref<120x96xf32, #tpu.memory_space<vmem>>
      tpu.enqueue_dma source(%dma_start3A_45 : memref<120x96xf32, #tpu.memory_space<vmem>>) target(%dma_start3A_42 : memref<120x96xf32, #tpu.memory_space<vmem_shared>>) target_semaphore(%run_scoped3A_35 : memref<!tpu.dma_semaphore, #tpu.memory_space<semaphore_mem>>)
      %dma_wait3A_46 = arith.constant 0 : i32
      %dma_wait3A_47 = arith.constant 0 : i32
      %dma_wait3A_48 = tpu.memref_slice %arg8[%dma_wait3A_46, %dma_wait3A_47] : memref<128x96xf32, #tpu.memory_space<vmem>> -> memref<120x96xf32, #tpu.memory_space<vmem>>
      %dma_wait3A_49 = arith.constant 0 : i32
      %dma_wait3A_50 = tpu.memref_slice %arg10[%add3A_15, %dma_wait3A_49] : memref<10112x96xf32, #tpu.memory_space<vmem_shared>> -> memref<120x96xf32, #tpu.memory_space<vmem_shared>>
      %dma_wait3A_51 = arith.constant 0 : i32
      %dma_wait3A_52 = tpu.memref_slice %arg10[%add3A_15, %dma_wait3A_51] : memref<10112x96xf32, #tpu.memory_space<vmem_shared>> -> memref<120x96xf32, #tpu.memory_space<vmem_shared>>
      %dma_wait3A_53 = arith.constant 0 : i32
      %dma_wait3A_54 = arith.constant 0 : i32
      %dma_wait3A_55 = tpu.memref_slice %arg8[%dma_wait3A_53, %dma_wait3A_54] : memref<128x96xf32, #tpu.memory_space<vmem>> -> memref<120x96xf32, #tpu.memory_space<vmem>>
      tpu.wait_dma2 semaphore(%run_scoped3A_35 : memref<!tpu.dma_semaphore, #tpu.memory_space<semaphore_mem>>) src(%dma_wait3A_55 : memref<120x96xf32, #tpu.memory_space<vmem>>) dst(%dma_wait3A_52 : memref<120x96xf32, #tpu.memory_space<vmem_shared>>)
      tpu.yield
    }) : () -> ()
    %barrier3A = arith.constant 0 : index
    tpu.barrier barrier_id(%barrier3A)
    "tpu.region"() ({
      %run_scoped3A_35 = tpu.sem_alloc : memref<!tpu.dma_semaphore, #tpu.memory_space<semaphore_mem>>
      %dma_start3A_36 = arith.constant 0 : i32
      %dma_start3A_37 = arith.constant 0 : i32
      %dma_start3A_38 = tpu.memref_slice %arg3[%arg0, %arg1, %dma_start3A_36, %dma_start3A_37] : memref<2x16x157x128xi32, #tpu.memory_space<hbm>> -> memref<1x1x157x128xi32, #tpu.memory_space<hbm>>
      %dma_start3A_39 = tpu.memref_squeeze %dma_start3A_38 : memref<1x1x157x128xi32, #tpu.memory_space<hbm>> -> memref<157x128xi32, #tpu.memory_space<hbm>>
      %dma_start3A_40 = arith.constant 0 : i32
      %dma_start3A_41 = arith.constant 0 : i32
      %dma_start3A_42 = tpu.memref_slice %arg3[%arg0, %arg1, %dma_start3A_40, %dma_start3A_41] : memref<2x16x157x128xi32, #tpu.memory_space<hbm>> -> memref<1x1x157x128xi32, #tpu.memory_space<hbm>>
      %dma_start3A_43 = tpu.memref_squeeze %dma_start3A_42 : memref<1x1x157x128xi32, #tpu.memory_space<hbm>> -> memref<157x128xi32, #tpu.memory_space<hbm>>
      tpu.enqueue_dma source(%dma_start3A_43 : memref<157x128xi32, #tpu.memory_space<hbm>>) target(%arg6 : memref<157x128xi32, #tpu.memory_space<vmem>>) target_semaphore(%run_scoped3A_35 : memref<!tpu.dma_semaphore, #tpu.memory_space<semaphore_mem>>)
      %dma_wait3A_44 = arith.constant 0 : i32
      %dma_wait3A_45 = arith.constant 0 : i32
      %dma_wait3A_46 = tpu.memref_slice %arg3[%arg0, %arg1, %dma_wait3A_44, %dma_wait3A_45] : memref<2x16x157x128xi32, #tpu.memory_space<hbm>> -> memref<1x1x157x128xi32, #tpu.memory_space<hbm>>
      %dma_wait3A_47 = tpu.memref_squeeze %dma_wait3A_46 : memref<1x1x157x128xi32, #tpu.memory_space<hbm>> -> memref<157x128xi32, #tpu.memory_space<hbm>>
      %dma_wait3A_48 = arith.constant 0 : i32
      %dma_wait3A_49 = arith.constant 0 : i32
      %dma_wait3A_50 = tpu.memref_slice %arg3[%arg0, %arg1, %dma_wait3A_48, %dma_wait3A_49] : memref<2x16x157x128xi32, #tpu.memory_space<hbm>> -> memref<1x1x157x128xi32, #tpu.memory_space<hbm>>
      %dma_wait3A_51 = tpu.memref_squeeze %dma_wait3A_50 : memref<1x1x157x128xi32, #tpu.memory_space<hbm>> -> memref<157x128xi32, #tpu.memory_space<hbm>>
      tpu.wait_dma2 semaphore(%run_scoped3A_35 : memref<!tpu.dma_semaphore, #tpu.memory_space<semaphore_mem>>) src(%dma_wait3A_51 : memref<157x128xi32, #tpu.memory_space<hbm>>) dst(%arg6 : memref<157x128xi32, #tpu.memory_space<vmem>>)
      tpu.yield
    }) : () -> ()
    "tpu.region"() ({
      %run_scoped3A_35 = tpu.sem_alloc : memref<!tpu.dma_semaphore, #tpu.memory_space<semaphore_mem>>
      %dma_start3A_36 = arith.constant 0 : i32
      %dma_start3A_37 = arith.constant 0 : i32
      %dma_start3A_38 = tpu.memref_slice %arg4[%arg1, %dma_start3A_36, %dma_start3A_37] : memref<16x157x128xi32, #tpu.memory_space<hbm>> -> memref<1x157x128xi32, #tpu.memory_space<hbm>>
      %dma_start3A_39 = tpu.memref_squeeze %dma_start3A_38 : memref<1x157x128xi32, #tpu.memory_space<hbm>> -> memref<157x128xi32, #tpu.memory_space<hbm>>
      %dma_start3A_40 = arith.constant 0 : i32
      %dma_start3A_41 = arith.constant 0 : i32
      %dma_start3A_42 = tpu.memref_slice %arg4[%arg1, %dma_start3A_40, %dma_start3A_41] : memref<16x157x128xi32, #tpu.memory_space<hbm>> -> memref<1x157x128xi32, #tpu.memory_space<hbm>>
      %dma_start3A_43 = tpu.memref_squeeze %dma_start3A_42 : memref<1x157x128xi32, #tpu.memory_space<hbm>> -> memref<157x128xi32, #tpu.memory_space<hbm>>
      tpu.enqueue_dma source(%dma_start3A_43 : memref<157x128xi32, #tpu.memory_space<hbm>>) target(%arg7 : memref<157x128xi32, #tpu.memory_space<vmem>>) target_semaphore(%run_scoped3A_35 : memref<!tpu.dma_semaphore, #tpu.memory_space<semaphore_mem>>)
      %dma_wait3A_44 = arith.constant 0 : i32
      %dma_wait3A_45 = arith.constant 0 : i32
      %dma_wait3A_46 = tpu.memref_slice %arg4[%arg1, %dma_wait3A_44, %dma_wait3A_45] : memref<16x157x128xi32, #tpu.memory_space<hbm>> -> memref<1x157x128xi32, #tpu.memory_space<hbm>>
      %dma_wait3A_47 = tpu.memref_squeeze %dma_wait3A_46 : memref<1x157x128xi32, #tpu.memory_space<hbm>> -> memref<157x128xi32, #tpu.memory_space<hbm>>
      %dma_wait3A_48 = arith.constant 0 : i32
      %dma_wait3A_49 = arith.constant 0 : i32
      %dma_wait3A_50 = tpu.memref_slice %arg4[%arg1, %dma_wait3A_48, %dma_wait3A_49] : memref<16x157x128xi32, #tpu.memory_space<hbm>> -> memref<1x157x128xi32, #tpu.memory_space<hbm>>
      %dma_wait3A_51 = tpu.memref_squeeze %dma_wait3A_50 : memref<1x157x128xi32, #tpu.memory_space<hbm>> -> memref<157x128xi32, #tpu.memory_space<hbm>>
      tpu.wait_dma2 semaphore(%run_scoped3A_35 : memref<!tpu.dma_semaphore, #tpu.memory_space<semaphore_mem>>) src(%dma_wait3A_51 : memref<157x128xi32, #tpu.memory_space<hbm>>) dst(%arg7 : memref<157x128xi32, #tpu.memory_space<vmem>>)
      tpu.yield
    }) : () -> ()
    %dma_start3A = arith.constant 0 : i32
    %dma_start3A_16 = arith.constant 0 : i32
    %dma_start3A_17 = tpu.memref_slice %arg6[%dma_start3A, %dma_start3A_16] : memref<157x128xi32, #tpu.memory_space<vmem>> -> memref<1x128xi32, #tpu.memory_space<vmem>>
    %dma_start3A_18 = tpu.memref_squeeze %dma_start3A_17 : memref<1x128xi32, #tpu.memory_space<vmem>> -> memref<128xi32, #tpu.memory_space<vmem>>
    %dma_start3A_19 = arith.constant 0 : i32
    %dma_start3A_20 = arith.constant 0 : i32
    %dma_start3A_21 = tpu.memref_slice %arg2[%dma_start3A_19, %dma_start3A_20] : memref<20000x96xf32, #tpu.memory_space<hbm>> -> memref<20000x96xf32, #tpu.memory_space<hbm>>
    tpu.enqueue_indirect_dma source(%dma_start3A_21 : memref<20000x96xf32, #tpu.memory_space<hbm>>) target(%arg8 : memref<128x96xf32, #tpu.memory_space<vmem>>) offsets(%dma_start3A_18 : memref<128xi32, #tpu.memory_space<vmem>>) semaphore(%arg11 : memref<!tpu.dma_semaphore, #tpu.memory_space<semaphore_mem>>)
    %scan3A_22 = arith.constant 0 : i32
    %scan3A_23 = arith.constant 0 : i32
    %scan3A_24 = arith.constant 78 : i32
    %scan3A_25 = arith.addi %scan3A_23, %scan3A_24 : i32
    %scan3A_26 = arith.constant 1 : i32
    scf.for %scan3A_35 = %scan3A_23 to %scan3A_25 step %scan3A_26  : i32 {
      %mul3A_36 = arith.constant 2 : i32
      %mul3A_37 = arith.muli %mul3A_36, %scan3A_35 : i32
      %add3A_38 = arith.constant 1 : i32
      %add3A_39 = arith.addi %mul3A_37, %add3A_38 : i32
      %dma_start3A_40 = arith.constant 0 : i32
      %dma_start3A_41 = tpu.memref_slice %arg6[%add3A_39, %dma_start3A_40] : memref<157x128xi32, #tpu.memory_space<vmem>> -> memref<1x128xi32, #tpu.memory_space<vmem>>
      %dma_start3A_42 = tpu.memref_squeeze %dma_start3A_41 : memref<1x128xi32, #tpu.memory_space<vmem>> -> memref<128xi32, #tpu.memory_space<vmem>>
      %dma_start3A_43 = arith.constant 0 : i32
      %dma_start3A_44 = arith.constant 0 : i32
      %dma_start3A_45 = tpu.memref_slice %arg2[%dma_start3A_43, %dma_start3A_44] : memref<20000x96xf32, #tpu.memory_space<hbm>> -> memref<20000x96xf32, #tpu.memory_space<hbm>>
      tpu.enqueue_indirect_dma source(%dma_start3A_45 : memref<20000x96xf32, #tpu.memory_space<hbm>>) target(%arg9 : memref<128x96xf32, #tpu.memory_space<vmem>>) offsets(%dma_start3A_42 : memref<128xi32, #tpu.memory_space<vmem>>) semaphore(%arg12 : memref<!tpu.dma_semaphore, #tpu.memory_space<semaphore_mem>>)
      %dma_wait3A_46 = arith.constant 0 : i32
      %dma_wait3A_47 = tpu.memref_slice %arg6[%mul3A_37, %dma_wait3A_46] : memref<157x128xi32, #tpu.memory_space<vmem>> -> memref<1x128xi32, #tpu.memory_space<vmem>>
      %dma_wait3A_48 = tpu.memref_squeeze %dma_wait3A_47 : memref<1x128xi32, #tpu.memory_space<vmem>> -> memref<128xi32, #tpu.memory_space<vmem>>
      %dma_wait3A_49 = arith.constant 0 : i32
      %dma_wait3A_50 = arith.constant 0 : i32
      %dma_wait3A_51 = tpu.memref_slice %arg2[%dma_wait3A_49, %dma_wait3A_50] : memref<20000x96xf32, #tpu.memory_space<hbm>> -> memref<20000x96xf32, #tpu.memory_space<hbm>>
      tpu.wait_indirect_dma semaphore(%arg11 : memref<!tpu.dma_semaphore, #tpu.memory_space<semaphore_mem>>) src(%dma_wait3A_51 : memref<20000x96xf32, #tpu.memory_space<hbm>>) dst(%arg8 : memref<128x96xf32, #tpu.memory_space<vmem>>)
      "tpu.region"() ({
        %run_scoped3A_70 = tpu.sem_alloc : memref<!tpu.dma_semaphore, #tpu.memory_space<semaphore_mem>>
        %dma_start3A_71 = arith.constant 0 : i32
        %dma_start3A_72 = tpu.memref_slice %arg7[%mul3A_37, %dma_start3A_71] : memref<157x128xi32, #tpu.memory_space<vmem>> -> memref<1x128xi32, #tpu.memory_space<vmem>>
        %dma_start3A_73 = tpu.memref_squeeze %dma_start3A_72 : memref<1x128xi32, #tpu.memory_space<vmem>> -> memref<128xi32, #tpu.memory_space<vmem>>
        %dma_start3A_74 = arith.constant 0 : i32
        %dma_start3A_75 = arith.constant 0 : i32
        %dma_start3A_76 = tpu.memref_slice %arg10[%dma_start3A_74, %dma_start3A_75] : memref<10112x96xf32, #tpu.memory_space<vmem_shared>> -> memref<10112x96xf32, #tpu.memory_space<vmem_shared>>
        tpu.enqueue_indirect_dma source(%arg8 : memref<128x96xf32, #tpu.memory_space<vmem>>) target(%dma_start3A_76 : memref<10112x96xf32, #tpu.memory_space<vmem_shared>>) offsets(%dma_start3A_73 : memref<128xi32, #tpu.memory_space<vmem>>) semaphore(%run_scoped3A_70 : memref<!tpu.dma_semaphore, #tpu.memory_space<semaphore_mem>>) {add = true}
        %dma_wait3A_77 = arith.constant 0 : i32
        %dma_wait3A_78 = tpu.memref_slice %arg7[%mul3A_37, %dma_wait3A_77] : memref<157x128xi32, #tpu.memory_space<vmem>> -> memref<1x128xi32, #tpu.memory_space<vmem>>
        %dma_wait3A_79 = tpu.memref_squeeze %dma_wait3A_78 : memref<1x128xi32, #tpu.memory_space<vmem>> -> memref<128xi32, #tpu.memory_space<vmem>>
        %dma_wait3A_80 = arith.constant 0 : i32
        %dma_wait3A_81 = arith.constant 0 : i32
        %dma_wait3A_82 = tpu.memref_slice %arg10[%dma_wait3A_80, %dma_wait3A_81] : memref<10112x96xf32, #tpu.memory_space<vmem_shared>> -> memref<10112x96xf32, #tpu.memory_space<vmem_shared>>
        tpu.wait_indirect_dma semaphore(%run_scoped3A_70 : memref<!tpu.dma_semaphore, #tpu.memory_space<semaphore_mem>>) src(%arg8 : memref<128x96xf32, #tpu.memory_space<vmem>>) dst(%dma_wait3A_82 : memref<10112x96xf32, #tpu.memory_space<vmem_shared>>)
        tpu.yield
      }) : () -> ()
      %add3A_52 = arith.constant 2 : i32
      %add3A_53 = arith.addi %mul3A_37, %add3A_52 : i32
      %dma_start3A_54 = arith.constant 0 : i32
      %dma_start3A_55 = tpu.memref_slice %arg6[%add3A_53, %dma_start3A_54] : memref<157x128xi32, #tpu.memory_space<vmem>> -> memref<1x128xi32, #tpu.memory_space<vmem>>
      %dma_start3A_56 = tpu.memref_squeeze %dma_start3A_55 : memref<1x128xi32, #tpu.memory_space<vmem>> -> memref<128xi32, #tpu.memory_space<vmem>>
      %dma_start3A_57 = arith.constant 0 : i32
      %dma_start3A_58 = arith.constant 0 : i32
      %dma_start3A_59 = tpu.memref_slice %arg2[%dma_start3A_57, %dma_start3A_58] : memref<20000x96xf32, #tpu.memory_space<hbm>> -> memref<20000x96xf32, #tpu.memory_space<hbm>>
      tpu.enqueue_indirect_dma source(%dma_start3A_59 : memref<20000x96xf32, #tpu.memory_space<hbm>>) target(%arg8 : memref<128x96xf32, #tpu.memory_space<vmem>>) offsets(%dma_start3A_56 : memref<128xi32, #tpu.memory_space<vmem>>) semaphore(%arg11 : memref<!tpu.dma_semaphore, #tpu.memory_space<semaphore_mem>>)
      %add3A_60 = arith.constant 1 : i32
      %add3A_61 = arith.addi %mul3A_37, %add3A_60 : i32
      %dma_wait3A_62 = arith.constant 0 : i32
      %dma_wait3A_63 = tpu.memref_slice %arg6[%add3A_61, %dma_wait3A_62] : memref<157x128xi32, #tpu.memory_space<vmem>> -> memref<1x128xi32, #tpu.memory_space<vmem>>
      %dma_wait3A_64 = tpu.memref_squeeze %dma_wait3A_63 : memref<1x128xi32, #tpu.memory_space<vmem>> -> memref<128xi32, #tpu.memory_space<vmem>>
      %dma_wait3A_65 = arith.constant 0 : i32
      %dma_wait3A_66 = arith.constant 0 : i32
      %dma_wait3A_67 = tpu.memref_slice %arg2[%dma_wait3A_65, %dma_wait3A_66] : memref<20000x96xf32, #tpu.memory_space<hbm>> -> memref<20000x96xf32, #tpu.memory_space<hbm>>
      tpu.wait_indirect_dma semaphore(%arg12 : memref<!tpu.dma_semaphore, #tpu.memory_space<semaphore_mem>>) src(%dma_wait3A_67 : memref<20000x96xf32, #tpu.memory_space<hbm>>) dst(%arg9 : memref<128x96xf32, #tpu.memory_space<vmem>>)
      %add3A_68 = arith.constant 1 : i32
      %add3A_69 = arith.addi %mul3A_37, %add3A_68 : i32
      "tpu.region"() ({
        %run_scoped3A_70 = tpu.sem_alloc : memref<!tpu.dma_semaphore, #tpu.memory_space<semaphore_mem>>
        %dma_start3A_71 = arith.constant 0 : i32
        %dma_start3A_72 = tpu.memref_slice %arg7[%add3A_69, %dma_start3A_71] : memref<157x128xi32, #tpu.memory_space<vmem>> -> memref<1x128xi32, #tpu.memory_space<vmem>>
        %dma_start3A_73 = tpu.memref_squeeze %dma_start3A_72 : memref<1x128xi32, #tpu.memory_space<vmem>> -> memref<128xi32, #tpu.memory_space<vmem>>
        %dma_start3A_74 = arith.constant 0 : i32
        %dma_start3A_75 = arith.constant 0 : i32
        %dma_start3A_76 = tpu.memref_slice %arg10[%dma_start3A_74, %dma_start3A_75] : memref<10112x96xf32, #tpu.memory_space<vmem_shared>> -> memref<10112x96xf32, #tpu.memory_space<vmem_shared>>
        tpu.enqueue_indirect_dma source(%arg9 : memref<128x96xf32, #tpu.memory_space<vmem>>) target(%dma_start3A_76 : memref<10112x96xf32, #tpu.memory_space<vmem_shared>>) offsets(%dma_start3A_73 : memref<128xi32, #tpu.memory_space<vmem>>) semaphore(%run_scoped3A_70 : memref<!tpu.dma_semaphore, #tpu.memory_space<semaphore_mem>>) {add = true}
        %dma_wait3A_77 = arith.constant 0 : i32
        %dma_wait3A_78 = tpu.memref_slice %arg7[%add3A_69, %dma_wait3A_77] : memref<157x128xi32, #tpu.memory_space<vmem>> -> memref<1x128xi32, #tpu.memory_space<vmem>>
        %dma_wait3A_79 = tpu.memref_squeeze %dma_wait3A_78 : memref<1x128xi32, #tpu.memory_space<vmem>> -> memref<128xi32, #tpu.memory_space<vmem>>
        %dma_wait3A_80 = arith.constant 0 : i32
        %dma_wait3A_81 = arith.constant 0 : i32
        %dma_wait3A_82 = tpu.memref_slice %arg10[%dma_wait3A_80, %dma_wait3A_81] : memref<10112x96xf32, #tpu.memory_space<vmem_shared>> -> memref<10112x96xf32, #tpu.memory_space<vmem_shared>>
        tpu.wait_indirect_dma semaphore(%run_scoped3A_70 : memref<!tpu.dma_semaphore, #tpu.memory_space<semaphore_mem>>) src(%arg9 : memref<128x96xf32, #tpu.memory_space<vmem>>) dst(%dma_wait3A_82 : memref<10112x96xf32, #tpu.memory_space<vmem_shared>>)
        tpu.yield
      }) : () -> ()
    }
    %scan3A_27 = arith.constant 78 : i32
    %dma_wait3A = arith.constant 156 : i32
    %dma_wait3A_28 = arith.constant 0 : i32
    %dma_wait3A_29 = tpu.memref_slice %arg6[%dma_wait3A, %dma_wait3A_28] : memref<157x128xi32, #tpu.memory_space<vmem>> -> memref<1x128xi32, #tpu.memory_space<vmem>>
    %dma_wait3A_30 = tpu.memref_squeeze %dma_wait3A_29 : memref<1x128xi32, #tpu.memory_space<vmem>> -> memref<128xi32, #tpu.memory_space<vmem>>
    %dma_wait3A_31 = arith.constant 0 : i32
    %dma_wait3A_32 = arith.constant 0 : i32
    %dma_wait3A_33 = tpu.memref_slice %arg2[%dma_wait3A_31, %dma_wait3A_32] : memref<20000x96xf32, #tpu.memory_space<hbm>> -> memref<20000x96xf32, #tpu.memory_space<hbm>>
    tpu.wait_indirect_dma semaphore(%arg11 : memref<!tpu.dma_semaphore, #tpu.memory_space<semaphore_mem>>) src(%dma_wait3A_33 : memref<20000x96xf32, #tpu.memory_space<hbm>>) dst(%arg8 : memref<128x96xf32, #tpu.memory_space<vmem>>)
    %run_scoped3A = arith.constant 156 : i32
    "tpu.region"() ({
      %run_scoped3A_35 = tpu.sem_alloc : memref<!tpu.dma_semaphore, #tpu.memory_space<semaphore_mem>>
      %dma_start3A_36 = arith.constant 0 : i32
      %dma_start3A_37 = tpu.memref_slice %arg7[%run_scoped3A, %dma_start3A_36] : memref<157x128xi32, #tpu.memory_space<vmem>> -> memref<1x128xi32, #tpu.memory_space<vmem>>
      %dma_start3A_38 = tpu.memref_squeeze %dma_start3A_37 : memref<1x128xi32, #tpu.memory_space<vmem>> -> memref<128xi32, #tpu.memory_space<vmem>>
      %dma_start3A_39 = arith.constant 0 : i32
      %dma_start3A_40 = arith.constant 0 : i32
      %dma_start3A_41 = tpu.memref_slice %arg10[%dma_start3A_39, %dma_start3A_40] : memref<10112x96xf32, #tpu.memory_space<vmem_shared>> -> memref<10112x96xf32, #tpu.memory_space<vmem_shared>>
      tpu.enqueue_indirect_dma source(%arg8 : memref<128x96xf32, #tpu.memory_space<vmem>>) target(%dma_start3A_41 : memref<10112x96xf32, #tpu.memory_space<vmem_shared>>) offsets(%dma_start3A_38 : memref<128xi32, #tpu.memory_space<vmem>>) semaphore(%run_scoped3A_35 : memref<!tpu.dma_semaphore, #tpu.memory_space<semaphore_mem>>) {add = true}
      %dma_wait3A_42 = arith.constant 0 : i32
      %dma_wait3A_43 = tpu.memref_slice %arg7[%run_scoped3A, %dma_wait3A_42] : memref<157x128xi32, #tpu.memory_space<vmem>> -> memref<1x128xi32, #tpu.memory_space<vmem>>
      %dma_wait3A_44 = tpu.memref_squeeze %dma_wait3A_43 : memref<1x128xi32, #tpu.memory_space<vmem>> -> memref<128xi32, #tpu.memory_space<vmem>>
      %dma_wait3A_45 = arith.constant 0 : i32
      %dma_wait3A_46 = arith.constant 0 : i32
      %dma_wait3A_47 = tpu.memref_slice %arg10[%dma_wait3A_45, %dma_wait3A_46] : memref<10112x96xf32, #tpu.memory_space<vmem_shared>> -> memref<10112x96xf32, #tpu.memory_space<vmem_shared>>
      tpu.wait_indirect_dma semaphore(%run_scoped3A_35 : memref<!tpu.dma_semaphore, #tpu.memory_space<semaphore_mem>>) src(%arg8 : memref<128x96xf32, #tpu.memory_space<vmem>>) dst(%dma_wait3A_47 : memref<10112x96xf32, #tpu.memory_space<vmem_shared>>)
      tpu.yield
    }) : () -> ()
    %barrier3A_34 = arith.constant 0 : index
    tpu.barrier barrier_id(%barrier3A_34)
    "tpu.region"() ({
      %run_scoped3A_35 = tpu.sem_alloc : memref<!tpu.dma_semaphore, #tpu.memory_space<semaphore_mem>>
      %dma_start3A_36 = arith.constant 0 : i32
      %dma_start3A_37 = tpu.memref_slice %arg5[%arg0, %mul3A_0, %dma_start3A_36] : memref<2x10112x96xf32, #tpu.memory_space<hbm>> -> memref<1x632x96xf32, #tpu.memory_space<hbm>>
      %dma_start3A_38 = tpu.memref_squeeze %dma_start3A_37 : memref<1x632x96xf32, #tpu.memory_space<hbm>> -> memref<632x96xf32, #tpu.memory_space<hbm>>
      %dma_start3A_39 = arith.constant 0 : i32
      %dma_start3A_40 = tpu.memref_slice %arg10[%mul3A_0, %dma_start3A_39] : memref<10112x96xf32, #tpu.memory_space<vmem_shared>> -> memref<632x96xf32, #tpu.memory_space<vmem_shared>>
      tpu.enqueue_dma source(%dma_start3A_40 : memref<632x96xf32, #tpu.memory_space<vmem_shared>>) target(%dma_start3A_38 : memref<632x96xf32, #tpu.memory_space<hbm>>) target_semaphore(%run_scoped3A_35 : memref<!tpu.dma_semaphore, #tpu.memory_space<semaphore_mem>>)
      %dma_wait3A_41 = arith.constant 0 : i32
      %dma_wait3A_42 = tpu.memref_slice %arg5[%arg0, %mul3A_0, %dma_wait3A_41] : memref<2x10112x96xf32, #tpu.memory_space<hbm>> -> memref<1x632x96xf32, #tpu.memory_space<hbm>>
      %dma_wait3A_43 = tpu.memref_squeeze %dma_wait3A_42 : memref<1x632x96xf32, #tpu.memory_space<hbm>> -> memref<632x96xf32, #tpu.memory_space<hbm>>
      %dma_wait3A_44 = arith.constant 0 : i32
      %dma_wait3A_45 = tpu.memref_slice %arg10[%mul3A_0, %dma_wait3A_44] : memref<10112x96xf32, #tpu.memory_space<vmem_shared>> -> memref<632x96xf32, #tpu.memory_space<vmem_shared>>
      tpu.wait_dma2 semaphore(%run_scoped3A_35 : memref<!tpu.dma_semaphore, #tpu.memory_space<semaphore_mem>>) src(%dma_wait3A_45 : memref<632x96xf32, #tpu.memory_space<vmem_shared>>) dst(%dma_wait3A_43 : memref<632x96xf32, #tpu.memory_space<hbm>>)
      tpu.yield
    }) : () -> ()
    return
  }
}

#map = affine_map<(d0, d1) -> (0, 0)>
#map1 = affine_map<(d0, d1) -> (0, 0, 0, 0)>
#map2 = affine_map<(d0, d1) -> (0, 0, 0)>
module attributes {stable_mosaic.version = 14 : i64} {
  func.func @_sc_agg_body(%arg0: i32, %arg1: i32, %arg2: memref<20000x96xf32, #tpu.memory_space<hbm>>, %arg3: memref<2x16x157x128xi32, #tpu.memory_space<hbm>>, %arg4: memref<16x157x128xi32, #tpu.memory_space<hbm>>, %arg5: memref<2x10112x96xf32, #tpu.memory_space<hbm>>, %arg6: memref<157x128xi32, #tpu.memory_space<vmem>>, %arg7: memref<157x128xi32, #tpu.memory_space<vmem>>, %arg8: memref<128x96xf32, #tpu.memory_space<vmem>>, %arg9: memref<128x96xf32, #tpu.memory_space<vmem>>, %arg10: memref<10112x96xf32, #tpu.memory_space<vmem_shared>>, %arg11: memref<!tpu.dma_semaphore, #tpu.memory_space<semaphore_mem>>, %arg12: memref<!tpu.dma_semaphore, #tpu.memory_space<semaphore_mem>>) attributes {dimension_semantics = [#tpu.dimension_semantics<core_parallel>, #tpu.dimension_semantics<subcore_parallel>], iteration_bounds = array<i64: 2, 16>, scalar_prefetch = 0 : i64, scratch_operands = 7 : i64, tpu.core_type = #tpu.core_type<sc_vector_subcore>, window_params = [{transform_indices = #map}, {transform_indices = #map1}, {transform_indices = #map2}, {transform_indices = #map2}]} {
    %mul3A = arith.constant 632 : i32
    %mul3A_0 = arith.muli %arg1, %mul3A : i32
    %broadcast_in_dim3A = arith.constant 0.000000e+00 : f32
    %broadcast_in_dim3A_1 = vector.broadcast %broadcast_in_dim3A : f32 to vector<16xf32>
    %scan3A = arith.constant 0 : i32
    %scan3A_2 = arith.constant 0 : i32
    %scan3A_3 = arith.constant 128 : i32
    %scan3A_4 = arith.addi %scan3A_2, %scan3A_3 : i32
    %scan3A_5 = arith.constant 1 : i32
    scf.for %scan3A_35 = %scan3A_2 to %scan3A_4 step %scan3A_5  : i32 {
      %swap3A = arith.index_cast %scan3A_35 : i32 to index
      %swap3A_36 = arith.constant 0 : index
      %swap3A_37 = tpu.vector_load %arg8[%swap3A, %swap3A_36] {strides = array<i32>} : memref<128x96xf32, #tpu.memory_space<vmem>>, vector<1x16xf32>,
      %swap3A_38 = vector.shape_cast %swap3A_37 : vector<1x16xf32> to vector<16xf32>
      %swap3A_39 = vector.shape_cast %broadcast_in_dim3A_1 : vector<16xf32> to vector<1x16xf32>
      tpu.vector_store %arg8[%swap3A, %swap3A_36], %swap3A_39 {strides = array<i32>} : memref<128x96xf32, #tpu.memory_space<vmem>>, vector<1x16xf32>,
      %swap3A_40 = arith.index_cast %scan3A_35 : i32 to index
      %swap3A_41 = arith.constant 16 : index
      %swap3A_42 = tpu.vector_load %arg8[%swap3A_40, %swap3A_41] {strides = array<i32>} : memref<128x96xf32, #tpu.memory_space<vmem>>, vector<1x16xf32>,
      %swap3A_43 = vector.shape_cast %swap3A_42 : vector<1x16xf32> to vector<16xf32>
      %swap3A_44 = vector.shape_cast %broadcast_in_dim3A_1 : vector<16xf32> to vector<1x16xf32>
      tpu.vector_store %arg8[%swap3A_40, %swap3A_41], %swap3A_44 {strides = array<i32>} : memref<128x96xf32, #tpu.memory_space<vmem>>, vector<1x16xf32>,
      %swap3A_45 = arith.index_cast %scan3A_35 : i32 to index
      %swap3A_46 = arith.constant 32 : index
      %swap3A_47 = tpu.vector_load %arg8[%swap3A_45, %swap3A_46] {strides = array<i32>} : memref<128x96xf32, #tpu.memory_space<vmem>>, vector<1x16xf32>,
      %swap3A_48 = vector.shape_cast %swap3A_47 : vector<1x16xf32> to vector<16xf32>
      %swap3A_49 = vector.shape_cast %broadcast_in_dim3A_1 : vector<16xf32> to vector<1x16xf32>
      tpu.vector_store %arg8[%swap3A_45, %swap3A_46], %swap3A_49 {strides = array<i32>} : memref<128x96xf32, #tpu.memory_space<vmem>>, vector<1x16xf32>,
      %swap3A_50 = arith.index_cast %scan3A_35 : i32 to index
      %swap3A_51 = arith.constant 48 : index
      %swap3A_52 = tpu.vector_load %arg8[%swap3A_50, %swap3A_51] {strides = array<i32>} : memref<128x96xf32, #tpu.memory_space<vmem>>, vector<1x16xf32>,
      %swap3A_53 = vector.shape_cast %swap3A_52 : vector<1x16xf32> to vector<16xf32>
      %swap3A_54 = vector.shape_cast %broadcast_in_dim3A_1 : vector<16xf32> to vector<1x16xf32>
      tpu.vector_store %arg8[%swap3A_50, %swap3A_51], %swap3A_54 {strides = array<i32>} : memref<128x96xf32, #tpu.memory_space<vmem>>, vector<1x16xf32>,
      %swap3A_55 = arith.index_cast %scan3A_35 : i32 to index
      %swap3A_56 = arith.constant 64 : index
      %swap3A_57 = tpu.vector_load %arg8[%swap3A_55, %swap3A_56] {strides = array<i32>} : memref<128x96xf32, #tpu.memory_space<vmem>>, vector<1x16xf32>,
      %swap3A_58 = vector.shape_cast %swap3A_57 : vector<1x16xf32> to vector<16xf32>
      %swap3A_59 = vector.shape_cast %broadcast_in_dim3A_1 : vector<16xf32> to vector<1x16xf32>
      tpu.vector_store %arg8[%swap3A_55, %swap3A_56], %swap3A_59 {strides = array<i32>} : memref<128x96xf32, #tpu.memory_space<vmem>>, vector<1x16xf32>,
      %swap3A_60 = arith.index_cast %scan3A_35 : i32 to index
      %swap3A_61 = arith.constant 80 : index
      %swap3A_62 = tpu.vector_load %arg8[%swap3A_60, %swap3A_61] {strides = array<i32>} : memref<128x96xf32, #tpu.memory_space<vmem>>, vector<1x16xf32>,
      %swap3A_63 = vector.shape_cast %swap3A_62 : vector<1x16xf32> to vector<16xf32>
      %swap3A_64 = vector.shape_cast %broadcast_in_dim3A_1 : vector<16xf32> to vector<1x16xf32>
      tpu.vector_store %arg8[%swap3A_60, %swap3A_61], %swap3A_64 {strides = array<i32>} : memref<128x96xf32, #tpu.memory_space<vmem>>, vector<1x16xf32>,
    }
    %scan3A_6 = arith.constant 128 : i32
    %add3A = arith.constant 0 : i32
    %add3A_7 = arith.addi %mul3A_0, %add3A : i32
    "tpu.region"() ({
      %run_scoped3A_35 = tpu.sem_alloc : memref<!tpu.dma_semaphore, #tpu.memory_space<semaphore_mem>>
      %dma_start3A_36 = arith.constant 0 : i32
      %dma_start3A_37 = arith.constant 0 : i32
      %dma_start3A_38 = tpu.memref_slice %arg8[%dma_start3A_36, %dma_start3A_37] : memref<128x96xf32, #tpu.memory_space<vmem>> -> memref<128x96xf32, #tpu.memory_space<vmem>>
      %dma_start3A_39 = arith.constant 0 : i32
      %dma_start3A_40 = tpu.memref_slice %arg10[%add3A_7, %dma_start3A_39] : memref<10112x96xf32, #tpu.memory_space<vmem_shared>> -> memref<128x96xf32, #tpu.memory_space<vmem_shared>>
      %dma_start3A_41 = arith.constant 0 : i32
      %dma_start3A_42 = tpu.memref_slice %arg10[%add3A_7, %dma_start3A_41] : memref<10112x96xf32, #tpu.memory_space<vmem_shared>> -> memref<128x96xf32, #tpu.memory_space<vmem_shared>>
      %dma_start3A_43 = arith.constant 0 : i32
      %dma_start3A_44 = arith.constant 0 : i32
      %dma_start3A_45 = tpu.memref_slice %arg8[%dma_start3A_43, %dma_start3A_44] : memref<128x96xf32, #tpu.memory_space<vmem>> -> memref<128x96xf32, #tpu.memory_space<vmem>>
      tpu.enqueue_dma source(%dma_start3A_45 : memref<128x96xf32, #tpu.memory_space<vmem>>) target(%dma_start3A_42 : memref<128x96xf32, #tpu.memory_space<vmem_shared>>) target_semaphore(%run_scoped3A_35 : memref<!tpu.dma_semaphore, #tpu.memory_space<semaphore_mem>>)
      %dma_wait3A_46 = arith.constant 0 : i32
      %dma_wait3A_47 = arith.constant 0 : i32
      %dma_wait3A_48 = tpu.memref_slice %arg8[%dma_wait3A_46, %dma_wait3A_47] : memref<128x96xf32, #tpu.memory_space<vmem>> -> memref<128x96xf32, #tpu.memory_space<vmem>>
      %dma_wait3A_49 = arith.constant 0 : i32
      %dma_wait3A_50 = tpu.memref_slice %arg10[%add3A_7, %dma_wait3A_49] : memref<10112x96xf32, #tpu.memory_space<vmem_shared>> -> memref<128x96xf32, #tpu.memory_space<vmem_shared>>
      %dma_wait3A_51 = arith.constant 0 : i32
      %dma_wait3A_52 = tpu.memref_slice %arg10[%add3A_7, %dma_wait3A_51] : memref<10112x96xf32, #tpu.memory_space<vmem_shared>> -> memref<128x96xf32, #tpu.memory_space<vmem_shared>>
      %dma_wait3A_53 = arith.constant 0 : i32
      %dma_wait3A_54 = arith.constant 0 : i32
      %dma_wait3A_55 = tpu.memref_slice %arg8[%dma_wait3A_53, %dma_wait3A_54] : memref<128x96xf32, #tpu.memory_space<vmem>> -> memref<128x96xf32, #tpu.memory_space<vmem>>
      tpu.wait_dma2 semaphore(%run_scoped3A_35 : memref<!tpu.dma_semaphore, #tpu.memory_space<semaphore_mem>>) src(%dma_wait3A_55 : memref<128x96xf32, #tpu.memory_space<vmem>>) dst(%dma_wait3A_52 : memref<128x96xf32, #tpu.memory_space<vmem_shared>>)
      tpu.yield
    }) : () -> ()
    %add3A_8 = arith.constant 128 : i32
    %add3A_9 = arith.addi %mul3A_0, %add3A_8 : i32
    "tpu.region"() ({
      %run_scoped3A_35 = tpu.sem_alloc : memref<!tpu.dma_semaphore, #tpu.memory_space<semaphore_mem>>
      %dma_start3A_36 = arith.constant 0 : i32
      %dma_start3A_37 = arith.constant 0 : i32
      %dma_start3A_38 = tpu.memref_slice %arg8[%dma_start3A_36, %dma_start3A_37] : memref<128x96xf32, #tpu.memory_space<vmem>> -> memref<128x96xf32, #tpu.memory_space<vmem>>
      %dma_start3A_39 = arith.constant 0 : i32
      %dma_start3A_40 = tpu.memref_slice %arg10[%add3A_9, %dma_start3A_39] : memref<10112x96xf32, #tpu.memory_space<vmem_shared>> -> memref<128x96xf32, #tpu.memory_space<vmem_shared>>
      %dma_start3A_41 = arith.constant 0 : i32
      %dma_start3A_42 = tpu.memref_slice %arg10[%add3A_9, %dma_start3A_41] : memref<10112x96xf32, #tpu.memory_space<vmem_shared>> -> memref<128x96xf32, #tpu.memory_space<vmem_shared>>
      %dma_start3A_43 = arith.constant 0 : i32
      %dma_start3A_44 = arith.constant 0 : i32
      %dma_start3A_45 = tpu.memref_slice %arg8[%dma_start3A_43, %dma_start3A_44] : memref<128x96xf32, #tpu.memory_space<vmem>> -> memref<128x96xf32, #tpu.memory_space<vmem>>
      tpu.enqueue_dma source(%dma_start3A_45 : memref<128x96xf32, #tpu.memory_space<vmem>>) target(%dma_start3A_42 : memref<128x96xf32, #tpu.memory_space<vmem_shared>>) target_semaphore(%run_scoped3A_35 : memref<!tpu.dma_semaphore, #tpu.memory_space<semaphore_mem>>)
      %dma_wait3A_46 = arith.constant 0 : i32
      %dma_wait3A_47 = arith.constant 0 : i32
      %dma_wait3A_48 = tpu.memref_slice %arg8[%dma_wait3A_46, %dma_wait3A_47] : memref<128x96xf32, #tpu.memory_space<vmem>> -> memref<128x96xf32, #tpu.memory_space<vmem>>
      %dma_wait3A_49 = arith.constant 0 : i32
      %dma_wait3A_50 = tpu.memref_slice %arg10[%add3A_9, %dma_wait3A_49] : memref<10112x96xf32, #tpu.memory_space<vmem_shared>> -> memref<128x96xf32, #tpu.memory_space<vmem_shared>>
      %dma_wait3A_51 = arith.constant 0 : i32
      %dma_wait3A_52 = tpu.memref_slice %arg10[%add3A_9, %dma_wait3A_51] : memref<10112x96xf32, #tpu.memory_space<vmem_shared>> -> memref<128x96xf32, #tpu.memory_space<vmem_shared>>
      %dma_wait3A_53 = arith.constant 0 : i32
      %dma_wait3A_54 = arith.constant 0 : i32
      %dma_wait3A_55 = tpu.memref_slice %arg8[%dma_wait3A_53, %dma_wait3A_54] : memref<128x96xf32, #tpu.memory_space<vmem>> -> memref<128x96xf32, #tpu.memory_space<vmem>>
      tpu.wait_dma2 semaphore(%run_scoped3A_35 : memref<!tpu.dma_semaphore, #tpu.memory_space<semaphore_mem>>) src(%dma_wait3A_55 : memref<128x96xf32, #tpu.memory_space<vmem>>) dst(%dma_wait3A_52 : memref<128x96xf32, #tpu.memory_space<vmem_shared>>)
      tpu.yield
    }) : () -> ()
    %add3A_10 = arith.constant 256 : i32
    %add3A_11 = arith.addi %mul3A_0, %add3A_10 : i32
    "tpu.region"() ({
      %run_scoped3A_35 = tpu.sem_alloc : memref<!tpu.dma_semaphore, #tpu.memory_space<semaphore_mem>>
      %dma_start3A_36 = arith.constant 0 : i32
      %dma_start3A_37 = arith.constant 0 : i32
      %dma_start3A_38 = tpu.memref_slice %arg8[%dma_start3A_36, %dma_start3A_37] : memref<128x96xf32, #tpu.memory_space<vmem>> -> memref<128x96xf32, #tpu.memory_space<vmem>>
      %dma_start3A_39 = arith.constant 0 : i32
      %dma_start3A_40 = tpu.memref_slice %arg10[%add3A_11, %dma_start3A_39] : memref<10112x96xf32, #tpu.memory_space<vmem_shared>> -> memref<128x96xf32, #tpu.memory_space<vmem_shared>>
      %dma_start3A_41 = arith.constant 0 : i32
      %dma_start3A_42 = tpu.memref_slice %arg10[%add3A_11, %dma_start3A_41] : memref<10112x96xf32, #tpu.memory_space<vmem_shared>> -> memref<128x96xf32, #tpu.memory_space<vmem_shared>>
      %dma_start3A_43 = arith.constant 0 : i32
      %dma_start3A_44 = arith.constant 0 : i32
      %dma_start3A_45 = tpu.memref_slice %arg8[%dma_start3A_43, %dma_start3A_44] : memref<128x96xf32, #tpu.memory_space<vmem>> -> memref<128x96xf32, #tpu.memory_space<vmem>>
      tpu.enqueue_dma source(%dma_start3A_45 : memref<128x96xf32, #tpu.memory_space<vmem>>) target(%dma_start3A_42 : memref<128x96xf32, #tpu.memory_space<vmem_shared>>) target_semaphore(%run_scoped3A_35 : memref<!tpu.dma_semaphore, #tpu.memory_space<semaphore_mem>>)
      %dma_wait3A_46 = arith.constant 0 : i32
      %dma_wait3A_47 = arith.constant 0 : i32
      %dma_wait3A_48 = tpu.memref_slice %arg8[%dma_wait3A_46, %dma_wait3A_47] : memref<128x96xf32, #tpu.memory_space<vmem>> -> memref<128x96xf32, #tpu.memory_space<vmem>>
      %dma_wait3A_49 = arith.constant 0 : i32
      %dma_wait3A_50 = tpu.memref_slice %arg10[%add3A_11, %dma_wait3A_49] : memref<10112x96xf32, #tpu.memory_space<vmem_shared>> -> memref<128x96xf32, #tpu.memory_space<vmem_shared>>
      %dma_wait3A_51 = arith.constant 0 : i32
      %dma_wait3A_52 = tpu.memref_slice %arg10[%add3A_11, %dma_wait3A_51] : memref<10112x96xf32, #tpu.memory_space<vmem_shared>> -> memref<128x96xf32, #tpu.memory_space<vmem_shared>>
      %dma_wait3A_53 = arith.constant 0 : i32
      %dma_wait3A_54 = arith.constant 0 : i32
      %dma_wait3A_55 = tpu.memref_slice %arg8[%dma_wait3A_53, %dma_wait3A_54] : memref<128x96xf32, #tpu.memory_space<vmem>> -> memref<128x96xf32, #tpu.memory_space<vmem>>
      tpu.wait_dma2 semaphore(%run_scoped3A_35 : memref<!tpu.dma_semaphore, #tpu.memory_space<semaphore_mem>>) src(%dma_wait3A_55 : memref<128x96xf32, #tpu.memory_space<vmem>>) dst(%dma_wait3A_52 : memref<128x96xf32, #tpu.memory_space<vmem_shared>>)
      tpu.yield
    }) : () -> ()
    %add3A_12 = arith.constant 384 : i32
    %add3A_13 = arith.addi %mul3A_0, %add3A_12 : i32
    "tpu.region"() ({
      %run_scoped3A_35 = tpu.sem_alloc : memref<!tpu.dma_semaphore, #tpu.memory_space<semaphore_mem>>
      %dma_start3A_36 = arith.constant 0 : i32
      %dma_start3A_37 = arith.constant 0 : i32
      %dma_start3A_38 = tpu.memref_slice %arg8[%dma_start3A_36, %dma_start3A_37] : memref<128x96xf32, #tpu.memory_space<vmem>> -> memref<128x96xf32, #tpu.memory_space<vmem>>
      %dma_start3A_39 = arith.constant 0 : i32
      %dma_start3A_40 = tpu.memref_slice %arg10[%add3A_13, %dma_start3A_39] : memref<10112x96xf32, #tpu.memory_space<vmem_shared>> -> memref<128x96xf32, #tpu.memory_space<vmem_shared>>
      %dma_start3A_41 = arith.constant 0 : i32
      %dma_start3A_42 = tpu.memref_slice %arg10[%add3A_13, %dma_start3A_41] : memref<10112x96xf32, #tpu.memory_space<vmem_shared>> -> memref<128x96xf32, #tpu.memory_space<vmem_shared>>
      %dma_start3A_43 = arith.constant 0 : i32
      %dma_start3A_44 = arith.constant 0 : i32
      %dma_start3A_45 = tpu.memref_slice %arg8[%dma_start3A_43, %dma_start3A_44] : memref<128x96xf32, #tpu.memory_space<vmem>> -> memref<128x96xf32, #tpu.memory_space<vmem>>
      tpu.enqueue_dma source(%dma_start3A_45 : memref<128x96xf32, #tpu.memory_space<vmem>>) target(%dma_start3A_42 : memref<128x96xf32, #tpu.memory_space<vmem_shared>>) target_semaphore(%run_scoped3A_35 : memref<!tpu.dma_semaphore, #tpu.memory_space<semaphore_mem>>)
      %dma_wait3A_46 = arith.constant 0 : i32
      %dma_wait3A_47 = arith.constant 0 : i32
      %dma_wait3A_48 = tpu.memref_slice %arg8[%dma_wait3A_46, %dma_wait3A_47] : memref<128x96xf32, #tpu.memory_space<vmem>> -> memref<128x96xf32, #tpu.memory_space<vmem>>
      %dma_wait3A_49 = arith.constant 0 : i32
      %dma_wait3A_50 = tpu.memref_slice %arg10[%add3A_13, %dma_wait3A_49] : memref<10112x96xf32, #tpu.memory_space<vmem_shared>> -> memref<128x96xf32, #tpu.memory_space<vmem_shared>>
      %dma_wait3A_51 = arith.constant 0 : i32
      %dma_wait3A_52 = tpu.memref_slice %arg10[%add3A_13, %dma_wait3A_51] : memref<10112x96xf32, #tpu.memory_space<vmem_shared>> -> memref<128x96xf32, #tpu.memory_space<vmem_shared>>
      %dma_wait3A_53 = arith.constant 0 : i32
      %dma_wait3A_54 = arith.constant 0 : i32
      %dma_wait3A_55 = tpu.memref_slice %arg8[%dma_wait3A_53, %dma_wait3A_54] : memref<128x96xf32, #tpu.memory_space<vmem>> -> memref<128x96xf32, #tpu.memory_space<vmem>>
      tpu.wait_dma2 semaphore(%run_scoped3A_35 : memref<!tpu.dma_semaphore, #tpu.memory_space<semaphore_mem>>) src(%dma_wait3A_55 : memref<128x96xf32, #tpu.memory_space<vmem>>) dst(%dma_wait3A_52 : memref<128x96xf32, #tpu.memory_space<vmem_shared>>)
      tpu.yield
    }) : () -> ()
    %add3A_14 = arith.constant 512 : i32
    %add3A_15 = arith.addi %mul3A_0, %add3A_14 : i32
    "tpu.region"() ({
      %run_scoped3A_35 = tpu.sem_alloc : memref<!tpu.dma_semaphore, #tpu.memory_space<semaphore_mem>>
      %dma_start3A_36 = arith.constant 0 : i32
      %dma_start3A_37 = arith.constant 0 : i32
      %dma_start3A_38 = tpu.memref_slice %arg8[%dma_start3A_36, %dma_start3A_37] : memref<128x96xf32, #tpu.memory_space<vmem>> -> memref<120x96xf32, #tpu.memory_space<vmem>>
      %dma_start3A_39 = arith.constant 0 : i32
      %dma_start3A_40 = tpu.memref_slice %arg10[%add3A_15, %dma_start3A_39] : memref<10112x96xf32, #tpu.memory_space<vmem_shared>> -> memref<120x96xf32, #tpu.memory_space<vmem_shared>>
      %dma_start3A_41 = arith.constant 0 : i32
      %dma_start3A_42 = tpu.memref_slice %arg10[%add3A_15, %dma_start3A_41] : memref<10112x96xf32, #tpu.memory_space<vmem_shared>> -> memref<120x96xf32, #tpu.memory_space<vmem_shared>>
      %dma_start3A_43 = arith.constant 0 : i32
      %dma_start3A_44 = arith.constant 0 : i32
      %dma_start3A_45 = tpu.memref_slice %arg8[%dma_start3A_43, %dma_start3A_44] : memref<128x96xf32, #tpu.memory_space<vmem>> -> memref<120x96xf32, #tpu.memory_space<vmem>>
      tpu.enqueue_dma source(%dma_start3A_45 : memref<120x96xf32, #tpu.memory_space<vmem>>) target(%dma_start3A_42 : memref<120x96xf32, #tpu.memory_space<vmem_shared>>) target_semaphore(%run_scoped3A_35 : memref<!tpu.dma_semaphore, #tpu.memory_space<semaphore_mem>>)
      %dma_wait3A_46 = arith.constant 0 : i32
      %dma_wait3A_47 = arith.constant 0 : i32
      %dma_wait3A_48 = tpu.memref_slice %arg8[%dma_wait3A_46, %dma_wait3A_47] : memref<128x96xf32, #tpu.memory_space<vmem>> -> memref<120x96xf32, #tpu.memory_space<vmem>>
      %dma_wait3A_49 = arith.constant 0 : i32
      %dma_wait3A_50 = tpu.memref_slice %arg10[%add3A_15, %dma_wait3A_49] : memref<10112x96xf32, #tpu.memory_space<vmem_shared>> -> memref<120x96xf32, #tpu.memory_space<vmem_shared>>
      %dma_wait3A_51 = arith.constant 0 : i32
      %dma_wait3A_52 = tpu.memref_slice %arg10[%add3A_15, %dma_wait3A_51] : memref<10112x96xf32, #tpu.memory_space<vmem_shared>> -> memref<120x96xf32, #tpu.memory_space<vmem_shared>>
      %dma_wait3A_53 = arith.constant 0 : i32
      %dma_wait3A_54 = arith.constant 0 : i32
      %dma_wait3A_55 = tpu.memref_slice %arg8[%dma_wait3A_53, %dma_wait3A_54] : memref<128x96xf32, #tpu.memory_space<vmem>> -> memref<120x96xf32, #tpu.memory_space<vmem>>
      tpu.wait_dma2 semaphore(%run_scoped3A_35 : memref<!tpu.dma_semaphore, #tpu.memory_space<semaphore_mem>>) src(%dma_wait3A_55 : memref<120x96xf32, #tpu.memory_space<vmem>>) dst(%dma_wait3A_52 : memref<120x96xf32, #tpu.memory_space<vmem_shared>>)
      tpu.yield
    }) : () -> ()
    %barrier3A = arith.constant 0 : index
    tpu.barrier barrier_id(%barrier3A)
    "tpu.region"() ({
      %run_scoped3A_35 = tpu.sem_alloc : memref<!tpu.dma_semaphore, #tpu.memory_space<semaphore_mem>>
      %dma_start3A_36 = arith.constant 0 : i32
      %dma_start3A_37 = arith.constant 0 : i32
      %dma_start3A_38 = tpu.memref_slice %arg3[%arg0, %arg1, %dma_start3A_36, %dma_start3A_37] : memref<2x16x157x128xi32, #tpu.memory_space<hbm>> -> memref<1x1x157x128xi32, #tpu.memory_space<hbm>>
      %dma_start3A_39 = tpu.memref_squeeze %dma_start3A_38 : memref<1x1x157x128xi32, #tpu.memory_space<hbm>> -> memref<157x128xi32, #tpu.memory_space<hbm>>
      %dma_start3A_40 = arith.constant 0 : i32
      %dma_start3A_41 = arith.constant 0 : i32
      %dma_start3A_42 = tpu.memref_slice %arg3[%arg0, %arg1, %dma_start3A_40, %dma_start3A_41] : memref<2x16x157x128xi32, #tpu.memory_space<hbm>> -> memref<1x1x157x128xi32, #tpu.memory_space<hbm>>
      %dma_start3A_43 = tpu.memref_squeeze %dma_start3A_42 : memref<1x1x157x128xi32, #tpu.memory_space<hbm>> -> memref<157x128xi32, #tpu.memory_space<hbm>>
      tpu.enqueue_dma source(%dma_start3A_43 : memref<157x128xi32, #tpu.memory_space<hbm>>) target(%arg6 : memref<157x128xi32, #tpu.memory_space<vmem>>) target_semaphore(%run_scoped3A_35 : memref<!tpu.dma_semaphore, #tpu.memory_space<semaphore_mem>>)
      %dma_wait3A_44 = arith.constant 0 : i32
      %dma_wait3A_45 = arith.constant 0 : i32
      %dma_wait3A_46 = tpu.memref_slice %arg3[%arg0, %arg1, %dma_wait3A_44, %dma_wait3A_45] : memref<2x16x157x128xi32, #tpu.memory_space<hbm>> -> memref<1x1x157x128xi32, #tpu.memory_space<hbm>>
      %dma_wait3A_47 = tpu.memref_squeeze %dma_wait3A_46 : memref<1x1x157x128xi32, #tpu.memory_space<hbm>> -> memref<157x128xi32, #tpu.memory_space<hbm>>
      %dma_wait3A_48 = arith.constant 0 : i32
      %dma_wait3A_49 = arith.constant 0 : i32
      %dma_wait3A_50 = tpu.memref_slice %arg3[%arg0, %arg1, %dma_wait3A_48, %dma_wait3A_49] : memref<2x16x157x128xi32, #tpu.memory_space<hbm>> -> memref<1x1x157x128xi32, #tpu.memory_space<hbm>>
      %dma_wait3A_51 = tpu.memref_squeeze %dma_wait3A_50 : memref<1x1x157x128xi32, #tpu.memory_space<hbm>> -> memref<157x128xi32, #tpu.memory_space<hbm>>
      tpu.wait_dma2 semaphore(%run_scoped3A_35 : memref<!tpu.dma_semaphore, #tpu.memory_space<semaphore_mem>>) src(%dma_wait3A_51 : memref<157x128xi32, #tpu.memory_space<hbm>>) dst(%arg6 : memref<157x128xi32, #tpu.memory_space<vmem>>)
      tpu.yield
    }) : () -> ()
    "tpu.region"() ({
      %run_scoped3A_35 = tpu.sem_alloc : memref<!tpu.dma_semaphore, #tpu.memory_space<semaphore_mem>>
      %dma_start3A_36 = arith.constant 0 : i32
      %dma_start3A_37 = arith.constant 0 : i32
      %dma_start3A_38 = tpu.memref_slice %arg4[%arg1, %dma_start3A_36, %dma_start3A_37] : memref<16x157x128xi32, #tpu.memory_space<hbm>> -> memref<1x157x128xi32, #tpu.memory_space<hbm>>
      %dma_start3A_39 = tpu.memref_squeeze %dma_start3A_38 : memref<1x157x128xi32, #tpu.memory_space<hbm>> -> memref<157x128xi32, #tpu.memory_space<hbm>>
      %dma_start3A_40 = arith.constant 0 : i32
      %dma_start3A_41 = arith.constant 0 : i32
      %dma_start3A_42 = tpu.memref_slice %arg4[%arg1, %dma_start3A_40, %dma_start3A_41] : memref<16x157x128xi32, #tpu.memory_space<hbm>> -> memref<1x157x128xi32, #tpu.memory_space<hbm>>
      %dma_start3A_43 = tpu.memref_squeeze %dma_start3A_42 : memref<1x157x128xi32, #tpu.memory_space<hbm>> -> memref<157x128xi32, #tpu.memory_space<hbm>>
      tpu.enqueue_dma source(%dma_start3A_43 : memref<157x128xi32, #tpu.memory_space<hbm>>) target(%arg7 : memref<157x128xi32, #tpu.memory_space<vmem>>) target_semaphore(%run_scoped3A_35 : memref<!tpu.dma_semaphore, #tpu.memory_space<semaphore_mem>>)
      %dma_wait3A_44 = arith.constant 0 : i32
      %dma_wait3A_45 = arith.constant 0 : i32
      %dma_wait3A_46 = tpu.memref_slice %arg4[%arg1, %dma_wait3A_44, %dma_wait3A_45] : memref<16x157x128xi32, #tpu.memory_space<hbm>> -> memref<1x157x128xi32, #tpu.memory_space<hbm>>
      %dma_wait3A_47 = tpu.memref_squeeze %dma_wait3A_46 : memref<1x157x128xi32, #tpu.memory_space<hbm>> -> memref<157x128xi32, #tpu.memory_space<hbm>>
      %dma_wait3A_48 = arith.constant 0 : i32
      %dma_wait3A_49 = arith.constant 0 : i32
      %dma_wait3A_50 = tpu.memref_slice %arg4[%arg1, %dma_wait3A_48, %dma_wait3A_49] : memref<16x157x128xi32, #tpu.memory_space<hbm>> -> memref<1x157x128xi32, #tpu.memory_space<hbm>>
      %dma_wait3A_51 = tpu.memref_squeeze %dma_wait3A_50 : memref<1x157x128xi32, #tpu.memory_space<hbm>> -> memref<157x128xi32, #tpu.memory_space<hbm>>
      tpu.wait_dma2 semaphore(%run_scoped3A_35 : memref<!tpu.dma_semaphore, #tpu.memory_space<semaphore_mem>>) src(%dma_wait3A_51 : memref<157x128xi32, #tpu.memory_space<hbm>>) dst(%arg7 : memref<157x128xi32, #tpu.memory_space<vmem>>)
      tpu.yield
    }) : () -> ()
    %dma_start3A = arith.constant 0 : i32
    %dma_start3A_16 = arith.constant 0 : i32
    %dma_start3A_17 = tpu.memref_slice %arg6[%dma_start3A, %dma_start3A_16] : memref<157x128xi32, #tpu.memory_space<vmem>> -> memref<1x128xi32, #tpu.memory_space<vmem>>
    %dma_start3A_18 = tpu.memref_squeeze %dma_start3A_17 : memref<1x128xi32, #tpu.memory_space<vmem>> -> memref<128xi32, #tpu.memory_space<vmem>>
    %dma_start3A_19 = arith.constant 0 : i32
    %dma_start3A_20 = arith.constant 0 : i32
    %dma_start3A_21 = tpu.memref_slice %arg2[%dma_start3A_19, %dma_start3A_20] : memref<20000x96xf32, #tpu.memory_space<hbm>> -> memref<20000x96xf32, #tpu.memory_space<hbm>>
    tpu.enqueue_indirect_dma source(%dma_start3A_21 : memref<20000x96xf32, #tpu.memory_space<hbm>>) target(%arg8 : memref<128x96xf32, #tpu.memory_space<vmem>>) offsets(%dma_start3A_18 : memref<128xi32, #tpu.memory_space<vmem>>) semaphore(%arg11 : memref<!tpu.dma_semaphore, #tpu.memory_space<semaphore_mem>>)
    %scan3A_22 = arith.constant 0 : i32
    %scan3A_23 = arith.constant 0 : i32
    %scan3A_24 = arith.constant 78 : i32
    %scan3A_25 = arith.addi %scan3A_23, %scan3A_24 : i32
    %scan3A_26 = arith.constant 1 : i32
    scf.for %scan3A_35 = %scan3A_23 to %scan3A_25 step %scan3A_26  : i32 {
      %mul3A_36 = arith.constant 2 : i32
      %mul3A_37 = arith.muli %mul3A_36, %scan3A_35 : i32
      %add3A_38 = arith.constant 1 : i32
      %add3A_39 = arith.addi %mul3A_37, %add3A_38 : i32
      %dma_start3A_40 = arith.constant 0 : i32
      %dma_start3A_41 = tpu.memref_slice %arg6[%add3A_39, %dma_start3A_40] : memref<157x128xi32, #tpu.memory_space<vmem>> -> memref<1x128xi32, #tpu.memory_space<vmem>>
      %dma_start3A_42 = tpu.memref_squeeze %dma_start3A_41 : memref<1x128xi32, #tpu.memory_space<vmem>> -> memref<128xi32, #tpu.memory_space<vmem>>
      %dma_start3A_43 = arith.constant 0 : i32
      %dma_start3A_44 = arith.constant 0 : i32
      %dma_start3A_45 = tpu.memref_slice %arg2[%dma_start3A_43, %dma_start3A_44] : memref<20000x96xf32, #tpu.memory_space<hbm>> -> memref<20000x96xf32, #tpu.memory_space<hbm>>
      tpu.enqueue_indirect_dma source(%dma_start3A_45 : memref<20000x96xf32, #tpu.memory_space<hbm>>) target(%arg9 : memref<128x96xf32, #tpu.memory_space<vmem>>) offsets(%dma_start3A_42 : memref<128xi32, #tpu.memory_space<vmem>>) semaphore(%arg12 : memref<!tpu.dma_semaphore, #tpu.memory_space<semaphore_mem>>)
      %dma_wait3A_46 = arith.constant 0 : i32
      %dma_wait3A_47 = tpu.memref_slice %arg6[%mul3A_37, %dma_wait3A_46] : memref<157x128xi32, #tpu.memory_space<vmem>> -> memref<1x128xi32, #tpu.memory_space<vmem>>
      %dma_wait3A_48 = tpu.memref_squeeze %dma_wait3A_47 : memref<1x128xi32, #tpu.memory_space<vmem>> -> memref<128xi32, #tpu.memory_space<vmem>>
      %dma_wait3A_49 = arith.constant 0 : i32
      %dma_wait3A_50 = arith.constant 0 : i32
      %dma_wait3A_51 = tpu.memref_slice %arg2[%dma_wait3A_49, %dma_wait3A_50] : memref<20000x96xf32, #tpu.memory_space<hbm>> -> memref<20000x96xf32, #tpu.memory_space<hbm>>
      tpu.wait_indirect_dma semaphore(%arg11 : memref<!tpu.dma_semaphore, #tpu.memory_space<semaphore_mem>>) src(%dma_wait3A_51 : memref<20000x96xf32, #tpu.memory_space<hbm>>) dst(%arg8 : memref<128x96xf32, #tpu.memory_space<vmem>>)
      "tpu.region"() ({
        %run_scoped3A_70 = tpu.sem_alloc : memref<!tpu.dma_semaphore, #tpu.memory_space<semaphore_mem>>
        %dma_start3A_71 = arith.constant 0 : i32
        %dma_start3A_72 = tpu.memref_slice %arg7[%mul3A_37, %dma_start3A_71] : memref<157x128xi32, #tpu.memory_space<vmem>> -> memref<1x128xi32, #tpu.memory_space<vmem>>
        %dma_start3A_73 = tpu.memref_squeeze %dma_start3A_72 : memref<1x128xi32, #tpu.memory_space<vmem>> -> memref<128xi32, #tpu.memory_space<vmem>>
        %dma_start3A_74 = arith.constant 0 : i32
        %dma_start3A_75 = arith.constant 0 : i32
        %dma_start3A_76 = tpu.memref_slice %arg10[%dma_start3A_74, %dma_start3A_75] : memref<10112x96xf32, #tpu.memory_space<vmem_shared>> -> memref<10112x96xf32, #tpu.memory_space<vmem_shared>>
        tpu.enqueue_indirect_dma source(%arg8 : memref<128x96xf32, #tpu.memory_space<vmem>>) target(%dma_start3A_76 : memref<10112x96xf32, #tpu.memory_space<vmem_shared>>) offsets(%dma_start3A_73 : memref<128xi32, #tpu.memory_space<vmem>>) semaphore(%run_scoped3A_70 : memref<!tpu.dma_semaphore, #tpu.memory_space<semaphore_mem>>) {add = true}
        %dma_wait3A_77 = arith.constant 0 : i32
        %dma_wait3A_78 = tpu.memref_slice %arg7[%mul3A_37, %dma_wait3A_77] : memref<157x128xi32, #tpu.memory_space<vmem>> -> memref<1x128xi32, #tpu.memory_space<vmem>>
        %dma_wait3A_79 = tpu.memref_squeeze %dma_wait3A_78 : memref<1x128xi32, #tpu.memory_space<vmem>> -> memref<128xi32, #tpu.memory_space<vmem>>
        %dma_wait3A_80 = arith.constant 0 : i32
        %dma_wait3A_81 = arith.constant 0 : i32
        %dma_wait3A_82 = tpu.memref_slice %arg10[%dma_wait3A_80, %dma_wait3A_81] : memref<10112x96xf32, #tpu.memory_space<vmem_shared>> -> memref<10112x96xf32, #tpu.memory_space<vmem_shared>>
        tpu.wait_indirect_dma semaphore(%run_scoped3A_70 : memref<!tpu.dma_semaphore, #tpu.memory_space<semaphore_mem>>) src(%arg8 : memref<128x96xf32, #tpu.memory_space<vmem>>) dst(%dma_wait3A_82 : memref<10112x96xf32, #tpu.memory_space<vmem_shared>>)
        tpu.yield
      }) : () -> ()
      %add3A_52 = arith.constant 2 : i32
      %add3A_53 = arith.addi %mul3A_37, %add3A_52 : i32
      %dma_start3A_54 = arith.constant 0 : i32
      %dma_start3A_55 = tpu.memref_slice %arg6[%add3A_53, %dma_start3A_54] : memref<157x128xi32, #tpu.memory_space<vmem>> -> memref<1x128xi32, #tpu.memory_space<vmem>>
      %dma_start3A_56 = tpu.memref_squeeze %dma_start3A_55 : memref<1x128xi32, #tpu.memory_space<vmem>> -> memref<128xi32, #tpu.memory_space<vmem>>
      %dma_start3A_57 = arith.constant 0 : i32
      %dma_start3A_58 = arith.constant 0 : i32
      %dma_start3A_59 = tpu.memref_slice %arg2[%dma_start3A_57, %dma_start3A_58] : memref<20000x96xf32, #tpu.memory_space<hbm>> -> memref<20000x96xf32, #tpu.memory_space<hbm>>
      tpu.enqueue_indirect_dma source(%dma_start3A_59 : memref<20000x96xf32, #tpu.memory_space<hbm>>) target(%arg8 : memref<128x96xf32, #tpu.memory_space<vmem>>) offsets(%dma_start3A_56 : memref<128xi32, #tpu.memory_space<vmem>>) semaphore(%arg11 : memref<!tpu.dma_semaphore, #tpu.memory_space<semaphore_mem>>)
      %add3A_60 = arith.constant 1 : i32
      %add3A_61 = arith.addi %mul3A_37, %add3A_60 : i32
      %dma_wait3A_62 = arith.constant 0 : i32
      %dma_wait3A_63 = tpu.memref_slice %arg6[%add3A_61, %dma_wait3A_62] : memref<157x128xi32, #tpu.memory_space<vmem>> -> memref<1x128xi32, #tpu.memory_space<vmem>>
      %dma_wait3A_64 = tpu.memref_squeeze %dma_wait3A_63 : memref<1x128xi32, #tpu.memory_space<vmem>> -> memref<128xi32, #tpu.memory_space<vmem>>
      %dma_wait3A_65 = arith.constant 0 : i32
      %dma_wait3A_66 = arith.constant 0 : i32
      %dma_wait3A_67 = tpu.memref_slice %arg2[%dma_wait3A_65, %dma_wait3A_66] : memref<20000x96xf32, #tpu.memory_space<hbm>> -> memref<20000x96xf32, #tpu.memory_space<hbm>>
      tpu.wait_indirect_dma semaphore(%arg12 : memref<!tpu.dma_semaphore, #tpu.memory_space<semaphore_mem>>) src(%dma_wait3A_67 : memref<20000x96xf32, #tpu.memory_space<hbm>>) dst(%arg9 : memref<128x96xf32, #tpu.memory_space<vmem>>)
      %add3A_68 = arith.constant 1 : i32
      %add3A_69 = arith.addi %mul3A_37, %add3A_68 : i32
      "tpu.region"() ({
        %run_scoped3A_70 = tpu.sem_alloc : memref<!tpu.dma_semaphore, #tpu.memory_space<semaphore_mem>>
        %dma_start3A_71 = arith.constant 0 : i32
        %dma_start3A_72 = tpu.memref_slice %arg7[%add3A_69, %dma_start3A_71] : memref<157x128xi32, #tpu.memory_space<vmem>> -> memref<1x128xi32, #tpu.memory_space<vmem>>
        %dma_start3A_73 = tpu.memref_squeeze %dma_start3A_72 : memref<1x128xi32, #tpu.memory_space<vmem>> -> memref<128xi32, #tpu.memory_space<vmem>>
        %dma_start3A_74 = arith.constant 0 : i32
        %dma_start3A_75 = arith.constant 0 : i32
        %dma_start3A_76 = tpu.memref_slice %arg10[%dma_start3A_74, %dma_start3A_75] : memref<10112x96xf32, #tpu.memory_space<vmem_shared>> -> memref<10112x96xf32, #tpu.memory_space<vmem_shared>>
        tpu.enqueue_indirect_dma source(%arg9 : memref<128x96xf32, #tpu.memory_space<vmem>>) target(%dma_start3A_76 : memref<10112x96xf32, #tpu.memory_space<vmem_shared>>) offsets(%dma_start3A_73 : memref<128xi32, #tpu.memory_space<vmem>>) semaphore(%run_scoped3A_70 : memref<!tpu.dma_semaphore, #tpu.memory_space<semaphore_mem>>) {add = true}
        %dma_wait3A_77 = arith.constant 0 : i32
        %dma_wait3A_78 = tpu.memref_slice %arg7[%add3A_69, %dma_wait3A_77] : memref<157x128xi32, #tpu.memory_space<vmem>> -> memref<1x128xi32, #tpu.memory_space<vmem>>
        %dma_wait3A_79 = tpu.memref_squeeze %dma_wait3A_78 : memref<1x128xi32, #tpu.memory_space<vmem>> -> memref<128xi32, #tpu.memory_space<vmem>>
        %dma_wait3A_80 = arith.constant 0 : i32
        %dma_wait3A_81 = arith.constant 0 : i32
        %dma_wait3A_82 = tpu.memref_slice %arg10[%dma_wait3A_80, %dma_wait3A_81] : memref<10112x96xf32, #tpu.memory_space<vmem_shared>> -> memref<10112x96xf32, #tpu.memory_space<vmem_shared>>
        tpu.wait_indirect_dma semaphore(%run_scoped3A_70 : memref<!tpu.dma_semaphore, #tpu.memory_space<semaphore_mem>>) src(%arg9 : memref<128x96xf32, #tpu.memory_space<vmem>>) dst(%dma_wait3A_82 : memref<10112x96xf32, #tpu.memory_space<vmem_shared>>)
        tpu.yield
      }) : () -> ()
    }
    %scan3A_27 = arith.constant 78 : i32
    %dma_wait3A = arith.constant 156 : i32
    %dma_wait3A_28 = arith.constant 0 : i32
    %dma_wait3A_29 = tpu.memref_slice %arg6[%dma_wait3A, %dma_wait3A_28] : memref<157x128xi32, #tpu.memory_space<vmem>> -> memref<1x128xi32, #tpu.memory_space<vmem>>
    %dma_wait3A_30 = tpu.memref_squeeze %dma_wait3A_29 : memref<1x128xi32, #tpu.memory_space<vmem>> -> memref<128xi32, #tpu.memory_space<vmem>>
    %dma_wait3A_31 = arith.constant 0 : i32
    %dma_wait3A_32 = arith.constant 0 : i32
    %dma_wait3A_33 = tpu.memref_slice %arg2[%dma_wait3A_31, %dma_wait3A_32] : memref<20000x96xf32, #tpu.memory_space<hbm>> -> memref<20000x96xf32, #tpu.memory_space<hbm>>
    tpu.wait_indirect_dma semaphore(%arg11 : memref<!tpu.dma_semaphore, #tpu.memory_space<semaphore_mem>>) src(%dma_wait3A_33 : memref<20000x96xf32, #tpu.memory_space<hbm>>) dst(%arg8 : memref<128x96xf32, #tpu.memory_space<vmem>>)
    %run_scoped3A = arith.constant 156 : i32
    "tpu.region"() ({
      %run_scoped3A_35 = tpu.sem_alloc : memref<!tpu.dma_semaphore, #tpu.memory_space<semaphore_mem>>
      %dma_start3A_36 = arith.constant 0 : i32
      %dma_start3A_37 = tpu.memref_slice %arg7[%run_scoped3A, %dma_start3A_36] : memref<157x128xi32, #tpu.memory_space<vmem>> -> memref<1x128xi32, #tpu.memory_space<vmem>>
      %dma_start3A_38 = tpu.memref_squeeze %dma_start3A_37 : memref<1x128xi32, #tpu.memory_space<vmem>> -> memref<128xi32, #tpu.memory_space<vmem>>
      %dma_start3A_39 = arith.constant 0 : i32
      %dma_start3A_40 = arith.constant 0 : i32
      %dma_start3A_41 = tpu.memref_slice %arg10[%dma_start3A_39, %dma_start3A_40] : memref<10112x96xf32, #tpu.memory_space<vmem_shared>> -> memref<10112x96xf32, #tpu.memory_space<vmem_shared>>
      tpu.enqueue_indirect_dma source(%arg8 : memref<128x96xf32, #tpu.memory_space<vmem>>) target(%dma_start3A_41 : memref<10112x96xf32, #tpu.memory_space<vmem_shared>>) offsets(%dma_start3A_38 : memref<128xi32, #tpu.memory_space<vmem>>) semaphore(%run_scoped3A_35 : memref<!tpu.dma_semaphore, #tpu.memory_space<semaphore_mem>>) {add = true}
      %dma_wait3A_42 = arith.constant 0 : i32
      %dma_wait3A_43 = tpu.memref_slice %arg7[%run_scoped3A, %dma_wait3A_42] : memref<157x128xi32, #tpu.memory_space<vmem>> -> memref<1x128xi32, #tpu.memory_space<vmem>>
      %dma_wait3A_44 = tpu.memref_squeeze %dma_wait3A_43 : memref<1x128xi32, #tpu.memory_space<vmem>> -> memref<128xi32, #tpu.memory_space<vmem>>
      %dma_wait3A_45 = arith.constant 0 : i32
      %dma_wait3A_46 = arith.constant 0 : i32
      %dma_wait3A_47 = tpu.memref_slice %arg10[%dma_wait3A_45, %dma_wait3A_46] : memref<10112x96xf32, #tpu.memory_space<vmem_shared>> -> memref<10112x96xf32, #tpu.memory_space<vmem_shared>>
      tpu.wait_indirect_dma semaphore(%run_scoped3A_35 : memref<!tpu.dma_semaphore, #tpu.memory_space<semaphore_mem>>) src(%arg8 : memref<128x96xf32, #tpu.memory_space<vmem>>) dst(%dma_wait3A_47 : memref<10112x96xf32, #tpu.memory_space<vmem_shared>>)
      tpu.yield
    }) : () -> ()
    %barrier3A_34 = arith.constant 0 : index
    tpu.barrier barrier_id(%barrier3A_34)
    "tpu.region"() ({
      %run_scoped3A_35 = tpu.sem_alloc : memref<!tpu.dma_semaphore, #tpu.memory_space<semaphore_mem>>
      %dma_start3A_36 = arith.constant 0 : i32
      %dma_start3A_37 = tpu.memref_slice %arg5[%arg0, %mul3A_0, %dma_start3A_36] : memref<2x10112x96xf32, #tpu.memory_space<hbm>> -> memref<1x632x96xf32, #tpu.memory_space<hbm>>
      %dma_start3A_38 = tpu.memref_squeeze %dma_start3A_37 : memref<1x632x96xf32, #tpu.memory_space<hbm>> -> memref<632x96xf32, #tpu.memory_space<hbm>>
      %dma_start3A_39 = arith.constant 0 : i32
      %dma_start3A_40 = tpu.memref_slice %arg10[%mul3A_0, %dma_start3A_39] : memref<10112x96xf32, #tpu.memory_space<vmem_shared>> -> memref<632x96xf32, #tpu.memory_space<vmem_shared>>
      tpu.enqueue_dma source(%dma_start3A_40 : memref<632x96xf32, #tpu.memory_space<vmem_shared>>) target(%dma_start3A_38 : memref<632x96xf32, #tpu.memory_space<hbm>>) target_semaphore(%run_scoped3A_35 : memref<!tpu.dma_semaphore, #tpu.memory_space<semaphore_mem>>)
      %dma_wait3A_41 = arith.constant 0 : i32
      %dma_wait3A_42 = tpu.memref_slice %arg5[%arg0, %mul3A_0, %dma_wait3A_41] : memref<2x10112x96xf32, #tpu.memory_space<hbm>> -> memref<1x632x96xf32, #tpu.memory_space<hbm>>
      %dma_wait3A_43 = tpu.memref_squeeze %dma_wait3A_42 : memref<1x632x96xf32, #tpu.memory_space<hbm>> -> memref<632x96xf32, #tpu.memory_space<hbm>>
      %dma_wait3A_44 = arith.constant 0 : i32
      %dma_wait3A_45 = tpu.memref_slice %arg10[%mul3A_0, %dma_wait3A_44] : memref<10112x96xf32, #tpu.memory_space<vmem_shared>> -> memref<632x96xf32, #tpu.memory_space<vmem_shared>>
      tpu.wait_dma2 semaphore(%run_scoped3A_35 : memref<!tpu.dma_semaphore, #tpu.memory_space<semaphore_mem>>) src(%dma_wait3A_45 : memref<632x96xf32, #tpu.memory_space<vmem_shared>>) dst(%dma_wait3A_43 : memref<632x96xf32, #tpu.memory_space<hbm>>)
      tpu.yield
    }) : () -> ()
    return
  }
}

#map = affine_map<(d0, d1) -> (0, 0)>
#map1 = affine_map<(d0, d1) -> (0, 0, 0, 0)>
#map2 = affine_map<(d0, d1) -> (0, 0, 0)>
module attributes {stable_mosaic.version = 14 : i64} {
  func.func @_sc_agg_body(%arg0: i32, %arg1: i32, %arg2: memref<20000x96xf32, #tpu.memory_space<hbm>>, %arg3: memref<2x16x157x128xi32, #tpu.memory_space<hbm>>, %arg4: memref<16x157x128xi32, #tpu.memory_space<hbm>>, %arg5: memref<2x10112x96xf32, #tpu.memory_space<hbm>>, %arg6: memref<157x128xi32, #tpu.memory_space<vmem>>, %arg7: memref<157x128xi32, #tpu.memory_space<vmem>>, %arg8: memref<128x96xf32, #tpu.memory_space<vmem>>, %arg9: memref<128x96xf32, #tpu.memory_space<vmem>>, %arg10: memref<10112x96xf32, #tpu.memory_space<vmem_shared>>, %arg11: memref<!tpu.dma_semaphore, #tpu.memory_space<semaphore_mem>>, %arg12: memref<!tpu.dma_semaphore, #tpu.memory_space<semaphore_mem>>) attributes {dimension_semantics = [#tpu.dimension_semantics<core_parallel>, #tpu.dimension_semantics<subcore_parallel>], iteration_bounds = array<i64: 2, 16>, scalar_prefetch = 0 : i64, scratch_operands = 7 : i64, tpu.core_type = #tpu.core_type<sc_vector_subcore>, window_params = [{transform_indices = #map}, {transform_indices = #map1}, {transform_indices = #map2}, {transform_indices = #map2}]} {
    %mul3A = arith.constant 632 : i32
    %mul3A_0 = arith.muli %arg1, %mul3A : i32
    %broadcast_in_dim3A = arith.constant 0.000000e+00 : f32
    %broadcast_in_dim3A_1 = vector.broadcast %broadcast_in_dim3A : f32 to vector<16xf32>
    %scan3A = arith.constant 0 : i32
    %scan3A_2 = arith.constant 0 : i32
    %scan3A_3 = arith.constant 128 : i32
    %scan3A_4 = arith.addi %scan3A_2, %scan3A_3 : i32
    %scan3A_5 = arith.constant 1 : i32
    scf.for %scan3A_35 = %scan3A_2 to %scan3A_4 step %scan3A_5  : i32 {
      %swap3A = arith.index_cast %scan3A_35 : i32 to index
      %swap3A_36 = arith.constant 0 : index
      %swap3A_37 = tpu.vector_load %arg8[%swap3A, %swap3A_36] {strides = array<i32>} : memref<128x96xf32, #tpu.memory_space<vmem>>, vector<1x16xf32>,
      %swap3A_38 = vector.shape_cast %swap3A_37 : vector<1x16xf32> to vector<16xf32>
      %swap3A_39 = vector.shape_cast %broadcast_in_dim3A_1 : vector<16xf32> to vector<1x16xf32>
      tpu.vector_store %arg8[%swap3A, %swap3A_36], %swap3A_39 {strides = array<i32>} : memref<128x96xf32, #tpu.memory_space<vmem>>, vector<1x16xf32>,
      %swap3A_40 = arith.index_cast %scan3A_35 : i32 to index
      %swap3A_41 = arith.constant 16 : index
      %swap3A_42 = tpu.vector_load %arg8[%swap3A_40, %swap3A_41] {strides = array<i32>} : memref<128x96xf32, #tpu.memory_space<vmem>>, vector<1x16xf32>,
      %swap3A_43 = vector.shape_cast %swap3A_42 : vector<1x16xf32> to vector<16xf32>
      %swap3A_44 = vector.shape_cast %broadcast_in_dim3A_1 : vector<16xf32> to vector<1x16xf32>
      tpu.vector_store %arg8[%swap3A_40, %swap3A_41], %swap3A_44 {strides = array<i32>} : memref<128x96xf32, #tpu.memory_space<vmem>>, vector<1x16xf32>,
      %swap3A_45 = arith.index_cast %scan3A_35 : i32 to index
      %swap3A_46 = arith.constant 32 : index
      %swap3A_47 = tpu.vector_load %arg8[%swap3A_45, %swap3A_46] {strides = array<i32>} : memref<128x96xf32, #tpu.memory_space<vmem>>, vector<1x16xf32>,
      %swap3A_48 = vector.shape_cast %swap3A_47 : vector<1x16xf32> to vector<16xf32>
      %swap3A_49 = vector.shape_cast %broadcast_in_dim3A_1 : vector<16xf32> to vector<1x16xf32>
      tpu.vector_store %arg8[%swap3A_45, %swap3A_46], %swap3A_49 {strides = array<i32>} : memref<128x96xf32, #tpu.memory_space<vmem>>, vector<1x16xf32>,
      %swap3A_50 = arith.index_cast %scan3A_35 : i32 to index
      %swap3A_51 = arith.constant 48 : index
      %swap3A_52 = tpu.vector_load %arg8[%swap3A_50, %swap3A_51] {strides = array<i32>} : memref<128x96xf32, #tpu.memory_space<vmem>>, vector<1x16xf32>,
      %swap3A_53 = vector.shape_cast %swap3A_52 : vector<1x16xf32> to vector<16xf32>
      %swap3A_54 = vector.shape_cast %broadcast_in_dim3A_1 : vector<16xf32> to vector<1x16xf32>
      tpu.vector_store %arg8[%swap3A_50, %swap3A_51], %swap3A_54 {strides = array<i32>} : memref<128x96xf32, #tpu.memory_space<vmem>>, vector<1x16xf32>,
      %swap3A_55 = arith.index_cast %scan3A_35 : i32 to index
      %swap3A_56 = arith.constant 64 : index
      %swap3A_57 = tpu.vector_load %arg8[%swap3A_55, %swap3A_56] {strides = array<i32>} : memref<128x96xf32, #tpu.memory_space<vmem>>, vector<1x16xf32>,
      %swap3A_58 = vector.shape_cast %swap3A_57 : vector<1x16xf32> to vector<16xf32>
      %swap3A_59 = vector.shape_cast %broadcast_in_dim3A_1 : vector<16xf32> to vector<1x16xf32>
      tpu.vector_store %arg8[%swap3A_55, %swap3A_56], %swap3A_59 {strides = array<i32>} : memref<128x96xf32, #tpu.memory_space<vmem>>, vector<1x16xf32>,
      %swap3A_60 = arith.index_cast %scan3A_35 : i32 to index
      %swap3A_61 = arith.constant 80 : index
      %swap3A_62 = tpu.vector_load %arg8[%swap3A_60, %swap3A_61] {strides = array<i32>} : memref<128x96xf32, #tpu.memory_space<vmem>>, vector<1x16xf32>,
      %swap3A_63 = vector.shape_cast %swap3A_62 : vector<1x16xf32> to vector<16xf32>
      %swap3A_64 = vector.shape_cast %broadcast_in_dim3A_1 : vector<16xf32> to vector<1x16xf32>
      tpu.vector_store %arg8[%swap3A_60, %swap3A_61], %swap3A_64 {strides = array<i32>} : memref<128x96xf32, #tpu.memory_space<vmem>>, vector<1x16xf32>,
    }
    %scan3A_6 = arith.constant 128 : i32
    %add3A = arith.constant 0 : i32
    %add3A_7 = arith.addi %mul3A_0, %add3A : i32
    "tpu.region"() ({
      %run_scoped3A_35 = tpu.sem_alloc : memref<!tpu.dma_semaphore, #tpu.memory_space<semaphore_mem>>
      %dma_start3A_36 = arith.constant 0 : i32
      %dma_start3A_37 = arith.constant 0 : i32
      %dma_start3A_38 = tpu.memref_slice %arg8[%dma_start3A_36, %dma_start3A_37] : memref<128x96xf32, #tpu.memory_space<vmem>> -> memref<128x96xf32, #tpu.memory_space<vmem>>
      %dma_start3A_39 = arith.constant 0 : i32
      %dma_start3A_40 = tpu.memref_slice %arg10[%add3A_7, %dma_start3A_39] : memref<10112x96xf32, #tpu.memory_space<vmem_shared>> -> memref<128x96xf32, #tpu.memory_space<vmem_shared>>
      %dma_start3A_41 = arith.constant 0 : i32
      %dma_start3A_42 = tpu.memref_slice %arg10[%add3A_7, %dma_start3A_41] : memref<10112x96xf32, #tpu.memory_space<vmem_shared>> -> memref<128x96xf32, #tpu.memory_space<vmem_shared>>
      %dma_start3A_43 = arith.constant 0 : i32
      %dma_start3A_44 = arith.constant 0 : i32
      %dma_start3A_45 = tpu.memref_slice %arg8[%dma_start3A_43, %dma_start3A_44] : memref<128x96xf32, #tpu.memory_space<vmem>> -> memref<128x96xf32, #tpu.memory_space<vmem>>
      tpu.enqueue_dma source(%dma_start3A_45 : memref<128x96xf32, #tpu.memory_space<vmem>>) target(%dma_start3A_42 : memref<128x96xf32, #tpu.memory_space<vmem_shared>>) target_semaphore(%run_scoped3A_35 : memref<!tpu.dma_semaphore, #tpu.memory_space<semaphore_mem>>)
      %dma_wait3A_46 = arith.constant 0 : i32
      %dma_wait3A_47 = arith.constant 0 : i32
      %dma_wait3A_48 = tpu.memref_slice %arg8[%dma_wait3A_46, %dma_wait3A_47] : memref<128x96xf32, #tpu.memory_space<vmem>> -> memref<128x96xf32, #tpu.memory_space<vmem>>
      %dma_wait3A_49 = arith.constant 0 : i32
      %dma_wait3A_50 = tpu.memref_slice %arg10[%add3A_7, %dma_wait3A_49] : memref<10112x96xf32, #tpu.memory_space<vmem_shared>> -> memref<128x96xf32, #tpu.memory_space<vmem_shared>>
      %dma_wait3A_51 = arith.constant 0 : i32
      %dma_wait3A_52 = tpu.memref_slice %arg10[%add3A_7, %dma_wait3A_51] : memref<10112x96xf32, #tpu.memory_space<vmem_shared>> -> memref<128x96xf32, #tpu.memory_space<vmem_shared>>
      %dma_wait3A_53 = arith.constant 0 : i32
      %dma_wait3A_54 = arith.constant 0 : i32
      %dma_wait3A_55 = tpu.memref_slice %arg8[%dma_wait3A_53, %dma_wait3A_54] : memref<128x96xf32, #tpu.memory_space<vmem>> -> memref<128x96xf32, #tpu.memory_space<vmem>>
      tpu.wait_dma2 semaphore(%run_scoped3A_35 : memref<!tpu.dma_semaphore, #tpu.memory_space<semaphore_mem>>) src(%dma_wait3A_55 : memref<128x96xf32, #tpu.memory_space<vmem>>) dst(%dma_wait3A_52 : memref<128x96xf32, #tpu.memory_space<vmem_shared>>)
      tpu.yield
    }) : () -> ()
    %add3A_8 = arith.constant 128 : i32
    %add3A_9 = arith.addi %mul3A_0, %add3A_8 : i32
    "tpu.region"() ({
      %run_scoped3A_35 = tpu.sem_alloc : memref<!tpu.dma_semaphore, #tpu.memory_space<semaphore_mem>>
      %dma_start3A_36 = arith.constant 0 : i32
      %dma_start3A_37 = arith.constant 0 : i32
      %dma_start3A_38 = tpu.memref_slice %arg8[%dma_start3A_36, %dma_start3A_37] : memref<128x96xf32, #tpu.memory_space<vmem>> -> memref<128x96xf32, #tpu.memory_space<vmem>>
      %dma_start3A_39 = arith.constant 0 : i32
      %dma_start3A_40 = tpu.memref_slice %arg10[%add3A_9, %dma_start3A_39] : memref<10112x96xf32, #tpu.memory_space<vmem_shared>> -> memref<128x96xf32, #tpu.memory_space<vmem_shared>>
      %dma_start3A_41 = arith.constant 0 : i32
      %dma_start3A_42 = tpu.memref_slice %arg10[%add3A_9, %dma_start3A_41] : memref<10112x96xf32, #tpu.memory_space<vmem_shared>> -> memref<128x96xf32, #tpu.memory_space<vmem_shared>>
      %dma_start3A_43 = arith.constant 0 : i32
      %dma_start3A_44 = arith.constant 0 : i32
      %dma_start3A_45 = tpu.memref_slice %arg8[%dma_start3A_43, %dma_start3A_44] : memref<128x96xf32, #tpu.memory_space<vmem>> -> memref<128x96xf32, #tpu.memory_space<vmem>>
      tpu.enqueue_dma source(%dma_start3A_45 : memref<128x96xf32, #tpu.memory_space<vmem>>) target(%dma_start3A_42 : memref<128x96xf32, #tpu.memory_space<vmem_shared>>) target_semaphore(%run_scoped3A_35 : memref<!tpu.dma_semaphore, #tpu.memory_space<semaphore_mem>>)
      %dma_wait3A_46 = arith.constant 0 : i32
      %dma_wait3A_47 = arith.constant 0 : i32
      %dma_wait3A_48 = tpu.memref_slice %arg8[%dma_wait3A_46, %dma_wait3A_47] : memref<128x96xf32, #tpu.memory_space<vmem>> -> memref<128x96xf32, #tpu.memory_space<vmem>>
      %dma_wait3A_49 = arith.constant 0 : i32
      %dma_wait3A_50 = tpu.memref_slice %arg10[%add3A_9, %dma_wait3A_49] : memref<10112x96xf32, #tpu.memory_space<vmem_shared>> -> memref<128x96xf32, #tpu.memory_space<vmem_shared>>
      %dma_wait3A_51 = arith.constant 0 : i32
      %dma_wait3A_52 = tpu.memref_slice %arg10[%add3A_9, %dma_wait3A_51] : memref<10112x96xf32, #tpu.memory_space<vmem_shared>> -> memref<128x96xf32, #tpu.memory_space<vmem_shared>>
      %dma_wait3A_53 = arith.constant 0 : i32
      %dma_wait3A_54 = arith.constant 0 : i32
      %dma_wait3A_55 = tpu.memref_slice %arg8[%dma_wait3A_53, %dma_wait3A_54] : memref<128x96xf32, #tpu.memory_space<vmem>> -> memref<128x96xf32, #tpu.memory_space<vmem>>
      tpu.wait_dma2 semaphore(%run_scoped3A_35 : memref<!tpu.dma_semaphore, #tpu.memory_space<semaphore_mem>>) src(%dma_wait3A_55 : memref<128x96xf32, #tpu.memory_space<vmem>>) dst(%dma_wait3A_52 : memref<128x96xf32, #tpu.memory_space<vmem_shared>>)
      tpu.yield
    }) : () -> ()
    %add3A_10 = arith.constant 256 : i32
    %add3A_11 = arith.addi %mul3A_0, %add3A_10 : i32
    "tpu.region"() ({
      %run_scoped3A_35 = tpu.sem_alloc : memref<!tpu.dma_semaphore, #tpu.memory_space<semaphore_mem>>
      %dma_start3A_36 = arith.constant 0 : i32
      %dma_start3A_37 = arith.constant 0 : i32
      %dma_start3A_38 = tpu.memref_slice %arg8[%dma_start3A_36, %dma_start3A_37] : memref<128x96xf32, #tpu.memory_space<vmem>> -> memref<128x96xf32, #tpu.memory_space<vmem>>
      %dma_start3A_39 = arith.constant 0 : i32
      %dma_start3A_40 = tpu.memref_slice %arg10[%add3A_11, %dma_start3A_39] : memref<10112x96xf32, #tpu.memory_space<vmem_shared>> -> memref<128x96xf32, #tpu.memory_space<vmem_shared>>
      %dma_start3A_41 = arith.constant 0 : i32
      %dma_start3A_42 = tpu.memref_slice %arg10[%add3A_11, %dma_start3A_41] : memref<10112x96xf32, #tpu.memory_space<vmem_shared>> -> memref<128x96xf32, #tpu.memory_space<vmem_shared>>
      %dma_start3A_43 = arith.constant 0 : i32
      %dma_start3A_44 = arith.constant 0 : i32
      %dma_start3A_45 = tpu.memref_slice %arg8[%dma_start3A_43, %dma_start3A_44] : memref<128x96xf32, #tpu.memory_space<vmem>> -> memref<128x96xf32, #tpu.memory_space<vmem>>
      tpu.enqueue_dma source(%dma_start3A_45 : memref<128x96xf32, #tpu.memory_space<vmem>>) target(%dma_start3A_42 : memref<128x96xf32, #tpu.memory_space<vmem_shared>>) target_semaphore(%run_scoped3A_35 : memref<!tpu.dma_semaphore, #tpu.memory_space<semaphore_mem>>)
      %dma_wait3A_46 = arith.constant 0 : i32
      %dma_wait3A_47 = arith.constant 0 : i32
      %dma_wait3A_48 = tpu.memref_slice %arg8[%dma_wait3A_46, %dma_wait3A_47] : memref<128x96xf32, #tpu.memory_space<vmem>> -> memref<128x96xf32, #tpu.memory_space<vmem>>
      %dma_wait3A_49 = arith.constant 0 : i32
      %dma_wait3A_50 = tpu.memref_slice %arg10[%add3A_11, %dma_wait3A_49] : memref<10112x96xf32, #tpu.memory_space<vmem_shared>> -> memref<128x96xf32, #tpu.memory_space<vmem_shared>>
      %dma_wait3A_51 = arith.constant 0 : i32
      %dma_wait3A_52 = tpu.memref_slice %arg10[%add3A_11, %dma_wait3A_51] : memref<10112x96xf32, #tpu.memory_space<vmem_shared>> -> memref<128x96xf32, #tpu.memory_space<vmem_shared>>
      %dma_wait3A_53 = arith.constant 0 : i32
      %dma_wait3A_54 = arith.constant 0 : i32
      %dma_wait3A_55 = tpu.memref_slice %arg8[%dma_wait3A_53, %dma_wait3A_54] : memref<128x96xf32, #tpu.memory_space<vmem>> -> memref<128x96xf32, #tpu.memory_space<vmem>>
      tpu.wait_dma2 semaphore(%run_scoped3A_35 : memref<!tpu.dma_semaphore, #tpu.memory_space<semaphore_mem>>) src(%dma_wait3A_55 : memref<128x96xf32, #tpu.memory_space<vmem>>) dst(%dma_wait3A_52 : memref<128x96xf32, #tpu.memory_space<vmem_shared>>)
      tpu.yield
    }) : () -> ()
    %add3A_12 = arith.constant 384 : i32
    %add3A_13 = arith.addi %mul3A_0, %add3A_12 : i32
    "tpu.region"() ({
      %run_scoped3A_35 = tpu.sem_alloc : memref<!tpu.dma_semaphore, #tpu.memory_space<semaphore_mem>>
      %dma_start3A_36 = arith.constant 0 : i32
      %dma_start3A_37 = arith.constant 0 : i32
      %dma_start3A_38 = tpu.memref_slice %arg8[%dma_start3A_36, %dma_start3A_37] : memref<128x96xf32, #tpu.memory_space<vmem>> -> memref<128x96xf32, #tpu.memory_space<vmem>>
      %dma_start3A_39 = arith.constant 0 : i32
      %dma_start3A_40 = tpu.memref_slice %arg10[%add3A_13, %dma_start3A_39] : memref<10112x96xf32, #tpu.memory_space<vmem_shared>> -> memref<128x96xf32, #tpu.memory_space<vmem_shared>>
      %dma_start3A_41 = arith.constant 0 : i32
      %dma_start3A_42 = tpu.memref_slice %arg10[%add3A_13, %dma_start3A_41] : memref<10112x96xf32, #tpu.memory_space<vmem_shared>> -> memref<128x96xf32, #tpu.memory_space<vmem_shared>>
      %dma_start3A_43 = arith.constant 0 : i32
      %dma_start3A_44 = arith.constant 0 : i32
      %dma_start3A_45 = tpu.memref_slice %arg8[%dma_start3A_43, %dma_start3A_44] : memref<128x96xf32, #tpu.memory_space<vmem>> -> memref<128x96xf32, #tpu.memory_space<vmem>>
      tpu.enqueue_dma source(%dma_start3A_45 : memref<128x96xf32, #tpu.memory_space<vmem>>) target(%dma_start3A_42 : memref<128x96xf32, #tpu.memory_space<vmem_shared>>) target_semaphore(%run_scoped3A_35 : memref<!tpu.dma_semaphore, #tpu.memory_space<semaphore_mem>>)
      %dma_wait3A_46 = arith.constant 0 : i32
      %dma_wait3A_47 = arith.constant 0 : i32
      %dma_wait3A_48 = tpu.memref_slice %arg8[%dma_wait3A_46, %dma_wait3A_47] : memref<128x96xf32, #tpu.memory_space<vmem>> -> memref<128x96xf32, #tpu.memory_space<vmem>>
      %dma_wait3A_49 = arith.constant 0 : i32
      %dma_wait3A_50 = tpu.memref_slice %arg10[%add3A_13, %dma_wait3A_49] : memref<10112x96xf32, #tpu.memory_space<vmem_shared>> -> memref<128x96xf32, #tpu.memory_space<vmem_shared>>
      %dma_wait3A_51 = arith.constant 0 : i32
      %dma_wait3A_52 = tpu.memref_slice %arg10[%add3A_13, %dma_wait3A_51] : memref<10112x96xf32, #tpu.memory_space<vmem_shared>> -> memref<128x96xf32, #tpu.memory_space<vmem_shared>>
      %dma_wait3A_53 = arith.constant 0 : i32
      %dma_wait3A_54 = arith.constant 0 : i32
      %dma_wait3A_55 = tpu.memref_slice %arg8[%dma_wait3A_53, %dma_wait3A_54] : memref<128x96xf32, #tpu.memory_space<vmem>> -> memref<128x96xf32, #tpu.memory_space<vmem>>
      tpu.wait_dma2 semaphore(%run_scoped3A_35 : memref<!tpu.dma_semaphore, #tpu.memory_space<semaphore_mem>>) src(%dma_wait3A_55 : memref<128x96xf32, #tpu.memory_space<vmem>>) dst(%dma_wait3A_52 : memref<128x96xf32, #tpu.memory_space<vmem_shared>>)
      tpu.yield
    }) : () -> ()
    %add3A_14 = arith.constant 512 : i32
    %add3A_15 = arith.addi %mul3A_0, %add3A_14 : i32
    "tpu.region"() ({
      %run_scoped3A_35 = tpu.sem_alloc : memref<!tpu.dma_semaphore, #tpu.memory_space<semaphore_mem>>
      %dma_start3A_36 = arith.constant 0 : i32
      %dma_start3A_37 = arith.constant 0 : i32
      %dma_start3A_38 = tpu.memref_slice %arg8[%dma_start3A_36, %dma_start3A_37] : memref<128x96xf32, #tpu.memory_space<vmem>> -> memref<120x96xf32, #tpu.memory_space<vmem>>
      %dma_start3A_39 = arith.constant 0 : i32
      %dma_start3A_40 = tpu.memref_slice %arg10[%add3A_15, %dma_start3A_39] : memref<10112x96xf32, #tpu.memory_space<vmem_shared>> -> memref<120x96xf32, #tpu.memory_space<vmem_shared>>
      %dma_start3A_41 = arith.constant 0 : i32
      %dma_start3A_42 = tpu.memref_slice %arg10[%add3A_15, %dma_start3A_41] : memref<10112x96xf32, #tpu.memory_space<vmem_shared>> -> memref<120x96xf32, #tpu.memory_space<vmem_shared>>
      %dma_start3A_43 = arith.constant 0 : i32
      %dma_start3A_44 = arith.constant 0 : i32
      %dma_start3A_45 = tpu.memref_slice %arg8[%dma_start3A_43, %dma_start3A_44] : memref<128x96xf32, #tpu.memory_space<vmem>> -> memref<120x96xf32, #tpu.memory_space<vmem>>
      tpu.enqueue_dma source(%dma_start3A_45 : memref<120x96xf32, #tpu.memory_space<vmem>>) target(%dma_start3A_42 : memref<120x96xf32, #tpu.memory_space<vmem_shared>>) target_semaphore(%run_scoped3A_35 : memref<!tpu.dma_semaphore, #tpu.memory_space<semaphore_mem>>)
      %dma_wait3A_46 = arith.constant 0 : i32
      %dma_wait3A_47 = arith.constant 0 : i32
      %dma_wait3A_48 = tpu.memref_slice %arg8[%dma_wait3A_46, %dma_wait3A_47] : memref<128x96xf32, #tpu.memory_space<vmem>> -> memref<120x96xf32, #tpu.memory_space<vmem>>
      %dma_wait3A_49 = arith.constant 0 : i32
      %dma_wait3A_50 = tpu.memref_slice %arg10[%add3A_15, %dma_wait3A_49] : memref<10112x96xf32, #tpu.memory_space<vmem_shared>> -> memref<120x96xf32, #tpu.memory_space<vmem_shared>>
      %dma_wait3A_51 = arith.constant 0 : i32
      %dma_wait3A_52 = tpu.memref_slice %arg10[%add3A_15, %dma_wait3A_51] : memref<10112x96xf32, #tpu.memory_space<vmem_shared>> -> memref<120x96xf32, #tpu.memory_space<vmem_shared>>
      %dma_wait3A_53 = arith.constant 0 : i32
      %dma_wait3A_54 = arith.constant 0 : i32
      %dma_wait3A_55 = tpu.memref_slice %arg8[%dma_wait3A_53, %dma_wait3A_54] : memref<128x96xf32, #tpu.memory_space<vmem>> -> memref<120x96xf32, #tpu.memory_space<vmem>>
      tpu.wait_dma2 semaphore(%run_scoped3A_35 : memref<!tpu.dma_semaphore, #tpu.memory_space<semaphore_mem>>) src(%dma_wait3A_55 : memref<120x96xf32, #tpu.memory_space<vmem>>) dst(%dma_wait3A_52 : memref<120x96xf32, #tpu.memory_space<vmem_shared>>)
      tpu.yield
    }) : () -> ()
    %barrier3A = arith.constant 0 : index
    tpu.barrier barrier_id(%barrier3A)
    "tpu.region"() ({
      %run_scoped3A_35 = tpu.sem_alloc : memref<!tpu.dma_semaphore, #tpu.memory_space<semaphore_mem>>
      %dma_start3A_36 = arith.constant 0 : i32
      %dma_start3A_37 = arith.constant 0 : i32
      %dma_start3A_38 = tpu.memref_slice %arg3[%arg0, %arg1, %dma_start3A_36, %dma_start3A_37] : memref<2x16x157x128xi32, #tpu.memory_space<hbm>> -> memref<1x1x157x128xi32, #tpu.memory_space<hbm>>
      %dma_start3A_39 = tpu.memref_squeeze %dma_start3A_38 : memref<1x1x157x128xi32, #tpu.memory_space<hbm>> -> memref<157x128xi32, #tpu.memory_space<hbm>>
      %dma_start3A_40 = arith.constant 0 : i32
      %dma_start3A_41 = arith.constant 0 : i32
      %dma_start3A_42 = tpu.memref_slice %arg3[%arg0, %arg1, %dma_start3A_40, %dma_start3A_41] : memref<2x16x157x128xi32, #tpu.memory_space<hbm>> -> memref<1x1x157x128xi32, #tpu.memory_space<hbm>>
      %dma_start3A_43 = tpu.memref_squeeze %dma_start3A_42 : memref<1x1x157x128xi32, #tpu.memory_space<hbm>> -> memref<157x128xi32, #tpu.memory_space<hbm>>
      tpu.enqueue_dma source(%dma_start3A_43 : memref<157x128xi32, #tpu.memory_space<hbm>>) target(%arg6 : memref<157x128xi32, #tpu.memory_space<vmem>>) target_semaphore(%run_scoped3A_35 : memref<!tpu.dma_semaphore, #tpu.memory_space<semaphore_mem>>)
      %dma_wait3A_44 = arith.constant 0 : i32
      %dma_wait3A_45 = arith.constant 0 : i32
      %dma_wait3A_46 = tpu.memref_slice %arg3[%arg0, %arg1, %dma_wait3A_44, %dma_wait3A_45] : memref<2x16x157x128xi32, #tpu.memory_space<hbm>> -> memref<1x1x157x128xi32, #tpu.memory_space<hbm>>
      %dma_wait3A_47 = tpu.memref_squeeze %dma_wait3A_46 : memref<1x1x157x128xi32, #tpu.memory_space<hbm>> -> memref<157x128xi32, #tpu.memory_space<hbm>>
      %dma_wait3A_48 = arith.constant 0 : i32
      %dma_wait3A_49 = arith.constant 0 : i32
      %dma_wait3A_50 = tpu.memref_slice %arg3[%arg0, %arg1, %dma_wait3A_48, %dma_wait3A_49] : memref<2x16x157x128xi32, #tpu.memory_space<hbm>> -> memref<1x1x157x128xi32, #tpu.memory_space<hbm>>
      %dma_wait3A_51 = tpu.memref_squeeze %dma_wait3A_50 : memref<1x1x157x128xi32, #tpu.memory_space<hbm>> -> memref<157x128xi32, #tpu.memory_space<hbm>>
      tpu.wait_dma2 semaphore(%run_scoped3A_35 : memref<!tpu.dma_semaphore, #tpu.memory_space<semaphore_mem>>) src(%dma_wait3A_51 : memref<157x128xi32, #tpu.memory_space<hbm>>) dst(%arg6 : memref<157x128xi32, #tpu.memory_space<vmem>>)
      tpu.yield
    }) : () -> ()
    "tpu.region"() ({
      %run_scoped3A_35 = tpu.sem_alloc : memref<!tpu.dma_semaphore, #tpu.memory_space<semaphore_mem>>
      %dma_start3A_36 = arith.constant 0 : i32
      %dma_start3A_37 = arith.constant 0 : i32
      %dma_start3A_38 = tpu.memref_slice %arg4[%arg1, %dma_start3A_36, %dma_start3A_37] : memref<16x157x128xi32, #tpu.memory_space<hbm>> -> memref<1x157x128xi32, #tpu.memory_space<hbm>>
      %dma_start3A_39 = tpu.memref_squeeze %dma_start3A_38 : memref<1x157x128xi32, #tpu.memory_space<hbm>> -> memref<157x128xi32, #tpu.memory_space<hbm>>
      %dma_start3A_40 = arith.constant 0 : i32
      %dma_start3A_41 = arith.constant 0 : i32
      %dma_start3A_42 = tpu.memref_slice %arg4[%arg1, %dma_start3A_40, %dma_start3A_41] : memref<16x157x128xi32, #tpu.memory_space<hbm>> -> memref<1x157x128xi32, #tpu.memory_space<hbm>>
      %dma_start3A_43 = tpu.memref_squeeze %dma_start3A_42 : memref<1x157x128xi32, #tpu.memory_space<hbm>> -> memref<157x128xi32, #tpu.memory_space<hbm>>
      tpu.enqueue_dma source(%dma_start3A_43 : memref<157x128xi32, #tpu.memory_space<hbm>>) target(%arg7 : memref<157x128xi32, #tpu.memory_space<vmem>>) target_semaphore(%run_scoped3A_35 : memref<!tpu.dma_semaphore, #tpu.memory_space<semaphore_mem>>)
      %dma_wait3A_44 = arith.constant 0 : i32
      %dma_wait3A_45 = arith.constant 0 : i32
      %dma_wait3A_46 = tpu.memref_slice %arg4[%arg1, %dma_wait3A_44, %dma_wait3A_45] : memref<16x157x128xi32, #tpu.memory_space<hbm>> -> memref<1x157x128xi32, #tpu.memory_space<hbm>>
      %dma_wait3A_47 = tpu.memref_squeeze %dma_wait3A_46 : memref<1x157x128xi32, #tpu.memory_space<hbm>> -> memref<157x128xi32, #tpu.memory_space<hbm>>
      %dma_wait3A_48 = arith.constant 0 : i32
      %dma_wait3A_49 = arith.constant 0 : i32
      %dma_wait3A_50 = tpu.memref_slice %arg4[%arg1, %dma_wait3A_48, %dma_wait3A_49] : memref<16x157x128xi32, #tpu.memory_space<hbm>> -> memref<1x157x128xi32, #tpu.memory_space<hbm>>
      %dma_wait3A_51 = tpu.memref_squeeze %dma_wait3A_50 : memref<1x157x128xi32, #tpu.memory_space<hbm>> -> memref<157x128xi32, #tpu.memory_space<hbm>>
      tpu.wait_dma2 semaphore(%run_scoped3A_35 : memref<!tpu.dma_semaphore, #tpu.memory_space<semaphore_mem>>) src(%dma_wait3A_51 : memref<157x128xi32, #tpu.memory_space<hbm>>) dst(%arg7 : memref<157x128xi32, #tpu.memory_space<vmem>>)
      tpu.yield
    }) : () -> ()
    %dma_start3A = arith.constant 0 : i32
    %dma_start3A_16 = arith.constant 0 : i32
    %dma_start3A_17 = tpu.memref_slice %arg6[%dma_start3A, %dma_start3A_16] : memref<157x128xi32, #tpu.memory_space<vmem>> -> memref<1x128xi32, #tpu.memory_space<vmem>>
    %dma_start3A_18 = tpu.memref_squeeze %dma_start3A_17 : memref<1x128xi32, #tpu.memory_space<vmem>> -> memref<128xi32, #tpu.memory_space<vmem>>
    %dma_start3A_19 = arith.constant 0 : i32
    %dma_start3A_20 = arith.constant 0 : i32
    %dma_start3A_21 = tpu.memref_slice %arg2[%dma_start3A_19, %dma_start3A_20] : memref<20000x96xf32, #tpu.memory_space<hbm>> -> memref<20000x96xf32, #tpu.memory_space<hbm>>
    tpu.enqueue_indirect_dma source(%dma_start3A_21 : memref<20000x96xf32, #tpu.memory_space<hbm>>) target(%arg8 : memref<128x96xf32, #tpu.memory_space<vmem>>) offsets(%dma_start3A_18 : memref<128xi32, #tpu.memory_space<vmem>>) semaphore(%arg11 : memref<!tpu.dma_semaphore, #tpu.memory_space<semaphore_mem>>)
    %scan3A_22 = arith.constant 0 : i32
    %scan3A_23 = arith.constant 0 : i32
    %scan3A_24 = arith.constant 78 : i32
    %scan3A_25 = arith.addi %scan3A_23, %scan3A_24 : i32
    %scan3A_26 = arith.constant 1 : i32
    scf.for %scan3A_35 = %scan3A_23 to %scan3A_25 step %scan3A_26  : i32 {
      %mul3A_36 = arith.constant 2 : i32
      %mul3A_37 = arith.muli %mul3A_36, %scan3A_35 : i32
      %add3A_38 = arith.constant 1 : i32
      %add3A_39 = arith.addi %mul3A_37, %add3A_38 : i32
      %dma_start3A_40 = arith.constant 0 : i32
      %dma_start3A_41 = tpu.memref_slice %arg6[%add3A_39, %dma_start3A_40] : memref<157x128xi32, #tpu.memory_space<vmem>> -> memref<1x128xi32, #tpu.memory_space<vmem>>
      %dma_start3A_42 = tpu.memref_squeeze %dma_start3A_41 : memref<1x128xi32, #tpu.memory_space<vmem>> -> memref<128xi32, #tpu.memory_space<vmem>>
      %dma_start3A_43 = arith.constant 0 : i32
      %dma_start3A_44 = arith.constant 0 : i32
      %dma_start3A_45 = tpu.memref_slice %arg2[%dma_start3A_43, %dma_start3A_44] : memref<20000x96xf32, #tpu.memory_space<hbm>> -> memref<20000x96xf32, #tpu.memory_space<hbm>>
      tpu.enqueue_indirect_dma source(%dma_start3A_45 : memref<20000x96xf32, #tpu.memory_space<hbm>>) target(%arg9 : memref<128x96xf32, #tpu.memory_space<vmem>>) offsets(%dma_start3A_42 : memref<128xi32, #tpu.memory_space<vmem>>) semaphore(%arg12 : memref<!tpu.dma_semaphore, #tpu.memory_space<semaphore_mem>>)
      %dma_wait3A_46 = arith.constant 0 : i32
      %dma_wait3A_47 = tpu.memref_slice %arg6[%mul3A_37, %dma_wait3A_46] : memref<157x128xi32, #tpu.memory_space<vmem>> -> memref<1x128xi32, #tpu.memory_space<vmem>>
      %dma_wait3A_48 = tpu.memref_squeeze %dma_wait3A_47 : memref<1x128xi32, #tpu.memory_space<vmem>> -> memref<128xi32, #tpu.memory_space<vmem>>
      %dma_wait3A_49 = arith.constant 0 : i32
      %dma_wait3A_50 = arith.constant 0 : i32
      %dma_wait3A_51 = tpu.memref_slice %arg2[%dma_wait3A_49, %dma_wait3A_50] : memref<20000x96xf32, #tpu.memory_space<hbm>> -> memref<20000x96xf32, #tpu.memory_space<hbm>>
      tpu.wait_indirect_dma semaphore(%arg11 : memref<!tpu.dma_semaphore, #tpu.memory_space<semaphore_mem>>) src(%dma_wait3A_51 : memref<20000x96xf32, #tpu.memory_space<hbm>>) dst(%arg8 : memref<128x96xf32, #tpu.memory_space<vmem>>)
      "tpu.region"() ({
        %run_scoped3A_70 = tpu.sem_alloc : memref<!tpu.dma_semaphore, #tpu.memory_space<semaphore_mem>>
        %dma_start3A_71 = arith.constant 0 : i32
        %dma_start3A_72 = tpu.memref_slice %arg7[%mul3A_37, %dma_start3A_71] : memref<157x128xi32, #tpu.memory_space<vmem>> -> memref<1x128xi32, #tpu.memory_space<vmem>>
        %dma_start3A_73 = tpu.memref_squeeze %dma_start3A_72 : memref<1x128xi32, #tpu.memory_space<vmem>> -> memref<128xi32, #tpu.memory_space<vmem>>
        %dma_start3A_74 = arith.constant 0 : i32
        %dma_start3A_75 = arith.constant 0 : i32
        %dma_start3A_76 = tpu.memref_slice %arg10[%dma_start3A_74, %dma_start3A_75] : memref<10112x96xf32, #tpu.memory_space<vmem_shared>> -> memref<10112x96xf32, #tpu.memory_space<vmem_shared>>
        tpu.enqueue_indirect_dma source(%arg8 : memref<128x96xf32, #tpu.memory_space<vmem>>) target(%dma_start3A_76 : memref<10112x96xf32, #tpu.memory_space<vmem_shared>>) offsets(%dma_start3A_73 : memref<128xi32, #tpu.memory_space<vmem>>) semaphore(%run_scoped3A_70 : memref<!tpu.dma_semaphore, #tpu.memory_space<semaphore_mem>>) {add = true}
        %dma_wait3A_77 = arith.constant 0 : i32
        %dma_wait3A_78 = tpu.memref_slice %arg7[%mul3A_37, %dma_wait3A_77] : memref<157x128xi32, #tpu.memory_space<vmem>> -> memref<1x128xi32, #tpu.memory_space<vmem>>
        %dma_wait3A_79 = tpu.memref_squeeze %dma_wait3A_78 : memref<1x128xi32, #tpu.memory_space<vmem>> -> memref<128xi32, #tpu.memory_space<vmem>>
        %dma_wait3A_80 = arith.constant 0 : i32
        %dma_wait3A_81 = arith.constant 0 : i32
        %dma_wait3A_82 = tpu.memref_slice %arg10[%dma_wait3A_80, %dma_wait3A_81] : memref<10112x96xf32, #tpu.memory_space<vmem_shared>> -> memref<10112x96xf32, #tpu.memory_space<vmem_shared>>
        tpu.wait_indirect_dma semaphore(%run_scoped3A_70 : memref<!tpu.dma_semaphore, #tpu.memory_space<semaphore_mem>>) src(%arg8 : memref<128x96xf32, #tpu.memory_space<vmem>>) dst(%dma_wait3A_82 : memref<10112x96xf32, #tpu.memory_space<vmem_shared>>)
        tpu.yield
      }) : () -> ()
      %add3A_52 = arith.constant 2 : i32
      %add3A_53 = arith.addi %mul3A_37, %add3A_52 : i32
      %dma_start3A_54 = arith.constant 0 : i32
      %dma_start3A_55 = tpu.memref_slice %arg6[%add3A_53, %dma_start3A_54] : memref<157x128xi32, #tpu.memory_space<vmem>> -> memref<1x128xi32, #tpu.memory_space<vmem>>
      %dma_start3A_56 = tpu.memref_squeeze %dma_start3A_55 : memref<1x128xi32, #tpu.memory_space<vmem>> -> memref<128xi32, #tpu.memory_space<vmem>>
      %dma_start3A_57 = arith.constant 0 : i32
      %dma_start3A_58 = arith.constant 0 : i32
      %dma_start3A_59 = tpu.memref_slice %arg2[%dma_start3A_57, %dma_start3A_58] : memref<20000x96xf32, #tpu.memory_space<hbm>> -> memref<20000x96xf32, #tpu.memory_space<hbm>>
      tpu.enqueue_indirect_dma source(%dma_start3A_59 : memref<20000x96xf32, #tpu.memory_space<hbm>>) target(%arg8 : memref<128x96xf32, #tpu.memory_space<vmem>>) offsets(%dma_start3A_56 : memref<128xi32, #tpu.memory_space<vmem>>) semaphore(%arg11 : memref<!tpu.dma_semaphore, #tpu.memory_space<semaphore_mem>>)
      %add3A_60 = arith.constant 1 : i32
      %add3A_61 = arith.addi %mul3A_37, %add3A_60 : i32
      %dma_wait3A_62 = arith.constant 0 : i32
      %dma_wait3A_63 = tpu.memref_slice %arg6[%add3A_61, %dma_wait3A_62] : memref<157x128xi32, #tpu.memory_space<vmem>> -> memref<1x128xi32, #tpu.memory_space<vmem>>
      %dma_wait3A_64 = tpu.memref_squeeze %dma_wait3A_63 : memref<1x128xi32, #tpu.memory_space<vmem>> -> memref<128xi32, #tpu.memory_space<vmem>>
      %dma_wait3A_65 = arith.constant 0 : i32
      %dma_wait3A_66 = arith.constant 0 : i32
      %dma_wait3A_67 = tpu.memref_slice %arg2[%dma_wait3A_65, %dma_wait3A_66] : memref<20000x96xf32, #tpu.memory_space<hbm>> -> memref<20000x96xf32, #tpu.memory_space<hbm>>
      tpu.wait_indirect_dma semaphore(%arg12 : memref<!tpu.dma_semaphore, #tpu.memory_space<semaphore_mem>>) src(%dma_wait3A_67 : memref<20000x96xf32, #tpu.memory_space<hbm>>) dst(%arg9 : memref<128x96xf32, #tpu.memory_space<vmem>>)
      %add3A_68 = arith.constant 1 : i32
      %add3A_69 = arith.addi %mul3A_37, %add3A_68 : i32
      "tpu.region"() ({
        %run_scoped3A_70 = tpu.sem_alloc : memref<!tpu.dma_semaphore, #tpu.memory_space<semaphore_mem>>
        %dma_start3A_71 = arith.constant 0 : i32
        %dma_start3A_72 = tpu.memref_slice %arg7[%add3A_69, %dma_start3A_71] : memref<157x128xi32, #tpu.memory_space<vmem>> -> memref<1x128xi32, #tpu.memory_space<vmem>>
        %dma_start3A_73 = tpu.memref_squeeze %dma_start3A_72 : memref<1x128xi32, #tpu.memory_space<vmem>> -> memref<128xi32, #tpu.memory_space<vmem>>
        %dma_start3A_74 = arith.constant 0 : i32
        %dma_start3A_75 = arith.constant 0 : i32
        %dma_start3A_76 = tpu.memref_slice %arg10[%dma_start3A_74, %dma_start3A_75] : memref<10112x96xf32, #tpu.memory_space<vmem_shared>> -> memref<10112x96xf32, #tpu.memory_space<vmem_shared>>
        tpu.enqueue_indirect_dma source(%arg9 : memref<128x96xf32, #tpu.memory_space<vmem>>) target(%dma_start3A_76 : memref<10112x96xf32, #tpu.memory_space<vmem_shared>>) offsets(%dma_start3A_73 : memref<128xi32, #tpu.memory_space<vmem>>) semaphore(%run_scoped3A_70 : memref<!tpu.dma_semaphore, #tpu.memory_space<semaphore_mem>>) {add = true}
        %dma_wait3A_77 = arith.constant 0 : i32
        %dma_wait3A_78 = tpu.memref_slice %arg7[%add3A_69, %dma_wait3A_77] : memref<157x128xi32, #tpu.memory_space<vmem>> -> memref<1x128xi32, #tpu.memory_space<vmem>>
        %dma_wait3A_79 = tpu.memref_squeeze %dma_wait3A_78 : memref<1x128xi32, #tpu.memory_space<vmem>> -> memref<128xi32, #tpu.memory_space<vmem>>
        %dma_wait3A_80 = arith.constant 0 : i32
        %dma_wait3A_81 = arith.constant 0 : i32
        %dma_wait3A_82 = tpu.memref_slice %arg10[%dma_wait3A_80, %dma_wait3A_81] : memref<10112x96xf32, #tpu.memory_space<vmem_shared>> -> memref<10112x96xf32, #tpu.memory_space<vmem_shared>>
        tpu.wait_indirect_dma semaphore(%run_scoped3A_70 : memref<!tpu.dma_semaphore, #tpu.memory_space<semaphore_mem>>) src(%arg9 : memref<128x96xf32, #tpu.memory_space<vmem>>) dst(%dma_wait3A_82 : memref<10112x96xf32, #tpu.memory_space<vmem_shared>>)
        tpu.yield
      }) : () -> ()
    }
    %scan3A_27 = arith.constant 78 : i32
    %dma_wait3A = arith.constant 156 : i32
    %dma_wait3A_28 = arith.constant 0 : i32
    %dma_wait3A_29 = tpu.memref_slice %arg6[%dma_wait3A, %dma_wait3A_28] : memref<157x128xi32, #tpu.memory_space<vmem>> -> memref<1x128xi32, #tpu.memory_space<vmem>>
    %dma_wait3A_30 = tpu.memref_squeeze %dma_wait3A_29 : memref<1x128xi32, #tpu.memory_space<vmem>> -> memref<128xi32, #tpu.memory_space<vmem>>
    %dma_wait3A_31 = arith.constant 0 : i32
    %dma_wait3A_32 = arith.constant 0 : i32
    %dma_wait3A_33 = tpu.memref_slice %arg2[%dma_wait3A_31, %dma_wait3A_32] : memref<20000x96xf32, #tpu.memory_space<hbm>> -> memref<20000x96xf32, #tpu.memory_space<hbm>>
    tpu.wait_indirect_dma semaphore(%arg11 : memref<!tpu.dma_semaphore, #tpu.memory_space<semaphore_mem>>) src(%dma_wait3A_33 : memref<20000x96xf32, #tpu.memory_space<hbm>>) dst(%arg8 : memref<128x96xf32, #tpu.memory_space<vmem>>)
    %run_scoped3A = arith.constant 156 : i32
    "tpu.region"() ({
      %run_scoped3A_35 = tpu.sem_alloc : memref<!tpu.dma_semaphore, #tpu.memory_space<semaphore_mem>>
      %dma_start3A_36 = arith.constant 0 : i32
      %dma_start3A_37 = tpu.memref_slice %arg7[%run_scoped3A, %dma_start3A_36] : memref<157x128xi32, #tpu.memory_space<vmem>> -> memref<1x128xi32, #tpu.memory_space<vmem>>
      %dma_start3A_38 = tpu.memref_squeeze %dma_start3A_37 : memref<1x128xi32, #tpu.memory_space<vmem>> -> memref<128xi32, #tpu.memory_space<vmem>>
      %dma_start3A_39 = arith.constant 0 : i32
      %dma_start3A_40 = arith.constant 0 : i32
      %dma_start3A_41 = tpu.memref_slice %arg10[%dma_start3A_39, %dma_start3A_40] : memref<10112x96xf32, #tpu.memory_space<vmem_shared>> -> memref<10112x96xf32, #tpu.memory_space<vmem_shared>>
      tpu.enqueue_indirect_dma source(%arg8 : memref<128x96xf32, #tpu.memory_space<vmem>>) target(%dma_start3A_41 : memref<10112x96xf32, #tpu.memory_space<vmem_shared>>) offsets(%dma_start3A_38 : memref<128xi32, #tpu.memory_space<vmem>>) semaphore(%run_scoped3A_35 : memref<!tpu.dma_semaphore, #tpu.memory_space<semaphore_mem>>) {add = true}
      %dma_wait3A_42 = arith.constant 0 : i32
      %dma_wait3A_43 = tpu.memref_slice %arg7[%run_scoped3A, %dma_wait3A_42] : memref<157x128xi32, #tpu.memory_space<vmem>> -> memref<1x128xi32, #tpu.memory_space<vmem>>
      %dma_wait3A_44 = tpu.memref_squeeze %dma_wait3A_43 : memref<1x128xi32, #tpu.memory_space<vmem>> -> memref<128xi32, #tpu.memory_space<vmem>>
      %dma_wait3A_45 = arith.constant 0 : i32
      %dma_wait3A_46 = arith.constant 0 : i32
      %dma_wait3A_47 = tpu.memref_slice %arg10[%dma_wait3A_45, %dma_wait3A_46] : memref<10112x96xf32, #tpu.memory_space<vmem_shared>> -> memref<10112x96xf32, #tpu.memory_space<vmem_shared>>
      tpu.wait_indirect_dma semaphore(%run_scoped3A_35 : memref<!tpu.dma_semaphore, #tpu.memory_space<semaphore_mem>>) src(%arg8 : memref<128x96xf32, #tpu.memory_space<vmem>>) dst(%dma_wait3A_47 : memref<10112x96xf32, #tpu.memory_space<vmem_shared>>)
      tpu.yield
    }) : () -> ()
    %barrier3A_34 = arith.constant 0 : index
    tpu.barrier barrier_id(%barrier3A_34)
    "tpu.region"() ({
      %run_scoped3A_35 = tpu.sem_alloc : memref<!tpu.dma_semaphore, #tpu.memory_space<semaphore_mem>>
      %dma_start3A_36 = arith.constant 0 : i32
      %dma_start3A_37 = tpu.memref_slice %arg5[%arg0, %mul3A_0, %dma_start3A_36] : memref<2x10112x96xf32, #tpu.memory_space<hbm>> -> memref<1x632x96xf32, #tpu.memory_space<hbm>>
      %dma_start3A_38 = tpu.memref_squeeze %dma_start3A_37 : memref<1x632x96xf32, #tpu.memory_space<hbm>> -> memref<632x96xf32, #tpu.memory_space<hbm>>
      %dma_start3A_39 = arith.constant 0 : i32
      %dma_start3A_40 = tpu.memref_slice %arg10[%mul3A_0, %dma_start3A_39] : memref<10112x96xf32, #tpu.memory_space<vmem_shared>> -> memref<632x96xf32, #tpu.memory_space<vmem_shared>>
      tpu.enqueue_dma source(%dma_start3A_40 : memref<632x96xf32, #tpu.memory_space<vmem_shared>>) target(%dma_start3A_38 : memref<632x96xf32, #tpu.memory_space<hbm>>) target_semaphore(%run_scoped3A_35 : memref<!tpu.dma_semaphore, #tpu.memory_space<semaphore_mem>>)
      %dma_wait3A_41 = arith.constant 0 : i32
      %dma_wait3A_42 = tpu.memref_slice %arg5[%arg0, %mul3A_0, %dma_wait3A_41] : memref<2x10112x96xf32, #tpu.memory_space<hbm>> -> memref<1x632x96xf32, #tpu.memory_space<hbm>>
      %dma_wait3A_43 = tpu.memref_squeeze %dma_wait3A_42 : memref<1x632x96xf32, #tpu.memory_space<hbm>> -> memref<632x96xf32, #tpu.memory_space<hbm>>
      %dma_wait3A_44 = arith.constant 0 : i32
      %dma_wait3A_45 = tpu.memref_slice %arg10[%mul3A_0, %dma_wait3A_44] : memref<10112x96xf32, #tpu.memory_space<vmem_shared>> -> memref<632x96xf32, #tpu.memory_space<vmem_shared>>
      tpu.wait_dma2 semaphore(%run_scoped3A_35 : memref<!tpu.dma_semaphore, #tpu.memory_space<semaphore_mem>>) src(%dma_wait3A_45 : memref<632x96xf32, #tpu.memory_space<vmem_shared>>) dst(%dma_wait3A_43 : memref<632x96xf32, #tpu.memory_space<hbm>>)
      tpu.yield
    }) : () -> ()
    return
  }
}

#map = affine_map<(d0, d1) -> (0, 0, 0)>
module attributes {stable_mosaic.version = 14 : i64} {
  func.func @_sc_ea_body(%arg0: i32, %arg1: i32, %arg2: memref<32x10112x16xf32, #tpu.memory_space<hbm>>, %arg3: memref<32x79x128xi32, #tpu.memory_space<hbm>>, %arg4: memref<2x10112x16xf32, #tpu.memory_space<hbm>>, %arg5: memref<79x128xi32, #tpu.memory_space<vmem>>, %arg6: memref<128x16xf32, #tpu.memory_space<vmem>>, %arg7: memref<10112x16xf32, #tpu.memory_space<vmem_shared>>) attributes {dimension_semantics = [#tpu.dimension_semantics<core_parallel>, #tpu.dimension_semantics<subcore_parallel>], iteration_bounds = array<i64: 2, 16>, scalar_prefetch = 0 : i64, scratch_operands = 3 : i64, tpu.core_type = #tpu.core_type<sc_vector_subcore>, window_params = [{transform_indices = #map}, {transform_indices = #map}, {transform_indices = #map}]} {
    %mul3A = arith.constant 16 : i32
    %mul3A_0 = arith.muli %arg0, %mul3A : i32
    %add3A = arith.addi %mul3A_0, %arg1 : i32
    %mul3A_1 = arith.constant 632 : i32
    %mul3A_2 = arith.muli %arg1, %mul3A_1 : i32
    %broadcast_in_dim3A = arith.constant 0.000000e+00 : f32
    %broadcast_in_dim3A_3 = vector.broadcast %broadcast_in_dim3A : f32 to vector<16xf32>
    %scan3A = arith.constant 0 : i32
    %scan3A_4 = arith.constant 0 : i32
    %scan3A_5 = arith.constant 128 : i32
    %scan3A_6 = arith.addi %scan3A_4, %scan3A_5 : i32
    %scan3A_7 = arith.constant 1 : i32
    scf.for %scan3A_26 = %scan3A_4 to %scan3A_6 step %scan3A_7  : i32 {
      %swap3A = arith.index_cast %scan3A_26 : i32 to index
      %swap3A_27 = arith.constant 0 : index
      %swap3A_28 = tpu.vector_load %arg6[%swap3A, %swap3A_27] {strides = array<i32>} : memref<128x16xf32, #tpu.memory_space<vmem>>, vector<1x16xf32>,
      %swap3A_29 = vector.shape_cast %swap3A_28 : vector<1x16xf32> to vector<16xf32>
      %swap3A_30 = vector.shape_cast %broadcast_in_dim3A_3 : vector<16xf32> to vector<1x16xf32>
      tpu.vector_store %arg6[%swap3A, %swap3A_27], %swap3A_30 {strides = array<i32>} : memref<128x16xf32, #tpu.memory_space<vmem>>, vector<1x16xf32>,
    }
    %scan3A_8 = arith.constant 128 : i32
    %add3A_9 = arith.constant 0 : i32
    %add3A_10 = arith.addi %mul3A_2, %add3A_9 : i32
    "tpu.region"() ({
      %run_scoped3A = tpu.sem_alloc : memref<!tpu.dma_semaphore, #tpu.memory_space<semaphore_mem>>
      %dma_start3A = arith.constant 0 : i32
      %dma_start3A_26 = arith.constant 0 : i32
      %dma_start3A_27 = tpu.memref_slice %arg6[%dma_start3A, %dma_start3A_26] : memref<128x16xf32, #tpu.memory_space<vmem>> -> memref<128x16xf32, #tpu.memory_space<vmem>>
      %dma_start3A_28 = arith.constant 0 : i32
      %dma_start3A_29 = tpu.memref_slice %arg7[%add3A_10, %dma_start3A_28] : memref<10112x16xf32, #tpu.memory_space<vmem_shared>> -> memref<128x16xf32, #tpu.memory_space<vmem_shared>>
      %dma_start3A_30 = arith.constant 0 : i32
      %dma_start3A_31 = tpu.memref_slice %arg7[%add3A_10, %dma_start3A_30] : memref<10112x16xf32, #tpu.memory_space<vmem_shared>> -> memref<128x16xf32, #tpu.memory_space<vmem_shared>>
      %dma_start3A_32 = arith.constant 0 : i32
      %dma_start3A_33 = arith.constant 0 : i32
      %dma_start3A_34 = tpu.memref_slice %arg6[%dma_start3A_32, %dma_start3A_33] : memref<128x16xf32, #tpu.memory_space<vmem>> -> memref<128x16xf32, #tpu.memory_space<vmem>>
      tpu.enqueue_dma source(%dma_start3A_34 : memref<128x16xf32, #tpu.memory_space<vmem>>) target(%dma_start3A_31 : memref<128x16xf32, #tpu.memory_space<vmem_shared>>) target_semaphore(%run_scoped3A : memref<!tpu.dma_semaphore, #tpu.memory_space<semaphore_mem>>)
      %dma_wait3A = arith.constant 0 : i32
      %dma_wait3A_35 = arith.constant 0 : i32
      %dma_wait3A_36 = tpu.memref_slice %arg6[%dma_wait3A, %dma_wait3A_35] : memref<128x16xf32, #tpu.memory_space<vmem>> -> memref<128x16xf32, #tpu.memory_space<vmem>>
      %dma_wait3A_37 = arith.constant 0 : i32
      %dma_wait3A_38 = tpu.memref_slice %arg7[%add3A_10, %dma_wait3A_37] : memref<10112x16xf32, #tpu.memory_space<vmem_shared>> -> memref<128x16xf32, #tpu.memory_space<vmem_shared>>
      %dma_wait3A_39 = arith.constant 0 : i32
      %dma_wait3A_40 = tpu.memref_slice %arg7[%add3A_10, %dma_wait3A_39] : memref<10112x16xf32, #tpu.memory_space<vmem_shared>> -> memref<128x16xf32, #tpu.memory_space<vmem_shared>>
      %dma_wait3A_41 = arith.constant 0 : i32
      %dma_wait3A_42 = arith.constant 0 : i32
      %dma_wait3A_43 = tpu.memref_slice %arg6[%dma_wait3A_41, %dma_wait3A_42] : memref<128x16xf32, #tpu.memory_space<vmem>> -> memref<128x16xf32, #tpu.memory_space<vmem>>
      tpu.wait_dma2 semaphore(%run_scoped3A : memref<!tpu.dma_semaphore, #tpu.memory_space<semaphore_mem>>) src(%dma_wait3A_43 : memref<128x16xf32, #tpu.memory_space<vmem>>) dst(%dma_wait3A_40 : memref<128x16xf32, #tpu.memory_space<vmem_shared>>)
      tpu.yield
    }) : () -> ()
    %add3A_11 = arith.constant 128 : i32
    %add3A_12 = arith.addi %mul3A_2, %add3A_11 : i32
    "tpu.region"() ({
      %run_scoped3A = tpu.sem_alloc : memref<!tpu.dma_semaphore, #tpu.memory_space<semaphore_mem>>
      %dma_start3A = arith.constant 0 : i32
      %dma_start3A_26 = arith.constant 0 : i32
      %dma_start3A_27 = tpu.memref_slice %arg6[%dma_start3A, %dma_start3A_26] : memref<128x16xf32, #tpu.memory_space<vmem>> -> memref<128x16xf32, #tpu.memory_space<vmem>>
      %dma_start3A_28 = arith.constant 0 : i32
      %dma_start3A_29 = tpu.memref_slice %arg7[%add3A_12, %dma_start3A_28] : memref<10112x16xf32, #tpu.memory_space<vmem_shared>> -> memref<128x16xf32, #tpu.memory_space<vmem_shared>>
      %dma_start3A_30 = arith.constant 0 : i32
      %dma_start3A_31 = tpu.memref_slice %arg7[%add3A_12, %dma_start3A_30] : memref<10112x16xf32, #tpu.memory_space<vmem_shared>> -> memref<128x16xf32, #tpu.memory_space<vmem_shared>>
      %dma_start3A_32 = arith.constant 0 : i32
      %dma_start3A_33 = arith.constant 0 : i32
      %dma_start3A_34 = tpu.memref_slice %arg6[%dma_start3A_32, %dma_start3A_33] : memref<128x16xf32, #tpu.memory_space<vmem>> -> memref<128x16xf32, #tpu.memory_space<vmem>>
      tpu.enqueue_dma source(%dma_start3A_34 : memref<128x16xf32, #tpu.memory_space<vmem>>) target(%dma_start3A_31 : memref<128x16xf32, #tpu.memory_space<vmem_shared>>) target_semaphore(%run_scoped3A : memref<!tpu.dma_semaphore, #tpu.memory_space<semaphore_mem>>)
      %dma_wait3A = arith.constant 0 : i32
      %dma_wait3A_35 = arith.constant 0 : i32
      %dma_wait3A_36 = tpu.memref_slice %arg6[%dma_wait3A, %dma_wait3A_35] : memref<128x16xf32, #tpu.memory_space<vmem>> -> memref<128x16xf32, #tpu.memory_space<vmem>>
      %dma_wait3A_37 = arith.constant 0 : i32
      %dma_wait3A_38 = tpu.memref_slice %arg7[%add3A_12, %dma_wait3A_37] : memref<10112x16xf32, #tpu.memory_space<vmem_shared>> -> memref<128x16xf32, #tpu.memory_space<vmem_shared>>
      %dma_wait3A_39 = arith.constant 0 : i32
      %dma_wait3A_40 = tpu.memref_slice %arg7[%add3A_12, %dma_wait3A_39] : memref<10112x16xf32, #tpu.memory_space<vmem_shared>> -> memref<128x16xf32, #tpu.memory_space<vmem_shared>>
      %dma_wait3A_41 = arith.constant 0 : i32
      %dma_wait3A_42 = arith.constant 0 : i32
      %dma_wait3A_43 = tpu.memref_slice %arg6[%dma_wait3A_41, %dma_wait3A_42] : memref<128x16xf32, #tpu.memory_space<vmem>> -> memref<128x16xf32, #tpu.memory_space<vmem>>
      tpu.wait_dma2 semaphore(%run_scoped3A : memref<!tpu.dma_semaphore, #tpu.memory_space<semaphore_mem>>) src(%dma_wait3A_43 : memref<128x16xf32, #tpu.memory_space<vmem>>) dst(%dma_wait3A_40 : memref<128x16xf32, #tpu.memory_space<vmem_shared>>)
      tpu.yield
    }) : () -> ()
    %add3A_13 = arith.constant 256 : i32
    %add3A_14 = arith.addi %mul3A_2, %add3A_13 : i32
    "tpu.region"() ({
      %run_scoped3A = tpu.sem_alloc : memref<!tpu.dma_semaphore, #tpu.memory_space<semaphore_mem>>
      %dma_start3A = arith.constant 0 : i32
      %dma_start3A_26 = arith.constant 0 : i32
      %dma_start3A_27 = tpu.memref_slice %arg6[%dma_start3A, %dma_start3A_26] : memref<128x16xf32, #tpu.memory_space<vmem>> -> memref<128x16xf32, #tpu.memory_space<vmem>>
      %dma_start3A_28 = arith.constant 0 : i32
      %dma_start3A_29 = tpu.memref_slice %arg7[%add3A_14, %dma_start3A_28] : memref<10112x16xf32, #tpu.memory_space<vmem_shared>> -> memref<128x16xf32, #tpu.memory_space<vmem_shared>>
      %dma_start3A_30 = arith.constant 0 : i32
      %dma_start3A_31 = tpu.memref_slice %arg7[%add3A_14, %dma_start3A_30] : memref<10112x16xf32, #tpu.memory_space<vmem_shared>> -> memref<128x16xf32, #tpu.memory_space<vmem_shared>>
      %dma_start3A_32 = arith.constant 0 : i32
      %dma_start3A_33 = arith.constant 0 : i32
      %dma_start3A_34 = tpu.memref_slice %arg6[%dma_start3A_32, %dma_start3A_33] : memref<128x16xf32, #tpu.memory_space<vmem>> -> memref<128x16xf32, #tpu.memory_space<vmem>>
      tpu.enqueue_dma source(%dma_start3A_34 : memref<128x16xf32, #tpu.memory_space<vmem>>) target(%dma_start3A_31 : memref<128x16xf32, #tpu.memory_space<vmem_shared>>) target_semaphore(%run_scoped3A : memref<!tpu.dma_semaphore, #tpu.memory_space<semaphore_mem>>)
      %dma_wait3A = arith.constant 0 : i32
      %dma_wait3A_35 = arith.constant 0 : i32
      %dma_wait3A_36 = tpu.memref_slice %arg6[%dma_wait3A, %dma_wait3A_35] : memref<128x16xf32, #tpu.memory_space<vmem>> -> memref<128x16xf32, #tpu.memory_space<vmem>>
      %dma_wait3A_37 = arith.constant 0 : i32
      %dma_wait3A_38 = tpu.memref_slice %arg7[%add3A_14, %dma_wait3A_37] : memref<10112x16xf32, #tpu.memory_space<vmem_shared>> -> memref<128x16xf32, #tpu.memory_space<vmem_shared>>
      %dma_wait3A_39 = arith.constant 0 : i32
      %dma_wait3A_40 = tpu.memref_slice %arg7[%add3A_14, %dma_wait3A_39] : memref<10112x16xf32, #tpu.memory_space<vmem_shared>> -> memref<128x16xf32, #tpu.memory_space<vmem_shared>>
      %dma_wait3A_41 = arith.constant 0 : i32
      %dma_wait3A_42 = arith.constant 0 : i32
      %dma_wait3A_43 = tpu.memref_slice %arg6[%dma_wait3A_41, %dma_wait3A_42] : memref<128x16xf32, #tpu.memory_space<vmem>> -> memref<128x16xf32, #tpu.memory_space<vmem>>
      tpu.wait_dma2 semaphore(%run_scoped3A : memref<!tpu.dma_semaphore, #tpu.memory_space<semaphore_mem>>) src(%dma_wait3A_43 : memref<128x16xf32, #tpu.memory_space<vmem>>) dst(%dma_wait3A_40 : memref<128x16xf32, #tpu.memory_space<vmem_shared>>)
      tpu.yield
    }) : () -> ()
    %add3A_15 = arith.constant 384 : i32
    %add3A_16 = arith.addi %mul3A_2, %add3A_15 : i32
    "tpu.region"() ({
      %run_scoped3A = tpu.sem_alloc : memref<!tpu.dma_semaphore, #tpu.memory_space<semaphore_mem>>
      %dma_start3A = arith.constant 0 : i32
      %dma_start3A_26 = arith.constant 0 : i32
      %dma_start3A_27 = tpu.memref_slice %arg6[%dma_start3A, %dma_start3A_26] : memref<128x16xf32, #tpu.memory_space<vmem>> -> memref<128x16xf32, #tpu.memory_space<vmem>>
      %dma_start3A_28 = arith.constant 0 : i32
      %dma_start3A_29 = tpu.memref_slice %arg7[%add3A_16, %dma_start3A_28] : memref<10112x16xf32, #tpu.memory_space<vmem_shared>> -> memref<128x16xf32, #tpu.memory_space<vmem_shared>>
      %dma_start3A_30 = arith.constant 0 : i32
      %dma_start3A_31 = tpu.memref_slice %arg7[%add3A_16, %dma_start3A_30] : memref<10112x16xf32, #tpu.memory_space<vmem_shared>> -> memref<128x16xf32, #tpu.memory_space<vmem_shared>>
      %dma_start3A_32 = arith.constant 0 : i32
      %dma_start3A_33 = arith.constant 0 : i32
      %dma_start3A_34 = tpu.memref_slice %arg6[%dma_start3A_32, %dma_start3A_33] : memref<128x16xf32, #tpu.memory_space<vmem>> -> memref<128x16xf32, #tpu.memory_space<vmem>>
      tpu.enqueue_dma source(%dma_start3A_34 : memref<128x16xf32, #tpu.memory_space<vmem>>) target(%dma_start3A_31 : memref<128x16xf32, #tpu.memory_space<vmem_shared>>) target_semaphore(%run_scoped3A : memref<!tpu.dma_semaphore, #tpu.memory_space<semaphore_mem>>)
      %dma_wait3A = arith.constant 0 : i32
      %dma_wait3A_35 = arith.constant 0 : i32
      %dma_wait3A_36 = tpu.memref_slice %arg6[%dma_wait3A, %dma_wait3A_35] : memref<128x16xf32, #tpu.memory_space<vmem>> -> memref<128x16xf32, #tpu.memory_space<vmem>>
      %dma_wait3A_37 = arith.constant 0 : i32
      %dma_wait3A_38 = tpu.memref_slice %arg7[%add3A_16, %dma_wait3A_37] : memref<10112x16xf32, #tpu.memory_space<vmem_shared>> -> memref<128x16xf32, #tpu.memory_space<vmem_shared>>
      %dma_wait3A_39 = arith.constant 0 : i32
      %dma_wait3A_40 = tpu.memref_slice %arg7[%add3A_16, %dma_wait3A_39] : memref<10112x16xf32, #tpu.memory_space<vmem_shared>> -> memref<128x16xf32, #tpu.memory_space<vmem_shared>>
      %dma_wait3A_41 = arith.constant 0 : i32
      %dma_wait3A_42 = arith.constant 0 : i32
      %dma_wait3A_43 = tpu.memref_slice %arg6[%dma_wait3A_41, %dma_wait3A_42] : memref<128x16xf32, #tpu.memory_space<vmem>> -> memref<128x16xf32, #tpu.memory_space<vmem>>
      tpu.wait_dma2 semaphore(%run_scoped3A : memref<!tpu.dma_semaphore, #tpu.memory_space<semaphore_mem>>) src(%dma_wait3A_43 : memref<128x16xf32, #tpu.memory_space<vmem>>) dst(%dma_wait3A_40 : memref<128x16xf32, #tpu.memory_space<vmem_shared>>)
      tpu.yield
    }) : () -> ()
    %add3A_17 = arith.constant 512 : i32
    %add3A_18 = arith.addi %mul3A_2, %add3A_17 : i32
    "tpu.region"() ({
      %run_scoped3A = tpu.sem_alloc : memref<!tpu.dma_semaphore, #tpu.memory_space<semaphore_mem>>
      %dma_start3A = arith.constant 0 : i32
      %dma_start3A_26 = arith.constant 0 : i32
      %dma_start3A_27 = tpu.memref_slice %arg6[%dma_start3A, %dma_start3A_26] : memref<128x16xf32, #tpu.memory_space<vmem>> -> memref<120x16xf32, #tpu.memory_space<vmem>>
      %dma_start3A_28 = arith.constant 0 : i32
      %dma_start3A_29 = tpu.memref_slice %arg7[%add3A_18, %dma_start3A_28] : memref<10112x16xf32, #tpu.memory_space<vmem_shared>> -> memref<120x16xf32, #tpu.memory_space<vmem_shared>>
      %dma_start3A_30 = arith.constant 0 : i32
      %dma_start3A_31 = tpu.memref_slice %arg7[%add3A_18, %dma_start3A_30] : memref<10112x16xf32, #tpu.memory_space<vmem_shared>> -> memref<120x16xf32, #tpu.memory_space<vmem_shared>>
      %dma_start3A_32 = arith.constant 0 : i32
      %dma_start3A_33 = arith.constant 0 : i32
      %dma_start3A_34 = tpu.memref_slice %arg6[%dma_start3A_32, %dma_start3A_33] : memref<128x16xf32, #tpu.memory_space<vmem>> -> memref<120x16xf32, #tpu.memory_space<vmem>>
      tpu.enqueue_dma source(%dma_start3A_34 : memref<120x16xf32, #tpu.memory_space<vmem>>) target(%dma_start3A_31 : memref<120x16xf32, #tpu.memory_space<vmem_shared>>) target_semaphore(%run_scoped3A : memref<!tpu.dma_semaphore, #tpu.memory_space<semaphore_mem>>)
      %dma_wait3A = arith.constant 0 : i32
      %dma_wait3A_35 = arith.constant 0 : i32
      %dma_wait3A_36 = tpu.memref_slice %arg6[%dma_wait3A, %dma_wait3A_35] : memref<128x16xf32, #tpu.memory_space<vmem>> -> memref<120x16xf32, #tpu.memory_space<vmem>>
      %dma_wait3A_37 = arith.constant 0 : i32
      %dma_wait3A_38 = tpu.memref_slice %arg7[%add3A_18, %dma_wait3A_37] : memref<10112x16xf32, #tpu.memory_space<vmem_shared>> -> memref<120x16xf32, #tpu.memory_space<vmem_shared>>
      %dma_wait3A_39 = arith.constant 0 : i32
      %dma_wait3A_40 = tpu.memref_slice %arg7[%add3A_18, %dma_wait3A_39] : memref<10112x16xf32, #tpu.memory_space<vmem_shared>> -> memref<120x16xf32, #tpu.memory_space<vmem_shared>>
      %dma_wait3A_41 = arith.constant 0 : i32
      %dma_wait3A_42 = arith.constant 0 : i32
      %dma_wait3A_43 = tpu.memref_slice %arg6[%dma_wait3A_41, %dma_wait3A_42] : memref<128x16xf32, #tpu.memory_space<vmem>> -> memref<120x16xf32, #tpu.memory_space<vmem>>
      tpu.wait_dma2 semaphore(%run_scoped3A : memref<!tpu.dma_semaphore, #tpu.memory_space<semaphore_mem>>) src(%dma_wait3A_43 : memref<120x16xf32, #tpu.memory_space<vmem>>) dst(%dma_wait3A_40 : memref<120x16xf32, #tpu.memory_space<vmem_shared>>)
      tpu.yield
    }) : () -> ()
    %barrier3A = arith.constant 0 : index
    tpu.barrier barrier_id(%barrier3A)
    "tpu.region"() ({
      %run_scoped3A = tpu.sem_alloc : memref<!tpu.dma_semaphore, #tpu.memory_space<semaphore_mem>>
      %dma_start3A = arith.constant 0 : i32
      %dma_start3A_26 = arith.constant 0 : i32
      %dma_start3A_27 = tpu.memref_slice %arg3[%add3A, %dma_start3A, %dma_start3A_26] : memref<32x79x128xi32, #tpu.memory_space<hbm>> -> memref<1x79x128xi32, #tpu.memory_space<hbm>>
      %dma_start3A_28 = tpu.memref_squeeze %dma_start3A_27 : memref<1x79x128xi32, #tpu.memory_space<hbm>> -> memref<79x128xi32, #tpu.memory_space<hbm>>
      %dma_start3A_29 = arith.constant 0 : i32
      %dma_start3A_30 = arith.constant 0 : i32
      %dma_start3A_31 = tpu.memref_slice %arg3[%add3A, %dma_start3A_29, %dma_start3A_30] : memref<32x79x128xi32, #tpu.memory_space<hbm>> -> memref<1x79x128xi32, #tpu.memory_space<hbm>>
      %dma_start3A_32 = tpu.memref_squeeze %dma_start3A_31 : memref<1x79x128xi32, #tpu.memory_space<hbm>> -> memref<79x128xi32, #tpu.memory_space<hbm>>
      tpu.enqueue_dma source(%dma_start3A_32 : memref<79x128xi32, #tpu.memory_space<hbm>>) target(%arg5 : memref<79x128xi32, #tpu.memory_space<vmem>>) target_semaphore(%run_scoped3A : memref<!tpu.dma_semaphore, #tpu.memory_space<semaphore_mem>>)
      %dma_wait3A = arith.constant 0 : i32
      %dma_wait3A_33 = arith.constant 0 : i32
      %dma_wait3A_34 = tpu.memref_slice %arg3[%add3A, %dma_wait3A, %dma_wait3A_33] : memref<32x79x128xi32, #tpu.memory_space<hbm>> -> memref<1x79x128xi32, #tpu.memory_space<hbm>>
      %dma_wait3A_35 = tpu.memref_squeeze %dma_wait3A_34 : memref<1x79x128xi32, #tpu.memory_space<hbm>> -> memref<79x128xi32, #tpu.memory_space<hbm>>
      %dma_wait3A_36 = arith.constant 0 : i32
      %dma_wait3A_37 = arith.constant 0 : i32
      %dma_wait3A_38 = tpu.memref_slice %arg3[%add3A, %dma_wait3A_36, %dma_wait3A_37] : memref<32x79x128xi32, #tpu.memory_space<hbm>> -> memref<1x79x128xi32, #tpu.memory_space<hbm>>
      %dma_wait3A_39 = tpu.memref_squeeze %dma_wait3A_38 : memref<1x79x128xi32, #tpu.memory_space<hbm>> -> memref<79x128xi32, #tpu.memory_space<hbm>>
      tpu.wait_dma2 semaphore(%run_scoped3A : memref<!tpu.dma_semaphore, #tpu.memory_space<semaphore_mem>>) src(%dma_wait3A_39 : memref<79x128xi32, #tpu.memory_space<hbm>>) dst(%arg5 : memref<79x128xi32, #tpu.memory_space<vmem>>)
      tpu.yield
    }) : () -> ()
    %scan3A_19 = arith.constant 0 : i32
    %scan3A_20 = arith.constant 0 : i32
    %scan3A_21 = arith.constant 79 : i32
    %scan3A_22 = arith.addi %scan3A_20, %scan3A_21 : i32
    %scan3A_23 = arith.constant 1 : i32
    scf.for %scan3A_26 = %scan3A_20 to %scan3A_22 step %scan3A_23  : i32 {
      %mul3A_27 = arith.constant 128 : i32
      %mul3A_28 = arith.muli %scan3A_26, %mul3A_27 : i32
      "tpu.region"() ({
        %run_scoped3A = tpu.sem_alloc : memref<!tpu.dma_semaphore, #tpu.memory_space<semaphore_mem>>
        %dma_start3A = arith.constant 0 : i32
        %dma_start3A_29 = tpu.memref_slice %arg2[%add3A, %mul3A_28, %dma_start3A] : memref<32x10112x16xf32, #tpu.memory_space<hbm>> -> memref<1x128x16xf32, #tpu.memory_space<hbm>>
        %dma_start3A_30 = tpu.memref_squeeze %dma_start3A_29 : memref<1x128x16xf32, #tpu.memory_space<hbm>> -> memref<128x16xf32, #tpu.memory_space<hbm>>
        %dma_start3A_31 = arith.constant 0 : i32
        %dma_start3A_32 = tpu.memref_slice %arg2[%add3A, %mul3A_28, %dma_start3A_31] : memref<32x10112x16xf32, #tpu.memory_space<hbm>> -> memref<1x128x16xf32, #tpu.memory_space<hbm>>
        %dma_start3A_33 = tpu.memref_squeeze %dma_start3A_32 : memref<1x128x16xf32, #tpu.memory_space<hbm>> -> memref<128x16xf32, #tpu.memory_space<hbm>>
        tpu.enqueue_dma source(%dma_start3A_33 : memref<128x16xf32, #tpu.memory_space<hbm>>) target(%arg6 : memref<128x16xf32, #tpu.memory_space<vmem>>) target_semaphore(%run_scoped3A : memref<!tpu.dma_semaphore, #tpu.memory_space<semaphore_mem>>)
        %dma_wait3A = arith.constant 0 : i32
        %dma_wait3A_34 = tpu.memref_slice %arg2[%add3A, %mul3A_28, %dma_wait3A] : memref<32x10112x16xf32, #tpu.memory_space<hbm>> -> memref<1x128x16xf32, #tpu.memory_space<hbm>>
        %dma_wait3A_35 = tpu.memref_squeeze %dma_wait3A_34 : memref<1x128x16xf32, #tpu.memory_space<hbm>> -> memref<128x16xf32, #tpu.memory_space<hbm>>
        %dma_wait3A_36 = arith.constant 0 : i32
        %dma_wait3A_37 = tpu.memref_slice %arg2[%add3A, %mul3A_28, %dma_wait3A_36] : memref<32x10112x16xf32, #tpu.memory_space<hbm>> -> memref<1x128x16xf32, #tpu.memory_space<hbm>>
        %dma_wait3A_38 = tpu.memref_squeeze %dma_wait3A_37 : memref<1x128x16xf32, #tpu.memory_space<hbm>> -> memref<128x16xf32, #tpu.memory_space<hbm>>
        tpu.wait_dma2 semaphore(%run_scoped3A : memref<!tpu.dma_semaphore, #tpu.memory_space<semaphore_mem>>) src(%dma_wait3A_38 : memref<128x16xf32, #tpu.memory_space<hbm>>) dst(%arg6 : memref<128x16xf32, #tpu.memory_space<vmem>>)
        tpu.yield
      }) : () -> ()
      "tpu.region"() ({
        %run_scoped3A = tpu.sem_alloc : memref<!tpu.dma_semaphore, #tpu.memory_space<semaphore_mem>>
        %dma_start3A = arith.constant 0 : i32
        %dma_start3A_29 = tpu.memref_slice %arg5[%scan3A_26, %dma_start3A] : memref<79x128xi32, #tpu.memory_space<vmem>> -> memref<1x128xi32, #tpu.memory_space<vmem>>
        %dma_start3A_30 = tpu.memref_squeeze %dma_start3A_29 : memref<1x128xi32, #tpu.memory_space<vmem>> -> memref<128xi32, #tpu.memory_space<vmem>>
        %dma_start3A_31 = arith.constant 0 : i32
        %dma_start3A_32 = arith.constant 0 : i32
        %dma_start3A_33 = tpu.memref_slice %arg7[%dma_start3A_31, %dma_start3A_32] : memref<10112x16xf32, #tpu.memory_space<vmem_shared>> -> memref<10112x16xf32, #tpu.memory_space<vmem_shared>>
        tpu.enqueue_indirect_dma source(%arg6 : memref<128x16xf32, #tpu.memory_space<vmem>>) target(%dma_start3A_33 : memref<10112x16xf32, #tpu.memory_space<vmem_shared>>) offsets(%dma_start3A_30 : memref<128xi32, #tpu.memory_space<vmem>>) semaphore(%run_scoped3A : memref<!tpu.dma_semaphore, #tpu.memory_space<semaphore_mem>>) {add = true}
        %dma_wait3A = arith.constant 0 : i32
        %dma_wait3A_34 = tpu.memref_slice %arg5[%scan3A_26, %dma_wait3A] : memref<79x128xi32, #tpu.memory_space<vmem>> -> memref<1x128xi32, #tpu.memory_space<vmem>>
        %dma_wait3A_35 = tpu.memref_squeeze %dma_wait3A_34 : memref<1x128xi32, #tpu.memory_space<vmem>> -> memref<128xi32, #tpu.memory_space<vmem>>
        %dma_wait3A_36 = arith.constant 0 : i32
        %dma_wait3A_37 = arith.constant 0 : i32
        %dma_wait3A_38 = tpu.memref_slice %arg7[%dma_wait3A_36, %dma_wait3A_37] : memref<10112x16xf32, #tpu.memory_space<vmem_shared>> -> memref<10112x16xf32, #tpu.memory_space<vmem_shared>>
        tpu.wait_indirect_dma semaphore(%run_scoped3A : memref<!tpu.dma_semaphore, #tpu.memory_space<semaphore_mem>>) src(%arg6 : memref<128x16xf32, #tpu.memory_space<vmem>>) dst(%dma_wait3A_38 : memref<10112x16xf32, #tpu.memory_space<vmem_shared>>)
        tpu.yield
      }) : () -> ()
    }
    %scan3A_24 = arith.constant 79 : i32
    %barrier3A_25 = arith.constant 0 : index
    tpu.barrier barrier_id(%barrier3A_25)
    "tpu.region"() ({
      %run_scoped3A = tpu.sem_alloc : memref<!tpu.dma_semaphore, #tpu.memory_space<semaphore_mem>>
      %dma_start3A = arith.constant 0 : i32
      %dma_start3A_26 = tpu.memref_slice %arg4[%arg0, %mul3A_2, %dma_start3A] : memref<2x10112x16xf32, #tpu.memory_space<hbm>> -> memref<1x632x16xf32, #tpu.memory_space<hbm>>
      %dma_start3A_27 = tpu.memref_squeeze %dma_start3A_26 : memref<1x632x16xf32, #tpu.memory_space<hbm>> -> memref<632x16xf32, #tpu.memory_space<hbm>>
      %dma_start3A_28 = arith.constant 0 : i32
      %dma_start3A_29 = tpu.memref_slice %arg7[%mul3A_2, %dma_start3A_28] : memref<10112x16xf32, #tpu.memory_space<vmem_shared>> -> memref<632x16xf32, #tpu.memory_space<vmem_shared>>
      tpu.enqueue_dma source(%dma_start3A_29 : memref<632x16xf32, #tpu.memory_space<vmem_shared>>) target(%dma_start3A_27 : memref<632x16xf32, #tpu.memory_space<hbm>>) target_semaphore(%run_scoped3A : memref<!tpu.dma_semaphore, #tpu.memory_space<semaphore_mem>>)
      %dma_wait3A = arith.constant 0 : i32
      %dma_wait3A_30 = tpu.memref_slice %arg4[%arg0, %mul3A_2, %dma_wait3A] : memref<2x10112x16xf32, #tpu.memory_space<hbm>> -> memref<1x632x16xf32, #tpu.memory_space<hbm>>
      %dma_wait3A_31 = tpu.memref_squeeze %dma_wait3A_30 : memref<1x632x16xf32, #tpu.memory_space<hbm>> -> memref<632x16xf32, #tpu.memory_space<hbm>>
      %dma_wait3A_32 = arith.constant 0 : i32
      %dma_wait3A_33 = tpu.memref_slice %arg7[%mul3A_2, %dma_wait3A_32] : memref<10112x16xf32, #tpu.memory_space<vmem_shared>> -> memref<632x16xf32, #tpu.memory_space<vmem_shared>>
      tpu.wait_dma2 semaphore(%run_scoped3A : memref<!tpu.dma_semaphore, #tpu.memory_space<semaphore_mem>>) src(%dma_wait3A_33 : memref<632x16xf32, #tpu.memory_space<vmem_shared>>) dst(%dma_wait3A_31 : memref<632x16xf32, #tpu.memory_space<hbm>>)
      tpu.yield
    }) : () -> ()
    return
  }
}

#map = affine_map<(d0, d1) -> (0, 0)>
#map1 = affine_map<(d0, d1) -> (0, 0, 0, 0)>
#map2 = affine_map<(d0, d1) -> (0, 0, 0)>
module attributes {stable_mosaic.version = 14 : i64} {
  func.func @_sc_agg_body(%arg0: i32, %arg1: i32, %arg2: memref<20000x96xf32, #tpu.memory_space<hbm>>, %arg3: memref<2x16x157x128xi32, #tpu.memory_space<hbm>>, %arg4: memref<16x157x128xi32, #tpu.memory_space<hbm>>, %arg5: memref<2x10112x96xf32, #tpu.memory_space<hbm>>, %arg6: memref<157x128xi32, #tpu.memory_space<vmem>>, %arg7: memref<157x128xi32, #tpu.memory_space<vmem>>, %arg8: memref<128x96xf32, #tpu.memory_space<vmem>>, %arg9: memref<128x96xf32, #tpu.memory_space<vmem>>, %arg10: memref<10112x96xf32, #tpu.memory_space<vmem_shared>>, %arg11: memref<!tpu.dma_semaphore, #tpu.memory_space<semaphore_mem>>, %arg12: memref<!tpu.dma_semaphore, #tpu.memory_space<semaphore_mem>>) attributes {dimension_semantics = [#tpu.dimension_semantics<core_parallel>, #tpu.dimension_semantics<subcore_parallel>], iteration_bounds = array<i64: 2, 16>, scalar_prefetch = 0 : i64, scratch_operands = 7 : i64, tpu.core_type = #tpu.core_type<sc_vector_subcore>, window_params = [{transform_indices = #map}, {transform_indices = #map1}, {transform_indices = #map2}, {transform_indices = #map2}]} {
    %mul3A = arith.constant 632 : i32
    %mul3A_0 = arith.muli %arg1, %mul3A : i32
    %broadcast_in_dim3A = arith.constant 0.000000e+00 : f32
    %broadcast_in_dim3A_1 = vector.broadcast %broadcast_in_dim3A : f32 to vector<16xf32>
    %scan3A = arith.constant 0 : i32
    %scan3A_2 = arith.constant 0 : i32
    %scan3A_3 = arith.constant 128 : i32
    %scan3A_4 = arith.addi %scan3A_2, %scan3A_3 : i32
    %scan3A_5 = arith.constant 1 : i32
    scf.for %scan3A_35 = %scan3A_2 to %scan3A_4 step %scan3A_5  : i32 {
      %swap3A = arith.index_cast %scan3A_35 : i32 to index
      %swap3A_36 = arith.constant 0 : index
      %swap3A_37 = tpu.vector_load %arg8[%swap3A, %swap3A_36] {strides = array<i32>} : memref<128x96xf32, #tpu.memory_space<vmem>>, vector<1x16xf32>,
      %swap3A_38 = vector.shape_cast %swap3A_37 : vector<1x16xf32> to vector<16xf32>
      %swap3A_39 = vector.shape_cast %broadcast_in_dim3A_1 : vector<16xf32> to vector<1x16xf32>
      tpu.vector_store %arg8[%swap3A, %swap3A_36], %swap3A_39 {strides = array<i32>} : memref<128x96xf32, #tpu.memory_space<vmem>>, vector<1x16xf32>,
      %swap3A_40 = arith.index_cast %scan3A_35 : i32 to index
      %swap3A_41 = arith.constant 16 : index
      %swap3A_42 = tpu.vector_load %arg8[%swap3A_40, %swap3A_41] {strides = array<i32>} : memref<128x96xf32, #tpu.memory_space<vmem>>, vector<1x16xf32>,
      %swap3A_43 = vector.shape_cast %swap3A_42 : vector<1x16xf32> to vector<16xf32>
      %swap3A_44 = vector.shape_cast %broadcast_in_dim3A_1 : vector<16xf32> to vector<1x16xf32>
      tpu.vector_store %arg8[%swap3A_40, %swap3A_41], %swap3A_44 {strides = array<i32>} : memref<128x96xf32, #tpu.memory_space<vmem>>, vector<1x16xf32>,
      %swap3A_45 = arith.index_cast %scan3A_35 : i32 to index
      %swap3A_46 = arith.constant 32 : index
      %swap3A_47 = tpu.vector_load %arg8[%swap3A_45, %swap3A_46] {strides = array<i32>} : memref<128x96xf32, #tpu.memory_space<vmem>>, vector<1x16xf32>,
      %swap3A_48 = vector.shape_cast %swap3A_47 : vector<1x16xf32> to vector<16xf32>
      %swap3A_49 = vector.shape_cast %broadcast_in_dim3A_1 : vector<16xf32> to vector<1x16xf32>
      tpu.vector_store %arg8[%swap3A_45, %swap3A_46], %swap3A_49 {strides = array<i32>} : memref<128x96xf32, #tpu.memory_space<vmem>>, vector<1x16xf32>,
      %swap3A_50 = arith.index_cast %scan3A_35 : i32 to index
      %swap3A_51 = arith.constant 48 : index
      %swap3A_52 = tpu.vector_load %arg8[%swap3A_50, %swap3A_51] {strides = array<i32>} : memref<128x96xf32, #tpu.memory_space<vmem>>, vector<1x16xf32>,
      %swap3A_53 = vector.shape_cast %swap3A_52 : vector<1x16xf32> to vector<16xf32>
      %swap3A_54 = vector.shape_cast %broadcast_in_dim3A_1 : vector<16xf32> to vector<1x16xf32>
      tpu.vector_store %arg8[%swap3A_50, %swap3A_51], %swap3A_54 {strides = array<i32>} : memref<128x96xf32, #tpu.memory_space<vmem>>, vector<1x16xf32>,
      %swap3A_55 = arith.index_cast %scan3A_35 : i32 to index
      %swap3A_56 = arith.constant 64 : index
      %swap3A_57 = tpu.vector_load %arg8[%swap3A_55, %swap3A_56] {strides = array<i32>} : memref<128x96xf32, #tpu.memory_space<vmem>>, vector<1x16xf32>,
      %swap3A_58 = vector.shape_cast %swap3A_57 : vector<1x16xf32> to vector<16xf32>
      %swap3A_59 = vector.shape_cast %broadcast_in_dim3A_1 : vector<16xf32> to vector<1x16xf32>
      tpu.vector_store %arg8[%swap3A_55, %swap3A_56], %swap3A_59 {strides = array<i32>} : memref<128x96xf32, #tpu.memory_space<vmem>>, vector<1x16xf32>,
      %swap3A_60 = arith.index_cast %scan3A_35 : i32 to index
      %swap3A_61 = arith.constant 80 : index
      %swap3A_62 = tpu.vector_load %arg8[%swap3A_60, %swap3A_61] {strides = array<i32>} : memref<128x96xf32, #tpu.memory_space<vmem>>, vector<1x16xf32>,
      %swap3A_63 = vector.shape_cast %swap3A_62 : vector<1x16xf32> to vector<16xf32>
      %swap3A_64 = vector.shape_cast %broadcast_in_dim3A_1 : vector<16xf32> to vector<1x16xf32>
      tpu.vector_store %arg8[%swap3A_60, %swap3A_61], %swap3A_64 {strides = array<i32>} : memref<128x96xf32, #tpu.memory_space<vmem>>, vector<1x16xf32>,
    }
    %scan3A_6 = arith.constant 128 : i32
    %add3A = arith.constant 0 : i32
    %add3A_7 = arith.addi %mul3A_0, %add3A : i32
    "tpu.region"() ({
      %run_scoped3A_35 = tpu.sem_alloc : memref<!tpu.dma_semaphore, #tpu.memory_space<semaphore_mem>>
      %dma_start3A_36 = arith.constant 0 : i32
      %dma_start3A_37 = arith.constant 0 : i32
      %dma_start3A_38 = tpu.memref_slice %arg8[%dma_start3A_36, %dma_start3A_37] : memref<128x96xf32, #tpu.memory_space<vmem>> -> memref<128x96xf32, #tpu.memory_space<vmem>>
      %dma_start3A_39 = arith.constant 0 : i32
      %dma_start3A_40 = tpu.memref_slice %arg10[%add3A_7, %dma_start3A_39] : memref<10112x96xf32, #tpu.memory_space<vmem_shared>> -> memref<128x96xf32, #tpu.memory_space<vmem_shared>>
      %dma_start3A_41 = arith.constant 0 : i32
      %dma_start3A_42 = tpu.memref_slice %arg10[%add3A_7, %dma_start3A_41] : memref<10112x96xf32, #tpu.memory_space<vmem_shared>> -> memref<128x96xf32, #tpu.memory_space<vmem_shared>>
      %dma_start3A_43 = arith.constant 0 : i32
      %dma_start3A_44 = arith.constant 0 : i32
      %dma_start3A_45 = tpu.memref_slice %arg8[%dma_start3A_43, %dma_start3A_44] : memref<128x96xf32, #tpu.memory_space<vmem>> -> memref<128x96xf32, #tpu.memory_space<vmem>>
      tpu.enqueue_dma source(%dma_start3A_45 : memref<128x96xf32, #tpu.memory_space<vmem>>) target(%dma_start3A_42 : memref<128x96xf32, #tpu.memory_space<vmem_shared>>) target_semaphore(%run_scoped3A_35 : memref<!tpu.dma_semaphore, #tpu.memory_space<semaphore_mem>>)
      %dma_wait3A_46 = arith.constant 0 : i32
      %dma_wait3A_47 = arith.constant 0 : i32
      %dma_wait3A_48 = tpu.memref_slice %arg8[%dma_wait3A_46, %dma_wait3A_47] : memref<128x96xf32, #tpu.memory_space<vmem>> -> memref<128x96xf32, #tpu.memory_space<vmem>>
      %dma_wait3A_49 = arith.constant 0 : i32
      %dma_wait3A_50 = tpu.memref_slice %arg10[%add3A_7, %dma_wait3A_49] : memref<10112x96xf32, #tpu.memory_space<vmem_shared>> -> memref<128x96xf32, #tpu.memory_space<vmem_shared>>
      %dma_wait3A_51 = arith.constant 0 : i32
      %dma_wait3A_52 = tpu.memref_slice %arg10[%add3A_7, %dma_wait3A_51] : memref<10112x96xf32, #tpu.memory_space<vmem_shared>> -> memref<128x96xf32, #tpu.memory_space<vmem_shared>>
      %dma_wait3A_53 = arith.constant 0 : i32
      %dma_wait3A_54 = arith.constant 0 : i32
      %dma_wait3A_55 = tpu.memref_slice %arg8[%dma_wait3A_53, %dma_wait3A_54] : memref<128x96xf32, #tpu.memory_space<vmem>> -> memref<128x96xf32, #tpu.memory_space<vmem>>
      tpu.wait_dma2 semaphore(%run_scoped3A_35 : memref<!tpu.dma_semaphore, #tpu.memory_space<semaphore_mem>>) src(%dma_wait3A_55 : memref<128x96xf32, #tpu.memory_space<vmem>>) dst(%dma_wait3A_52 : memref<128x96xf32, #tpu.memory_space<vmem_shared>>)
      tpu.yield
    }) : () -> ()
    %add3A_8 = arith.constant 128 : i32
    %add3A_9 = arith.addi %mul3A_0, %add3A_8 : i32
    "tpu.region"() ({
      %run_scoped3A_35 = tpu.sem_alloc : memref<!tpu.dma_semaphore, #tpu.memory_space<semaphore_mem>>
      %dma_start3A_36 = arith.constant 0 : i32
      %dma_start3A_37 = arith.constant 0 : i32
      %dma_start3A_38 = tpu.memref_slice %arg8[%dma_start3A_36, %dma_start3A_37] : memref<128x96xf32, #tpu.memory_space<vmem>> -> memref<128x96xf32, #tpu.memory_space<vmem>>
      %dma_start3A_39 = arith.constant 0 : i32
      %dma_start3A_40 = tpu.memref_slice %arg10[%add3A_9, %dma_start3A_39] : memref<10112x96xf32, #tpu.memory_space<vmem_shared>> -> memref<128x96xf32, #tpu.memory_space<vmem_shared>>
      %dma_start3A_41 = arith.constant 0 : i32
      %dma_start3A_42 = tpu.memref_slice %arg10[%add3A_9, %dma_start3A_41] : memref<10112x96xf32, #tpu.memory_space<vmem_shared>> -> memref<128x96xf32, #tpu.memory_space<vmem_shared>>
      %dma_start3A_43 = arith.constant 0 : i32
      %dma_start3A_44 = arith.constant 0 : i32
      %dma_start3A_45 = tpu.memref_slice %arg8[%dma_start3A_43, %dma_start3A_44] : memref<128x96xf32, #tpu.memory_space<vmem>> -> memref<128x96xf32, #tpu.memory_space<vmem>>
      tpu.enqueue_dma source(%dma_start3A_45 : memref<128x96xf32, #tpu.memory_space<vmem>>) target(%dma_start3A_42 : memref<128x96xf32, #tpu.memory_space<vmem_shared>>) target_semaphore(%run_scoped3A_35 : memref<!tpu.dma_semaphore, #tpu.memory_space<semaphore_mem>>)
      %dma_wait3A_46 = arith.constant 0 : i32
      %dma_wait3A_47 = arith.constant 0 : i32
      %dma_wait3A_48 = tpu.memref_slice %arg8[%dma_wait3A_46, %dma_wait3A_47] : memref<128x96xf32, #tpu.memory_space<vmem>> -> memref<128x96xf32, #tpu.memory_space<vmem>>
      %dma_wait3A_49 = arith.constant 0 : i32
      %dma_wait3A_50 = tpu.memref_slice %arg10[%add3A_9, %dma_wait3A_49] : memref<10112x96xf32, #tpu.memory_space<vmem_shared>> -> memref<128x96xf32, #tpu.memory_space<vmem_shared>>
      %dma_wait3A_51 = arith.constant 0 : i32
      %dma_wait3A_52 = tpu.memref_slice %arg10[%add3A_9, %dma_wait3A_51] : memref<10112x96xf32, #tpu.memory_space<vmem_shared>> -> memref<128x96xf32, #tpu.memory_space<vmem_shared>>
      %dma_wait3A_53 = arith.constant 0 : i32
      %dma_wait3A_54 = arith.constant 0 : i32
      %dma_wait3A_55 = tpu.memref_slice %arg8[%dma_wait3A_53, %dma_wait3A_54] : memref<128x96xf32, #tpu.memory_space<vmem>> -> memref<128x96xf32, #tpu.memory_space<vmem>>
      tpu.wait_dma2 semaphore(%run_scoped3A_35 : memref<!tpu.dma_semaphore, #tpu.memory_space<semaphore_mem>>) src(%dma_wait3A_55 : memref<128x96xf32, #tpu.memory_space<vmem>>) dst(%dma_wait3A_52 : memref<128x96xf32, #tpu.memory_space<vmem_shared>>)
      tpu.yield
    }) : () -> ()
    %add3A_10 = arith.constant 256 : i32
    %add3A_11 = arith.addi %mul3A_0, %add3A_10 : i32
    "tpu.region"() ({
      %run_scoped3A_35 = tpu.sem_alloc : memref<!tpu.dma_semaphore, #tpu.memory_space<semaphore_mem>>
      %dma_start3A_36 = arith.constant 0 : i32
      %dma_start3A_37 = arith.constant 0 : i32
      %dma_start3A_38 = tpu.memref_slice %arg8[%dma_start3A_36, %dma_start3A_37] : memref<128x96xf32, #tpu.memory_space<vmem>> -> memref<128x96xf32, #tpu.memory_space<vmem>>
      %dma_start3A_39 = arith.constant 0 : i32
      %dma_start3A_40 = tpu.memref_slice %arg10[%add3A_11, %dma_start3A_39] : memref<10112x96xf32, #tpu.memory_space<vmem_shared>> -> memref<128x96xf32, #tpu.memory_space<vmem_shared>>
      %dma_start3A_41 = arith.constant 0 : i32
      %dma_start3A_42 = tpu.memref_slice %arg10[%add3A_11, %dma_start3A_41] : memref<10112x96xf32, #tpu.memory_space<vmem_shared>> -> memref<128x96xf32, #tpu.memory_space<vmem_shared>>
      %dma_start3A_43 = arith.constant 0 : i32
      %dma_start3A_44 = arith.constant 0 : i32
      %dma_start3A_45 = tpu.memref_slice %arg8[%dma_start3A_43, %dma_start3A_44] : memref<128x96xf32, #tpu.memory_space<vmem>> -> memref<128x96xf32, #tpu.memory_space<vmem>>
      tpu.enqueue_dma source(%dma_start3A_45 : memref<128x96xf32, #tpu.memory_space<vmem>>) target(%dma_start3A_42 : memref<128x96xf32, #tpu.memory_space<vmem_shared>>) target_semaphore(%run_scoped3A_35 : memref<!tpu.dma_semaphore, #tpu.memory_space<semaphore_mem>>)
      %dma_wait3A_46 = arith.constant 0 : i32
      %dma_wait3A_47 = arith.constant 0 : i32
      %dma_wait3A_48 = tpu.memref_slice %arg8[%dma_wait3A_46, %dma_wait3A_47] : memref<128x96xf32, #tpu.memory_space<vmem>> -> memref<128x96xf32, #tpu.memory_space<vmem>>
      %dma_wait3A_49 = arith.constant 0 : i32
      %dma_wait3A_50 = tpu.memref_slice %arg10[%add3A_11, %dma_wait3A_49] : memref<10112x96xf32, #tpu.memory_space<vmem_shared>> -> memref<128x96xf32, #tpu.memory_space<vmem_shared>>
      %dma_wait3A_51 = arith.constant 0 : i32
      %dma_wait3A_52 = tpu.memref_slice %arg10[%add3A_11, %dma_wait3A_51] : memref<10112x96xf32, #tpu.memory_space<vmem_shared>> -> memref<128x96xf32, #tpu.memory_space<vmem_shared>>
      %dma_wait3A_53 = arith.constant 0 : i32
      %dma_wait3A_54 = arith.constant 0 : i32
      %dma_wait3A_55 = tpu.memref_slice %arg8[%dma_wait3A_53, %dma_wait3A_54] : memref<128x96xf32, #tpu.memory_space<vmem>> -> memref<128x96xf32, #tpu.memory_space<vmem>>
      tpu.wait_dma2 semaphore(%run_scoped3A_35 : memref<!tpu.dma_semaphore, #tpu.memory_space<semaphore_mem>>) src(%dma_wait3A_55 : memref<128x96xf32, #tpu.memory_space<vmem>>) dst(%dma_wait3A_52 : memref<128x96xf32, #tpu.memory_space<vmem_shared>>)
      tpu.yield
    }) : () -> ()
    %add3A_12 = arith.constant 384 : i32
    %add3A_13 = arith.addi %mul3A_0, %add3A_12 : i32
    "tpu.region"() ({
      %run_scoped3A_35 = tpu.sem_alloc : memref<!tpu.dma_semaphore, #tpu.memory_space<semaphore_mem>>
      %dma_start3A_36 = arith.constant 0 : i32
      %dma_start3A_37 = arith.constant 0 : i32
      %dma_start3A_38 = tpu.memref_slice %arg8[%dma_start3A_36, %dma_start3A_37] : memref<128x96xf32, #tpu.memory_space<vmem>> -> memref<128x96xf32, #tpu.memory_space<vmem>>
      %dma_start3A_39 = arith.constant 0 : i32
      %dma_start3A_40 = tpu.memref_slice %arg10[%add3A_13, %dma_start3A_39] : memref<10112x96xf32, #tpu.memory_space<vmem_shared>> -> memref<128x96xf32, #tpu.memory_space<vmem_shared>>
      %dma_start3A_41 = arith.constant 0 : i32
      %dma_start3A_42 = tpu.memref_slice %arg10[%add3A_13, %dma_start3A_41] : memref<10112x96xf32, #tpu.memory_space<vmem_shared>> -> memref<128x96xf32, #tpu.memory_space<vmem_shared>>
      %dma_start3A_43 = arith.constant 0 : i32
      %dma_start3A_44 = arith.constant 0 : i32
      %dma_start3A_45 = tpu.memref_slice %arg8[%dma_start3A_43, %dma_start3A_44] : memref<128x96xf32, #tpu.memory_space<vmem>> -> memref<128x96xf32, #tpu.memory_space<vmem>>
      tpu.enqueue_dma source(%dma_start3A_45 : memref<128x96xf32, #tpu.memory_space<vmem>>) target(%dma_start3A_42 : memref<128x96xf32, #tpu.memory_space<vmem_shared>>) target_semaphore(%run_scoped3A_35 : memref<!tpu.dma_semaphore, #tpu.memory_space<semaphore_mem>>)
      %dma_wait3A_46 = arith.constant 0 : i32
      %dma_wait3A_47 = arith.constant 0 : i32
      %dma_wait3A_48 = tpu.memref_slice %arg8[%dma_wait3A_46, %dma_wait3A_47] : memref<128x96xf32, #tpu.memory_space<vmem>> -> memref<128x96xf32, #tpu.memory_space<vmem>>
      %dma_wait3A_49 = arith.constant 0 : i32
      %dma_wait3A_50 = tpu.memref_slice %arg10[%add3A_13, %dma_wait3A_49] : memref<10112x96xf32, #tpu.memory_space<vmem_shared>> -> memref<128x96xf32, #tpu.memory_space<vmem_shared>>
      %dma_wait3A_51 = arith.constant 0 : i32
      %dma_wait3A_52 = tpu.memref_slice %arg10[%add3A_13, %dma_wait3A_51] : memref<10112x96xf32, #tpu.memory_space<vmem_shared>> -> memref<128x96xf32, #tpu.memory_space<vmem_shared>>
      %dma_wait3A_53 = arith.constant 0 : i32
      %dma_wait3A_54 = arith.constant 0 : i32
      %dma_wait3A_55 = tpu.memref_slice %arg8[%dma_wait3A_53, %dma_wait3A_54] : memref<128x96xf32, #tpu.memory_space<vmem>> -> memref<128x96xf32, #tpu.memory_space<vmem>>
      tpu.wait_dma2 semaphore(%run_scoped3A_35 : memref<!tpu.dma_semaphore, #tpu.memory_space<semaphore_mem>>) src(%dma_wait3A_55 : memref<128x96xf32, #tpu.memory_space<vmem>>) dst(%dma_wait3A_52 : memref<128x96xf32, #tpu.memory_space<vmem_shared>>)
      tpu.yield
    }) : () -> ()
    %add3A_14 = arith.constant 512 : i32
    %add3A_15 = arith.addi %mul3A_0, %add3A_14 : i32
    "tpu.region"() ({
      %run_scoped3A_35 = tpu.sem_alloc : memref<!tpu.dma_semaphore, #tpu.memory_space<semaphore_mem>>
      %dma_start3A_36 = arith.constant 0 : i32
      %dma_start3A_37 = arith.constant 0 : i32
      %dma_start3A_38 = tpu.memref_slice %arg8[%dma_start3A_36, %dma_start3A_37] : memref<128x96xf32, #tpu.memory_space<vmem>> -> memref<120x96xf32, #tpu.memory_space<vmem>>
      %dma_start3A_39 = arith.constant 0 : i32
      %dma_start3A_40 = tpu.memref_slice %arg10[%add3A_15, %dma_start3A_39] : memref<10112x96xf32, #tpu.memory_space<vmem_shared>> -> memref<120x96xf32, #tpu.memory_space<vmem_shared>>
      %dma_start3A_41 = arith.constant 0 : i32
      %dma_start3A_42 = tpu.memref_slice %arg10[%add3A_15, %dma_start3A_41] : memref<10112x96xf32, #tpu.memory_space<vmem_shared>> -> memref<120x96xf32, #tpu.memory_space<vmem_shared>>
      %dma_start3A_43 = arith.constant 0 : i32
      %dma_start3A_44 = arith.constant 0 : i32
      %dma_start3A_45 = tpu.memref_slice %arg8[%dma_start3A_43, %dma_start3A_44] : memref<128x96xf32, #tpu.memory_space<vmem>> -> memref<120x96xf32, #tpu.memory_space<vmem>>
      tpu.enqueue_dma source(%dma_start3A_45 : memref<120x96xf32, #tpu.memory_space<vmem>>) target(%dma_start3A_42 : memref<120x96xf32, #tpu.memory_space<vmem_shared>>) target_semaphore(%run_scoped3A_35 : memref<!tpu.dma_semaphore, #tpu.memory_space<semaphore_mem>>)
      %dma_wait3A_46 = arith.constant 0 : i32
      %dma_wait3A_47 = arith.constant 0 : i32
      %dma_wait3A_48 = tpu.memref_slice %arg8[%dma_wait3A_46, %dma_wait3A_47] : memref<128x96xf32, #tpu.memory_space<vmem>> -> memref<120x96xf32, #tpu.memory_space<vmem>>
      %dma_wait3A_49 = arith.constant 0 : i32
      %dma_wait3A_50 = tpu.memref_slice %arg10[%add3A_15, %dma_wait3A_49] : memref<10112x96xf32, #tpu.memory_space<vmem_shared>> -> memref<120x96xf32, #tpu.memory_space<vmem_shared>>
      %dma_wait3A_51 = arith.constant 0 : i32
      %dma_wait3A_52 = tpu.memref_slice %arg10[%add3A_15, %dma_wait3A_51] : memref<10112x96xf32, #tpu.memory_space<vmem_shared>> -> memref<120x96xf32, #tpu.memory_space<vmem_shared>>
      %dma_wait3A_53 = arith.constant 0 : i32
      %dma_wait3A_54 = arith.constant 0 : i32
      %dma_wait3A_55 = tpu.memref_slice %arg8[%dma_wait3A_53, %dma_wait3A_54] : memref<128x96xf32, #tpu.memory_space<vmem>> -> memref<120x96xf32, #tpu.memory_space<vmem>>
      tpu.wait_dma2 semaphore(%run_scoped3A_35 : memref<!tpu.dma_semaphore, #tpu.memory_space<semaphore_mem>>) src(%dma_wait3A_55 : memref<120x96xf32, #tpu.memory_space<vmem>>) dst(%dma_wait3A_52 : memref<120x96xf32, #tpu.memory_space<vmem_shared>>)
      tpu.yield
    }) : () -> ()
    %barrier3A = arith.constant 0 : index
    tpu.barrier barrier_id(%barrier3A)
    "tpu.region"() ({
      %run_scoped3A_35 = tpu.sem_alloc : memref<!tpu.dma_semaphore, #tpu.memory_space<semaphore_mem>>
      %dma_start3A_36 = arith.constant 0 : i32
      %dma_start3A_37 = arith.constant 0 : i32
      %dma_start3A_38 = tpu.memref_slice %arg3[%arg0, %arg1, %dma_start3A_36, %dma_start3A_37] : memref<2x16x157x128xi32, #tpu.memory_space<hbm>> -> memref<1x1x157x128xi32, #tpu.memory_space<hbm>>
      %dma_start3A_39 = tpu.memref_squeeze %dma_start3A_38 : memref<1x1x157x128xi32, #tpu.memory_space<hbm>> -> memref<157x128xi32, #tpu.memory_space<hbm>>
      %dma_start3A_40 = arith.constant 0 : i32
      %dma_start3A_41 = arith.constant 0 : i32
      %dma_start3A_42 = tpu.memref_slice %arg3[%arg0, %arg1, %dma_start3A_40, %dma_start3A_41] : memref<2x16x157x128xi32, #tpu.memory_space<hbm>> -> memref<1x1x157x128xi32, #tpu.memory_space<hbm>>
      %dma_start3A_43 = tpu.memref_squeeze %dma_start3A_42 : memref<1x1x157x128xi32, #tpu.memory_space<hbm>> -> memref<157x128xi32, #tpu.memory_space<hbm>>
      tpu.enqueue_dma source(%dma_start3A_43 : memref<157x128xi32, #tpu.memory_space<hbm>>) target(%arg6 : memref<157x128xi32, #tpu.memory_space<vmem>>) target_semaphore(%run_scoped3A_35 : memref<!tpu.dma_semaphore, #tpu.memory_space<semaphore_mem>>)
      %dma_wait3A_44 = arith.constant 0 : i32
      %dma_wait3A_45 = arith.constant 0 : i32
      %dma_wait3A_46 = tpu.memref_slice %arg3[%arg0, %arg1, %dma_wait3A_44, %dma_wait3A_45] : memref<2x16x157x128xi32, #tpu.memory_space<hbm>> -> memref<1x1x157x128xi32, #tpu.memory_space<hbm>>
      %dma_wait3A_47 = tpu.memref_squeeze %dma_wait3A_46 : memref<1x1x157x128xi32, #tpu.memory_space<hbm>> -> memref<157x128xi32, #tpu.memory_space<hbm>>
      %dma_wait3A_48 = arith.constant 0 : i32
      %dma_wait3A_49 = arith.constant 0 : i32
      %dma_wait3A_50 = tpu.memref_slice %arg3[%arg0, %arg1, %dma_wait3A_48, %dma_wait3A_49] : memref<2x16x157x128xi32, #tpu.memory_space<hbm>> -> memref<1x1x157x128xi32, #tpu.memory_space<hbm>>
      %dma_wait3A_51 = tpu.memref_squeeze %dma_wait3A_50 : memref<1x1x157x128xi32, #tpu.memory_space<hbm>> -> memref<157x128xi32, #tpu.memory_space<hbm>>
      tpu.wait_dma2 semaphore(%run_scoped3A_35 : memref<!tpu.dma_semaphore, #tpu.memory_space<semaphore_mem>>) src(%dma_wait3A_51 : memref<157x128xi32, #tpu.memory_space<hbm>>) dst(%arg6 : memref<157x128xi32, #tpu.memory_space<vmem>>)
      tpu.yield
    }) : () -> ()
    "tpu.region"() ({
      %run_scoped3A_35 = tpu.sem_alloc : memref<!tpu.dma_semaphore, #tpu.memory_space<semaphore_mem>>
      %dma_start3A_36 = arith.constant 0 : i32
      %dma_start3A_37 = arith.constant 0 : i32
      %dma_start3A_38 = tpu.memref_slice %arg4[%arg1, %dma_start3A_36, %dma_start3A_37] : memref<16x157x128xi32, #tpu.memory_space<hbm>> -> memref<1x157x128xi32, #tpu.memory_space<hbm>>
      %dma_start3A_39 = tpu.memref_squeeze %dma_start3A_38 : memref<1x157x128xi32, #tpu.memory_space<hbm>> -> memref<157x128xi32, #tpu.memory_space<hbm>>
      %dma_start3A_40 = arith.constant 0 : i32
      %dma_start3A_41 = arith.constant 0 : i32
      %dma_start3A_42 = tpu.memref_slice %arg4[%arg1, %dma_start3A_40, %dma_start3A_41] : memref<16x157x128xi32, #tpu.memory_space<hbm>> -> memref<1x157x128xi32, #tpu.memory_space<hbm>>
      %dma_start3A_43 = tpu.memref_squeeze %dma_start3A_42 : memref<1x157x128xi32, #tpu.memory_space<hbm>> -> memref<157x128xi32, #tpu.memory_space<hbm>>
      tpu.enqueue_dma source(%dma_start3A_43 : memref<157x128xi32, #tpu.memory_space<hbm>>) target(%arg7 : memref<157x128xi32, #tpu.memory_space<vmem>>) target_semaphore(%run_scoped3A_35 : memref<!tpu.dma_semaphore, #tpu.memory_space<semaphore_mem>>)
      %dma_wait3A_44 = arith.constant 0 : i32
      %dma_wait3A_45 = arith.constant 0 : i32
      %dma_wait3A_46 = tpu.memref_slice %arg4[%arg1, %dma_wait3A_44, %dma_wait3A_45] : memref<16x157x128xi32, #tpu.memory_space<hbm>> -> memref<1x157x128xi32, #tpu.memory_space<hbm>>
      %dma_wait3A_47 = tpu.memref_squeeze %dma_wait3A_46 : memref<1x157x128xi32, #tpu.memory_space<hbm>> -> memref<157x128xi32, #tpu.memory_space<hbm>>
      %dma_wait3A_48 = arith.constant 0 : i32
      %dma_wait3A_49 = arith.constant 0 : i32
      %dma_wait3A_50 = tpu.memref_slice %arg4[%arg1, %dma_wait3A_48, %dma_wait3A_49] : memref<16x157x128xi32, #tpu.memory_space<hbm>> -> memref<1x157x128xi32, #tpu.memory_space<hbm>>
      %dma_wait3A_51 = tpu.memref_squeeze %dma_wait3A_50 : memref<1x157x128xi32, #tpu.memory_space<hbm>> -> memref<157x128xi32, #tpu.memory_space<hbm>>
      tpu.wait_dma2 semaphore(%run_scoped3A_35 : memref<!tpu.dma_semaphore, #tpu.memory_space<semaphore_mem>>) src(%dma_wait3A_51 : memref<157x128xi32, #tpu.memory_space<hbm>>) dst(%arg7 : memref<157x128xi32, #tpu.memory_space<vmem>>)
      tpu.yield
    }) : () -> ()
    %dma_start3A = arith.constant 0 : i32
    %dma_start3A_16 = arith.constant 0 : i32
    %dma_start3A_17 = tpu.memref_slice %arg6[%dma_start3A, %dma_start3A_16] : memref<157x128xi32, #tpu.memory_space<vmem>> -> memref<1x128xi32, #tpu.memory_space<vmem>>
    %dma_start3A_18 = tpu.memref_squeeze %dma_start3A_17 : memref<1x128xi32, #tpu.memory_space<vmem>> -> memref<128xi32, #tpu.memory_space<vmem>>
    %dma_start3A_19 = arith.constant 0 : i32
    %dma_start3A_20 = arith.constant 0 : i32
    %dma_start3A_21 = tpu.memref_slice %arg2[%dma_start3A_19, %dma_start3A_20] : memref<20000x96xf32, #tpu.memory_space<hbm>> -> memref<20000x96xf32, #tpu.memory_space<hbm>>
    tpu.enqueue_indirect_dma source(%dma_start3A_21 : memref<20000x96xf32, #tpu.memory_space<hbm>>) target(%arg8 : memref<128x96xf32, #tpu.memory_space<vmem>>) offsets(%dma_start3A_18 : memref<128xi32, #tpu.memory_space<vmem>>) semaphore(%arg11 : memref<!tpu.dma_semaphore, #tpu.memory_space<semaphore_mem>>)
    %scan3A_22 = arith.constant 0 : i32
    %scan3A_23 = arith.constant 0 : i32
    %scan3A_24 = arith.constant 78 : i32
    %scan3A_25 = arith.addi %scan3A_23, %scan3A_24 : i32
    %scan3A_26 = arith.constant 1 : i32
    scf.for %scan3A_35 = %scan3A_23 to %scan3A_25 step %scan3A_26  : i32 {
      %mul3A_36 = arith.constant 2 : i32
      %mul3A_37 = arith.muli %mul3A_36, %scan3A_35 : i32
      %add3A_38 = arith.constant 1 : i32
      %add3A_39 = arith.addi %mul3A_37, %add3A_38 : i32
      %dma_start3A_40 = arith.constant 0 : i32
      %dma_start3A_41 = tpu.memref_slice %arg6[%add3A_39, %dma_start3A_40] : memref<157x128xi32, #tpu.memory_space<vmem>> -> memref<1x128xi32, #tpu.memory_space<vmem>>
      %dma_start3A_42 = tpu.memref_squeeze %dma_start3A_41 : memref<1x128xi32, #tpu.memory_space<vmem>> -> memref<128xi32, #tpu.memory_space<vmem>>
      %dma_start3A_43 = arith.constant 0 : i32
      %dma_start3A_44 = arith.constant 0 : i32
      %dma_start3A_45 = tpu.memref_slice %arg2[%dma_start3A_43, %dma_start3A_44] : memref<20000x96xf32, #tpu.memory_space<hbm>> -> memref<20000x96xf32, #tpu.memory_space<hbm>>
      tpu.enqueue_indirect_dma source(%dma_start3A_45 : memref<20000x96xf32, #tpu.memory_space<hbm>>) target(%arg9 : memref<128x96xf32, #tpu.memory_space<vmem>>) offsets(%dma_start3A_42 : memref<128xi32, #tpu.memory_space<vmem>>) semaphore(%arg12 : memref<!tpu.dma_semaphore, #tpu.memory_space<semaphore_mem>>)
      %dma_wait3A_46 = arith.constant 0 : i32
      %dma_wait3A_47 = tpu.memref_slice %arg6[%mul3A_37, %dma_wait3A_46] : memref<157x128xi32, #tpu.memory_space<vmem>> -> memref<1x128xi32, #tpu.memory_space<vmem>>
      %dma_wait3A_48 = tpu.memref_squeeze %dma_wait3A_47 : memref<1x128xi32, #tpu.memory_space<vmem>> -> memref<128xi32, #tpu.memory_space<vmem>>
      %dma_wait3A_49 = arith.constant 0 : i32
      %dma_wait3A_50 = arith.constant 0 : i32
      %dma_wait3A_51 = tpu.memref_slice %arg2[%dma_wait3A_49, %dma_wait3A_50] : memref<20000x96xf32, #tpu.memory_space<hbm>> -> memref<20000x96xf32, #tpu.memory_space<hbm>>
      tpu.wait_indirect_dma semaphore(%arg11 : memref<!tpu.dma_semaphore, #tpu.memory_space<semaphore_mem>>) src(%dma_wait3A_51 : memref<20000x96xf32, #tpu.memory_space<hbm>>) dst(%arg8 : memref<128x96xf32, #tpu.memory_space<vmem>>)
      "tpu.region"() ({
        %run_scoped3A_70 = tpu.sem_alloc : memref<!tpu.dma_semaphore, #tpu.memory_space<semaphore_mem>>
        %dma_start3A_71 = arith.constant 0 : i32
        %dma_start3A_72 = tpu.memref_slice %arg7[%mul3A_37, %dma_start3A_71] : memref<157x128xi32, #tpu.memory_space<vmem>> -> memref<1x128xi32, #tpu.memory_space<vmem>>
        %dma_start3A_73 = tpu.memref_squeeze %dma_start3A_72 : memref<1x128xi32, #tpu.memory_space<vmem>> -> memref<128xi32, #tpu.memory_space<vmem>>
        %dma_start3A_74 = arith.constant 0 : i32
        %dma_start3A_75 = arith.constant 0 : i32
        %dma_start3A_76 = tpu.memref_slice %arg10[%dma_start3A_74, %dma_start3A_75] : memref<10112x96xf32, #tpu.memory_space<vmem_shared>> -> memref<10112x96xf32, #tpu.memory_space<vmem_shared>>
        tpu.enqueue_indirect_dma source(%arg8 : memref<128x96xf32, #tpu.memory_space<vmem>>) target(%dma_start3A_76 : memref<10112x96xf32, #tpu.memory_space<vmem_shared>>) offsets(%dma_start3A_73 : memref<128xi32, #tpu.memory_space<vmem>>) semaphore(%run_scoped3A_70 : memref<!tpu.dma_semaphore, #tpu.memory_space<semaphore_mem>>) {add = true}
        %dma_wait3A_77 = arith.constant 0 : i32
        %dma_wait3A_78 = tpu.memref_slice %arg7[%mul3A_37, %dma_wait3A_77] : memref<157x128xi32, #tpu.memory_space<vmem>> -> memref<1x128xi32, #tpu.memory_space<vmem>>
        %dma_wait3A_79 = tpu.memref_squeeze %dma_wait3A_78 : memref<1x128xi32, #tpu.memory_space<vmem>> -> memref<128xi32, #tpu.memory_space<vmem>>
        %dma_wait3A_80 = arith.constant 0 : i32
        %dma_wait3A_81 = arith.constant 0 : i32
        %dma_wait3A_82 = tpu.memref_slice %arg10[%dma_wait3A_80, %dma_wait3A_81] : memref<10112x96xf32, #tpu.memory_space<vmem_shared>> -> memref<10112x96xf32, #tpu.memory_space<vmem_shared>>
        tpu.wait_indirect_dma semaphore(%run_scoped3A_70 : memref<!tpu.dma_semaphore, #tpu.memory_space<semaphore_mem>>) src(%arg8 : memref<128x96xf32, #tpu.memory_space<vmem>>) dst(%dma_wait3A_82 : memref<10112x96xf32, #tpu.memory_space<vmem_shared>>)
        tpu.yield
      }) : () -> ()
      %add3A_52 = arith.constant 2 : i32
      %add3A_53 = arith.addi %mul3A_37, %add3A_52 : i32
      %dma_start3A_54 = arith.constant 0 : i32
      %dma_start3A_55 = tpu.memref_slice %arg6[%add3A_53, %dma_start3A_54] : memref<157x128xi32, #tpu.memory_space<vmem>> -> memref<1x128xi32, #tpu.memory_space<vmem>>
      %dma_start3A_56 = tpu.memref_squeeze %dma_start3A_55 : memref<1x128xi32, #tpu.memory_space<vmem>> -> memref<128xi32, #tpu.memory_space<vmem>>
      %dma_start3A_57 = arith.constant 0 : i32
      %dma_start3A_58 = arith.constant 0 : i32
      %dma_start3A_59 = tpu.memref_slice %arg2[%dma_start3A_57, %dma_start3A_58] : memref<20000x96xf32, #tpu.memory_space<hbm>> -> memref<20000x96xf32, #tpu.memory_space<hbm>>
      tpu.enqueue_indirect_dma source(%dma_start3A_59 : memref<20000x96xf32, #tpu.memory_space<hbm>>) target(%arg8 : memref<128x96xf32, #tpu.memory_space<vmem>>) offsets(%dma_start3A_56 : memref<128xi32, #tpu.memory_space<vmem>>) semaphore(%arg11 : memref<!tpu.dma_semaphore, #tpu.memory_space<semaphore_mem>>)
      %add3A_60 = arith.constant 1 : i32
      %add3A_61 = arith.addi %mul3A_37, %add3A_60 : i32
      %dma_wait3A_62 = arith.constant 0 : i32
      %dma_wait3A_63 = tpu.memref_slice %arg6[%add3A_61, %dma_wait3A_62] : memref<157x128xi32, #tpu.memory_space<vmem>> -> memref<1x128xi32, #tpu.memory_space<vmem>>
      %dma_wait3A_64 = tpu.memref_squeeze %dma_wait3A_63 : memref<1x128xi32, #tpu.memory_space<vmem>> -> memref<128xi32, #tpu.memory_space<vmem>>
      %dma_wait3A_65 = arith.constant 0 : i32
      %dma_wait3A_66 = arith.constant 0 : i32
      %dma_wait3A_67 = tpu.memref_slice %arg2[%dma_wait3A_65, %dma_wait3A_66] : memref<20000x96xf32, #tpu.memory_space<hbm>> -> memref<20000x96xf32, #tpu.memory_space<hbm>>
      tpu.wait_indirect_dma semaphore(%arg12 : memref<!tpu.dma_semaphore, #tpu.memory_space<semaphore_mem>>) src(%dma_wait3A_67 : memref<20000x96xf32, #tpu.memory_space<hbm>>) dst(%arg9 : memref<128x96xf32, #tpu.memory_space<vmem>>)
      %add3A_68 = arith.constant 1 : i32
      %add3A_69 = arith.addi %mul3A_37, %add3A_68 : i32
      "tpu.region"() ({
        %run_scoped3A_70 = tpu.sem_alloc : memref<!tpu.dma_semaphore, #tpu.memory_space<semaphore_mem>>
        %dma_start3A_71 = arith.constant 0 : i32
        %dma_start3A_72 = tpu.memref_slice %arg7[%add3A_69, %dma_start3A_71] : memref<157x128xi32, #tpu.memory_space<vmem>> -> memref<1x128xi32, #tpu.memory_space<vmem>>
        %dma_start3A_73 = tpu.memref_squeeze %dma_start3A_72 : memref<1x128xi32, #tpu.memory_space<vmem>> -> memref<128xi32, #tpu.memory_space<vmem>>
        %dma_start3A_74 = arith.constant 0 : i32
        %dma_start3A_75 = arith.constant 0 : i32
        %dma_start3A_76 = tpu.memref_slice %arg10[%dma_start3A_74, %dma_start3A_75] : memref<10112x96xf32, #tpu.memory_space<vmem_shared>> -> memref<10112x96xf32, #tpu.memory_space<vmem_shared>>
        tpu.enqueue_indirect_dma source(%arg9 : memref<128x96xf32, #tpu.memory_space<vmem>>) target(%dma_start3A_76 : memref<10112x96xf32, #tpu.memory_space<vmem_shared>>) offsets(%dma_start3A_73 : memref<128xi32, #tpu.memory_space<vmem>>) semaphore(%run_scoped3A_70 : memref<!tpu.dma_semaphore, #tpu.memory_space<semaphore_mem>>) {add = true}
        %dma_wait3A_77 = arith.constant 0 : i32
        %dma_wait3A_78 = tpu.memref_slice %arg7[%add3A_69, %dma_wait3A_77] : memref<157x128xi32, #tpu.memory_space<vmem>> -> memref<1x128xi32, #tpu.memory_space<vmem>>
        %dma_wait3A_79 = tpu.memref_squeeze %dma_wait3A_78 : memref<1x128xi32, #tpu.memory_space<vmem>> -> memref<128xi32, #tpu.memory_space<vmem>>
        %dma_wait3A_80 = arith.constant 0 : i32
        %dma_wait3A_81 = arith.constant 0 : i32
        %dma_wait3A_82 = tpu.memref_slice %arg10[%dma_wait3A_80, %dma_wait3A_81] : memref<10112x96xf32, #tpu.memory_space<vmem_shared>> -> memref<10112x96xf32, #tpu.memory_space<vmem_shared>>
        tpu.wait_indirect_dma semaphore(%run_scoped3A_70 : memref<!tpu.dma_semaphore, #tpu.memory_space<semaphore_mem>>) src(%arg9 : memref<128x96xf32, #tpu.memory_space<vmem>>) dst(%dma_wait3A_82 : memref<10112x96xf32, #tpu.memory_space<vmem_shared>>)
        tpu.yield
      }) : () -> ()
    }
    %scan3A_27 = arith.constant 78 : i32
    %dma_wait3A = arith.constant 156 : i32
    %dma_wait3A_28 = arith.constant 0 : i32
    %dma_wait3A_29 = tpu.memref_slice %arg6[%dma_wait3A, %dma_wait3A_28] : memref<157x128xi32, #tpu.memory_space<vmem>> -> memref<1x128xi32, #tpu.memory_space<vmem>>
    %dma_wait3A_30 = tpu.memref_squeeze %dma_wait3A_29 : memref<1x128xi32, #tpu.memory_space<vmem>> -> memref<128xi32, #tpu.memory_space<vmem>>
    %dma_wait3A_31 = arith.constant 0 : i32
    %dma_wait3A_32 = arith.constant 0 : i32
    %dma_wait3A_33 = tpu.memref_slice %arg2[%dma_wait3A_31, %dma_wait3A_32] : memref<20000x96xf32, #tpu.memory_space<hbm>> -> memref<20000x96xf32, #tpu.memory_space<hbm>>
    tpu.wait_indirect_dma semaphore(%arg11 : memref<!tpu.dma_semaphore, #tpu.memory_space<semaphore_mem>>) src(%dma_wait3A_33 : memref<20000x96xf32, #tpu.memory_space<hbm>>) dst(%arg8 : memref<128x96xf32, #tpu.memory_space<vmem>>)
    %run_scoped3A = arith.constant 156 : i32
    "tpu.region"() ({
      %run_scoped3A_35 = tpu.sem_alloc : memref<!tpu.dma_semaphore, #tpu.memory_space<semaphore_mem>>
      %dma_start3A_36 = arith.constant 0 : i32
      %dma_start3A_37 = tpu.memref_slice %arg7[%run_scoped3A, %dma_start3A_36] : memref<157x128xi32, #tpu.memory_space<vmem>> -> memref<1x128xi32, #tpu.memory_space<vmem>>
      %dma_start3A_38 = tpu.memref_squeeze %dma_start3A_37 : memref<1x128xi32, #tpu.memory_space<vmem>> -> memref<128xi32, #tpu.memory_space<vmem>>
      %dma_start3A_39 = arith.constant 0 : i32
      %dma_start3A_40 = arith.constant 0 : i32
      %dma_start3A_41 = tpu.memref_slice %arg10[%dma_start3A_39, %dma_start3A_40] : memref<10112x96xf32, #tpu.memory_space<vmem_shared>> -> memref<10112x96xf32, #tpu.memory_space<vmem_shared>>
      tpu.enqueue_indirect_dma source(%arg8 : memref<128x96xf32, #tpu.memory_space<vmem>>) target(%dma_start3A_41 : memref<10112x96xf32, #tpu.memory_space<vmem_shared>>) offsets(%dma_start3A_38 : memref<128xi32, #tpu.memory_space<vmem>>) semaphore(%run_scoped3A_35 : memref<!tpu.dma_semaphore, #tpu.memory_space<semaphore_mem>>) {add = true}
      %dma_wait3A_42 = arith.constant 0 : i32
      %dma_wait3A_43 = tpu.memref_slice %arg7[%run_scoped3A, %dma_wait3A_42] : memref<157x128xi32, #tpu.memory_space<vmem>> -> memref<1x128xi32, #tpu.memory_space<vmem>>
      %dma_wait3A_44 = tpu.memref_squeeze %dma_wait3A_43 : memref<1x128xi32, #tpu.memory_space<vmem>> -> memref<128xi32, #tpu.memory_space<vmem>>
      %dma_wait3A_45 = arith.constant 0 : i32
      %dma_wait3A_46 = arith.constant 0 : i32
      %dma_wait3A_47 = tpu.memref_slice %arg10[%dma_wait3A_45, %dma_wait3A_46] : memref<10112x96xf32, #tpu.memory_space<vmem_shared>> -> memref<10112x96xf32, #tpu.memory_space<vmem_shared>>
      tpu.wait_indirect_dma semaphore(%run_scoped3A_35 : memref<!tpu.dma_semaphore, #tpu.memory_space<semaphore_mem>>) src(%arg8 : memref<128x96xf32, #tpu.memory_space<vmem>>) dst(%dma_wait3A_47 : memref<10112x96xf32, #tpu.memory_space<vmem_shared>>)
      tpu.yield
    }) : () -> ()
    %barrier3A_34 = arith.constant 0 : index
    tpu.barrier barrier_id(%barrier3A_34)
    "tpu.region"() ({
      %run_scoped3A_35 = tpu.sem_alloc : memref<!tpu.dma_semaphore, #tpu.memory_space<semaphore_mem>>
      %dma_start3A_36 = arith.constant 0 : i32
      %dma_start3A_37 = tpu.memref_slice %arg5[%arg0, %mul3A_0, %dma_start3A_36] : memref<2x10112x96xf32, #tpu.memory_space<hbm>> -> memref<1x632x96xf32, #tpu.memory_space<hbm>>
      %dma_start3A_38 = tpu.memref_squeeze %dma_start3A_37 : memref<1x632x96xf32, #tpu.memory_space<hbm>> -> memref<632x96xf32, #tpu.memory_space<hbm>>
      %dma_start3A_39 = arith.constant 0 : i32
      %dma_start3A_40 = tpu.memref_slice %arg10[%mul3A_0, %dma_start3A_39] : memref<10112x96xf32, #tpu.memory_space<vmem_shared>> -> memref<632x96xf32, #tpu.memory_space<vmem_shared>>
      tpu.enqueue_dma source(%dma_start3A_40 : memref<632x96xf32, #tpu.memory_space<vmem_shared>>) target(%dma_start3A_38 : memref<632x96xf32, #tpu.memory_space<hbm>>) target_semaphore(%run_scoped3A_35 : memref<!tpu.dma_semaphore, #tpu.memory_space<semaphore_mem>>)
      %dma_wait3A_41 = arith.constant 0 : i32
      %dma_wait3A_42 = tpu.memref_slice %arg5[%arg0, %mul3A_0, %dma_wait3A_41] : memref<2x10112x96xf32, #tpu.memory_space<hbm>> -> memref<1x632x96xf32, #tpu.memory_space<hbm>>
      %dma_wait3A_43 = tpu.memref_squeeze %dma_wait3A_42 : memref<1x632x96xf32, #tpu.memory_space<hbm>> -> memref<632x96xf32, #tpu.memory_space<hbm>>
      %dma_wait3A_44 = arith.constant 0 : i32
      %dma_wait3A_45 = tpu.memref_slice %arg10[%mul3A_0, %dma_wait3A_44] : memref<10112x96xf32, #tpu.memory_space<vmem_shared>> -> memref<632x96xf32, #tpu.memory_space<vmem_shared>>
      tpu.wait_dma2 semaphore(%run_scoped3A_35 : memref<!tpu.dma_semaphore, #tpu.memory_space<semaphore_mem>>) src(%dma_wait3A_45 : memref<632x96xf32, #tpu.memory_space<vmem_shared>>) dst(%dma_wait3A_43 : memref<632x96xf32, #tpu.memory_space<hbm>>)
      tpu.yield
    }) : () -> ()
    return
  }
}

module attributes {stable_mosaic.version = 14 : i64} {
  func.func @_atom_body(%arg0: i32, %arg1: memref<400x88xf32, #tpu.memory_space<vmem>>, %arg2: memref<88x192xf32, #tpu.memory_space<vmem>>, %arg3: memref<1x192xf32, #tpu.memory_space<vmem>>, %arg4: memref<2x400x96xf32, #tpu.memory_space<vmem>>) attributes {dimension_semantics = [#tpu.dimension_semantics<arbitrary>], iteration_bounds = array<i64: 25>, scalar_prefetch = 0 : i64, scratch_operands = 0 : i64, tpu.core_type = #tpu.core_type<tc>, window_params = [{transform_indices = @transform_0, window_bounds = array<i64: 400, 88>}, {pipeline_mode = #tpu.pipeline_mode<synchronous>, transform_indices = @transform_1, window_bounds = array<i64: 88, 192>}, {pipeline_mode = #tpu.pipeline_mode<synchronous>, transform_indices = @transform_2, window_bounds = array<i64: 1, 192>}, {transform_indices = @transform_3, window_bounds = array<i64: 2, 400, 96>}]} {
    %get3A = arith.constant 0 : index
    %get3A_0 = arith.constant 0 : index
    %get3A_1 = vector.load %arg1[%get3A, %get3A_0] : memref<400x88xf32, #tpu.memory_space<vmem>>, vector<400x88xf32>
    %get3A_2 = arith.constant 0 : index
    %get3A_3 = arith.constant 0 : index
    %get3A_4 = vector.load %arg2[%get3A_2, %get3A_3] : memref<88x192xf32, #tpu.memory_space<vmem>>, vector<88x192xf32>
    %dot_general3A = arith.constant dense<0.000000e+00> : vector<400x192xf32>
    %dot_general3A_5 = tpu.matmul %get3A_1, %get3A_4, %dot_general3A {dimension_numbers = #tpu.dot_dimension_numbers<[1], [0], [0], [1], [0, 0, 1, 1], [], []>, transpose_lhs_hint = false} : vector<400x88xf32>, vector<88x192xf32>, vector<400x192xf32> -> vector<400x192xf32>
    %get3A_6 = arith.constant 0 : index
    %get3A_7 = arith.constant 0 : index
    %get3A_8 = vector.load %arg3[%get3A_6, %get3A_7] : memref<1x192xf32, #tpu.memory_space<vmem>>, vector<1x192xf32>
    %add3A = vector.broadcast %get3A_8 : vector<1x192xf32> to vector<400x192xf32>
    %add3A_9 = arith.addf %dot_general3A_5, %add3A : vector<400x192xf32>
    %slice3A = vector.extract_strided_slice %add3A_9 {offsets = [0, 0], sizes = [400, 96], strides = [1, 1]} : vector<400x192xf32> to vector<400x96xf32>
    %swap3A = arith.constant 0 : index
    %swap3A_10 = arith.constant 0 : index
    %swap3A_11 = arith.constant 0 : index
    %swap3A_12 = vector.load %arg4[%swap3A, %swap3A_10, %swap3A_11] : memref<2x400x96xf32, #tpu.memory_space<vmem>>, vector<1x400x96xf32>
    %swap3A_13 = vector.shape_cast %swap3A_12 : vector<1x400x96xf32> to vector<400x96xf32>
    %swap3A_14 = vector.shape_cast %slice3A : vector<400x96xf32> to vector<1x400x96xf32>
    tpu.vector_store %arg4[%swap3A, %swap3A_10, %swap3A_11], %swap3A_14 {strides = array<i32>} : memref<2x400x96xf32, #tpu.memory_space<vmem>>, vector<1x400x96xf32>,
    %slice3A_15 = vector.extract_strided_slice %add3A_9 {offsets = [0, 96], sizes = [400, 96], strides = [1, 1]} : vector<400x192xf32> to vector<400x96xf32>
    %swap3A_16 = arith.constant 1 : index
    %swap3A_17 = arith.constant 0 : index
    %swap3A_18 = arith.constant 0 : index
    %swap3A_19 = vector.load %arg4[%swap3A_16, %swap3A_17, %swap3A_18] : memref<2x400x96xf32, #tpu.memory_space<vmem>>, vector<1x400x96xf32>
    %swap3A_20 = vector.shape_cast %swap3A_19 : vector<1x400x96xf32> to vector<400x96xf32>
    %swap3A_21 = vector.shape_cast %slice3A_15 : vector<400x96xf32> to vector<1x400x96xf32>
    tpu.vector_store %arg4[%swap3A_16, %swap3A_17, %swap3A_18], %swap3A_21 {strides = array<i32>} : memref<2x400x96xf32, #tpu.memory_space<vmem>>, vector<1x400x96xf32>,
    return
  }
  func.func @transform_0(%arg0: i32) -> (i32, i32) {
    %c0_i32 = arith.constant 0 : i32
    %c0_i32_0 = arith.constant 0 : i32
    return %arg0, %c0_i32 : i32, i32
  }
  func.func @transform_1(%arg0: i32) -> (i32, i32) {
    %c0_i32 = arith.constant 0 : i32
    %c0_i32_0 = arith.constant 0 : i32
    %c0_i32_1 = arith.constant 0 : i32
    return %c0_i32, %c0_i32_0 : i32, i32
  }
  func.func @transform_2(%arg0: i32) -> (i32, i32) {
    %c0_i32 = arith.constant 0 : i32
    %c0_i32_0 = arith.constant 0 : i32
    %c0_i32_1 = arith.constant 0 : i32
    return %c0_i32, %c0_i32_0 : i32, i32
  }
  func.func @transform_3(%arg0: i32) -> (i32, i32, i32) {
    %c0_i32 = arith.constant 0 : i32
    %c0_i32_0 = arith.constant 0 : i32
    %c0_i32_1 = arith.constant 0 : i32
    return %c0_i32, %arg0, %c0_i32_0 : i32, i32, i32
  }
}

module attributes {stable_mosaic.version = 14 : i64} {
  func.func @_layer_body(%arg0: i32, %arg1: memref<2x400x96xf32, #tpu.memory_space<vmem>>, %arg2: memref<2x400x96xf32, #tpu.memory_space<vmem>>, %arg3: memref<2x400x16xf32, #tpu.memory_space<vmem>>, %arg4: memref<16x192xf32, #tpu.memory_space<vmem>>, %arg5: memref<192x192xf32, #tpu.memory_space<vmem>>, %arg6: memref<1x192xf32, #tpu.memory_space<vmem>>, %arg7: memref<192x192xf32, #tpu.memory_space<vmem>>, %arg8: memref<1x192xf32, #tpu.memory_space<vmem>>, %arg9: memref<2x400x96xf32, #tpu.memory_space<vmem>>) attributes {dimension_semantics = [#tpu.dimension_semantics<arbitrary>], iteration_bounds = array<i64: 25>, scalar_prefetch = 0 : i64, scratch_operands = 0 : i64, tpu.core_type = #tpu.core_type<tc>, window_params = [{transform_indices = @transform_0, window_bounds = array<i64: 2, 400, 96>}, {transform_indices = @transform_1, window_bounds = array<i64: 2, 400, 96>}, {transform_indices = @transform_2, window_bounds = array<i64: 2, 400, 16>}, {pipeline_mode = #tpu.pipeline_mode<synchronous>, transform_indices = @transform_3, window_bounds = array<i64: 16, 192>}, {pipeline_mode = #tpu.pipeline_mode<synchronous>, transform_indices = @transform_4, window_bounds = array<i64: 192, 192>}, {pipeline_mode = #tpu.pipeline_mode<synchronous>, transform_indices = @transform_5, window_bounds = array<i64: 1, 192>}, {pipeline_mode = #tpu.pipeline_mode<synchronous>, transform_indices = @transform_6, window_bounds = array<i64: 192, 192>}, {pipeline_mode = #tpu.pipeline_mode<synchronous>, transform_indices = @transform_7, window_bounds = array<i64: 1, 192>}, {transform_indices = @transform_8, window_bounds = array<i64: 2, 400, 96>}]} {
    %get3A = arith.constant 0 : index
    %get3A_0 = arith.constant 0 : index
    %get3A_1 = arith.constant 0 : index
    %get3A_2 = vector.load %arg1[%get3A, %get3A_0, %get3A_1] : memref<2x400x96xf32, #tpu.memory_space<vmem>>, vector<1x400x96xf32>
    %get3A_3 = vector.shape_cast %get3A_2 : vector<1x400x96xf32> to vector<400x96xf32>
    %get3A_4 = arith.constant 1 : index
    %get3A_5 = arith.constant 0 : index
    %get3A_6 = arith.constant 0 : index
    %get3A_7 = vector.load %arg1[%get3A_4, %get3A_5, %get3A_6] : memref<2x400x96xf32, #tpu.memory_space<vmem>>, vector<1x400x96xf32>
    %get3A_8 = vector.shape_cast %get3A_7 : vector<1x400x96xf32> to vector<400x96xf32>
    %concatenate3A = tpu.concatenate %get3A_3, %get3A_8 in 1 : vector<400x96xf32>, vector<400x96xf32> -> vector<400x192xf32>
    %get3A_9 = arith.constant 0 : index
    %get3A_10 = arith.constant 0 : index
    %get3A_11 = arith.constant 0 : index
    %get3A_12 = vector.load %arg2[%get3A_9, %get3A_10, %get3A_11] : memref<2x400x96xf32, #tpu.memory_space<vmem>>, vector<1x400x96xf32>
    %get3A_13 = vector.shape_cast %get3A_12 : vector<1x400x96xf32> to vector<400x96xf32>
    %get3A_14 = arith.constant 1 : index
    %get3A_15 = arith.constant 0 : index
    %get3A_16 = arith.constant 0 : index
    %get3A_17 = vector.load %arg2[%get3A_14, %get3A_15, %get3A_16] : memref<2x400x96xf32, #tpu.memory_space<vmem>>, vector<1x400x96xf32>
    %get3A_18 = vector.shape_cast %get3A_17 : vector<1x400x96xf32> to vector<400x96xf32>
    %concatenate3A_19 = tpu.concatenate %get3A_13, %get3A_18 in 1 : vector<400x96xf32>, vector<400x96xf32> -> vector<400x192xf32>
    %add3A = arith.addf %concatenate3A, %concatenate3A_19 : vector<400x192xf32>
    %get3A_20 = arith.constant 0 : index
    %get3A_21 = arith.constant 0 : index
    %get3A_22 = arith.constant 0 : index
    %get3A_23 = vector.load %arg3[%get3A_20, %get3A_21, %get3A_22] : memref<2x400x16xf32, #tpu.memory_space<vmem>>, vector<1x400x16xf32>
    %get3A_24 = vector.shape_cast %get3A_23 : vector<1x400x16xf32> to vector<400x16xf32>
    %get3A_25 = arith.constant 1 : index
    %get3A_26 = arith.constant 0 : index
    %get3A_27 = arith.constant 0 : index
    %get3A_28 = vector.load %arg3[%get3A_25, %get3A_26, %get3A_27] : memref<2x400x16xf32, #tpu.memory_space<vmem>>, vector<1x400x16xf32>
    %get3A_29 = vector.shape_cast %get3A_28 : vector<1x400x16xf32> to vector<400x16xf32>
    %add3A_30 = arith.addf %get3A_24, %get3A_29 : vector<400x16xf32>
    %get3A_31 = arith.constant 0 : index
    %get3A_32 = arith.constant 0 : index
    %get3A_33 = vector.load %arg4[%get3A_31, %get3A_32] : memref<16x192xf32, #tpu.memory_space<vmem>>, vector<16x192xf32>
    %dot_general3A = arith.constant dense<0.000000e+00> : vector<400x192xf32>
    %dot_general3A_34 = tpu.matmul %add3A_30, %get3A_33, %dot_general3A {dimension_numbers = #tpu.dot_dimension_numbers<[1], [0], [0], [1], [0, 0, 1, 1], [], []>, transpose_lhs_hint = false} : vector<400x16xf32>, vector<16x192xf32>, vector<400x192xf32> -> vector<400x192xf32>
    %add3A_35 = arith.addf %add3A, %dot_general3A_34 : vector<400x192xf32>
    %get3A_36 = arith.constant 0 : index
    %get3A_37 = arith.constant 0 : index
    %get3A_38 = vector.load %arg5[%get3A_36, %get3A_37] : memref<192x192xf32, #tpu.memory_space<vmem>>, vector<192x192xf32>
    %dot_general3A_39 = arith.constant dense<0.000000e+00> : vector<400x192xf32>
    %dot_general3A_40 = tpu.matmul %add3A_35, %get3A_38, %dot_general3A_39 {dimension_numbers = #tpu.dot_dimension_numbers<[1], [0], [0], [1], [0, 0, 1, 1], [], []>, transpose_lhs_hint = false} : vector<400x192xf32>, vector<192x192xf32>, vector<400x192xf32> -> vector<400x192xf32>
    %get3A_41 = arith.constant 0 : index
    %get3A_42 = arith.constant 0 : index
    %get3A_43 = vector.load %arg6[%get3A_41, %get3A_42] : memref<1x192xf32, #tpu.memory_space<vmem>>, vector<1x192xf32>
    %add3A_44 = vector.broadcast %get3A_43 : vector<1x192xf32> to vector<400x192xf32>
    %add3A_45 = arith.addf %dot_general3A_40, %add3A_44 : vector<400x192xf32>
    %mul3A = arith.constant 5.000000e-01 : f32
    %mul3A_46 = vector.broadcast %mul3A : f32 to vector<400x192xf32>
    %mul3A_47 = arith.mulf %mul3A_46, %add3A_45 : vector<400x192xf32>
    %mul3A_48 = arith.constant 0.707106769 : f32
    %mul3A_49 = vector.broadcast %mul3A_48 : f32 to vector<400x192xf32>
    %mul3A_50 = arith.mulf %add3A_45, %mul3A_49 : vector<400x192xf32>
    %erf3A = math.erf %mul3A_50 : vector<400x192xf32>
    %add3A_51 = arith.constant 1.000000e+00 : f32
    %add3A_52 = vector.broadcast %add3A_51 : f32 to vector<400x192xf32>
    %add3A_53 = arith.addf %add3A_52, %erf3A : vector<400x192xf32>
    %mul3A_54 = arith.mulf %mul3A_47, %add3A_53 : vector<400x192xf32>
    %get3A_55 = arith.constant 0 : index
    %get3A_56 = arith.constant 0 : index
    %get3A_57 = vector.load %arg7[%get3A_55, %get3A_56] : memref<192x192xf32, #tpu.memory_space<vmem>>, vector<192x192xf32>
    %dot_general3A_58 = arith.constant dense<0.000000e+00> : vector<400x192xf32>
    %dot_general3A_59 = tpu.matmul %mul3A_54, %get3A_57, %dot_general3A_58 {dimension_numbers = #tpu.dot_dimension_numbers<[1], [0], [0], [1], [0, 0, 1, 1], [], []>, transpose_lhs_hint = false} : vector<400x192xf32>, vector<192x192xf32>, vector<400x192xf32> -> vector<400x192xf32>
    %get3A_60 = arith.constant 0 : index
    %get3A_61 = arith.constant 0 : index
    %get3A_62 = vector.load %arg8[%get3A_60, %get3A_61] : memref<1x192xf32, #tpu.memory_space<vmem>>, vector<1x192xf32>
    %add3A_63 = vector.broadcast %get3A_62 : vector<1x192xf32> to vector<400x192xf32>
    %add3A_64 = arith.addf %dot_general3A_59, %add3A_63 : vector<400x192xf32>
    %slice3A = vector.extract_strided_slice %add3A_64 {offsets = [0, 0], sizes = [400, 96], strides = [1, 1]} : vector<400x192xf32> to vector<400x96xf32>
    %swap3A = arith.constant 0 : index
    %swap3A_65 = arith.constant 0 : index
    %swap3A_66 = arith.constant 0 : index
    %swap3A_67 = vector.load %arg9[%swap3A, %swap3A_65, %swap3A_66] : memref<2x400x96xf32, #tpu.memory_space<vmem>>, vector<1x400x96xf32>
    %swap3A_68 = vector.shape_cast %swap3A_67 : vector<1x400x96xf32> to vector<400x96xf32>
    %swap3A_69 = vector.shape_cast %slice3A : vector<400x96xf32> to vector<1x400x96xf32>
    tpu.vector_store %arg9[%swap3A, %swap3A_65, %swap3A_66], %swap3A_69 {strides = array<i32>} : memref<2x400x96xf32, #tpu.memory_space<vmem>>, vector<1x400x96xf32>,
    %slice3A_70 = vector.extract_strided_slice %add3A_64 {offsets = [0, 96], sizes = [400, 96], strides = [1, 1]} : vector<400x192xf32> to vector<400x96xf32>
    %swap3A_71 = arith.constant 1 : index
    %swap3A_72 = arith.constant 0 : index
    %swap3A_73 = arith.constant 0 : index
    %swap3A_74 = vector.load %arg9[%swap3A_71, %swap3A_72, %swap3A_73] : memref<2x400x96xf32, #tpu.memory_space<vmem>>, vector<1x400x96xf32>
    %swap3A_75 = vector.shape_cast %swap3A_74 : vector<1x400x96xf32> to vector<400x96xf32>
    %swap3A_76 = vector.shape_cast %slice3A_70 : vector<400x96xf32> to vector<1x400x96xf32>
    tpu.vector_store %arg9[%swap3A_71, %swap3A_72, %swap3A_73], %swap3A_76 {strides = array<i32>} : memref<2x400x96xf32, #tpu.memory_space<vmem>>, vector<1x400x96xf32>,
    return
  }
  func.func @transform_0(%arg0: i32) -> (i32, i32, i32) {
    %c0_i32 = arith.constant 0 : i32
    %c0_i32_0 = arith.constant 0 : i32
    %c0_i32_1 = arith.constant 0 : i32
    return %c0_i32, %arg0, %c0_i32_0 : i32, i32, i32
  }
  func.func @transform_1(%arg0: i32) -> (i32, i32, i32) {
    %c0_i32 = arith.constant 0 : i32
    %c0_i32_0 = arith.constant 0 : i32
    %c0_i32_1 = arith.constant 0 : i32
    return %c0_i32, %arg0, %c0_i32_0 : i32, i32, i32
  }
  func.func @transform_2(%arg0: i32) -> (i32, i32, i32) {
    %c0_i32 = arith.constant 0 : i32
    %c0_i32_0 = arith.constant 0 : i32
    %c0_i32_1 = arith.constant 0 : i32
    return %c0_i32, %arg0, %c0_i32_0 : i32, i32, i32
  }
  func.func @transform_3(%arg0: i32) -> (i32, i32) {
    %c0_i32 = arith.constant 0 : i32
    %c0_i32_0 = arith.constant 0 : i32
    %c0_i32_1 = arith.constant 0 : i32
    return %c0_i32, %c0_i32_0 : i32, i32
  }
  func.func @transform_4(%arg0: i32) -> (i32, i32) {
    %c0_i32 = arith.constant 0 : i32
    %c0_i32_0 = arith.constant 0 : i32
    %c0_i32_1 = arith.constant 0 : i32
    return %c0_i32, %c0_i32_0 : i32, i32
  }
  func.func @transform_5(%arg0: i32) -> (i32, i32) {
    %c0_i32 = arith.constant 0 : i32
    %c0_i32_0 = arith.constant 0 : i32
    %c0_i32_1 = arith.constant 0 : i32
    return %c0_i32, %c0_i32_0 : i32, i32
  }
  func.func @transform_6(%arg0: i32) -> (i32, i32) {
    %c0_i32 = arith.constant 0 : i32
    %c0_i32_0 = arith.constant 0 : i32
    %c0_i32_1 = arith.constant 0 : i32
    return %c0_i32, %c0_i32_0 : i32, i32
  }
  func.func @transform_7(%arg0: i32) -> (i32, i32) {
    %c0_i32 = arith.constant 0 : i32
    %c0_i32_0 = arith.constant 0 : i32
    %c0_i32_1 = arith.constant 0 : i32
    return %c0_i32, %c0_i32_0 : i32, i32
  }
  func.func @transform_8(%arg0: i32) -> (i32, i32, i32) {
    %c0_i32 = arith.constant 0 : i32
    %c0_i32_0 = arith.constant 0 : i32
    %c0_i32_1 = arith.constant 0 : i32
    return %c0_i32, %arg0, %c0_i32_0 : i32, i32, i32
  }
}

module attributes {stable_mosaic.version = 14 : i64} {
  func.func @_final_body(%arg0: i32, %arg1: memref<2x400x96xf32, #tpu.memory_space<vmem>>, %arg2: memref<2x400x96xf32, #tpu.memory_space<vmem>>, %arg3: memref<2x400x16xf32, #tpu.memory_space<vmem>>, %arg4: memref<16x192xf32, #tpu.memory_space<vmem>>, %arg5: memref<192x192xf32, #tpu.memory_space<vmem>>, %arg6: memref<1x192xf32, #tpu.memory_space<vmem>>, %arg7: memref<192x192xf32, #tpu.memory_space<vmem>>, %arg8: memref<1x192xf32, #tpu.memory_space<vmem>>, %arg9: memref<192x192xf32, #tpu.memory_space<vmem>>, %arg10: memref<1x192xf32, #tpu.memory_space<vmem>>, %arg11: memref<192x192xf32, #tpu.memory_space<vmem>>, %arg12: memref<1x192xf32, #tpu.memory_space<vmem>>, %arg13: memref<1x192xf32, #tpu.memory_space<vmem>>, %arg14: memref<3x192xf32, #tpu.memory_space<vmem>>, %arg15: memref<1x192xf32, #tpu.memory_space<vmem>>) attributes {dimension_semantics = [#tpu.dimension_semantics<arbitrary>], iteration_bounds = array<i64: 25>, scalar_prefetch = 0 : i64, scratch_operands = 1 : i64, tpu.core_type = #tpu.core_type<tc>, window_params = [{transform_indices = @transform_0, window_bounds = array<i64: 2, 400, 96>}, {transform_indices = @transform_1, window_bounds = array<i64: 2, 400, 96>}, {transform_indices = @transform_2, window_bounds = array<i64: 2, 400, 16>}, {pipeline_mode = #tpu.pipeline_mode<synchronous>, transform_indices = @transform_3, window_bounds = array<i64: 16, 192>}, {pipeline_mode = #tpu.pipeline_mode<synchronous>, transform_indices = @transform_4, window_bounds = array<i64: 192, 192>}, {pipeline_mode = #tpu.pipeline_mode<synchronous>, transform_indices = @transform_5, window_bounds = array<i64: 1, 192>}, {pipeline_mode = #tpu.pipeline_mode<synchronous>, transform_indices = @transform_6, window_bounds = array<i64: 192, 192>}, {pipeline_mode = #tpu.pipeline_mode<synchronous>, transform_indices = @transform_7, window_bounds = array<i64: 1, 192>}, {pipeline_mode = #tpu.pipeline_mode<synchronous>, transform_indices = @transform_8, window_bounds = array<i64: 192, 192>}, {pipeline_mode = #tpu.pipeline_mode<synchronous>, transform_indices = @transform_9, window_bounds = array<i64: 1, 192>}, {pipeline_mode = #tpu.pipeline_mode<synchronous>, transform_indices = @transform_10, window_bounds = array<i64: 192, 192>}, {pipeline_mode = #tpu.pipeline_mode<synchronous>, transform_indices = @transform_11, window_bounds = array<i64: 1, 192>}, {pipeline_mode = #tpu.pipeline_mode<synchronous>, transform_indices = @transform_12, window_bounds = array<i64: 1, 192>}, {pipeline_mode = #tpu.pipeline_mode<synchronous>, transform_indices = @transform_13, window_bounds = array<i64: 3, 192>}]} {
    %get3A = arith.constant 0 : index
    %get3A_0 = arith.constant 0 : index
    %get3A_1 = arith.constant 0 : index
    %get3A_2 = vector.load %arg1[%get3A, %get3A_0, %get3A_1] : memref<2x400x96xf32, #tpu.memory_space<vmem>>, vector<1x400x96xf32>
    %get3A_3 = vector.shape_cast %get3A_2 : vector<1x400x96xf32> to vector<400x96xf32>
    %get3A_4 = arith.constant 1 : index
    %get3A_5 = arith.constant 0 : index
    %get3A_6 = arith.constant 0 : index
    %get3A_7 = vector.load %arg1[%get3A_4, %get3A_5, %get3A_6] : memref<2x400x96xf32, #tpu.memory_space<vmem>>, vector<1x400x96xf32>
    %get3A_8 = vector.shape_cast %get3A_7 : vector<1x400x96xf32> to vector<400x96xf32>
    %concatenate3A = tpu.concatenate %get3A_3, %get3A_8 in 1 : vector<400x96xf32>, vector<400x96xf32> -> vector<400x192xf32>
    %get3A_9 = arith.constant 0 : index
    %get3A_10 = arith.constant 0 : index
    %get3A_11 = arith.constant 0 : index
    %get3A_12 = vector.load %arg2[%get3A_9, %get3A_10, %get3A_11] : memref<2x400x96xf32, #tpu.memory_space<vmem>>, vector<1x400x96xf32>
    %get3A_13 = vector.shape_cast %get3A_12 : vector<1x400x96xf32> to vector<400x96xf32>
    %get3A_14 = arith.constant 1 : index
    %get3A_15 = arith.constant 0 : index
    %get3A_16 = arith.constant 0 : index
    %get3A_17 = vector.load %arg2[%get3A_14, %get3A_15, %get3A_16] : memref<2x400x96xf32, #tpu.memory_space<vmem>>, vector<1x400x96xf32>
    %get3A_18 = vector.shape_cast %get3A_17 : vector<1x400x96xf32> to vector<400x96xf32>
    %concatenate3A_19 = tpu.concatenate %get3A_13, %get3A_18 in 1 : vector<400x96xf32>, vector<400x96xf32> -> vector<400x192xf32>
    %add3A = arith.addf %concatenate3A, %concatenate3A_19 : vector<400x192xf32>
    %get3A_20 = arith.constant 0 : index
    %get3A_21 = arith.constant 0 : index
    %get3A_22 = arith.constant 0 : index
    %get3A_23 = vector.load %arg3[%get3A_20, %get3A_21, %get3A_22] : memref<2x400x16xf32, #tpu.memory_space<vmem>>, vector<1x400x16xf32>
    %get3A_24 = vector.shape_cast %get3A_23 : vector<1x400x16xf32> to vector<400x16xf32>
    %get3A_25 = arith.constant 1 : index
    %get3A_26 = arith.constant 0 : index
    %get3A_27 = arith.constant 0 : index
    %get3A_28 = vector.load %arg3[%get3A_25, %get3A_26, %get3A_27] : memref<2x400x16xf32, #tpu.memory_space<vmem>>, vector<1x400x16xf32>
    %get3A_29 = vector.shape_cast %get3A_28 : vector<1x400x16xf32> to vector<400x16xf32>
    %add3A_30 = arith.addf %get3A_24, %get3A_29 : vector<400x16xf32>
    %get3A_31 = arith.constant 0 : index
    %get3A_32 = arith.constant 0 : index
    %get3A_33 = vector.load %arg4[%get3A_31, %get3A_32] : memref<16x192xf32, #tpu.memory_space<vmem>>, vector<16x192xf32>
    %dot_general3A = arith.constant dense<0.000000e+00> : vector<400x192xf32>
    %dot_general3A_34 = tpu.matmul %add3A_30, %get3A_33, %dot_general3A {dimension_numbers = #tpu.dot_dimension_numbers<[1], [0], [0], [1], [0, 0, 1, 1], [], []>, transpose_lhs_hint = false} : vector<400x16xf32>, vector<16x192xf32>, vector<400x192xf32> -> vector<400x192xf32>
    %add3A_35 = arith.addf %add3A, %dot_general3A_34 : vector<400x192xf32>
    %get3A_36 = arith.constant 0 : index
    %get3A_37 = arith.constant 0 : index
    %get3A_38 = vector.load %arg5[%get3A_36, %get3A_37] : memref<192x192xf32, #tpu.memory_space<vmem>>, vector<192x192xf32>
    %dot_general3A_39 = arith.constant dense<0.000000e+00> : vector<400x192xf32>
    %dot_general3A_40 = tpu.matmul %add3A_35, %get3A_38, %dot_general3A_39 {dimension_numbers = #tpu.dot_dimension_numbers<[1], [0], [0], [1], [0, 0, 1, 1], [], []>, transpose_lhs_hint = false} : vector<400x192xf32>, vector<192x192xf32>, vector<400x192xf32> -> vector<400x192xf32>
    %get3A_41 = arith.constant 0 : index
    %get3A_42 = arith.constant 0 : index
    %get3A_43 = vector.load %arg6[%get3A_41, %get3A_42] : memref<1x192xf32, #tpu.memory_space<vmem>>, vector<1x192xf32>
    %add3A_44 = vector.broadcast %get3A_43 : vector<1x192xf32> to vector<400x192xf32>
    %add3A_45 = arith.addf %dot_general3A_40, %add3A_44 : vector<400x192xf32>
    %mul3A = arith.constant 5.000000e-01 : f32
    %mul3A_46 = vector.broadcast %mul3A : f32 to vector<400x192xf32>
    %mul3A_47 = arith.mulf %mul3A_46, %add3A_45 : vector<400x192xf32>
    %mul3A_48 = arith.constant 0.707106769 : f32
    %mul3A_49 = vector.broadcast %mul3A_48 : f32 to vector<400x192xf32>
    %mul3A_50 = arith.mulf %add3A_45, %mul3A_49 : vector<400x192xf32>
    %erf3A = math.erf %mul3A_50 : vector<400x192xf32>
    %add3A_51 = arith.constant 1.000000e+00 : f32
    %add3A_52 = vector.broadcast %add3A_51 : f32 to vector<400x192xf32>
    %add3A_53 = arith.addf %add3A_52, %erf3A : vector<400x192xf32>
    %mul3A_54 = arith.mulf %mul3A_47, %add3A_53 : vector<400x192xf32>
    %get3A_55 = arith.constant 0 : index
    %get3A_56 = arith.constant 0 : index
    %get3A_57 = vector.load %arg7[%get3A_55, %get3A_56] : memref<192x192xf32, #tpu.memory_space<vmem>>, vector<192x192xf32>
    %dot_general3A_58 = arith.constant dense<0.000000e+00> : vector<400x192xf32>
    %dot_general3A_59 = tpu.matmul %mul3A_54, %get3A_57, %dot_general3A_58 {dimension_numbers = #tpu.dot_dimension_numbers<[1], [0], [0], [1], [0, 0, 1, 1], [], []>, transpose_lhs_hint = false} : vector<400x192xf32>, vector<192x192xf32>, vector<400x192xf32> -> vector<400x192xf32>
    %get3A_60 = arith.constant 0 : index
    %get3A_61 = arith.constant 0 : index
    %get3A_62 = vector.load %arg8[%get3A_60, %get3A_61] : memref<1x192xf32, #tpu.memory_space<vmem>>, vector<1x192xf32>
    %add3A_63 = vector.broadcast %get3A_62 : vector<1x192xf32> to vector<400x192xf32>
    %add3A_64 = arith.addf %dot_general3A_59, %add3A_63 : vector<400x192xf32>
    %reduce_sum3A = arith.constant dense<0.000000e+00> : vector<192xf32>
    %reduce_sum3A_65 = vector.multi_reduction <add>, %add3A_64, %reduce_sum3A [0] : vector<400x192xf32> to vector<192xf32>
    %broadcast_in_dim3A = vector.shape_cast %reduce_sum3A_65 : vector<192xf32> to vector<1x192xf32>
    %eq3A = arith.constant 0 : i32
    %eq3A_66 = arith.cmpi eq, %arg0, %eq3A : i32
    %convert_element_type3A = arith.extui %eq3A_66 : i1 to i32
    %cond3A = arith.constant 0 : i32
    %cond3A_67 = arith.cmpi ne, %convert_element_type3A, %cond3A : i32
    scf.if %cond3A_67 {
      %swap3A = arith.constant 0 : index
      %swap3A_77 = arith.constant 0 : index
      %swap3A_78 = vector.load %arg15[%swap3A, %swap3A_77] : memref<1x192xf32, #tpu.memory_space<vmem>>, vector<1x192xf32>
      tpu.vector_store %arg15[%swap3A, %swap3A_77], %broadcast_in_dim3A {strides = array<i32>} : memref<1x192xf32, #tpu.memory_space<vmem>>, vector<1x192xf32>,
    } else {
    }
    %gt3A = arith.constant 0 : i32
    %gt3A_68 = arith.cmpi sgt, %arg0, %gt3A : i32
    %convert_element_type3A_69 = arith.extui %gt3A_68 : i1 to i32
    %cond3A_70 = arith.constant 0 : i32
    %cond3A_71 = arith.cmpi ne, %convert_element_type3A_69, %cond3A_70 : i32
    scf.if %cond3A_71 {
      %get3A_77 = arith.constant 0 : index
      %get3A_78 = arith.constant 0 : index
      %get3A_79 = vector.load %arg15[%get3A_77, %get3A_78] : memref<1x192xf32, #tpu.memory_space<vmem>>, vector<1x192xf32>
      %add3A_80 = arith.addf %get3A_79, %broadcast_in_dim3A : vector<1x192xf32>
      %swap3A = arith.constant 0 : index
      %swap3A_81 = arith.constant 0 : index
      %swap3A_82 = vector.load %arg15[%swap3A, %swap3A_81] : memref<1x192xf32, #tpu.memory_space<vmem>>, vector<1x192xf32>
      tpu.vector_store %arg15[%swap3A, %swap3A_81], %add3A_80 {strides = array<i32>} : memref<1x192xf32, #tpu.memory_space<vmem>>, vector<1x192xf32>,
    } else {
    }
    %eq3A_72 = arith.constant 24 : i32
    %eq3A_73 = arith.cmpi eq, %arg0, %eq3A_72 : i32
    %convert_element_type3A_74 = arith.extui %eq3A_73 : i1 to i32
    %cond3A_75 = arith.constant 0 : i32
    %cond3A_76 = arith.cmpi ne, %convert_element_type3A_74, %cond3A_75 : i32
    scf.if %cond3A_76 {
      %get3A_77 = arith.constant 0 : index
      %get3A_78 = arith.constant 0 : index
      %get3A_79 = vector.load %arg15[%get3A_77, %get3A_78] : memref<1x192xf32, #tpu.memory_space<vmem>>, vector<1x192xf32>
      %get3A_80 = arith.constant 0 : index
      %get3A_81 = arith.constant 0 : index
      %get3A_82 = vector.load %arg9[%get3A_80, %get3A_81] : memref<192x192xf32, #tpu.memory_space<vmem>>, vector<192x192xf32>
      %dot_general3A_83 = arith.constant dense<0.000000e+00> : vector<1x192xf32>
      %dot_general3A_84 = tpu.matmul %get3A_79, %get3A_82, %dot_general3A_83 {dimension_numbers = #tpu.dot_dimension_numbers<[1], [0], [0], [1], [0, 0, 1, 1], [], []>, transpose_lhs_hint = false} : vector<1x192xf32>, vector<192x192xf32>, vector<1x192xf32> -> vector<1x192xf32>
      %get3A_85 = arith.constant 0 : index
      %get3A_86 = arith.constant 0 : index
      %get3A_87 = vector.load %arg10[%get3A_85, %get3A_86] : memref<1x192xf32, #tpu.memory_space<vmem>>, vector<1x192xf32>
      %add3A_88 = arith.addf %dot_general3A_84, %get3A_87 : vector<1x192xf32>
      %get3A_89 = arith.constant 0 : index
      %get3A_90 = arith.constant 0 : index
      %get3A_91 = vector.load %arg11[%get3A_89, %get3A_90] : memref<192x192xf32, #tpu.memory_space<vmem>>, vector<192x192xf32>
      %dot_general3A_92 = arith.constant dense<0.000000e+00> : vector<1x192xf32>
      %dot_general3A_93 = tpu.matmul %get3A_79, %get3A_91, %dot_general3A_92 {dimension_numbers = #tpu.dot_dimension_numbers<[1], [0], [0], [1], [0, 0, 1, 1], [], []>, transpose_lhs_hint = false} : vector<1x192xf32>, vector<192x192xf32>, vector<1x192xf32> -> vector<1x192xf32>
      %get3A_94 = arith.constant 0 : index
      %get3A_95 = arith.constant 0 : index
      %get3A_96 = vector.load %arg12[%get3A_94, %get3A_95] : memref<1x192xf32, #tpu.memory_space<vmem>>, vector<1x192xf32>
      %add3A_97 = arith.addf %dot_general3A_93, %get3A_96 : vector<1x192xf32>
      %mul3A_98 = arith.constant 5.000000e-01 : f32
      %mul3A_99 = vector.broadcast %mul3A_98 : f32 to vector<1x192xf32>
      %mul3A_100 = arith.mulf %mul3A_99, %add3A_97 : vector<1x192xf32>
      %exp3A = math.exp %mul3A_100 : vector<1x192xf32>
      %get3A_101 = arith.constant 0 : index
      %get3A_102 = arith.constant 0 : index
      %get3A_103 = vector.load %arg13[%get3A_101, %get3A_102] : memref<1x192xf32, #tpu.memory_space<vmem>>, vector<1x192xf32>
      %mul3A_104 = arith.mulf %exp3A, %get3A_103 : vector<1x192xf32>
      %add3A_105 = arith.addf %add3A_88, %mul3A_104 : vector<1x192xf32>
      %concatenate3A_106 = tpu.concatenate %add3A_105, %add3A_88, %add3A_97 in 0 : vector<1x192xf32>, vector<1x192xf32>, vector<1x192xf32> -> vector<3x192xf32>
      %swap3A = arith.constant 0 : index
      %swap3A_107 = arith.constant 0 : index
      %swap3A_108 = vector.load %arg14[%swap3A, %swap3A_107] : memref<3x192xf32, #tpu.memory_space<vmem>>, vector<3x192xf32>
      tpu.vector_store %arg14[%swap3A, %swap3A_107], %concatenate3A_106 {strides = array<i32>} : memref<3x192xf32, #tpu.memory_space<vmem>>, vector<3x192xf32>,
    } else {
    }
    return
  }
  func.func @transform_0(%arg0: i32) -> (i32, i32, i32) {
    %c0_i32 = arith.constant 0 : i32
    %c0_i32_0 = arith.constant 0 : i32
    %c0_i32_1 = arith.constant 0 : i32
    return %c0_i32, %arg0, %c0_i32_0 : i32, i32, i32
  }
  func.func @transform_1(%arg0: i32) -> (i32, i32, i32) {
    %c0_i32 = arith.constant 0 : i32
    %c0_i32_0 = arith.constant 0 : i32
    %c0_i32_1 = arith.constant 0 : i32
    return %c0_i32, %arg0, %c0_i32_0 : i32, i32, i32
  }
  func.func @transform_2(%arg0: i32) -> (i32, i32, i32) {
    %c0_i32 = arith.constant 0 : i32
    %c0_i32_0 = arith.constant 0 : i32
    %c0_i32_1 = arith.constant 0 : i32
    return %c0_i32, %arg0, %c0_i32_0 : i32, i32, i32
  }
  func.func @transform_3(%arg0: i32) -> (i32, i32) {
    %c0_i32 = arith.constant 0 : i32
    %c0_i32_0 = arith.constant 0 : i32
    %c0_i32_1 = arith.constant 0 : i32
    return %c0_i32, %c0_i32_0 : i32, i32
  }
  func.func @transform_4(%arg0: i32) -> (i32, i32) {
    %c0_i32 = arith.constant 0 : i32
    %c0_i32_0 = arith.constant 0 : i32
    %c0_i32_1 = arith.constant 0 : i32
    return %c0_i32, %c0_i32_0 : i32, i32
  }
  func.func @transform_5(%arg0: i32) -> (i32, i32) {
    %c0_i32 = arith.constant 0 : i32
    %c0_i32_0 = arith.constant 0 : i32
    %c0_i32_1 = arith.constant 0 : i32
    return %c0_i32, %c0_i32_0 : i32, i32
  }
  func.func @transform_6(%arg0: i32) -> (i32, i32) {
    %c0_i32 = arith.constant 0 : i32
    %c0_i32_0 = arith.constant 0 : i32
    %c0_i32_1 = arith.constant 0 : i32
    return %c0_i32, %c0_i32_0 : i32, i32
  }
  func.func @transform_7(%arg0: i32) -> (i32, i32) {
    %c0_i32 = arith.constant 0 : i32
    %c0_i32_0 = arith.constant 0 : i32
    %c0_i32_1 = arith.constant 0 : i32
    return %c0_i32, %c0_i32_0 : i32, i32
  }
  func.func @transform_8(%arg0: i32) -> (i32, i32) {
    %c0_i32 = arith.constant 0 : i32
    %c0_i32_0 = arith.constant 0 : i32
    %c0_i32_1 = arith.constant 0 : i32
    return %c0_i32, %c0_i32_0 : i32, i32
  }
  func.func @transform_9(%arg0: i32) -> (i32, i32) {
    %c0_i32 = arith.constant 0 : i32
    %c0_i32_0 = arith.constant 0 : i32
    %c0_i32_1 = arith.constant 0 : i32
    return %c0_i32, %c0_i32_0 : i32, i32
  }
  func.func @transform_10(%arg0: i32) -> (i32, i32) {
    %c0_i32 = arith.constant 0 : i32
    %c0_i32_0 = arith.constant 0 : i32
    %c0_i32_1 = arith.constant 0 : i32
    return %c0_i32, %c0_i32_0 : i32, i32
  }
  func.func @transform_11(%arg0: i32) -> (i32, i32) {
    %c0_i32 = arith.constant 0 : i32
    %c0_i32_0 = arith.constant 0 : i32
    %c0_i32_1 = arith.constant 0 : i32
    return %c0_i32, %c0_i32_0 : i32, i32
  }
  func.func @transform_12(%arg0: i32) -> (i32, i32) {
    %c0_i32 = arith.constant 0 : i32
    %c0_i32_0 = arith.constant 0 : i32
    %c0_i32_1 = arith.constant 0 : i32
    return %c0_i32, %c0_i32_0 : i32, i32
  }
  func.func @transform_13(%arg0: i32) -> (i32, i32) {
    %c0_i32 = arith.constant 0 : i32
    %c0_i32_0 = arith.constant 0 : i32
    %c0_i32_1 = arith.constant 0 : i32
    return %c0_i32, %c0_i32_0 : i32, i32
  }
}

</mosaic_0001>

<sc_bundles>
// kernel: kernel.12.cloned.1.call-start
scs
__scs_entry_jumppad:
0x0: {  	(pc) =	sbr.rel $0x88, $3  }
0x1: {  	(tag) =	ssettag $0x0;
	lr =	simm.s32 $0x1  }
0x2: {  	[smem:$0x3F91] =	sst lr;
	_ =	strace $0xD0000000  }
0x3: {  	_ = 	snop  }
0x4: {  	_ = 	snop  }
0x5: {  	_ = 	snop  }
0x6: {  	_ = 	snop  }
0x7: {  	_ = 	snop  }
__scs_overlays_trampoline_lowered:
0x8: {  	[smem:$0x3FA0] =	sst s0  }
0x9: {  	[smem:$0x3FA1] =	sst s1  }
0xa: {  	[smem:$0x3FA2] =	sst s2  }
0xb: {  	[smem:$0x3FA3] =	sst s3  }
0xc: {  	[smem:$0x3FA4] =	sst s4  }
0xd: {  	[smem:$0x3FA5] =	sst s5  }
0xe: {  	[smem:$0x3FA6] =	sst s6  }
0xf: {  	[smem:$0x3FA7] =	sst s7  }
0x10: {  	[smem:$0x3FA8] =	sst s8  }
0x11: {  	[smem:$0x3FA9] =	sst s9;
	s0 =	simm.s32 @!p0 $0x0  }
0x12: {  	s1 =	sld [smem:$0x3F8F];
	s0 =	simm.s32 @p0 $0x1  }
0x13: {  	[smem:$0x3FAA] =	sst s0;
	s0 =	simm.s32 @!p1 $0x0  }
0x14: {  	s2 =	sld [smem:$0x3F8E];
	s0 =	simm.s32 @p1 $0x1  }
0x15: {  	[smem:$0x3FAB] =	sst s0;
	s0 =	simm.s32 @!p2 $0x0  }
0x16: {  	s3 =	sld [smem:$0x3FDB];
	s0 =	simm.s32 @p2 $0x1  }
0x17: {  	s4 =	simm.s32 $0x1BF5;
	[smem:$0x3FAD] =	sst s0  }
0x18: {  	s0 =	sld [smem:$0x3F90];
	_ =	swait.ge [sflag:s4], $0x0  }
0x19: {  	s7 =	sld [smem:$0x3F91]  }
0x1a: {  	s8 =	sadd.s32 $0xFFFFE003, lr  }
0x1b: {  	s9 =	sadd.s32 $0xFFFFFEF7, lr;
	s5 =	simm.s32 $0xFFFFFFFF;
	p2 =	slt.u32 s8, $0xFFFFF086  }
0x1c: {  	p1 =	slt.u32 s9, $0xF7A;
	s5 =	simm.s32 @!p2 $0x0  }
0x1d: {  	s5 =	simm.s32 @p1 $0x1;
	p0 =	seq.s32 s7, s2  }
0x1e: {  	s7 =	smul.u32 @!p0 $0xF7A, s2;
	p2 =	seq.s32 @!p0 s5, $0x0  }
0x1f: {  	s9 =	smul.u32 $0xF7A, s1;
	s8 =	simm.s32 @!p0 $0x1BF5;
	p2 =	por !p2, p0  }
0x20: {  	[sflag:s8] =	ssyncset.s32 @!p0 $0xFFFFF086;
	s6 =	sadd.s32 @!p0 s3, s7;
	s7 =	simm.s32 @!p0 $0x108  }
0x21: {  	s3 =	sadd.s32 s3, s9;
	s6 =	sadd.s32 @!p0 $0x88, s6;
	s7 =	simm.s32 @p2 $0x1082  }
0x22: {  	[simem:s7], [sflag:s8] =	dma.local @!p0 [hbm:s6], $0xF7A  }
0x23: {  	s9 =	sor.u32 $0xD0000000, s2;
	s6 =	simm.s32 $0x108;
	_ =	swait.ge @!p0 [sflag:s8], $0x0  }
0x24: {  	s3 =	sadd.s32 $0x88, s3;
	s6 =	simm.s32 @!p1 $0x1082;
	[sflag:s4] =	ssyncset.s32 $0xFFFFF086  }
0x25: {  	[simem:s6], [sflag:s4] =	dma.local [hbm:s3], $0xF7A  }
0x26: {  	[smem:$0x3F91] =	sst s1;
	(tag) =	ssettag s2;
	_ =	strace s9  }
0x27: {  	s1 =	sld [smem:$0x3FA1]  }
0x28: {  	s2 =	sld [smem:$0x3FA2]  }
0x29: {  	s4 =	sld [smem:$0x3FA4]  }
0x2a: {  	p0 =	seq.s32 s5, $0x0;
	s5 =	sld [smem:$0x3FA5]  }
0x2b: {  	s6 =	sld [smem:$0x3FA6]  }
0x2c: {  	s7 =	sld [smem:$0x3FA7]  }
0x2d: {  	s3 =	simm.s32 $0x108;
	s8 =	sld [smem:$0x3FA8]  }
0x2e: {  	s3 =	simm.s32 @!p0 $0x1082;
	s9 =	sld [smem:$0x3FA9]  }
0x2f: {  	lr =	sadd.s32 s0, s3;
	s0 =	sld [smem:$0x3FA0]  }
0x30: {  	s3 =	sld [smem:$0x3FA3]  }
0x31: {  	[smem:$0x3FAC] =	sst s10  }
0x32: {  	s10 =	sld [smem:$0x3FAA];
	_ =	sdelay $0x3  }
0x33: {  	p0 =	seq.s32 s10, $0x1;
	s10 =	sld [smem:$0x3FAC];
	_ =	sdelay $0x3  }
0x34: {  	[smem:$0x3FAC] =	sst s10  }
0x35: {  	s10 =	sld [smem:$0x3FAB];
	_ =	sdelay $0x3  }
0x36: {  	p1 =	seq.s32 s10, $0x1;
	s10 =	sld [smem:$0x3FAC];
	_ =	sdelay $0x3  }
0x37: {  	[smem:$0x3FAC] =	sst s10  }
0x38: {  	s10 =	sld [smem:$0x3FAD]  }
0x39: {  	_ = 	snop;
	(pc) =	sbr.ind lr, $3  }
0x3a: {  	_ = 	snop  }
0x3b: {  	_ = 	snop  }
0x3c: {  	p2 =	seq.s32 s10, $0x1;
	s10 =	sld [smem:$0x3FAC]  }
0x3d: {  	_ =	shalt  }
0x3e: {  	_ =	shalt  }
0x3f: {  	_ =	shalt  }
0x40: {  	_ =	shalt  }
0x41: {  	_ =	shalt  }
0x42: {  	_ =	shalt  }
0x43: {  	_ =	shalt  }
0x44: {  	_ =	shalt  }
0x45: {  	_ =	shalt  }
0x46: {  	_ =	shalt  }
0x47: {  	_ =	shalt  }
0x48: {  	_ =	shalt  }
0x49: {  	_ =	shalt  }
0x4a: {  	_ =	shalt  }
0x4b: {  	_ =	shalt  }
0x4c: {  	_ =	shalt  }
0x4d: {  	_ =	shalt  }
0x4e: {  	_ =	shalt  }
0x4f: {  	_ =	shalt  }
0x50: {  	_ =	shalt  }
0x51: {  	_ =	shalt  }
0x52: {  	_ =	shalt  }
0x53: {  	_ =	shalt  }
0x54: {  	_ =	shalt  }
0x55: {  	_ =	shalt  }
0x56: {  	_ =	shalt  }
0x57: {  	_ =	shalt  }
0x58: {  	_ =	shalt  }
0x59: {  	_ =	shalt  }
0x5a: {  	_ =	shalt  }
0x5b: {  	_ =	shalt  }
0x5c: {  	_ =	shalt  }
0x5d: {  	_ =	shalt  }
0x5e: {  	_ =	shalt  }
0x5f: {  	_ =	shalt  }
0x60: {  	_ =	shalt  }
0x61: {  	_ =	shalt  }
0x62: {  	_ =	shalt  }
0x63: {  	_ =	shalt  }
0x64: {  	_ =	shalt  }
0x65: {  	_ =	shalt  }
0x66: {  	_ =	shalt  }
0x67: {  	_ =	shalt  }
0x68: {  	_ =	shalt  }
0x69: {  	_ =	shalt  }
0x6a: {  	_ =	shalt  }
0x6b: {  	_ =	shalt  }
0x6c: {  	_ =	shalt  }
0x6d: {  	_ =	shalt  }
0x6e: {  	_ =	shalt  }
0x6f: {  	_ =	shalt  }
0x70: {  	_ =	shalt  }
0x71: {  	_ =	shalt  }
0x72: {  	_ =	shalt  }
0x73: {  	_ =	shalt  }
0x74: {  	_ =	shalt  }
0x75: {  	_ =	shalt  }
0x76: {  	_ =	shalt  }
0x77: {  	_ =	shalt  }
0x78: {  	_ =	shalt  }
0x79: {  	_ =	shalt  }
0x7a: {  	_ =	shalt  }
0x7b: {  	_ =	shalt  }
0x7c: {  	_ =	shalt  }
0x7d: {  	_ =	shalt  }
0x7e: {  	_ =	shalt  }
0x7f: {  	_ =	shalt  }
0x80: {  	_ =	shalt  }
0x81: {  	_ =	shalt  }
0x82: {  	_ =	shalt  }
0x83: {  	_ =	shalt  }
0x84: {  	_ =	shalt  }
0x85: {  	_ =	shalt  }
0x86: {  	_ =	shalt  }
0x87: {  	_ =	shalt  }
.Lfunc_end0:
.L_simem_size_0:
called_computation_lowered:
.L_overlay_start_0:
0x88: {  	s2 =	sld [smem:$0x3FD9]  }
0x89: {  	s3 =	sld [smem:$0x3FFE];
	_ =	sdelay $0x1  }
0x8a: {  	s1 =	srdreg.scid  }
0x8b: {  	s0 =	sand.u32 $0x1, s1  }
0x8c: {  	s17 =	sshll.u32 s0, $0xA;
	s2 =	sadd.s32 s3, s2  }
0x8d: {  	s2 =	sadd.s32 s2, s17  }
0x8e: {  	[smem:$0x3FB8] =	sst s2  }
0x8f: {  	_ = 	snop  }
0x90: {  	(tm) =	ssettm $0x1  }
0x91: {  	s18 =	sld [smem:$0x3FFB];
	_ =	sdelay $0x3  }
0x92: {  	_ =	strace s18  }
0x93: {  	s2 =	sld [smem:$0x3FFC];
	_ =	sdelay $0x3  }
0x94: {  	_ =	strace s2  }
0x95: {  	s2 =	sld [smem:$0x3FFD];
	_ =	sdelay $0x3  }
0x96: {  	_ =	strace s2  }
0x97: {  	_ =	strace $0x8FFFFFFF  }
0x98: {  	s19 =	sld [smem:$0x3FDB];
	_ =	sdelay $0x1  }
0x99: {  	s20 =	simm.s32 $_scs_section_size  }
0x9a: {  	s4 =	simm.s32 $_size__tile_overlayer_lowered;
	s5 =	simm.s32 $_tile_overlayer_lowered  }
0x9b: {  	s6 =	simm.s32 $0x1BFF;
	s21 =	sshll.u32 s5, $0x1;
	s3 =	sadd.s32 s20, s19  }
0x9c: {  	s22 =	simm.s32 $0x0;
	s4 =	sshll.u32 s4, $0x1;
	s5 =	sadd.s32 s21, s3  }
0x9d: {  	[timem:s22], [sflag:s6] =	dma.local [hbm:s5], s4  }
0x9e: {  	_ =	swait.ge [sflag:s6], s4  }
0x9f: {  	s4 =	ssub.s32 $0x0, s4;
	[sflag:s6] =	ssyncset.done $0x0  }
0xa0: {  	[sflag:s6] =	ssyncadd.s32 s4;
	_ =	sdelay $0x1  }
0xa1: {  	s23 =	simm.s32 $0x1B8B  }
0xa2: {  	_ =	swait.ge [sflag:s23], $0x1  }
0xa3: {  	[sflag:s23] =	ssyncset.done $0x0  }
0xa4: {  	[sflag:s23] =	ssyncadd.s32 $0xFFFFFFFF  }
0xa5: {  	s4 =	sld [smem:$0x0]  }
0xa6: {  	s5 =	sand.u32 $0xFFFFFFFE, s1  }
0xa7: {  	p0 =	sne.s32 s1, s5  }
0xa8: {  	s5 =	sshll.u32 @p0 s5, $0xE  }
0xa9: {  	s5 =	sadd.s32 @p0 $0x11B8D, s5;
	s6 =	sshll.u32 @p0 s4, $0x11  }
0xaa: {  	s5 =	sor.u32 @p0 s6, s5  }
0xab: {  	[sflag:s5] =	ssyncadd.remote.s32 @p0 $0x1;
	_ =	sdelay $0x1  }
0xac: {  	s5 =	simm.s32 @p0 $0x1B8D  }
0xad: {  	_ =	swait.eq @p0 [sflag:s5], $0x1  }
0xae: {  	[sflag:s5] =	ssyncadd.s32 @p0 $0xFFFFFFFF  }
0xaf: {  	s6 =	sshll.u32 @!p0 s1, $0xE  }
0xb0: {  	s6 =	sor.u32 @!p0 $0x4000, s6;
	s5 =	simm.s32 @!p0 $0x1B8D  }
0xb1: {  	s4 =	sshll.u32 @!p0 s4, $0x11;
	s6 =	sadd.s32 @!p0 $0x11B8D, s6;
	_ =	swait.eq @!p0 [sflag:s5], $0x1  }
0xb2: {  	s4 =	sor.u32 @!p0 s4, s6;
	[sflag:s5] =	ssyncadd.s32 @!p0 $0xFFFFFFFF  }
0xb3: {  	s25 =	simm.s32 $0x1B8E;
	s24 =	sld [smem:$0x3FFE];
	[sflag:s4] =	ssyncadd.remote.s32 @!p0 $0x1  }
0xb4: {  	s26 =	simm.s32 $execute0_lowered;
	[smem:$0x3FD2] =	sst s25  }
0xb5: {  	s5 =	sshll.u32 s26, $0x1;
	_ =	strace $0x80000049;
	[dreg:$0x1] =	wrdreg $0xFFFFFFFF  }
0xb6: {  	s28 =	simm.s32 $_size_execute0_lowered;
	s3 =	sadd.s32 s3, s5;
	[dreg:$0x0] =	wrdreg $0x0  }
0xb7: {  	s5 =	sshll.u32 s28, $0x1;
	[dreg:$0x2] =	wrdreg s3  }
0xb8: {  	[dreg:$0x3] =	wrdreg s5  }
0xb9: {  	[dreg:$0x4] =	wrdreg $0xC0  }
0xba: {  	_ =	task [dreg:s22], $0x5FFFF  }
0xbb: {  	[dreg:$0x1] =	wrdreg $0xFFFFFFFF  }
0xbc: {  	[dreg:$0x0] =	wrdreg $0x60  }
0xbd: {  	[dreg:$0x2] =	wrdreg s24  }
0xbe: {  	[dreg:$0x3] =	wrdreg $0x2F800  }
0xbf: {  	[dreg:$0x4] =	wrdreg $0x9  }
0xc0: {  	_ =	task.clear_ibuf [dreg:s22], $0x5FFFF;
	_ =	strace $0x90000049  }
0xc1: {  	s29 =	simm.s32 $0x9;
	_ =	strace $0x8000004B  }
0xc2: {  	_ =	swait.ge [sflag:s29], $0x1  }
0xc3: {  	[sflag:s29] =	ssyncadd.s32 $0xFFFFFFFF  }
0xc4: {  	_ =	strace $0x9000004B  }
0xc5: {  	_ =	sfence  }
0xc6: {  	s30 =	sld [smem:$0x0];
	_ =	sdelay $0x2  }
0xc7: {  	s31 =	sshll.u32 s1, $0xD;
	s1 =	sshrl.u32 s1, $0x2  }
0xc8: {  	s4 =	sand.u32 $0x4000, s31;
	s1 =	sadd.s32 s1, s30  }
0xc9: {  	s0 =	sor.u32 s4, s0;
	s1 =	sshll.u32 s1, $0x11  }
0xca: {  	s0 =	sor.u32 s1, s0  }
0xcb: {  	s0 =	sadd.s32 $0x8F2B, s0  }
0xcc: {  	[sflag:s0] =	ssyncadd.remote.s32 $0x1  }
0xcd: {  	_ =	sfence.sel $0xFFFF  }
0xce: {  	[dreg:$0x0] =	wrdreg $0xFFFFFFFF;
	(pc) =	sbr.abs _section_cstart, $3  }
0xcf: {  	[dreg:$0x1] =	wrdreg $0xFFFFFFFF  }
0xd0: {  	_ =	task.clear_ibuf [dreg:s22], $0x2FFFF;
	_ =	strace $0x9FFFFFFF  }
0xd1: {  	(tm) =	ssettm $0x7FFFFFFF  }
tec
execute0_lowered:
.L_overlay_start_1:
0x0: {  	(tag) =	ssettag $0x1  }
0x1: {  	s0 =	srdreg.scid;
	s6 =	rddreg [dreg:$0x0]  }
0x2: {  	s2 =	rddreg [dreg:$0x1];
	s4 =	sand.u32 $0x1, s0  }
0x3: {  	s0 =	stileid.u32;
	s5 =	smul.u32 $0x278000, s4  }
0x4: {  	s3 =	simm.s32 $0x0;
	s14 =	simm.s32 $0x1;
	s7 =	smul.u32 $0x27800, s0  }
0x5: {  	s15 =	simm.s32 $0x80;
	s18 =	simm.s32 $0x0;
	s9 =	smul.u32 $0x2780, s0  }
0x6: {  	[smem:$0x7FF] =	sst s3;
	s1 =	sshll.u32 s4, $0x4;
	s26 =	smul.u32 $0x27800, s4  }
0x7: {  	s10 =	smul.u32 $0x9E00, s0;
	s4 =	ssub.s32 $0x2, s4;
	s16 =	sshll.u32 s0, $0x6  }
0x8: {  	s1 =	sor.u32 s0, s1;
	s30 =	sshrl.u32 s4, $0x1;
	s16 =	sor.u32 $0x1C01, s16  }
0x9: {  	s8 =	smul.u32 $0x4F0, s1;
	s1 =	rddreg [dreg:$0x2];
	s5 =	sadd.s32 s7, s5  }
0xa: {  	_ =	strace $0x8000004A;
	s28 =	sadd.s32 s9, s26;
	s29 =	sshrl.u32 s10, $0x2  }
0xb: {  	s13 =	ssub.s32 s4, s30;
	s5 =	sshrl.u32 s5, $0x3;
	s7 =	sadd.s32 s29, s2  }
0xc: {  	s12 =	sadd.s32 s5, s6;
	s11 =	sadd.s32 s8, s6;
	s5 =	sshrl.u32 s28, $0x3  }
0xd: {  	s4 =	sadd.s32 $0x800, s7;
	s8 =	sadd.s32 s9, s2;
	s31 =	sadd.s32 s5, s6  }
0xe: {  	s5 =	sadd.s32 $0x1000, s7;
	s6 =	sadd.s32 $0x1800, s7;
	s7 =	sadd.s32 $0x2000, s7  }
0xf: {  	s9 =	sadd.s32 $0x18E800, s11;
	s11 =	smax.u32 s13, $0x1;
	s12 =	sadd.s32 $0xF0800, s12  }
0x10: {  	v0 =	vimm.f32 $0.0e+00;
	s13 =	simm.s32 $0x2780;
	s17 =	sshrl.u32 s8, $0x3;
	s10 =	sadd.s32 $0x198600, s31  }
.LBB2_1:
0x11: {  	s19 =	simm.s32 $0x40;
	s20 =	simm.s32 $0x0  }
.LBB2_2:
0x12: {  	p0 =	sne.s32 s19, $0x1FC0;
	[tilespmem:s20+$0x2780] =	vst v0;
	s20 =	smov.u32 s19;
	s19 =	sadd.s32 $0x40, s19  }
.Ltmp0:
0x13: {  	(pc) =	sbr.rel @p0 .LBB2_2-.Ltmp0, $2  }
0x14: {  	_ =	sdelay $0x2  }
0x15: {  	s20 =	sshra.s32 s20, $0x2  }
0x16: {  	[tilespmem:s20+$0x2780] =	vst v0  }
0x17: {  	[spmem:s8] =	stream.linear.scatter [tilespmem:s13], [sflag:$0x1], $0x800, $0x38;
	[tilespmem:$0x5700] =	vst v63  }
0x18: {  	_ =	swait.ge [sflag:s14], $0x800  }
0x19: {  	[sflag:s14] =	ssyncset.done $0x0  }
0x1a: {  	[sflag:s14] =	ssyncadd.s32 $0xFFFFF800  }
0x1b: {  	[spmem:s4] =	stream.linear.scatter [tilespmem:s13], [sflag:$0x1], $0x800, $0x38;
	[tilespmem:$0x5700] =	vst v63  }
0x1c: {  	_ =	swait.ge [sflag:s14], $0x800  }
0x1d: {  	[sflag:s14] =	ssyncset.done $0x0  }
0x1e: {  	[sflag:s14] =	ssyncadd.s32 $0xFFFFF800  }
0x1f: {  	[spmem:s5] =	stream.linear.scatter [tilespmem:s13], [sflag:$0x1], $0x800, $0x38;
	[tilespmem:$0x5700] =	vst v63  }
0x20: {  	_ =	swait.ge [sflag:s14], $0x800  }
0x21: {  	[sflag:s14] =	ssyncset.done $0x0  }
0x22: {  	[sflag:s14] =	ssyncadd.s32 $0xFFFFF800  }
0x23: {  	[spmem:s6] =	stream.linear.scatter [tilespmem:s13], [sflag:$0x1], $0x800, $0x38;
	[tilespmem:$0x5700] =	vst v63  }
0x24: {  	_ =	swait.ge [sflag:s14], $0x800  }
0x25: {  	[sflag:s14] =	ssyncset.done $0x0  }
0x26: {  	[sflag:s14] =	ssyncadd.s32 $0xFFFFF800  }
0x27: {  	[spmem:s7] =	stream.linear.scatter [tilespmem:s13], [sflag:$0x1], $0x780, $0x38;
	[tilespmem:$0x5700] =	vst v63  }
0x28: {  	_ =	swait.ge [sflag:s14], $0x780  }
0x29: {  	[sflag:s14] =	ssyncset.done $0x0  }
0x2a: {  	[sflag:s14] =	ssyncadd.s32 $0xFFFFF880  }
0x2b: {  	s19 =	simm.s32 $0x0;
	[bflag:$0x0] =	sbarrier.arrive $0xFFFF  }
0x2c: {  	[tilespmem:s19], [sflag:$0x1] =	stream.linear.gather [hbm4b:s9+s19], $0x2780, $0x38;
	[tilespmem:$0x5700] =	vst v63  }
0x2d: {  	_ =	swait.ge [sflag:s14], $0x2780  }
0x2e: {  	[sflag:s14] =	ssyncset.done $0x0  }
0x2f: {  	s31 =	sadd.s32 $0x0, s12;
	[sflag:s14] =	ssyncadd.s32 $0xFFFFD880  }
0x30: {  	[tilespmem:s13], [sflag:$0x1] =	stream.linear.gather [hbm4b:s31+s3], $0x800, $0x38;
	[tilespmem:$0x5700] =	vst v63  }
0x31: {  	_ =	swait.ge [sflag:s14], $0x800  }
0x32: {  	[sflag:s14] =	ssyncset.done $0x0  }
0x33: {  	[sflag:s14] =	ssyncadd.s32 $0xFFFFF800  }
0x34: {  	[spmem:s2] =	stream.indirect.scatter.add.f32 [tilespmem:s13], [sflag:$0x1], $0x10, s19, s15, $0xb8;
	[tilespmem:$0x5700] =	vst v63  }
0x35: {  	s20 =	simm.s32 $0x100;
	_ =	swait.ge [sflag:s14], $0x800  }
0x36: {  	s21 =	simm.s32 $0x200;
	s19 =	simm.s32 $0x80;
	[sflag:s14] =	ssyncset.done $0x0  }
.LBB2_4:
0x37: {  	s22 =	sadd.s32 s20, s12  }
0x38: {  	[sflag:s14] =	ssyncadd.s32 $0xFFFFF800;
	s20 =	smov.u32 s21;
	s23 =	sadd.s32 $0x100, s21  }
0x39: {  	[tilespmem:s13], [sflag:$0x1] =	stream.linear.gather [hbm4b:s22+s3], $0x800, $0x38;
	[tilespmem:$0x5700] =	vst v63  }
0x3a: {  	p0 =	sne.s32 s21, $0x4E00;
	_ =	swait.ge [sflag:s14], $0x800  }
.Ltmp1:
0x3b: {  	[sflag:s14] =	ssyncset.done $0x0;
	(pc) =	sbr.rel @p0 .LBB2_4-.Ltmp1, $4  }
0x3c: {  	[sflag:s14] =	ssyncadd.s32 $0xFFFFF800  }
0x3d: {  	[spmem:s2] =	stream.indirect.scatter.add.f32 [tilespmem:s13], [sflag:$0x1], $0x10, s19, s15, $0xb8;
	[tilespmem:$0x5700] =	vst v63  }
0x3e: {  	_ =	swait.ge [sflag:s14], $0x800  }
0x3f: {  	s21 =	smov.u32 s23;
	s19 =	sadd.s32 $0x80, s19;
	[sflag:s14] =	ssyncset.done $0x0  }
0x40: {  	s20 =	sadd.s32 s20, s12;
	[sflag:s14] =	ssyncadd.s32 $0xFFFFF800  }
0x41: {  	[tilespmem:s13], [sflag:$0x1] =	stream.linear.gather [hbm4b:s20+s3], $0x800, $0x38;
	[tilespmem:$0x5700] =	vst v63  }
0x42: {  	_ =	swait.ge [sflag:s14], $0x800  }
0x43: {  	[sflag:s14] =	ssyncset.done $0x0  }
0x44: {  	[sflag:s14] =	ssyncadd.s32 $0xFFFFF800  }
0x45: {  	[spmem:s2] =	stream.indirect.scatter.add.f32 [tilespmem:s13], [sflag:$0x1], $0x10, s19, s15, $0xb8;
	[tilespmem:$0x5700] =	vst v63  }
0x46: {  	_ =	swait.ge [sflag:s14], $0x800  }
0x47: {  	s18 =	sadd.s32 $0x1, s18;
	[sflag:s14] =	ssyncset.done $0x0  }
0x48: {  	p0 =	sne.s32 s18, s11;
	[sflag:s14] =	ssyncadd.s32 $0xFFFFF800  }
.Ltmp2:
0x49: {  	[bflag:$0x0] =	sbarrier.arrive $0xFFFF;
	(pc) =	sbr.rel @p0 .LBB2_1-.Ltmp2, $4  }
0x4a: {  	[hbm:s10], [sflag:s16] =	dma.local [spmem:s17], $0x4F0  }
0x4b: {  	_ =	swait.ge [sflag:s14], $0x4F0  }
0x4c: {  	[sflag:s14] =	ssyncset.done $0x0  }
0x4d: {  	[sflag:s14] =	ssyncadd.s32 $0xFFFFFB10  }
0x4e: {  	_ =	sfence.sel $0x180000  }
0x4f: {  	[bflag:$0x0] =	sbarrier.arrive $0xFFFF  }
0x50: {  	p0 =	sne.s32 s0, $0x0;
	_ =	strace $0x9000004A  }
0x51: {  	s0 =	sadd.s32 @!p0 $0x100000, s1;
	[bflag:$0x2] =	sbarrier.arrive $0xFFFF  }
0x52: {  	[sflag:s0] =	ssyncadd.tile.s32 @!p0 $0x1;
	_ =	shalt  }
.Lfunc_end2:
_tile_overlayer_lowered:
.L_overlay_start_2:
0x53: {  	(tag) =	ssettag $0x2  }
0x54: {  	s0 =	rddreg [dreg:$0x0];
	s2 =	stileid.u32  }
0x55: {  	s1 =	rddreg [dreg:$0x1];
	p0 =	sne.s32 s2, $0x0  }
0x56: {  	s3 =	rddreg [dreg:$0x2];
	[bflag:$0x3] =	sbarrier.arrive $0xFFFF;
	s2 =	simm.s32 @!p0 $0x1C01  }
0x57: {  	[timem:s3], [sflag:s2] =	dma.local @!p0 [hbm:s0], s1  }
0x58: {  	s0 =	simm.s32 @!p0 $0x1  }
0x59: {  	_ =	swait.ge @!p0 [sflag:s0], s1  }
0x5a: {  	s1 =	ssub.s32 @!p0 $0x0, s1;
	[sflag:s0] =	ssyncset.done @!p0 $0x0  }
0x5b: {  	[sflag:s0] =	ssyncadd.s32 @!p0 s1  }
0x5c: {  	[bflag:$0x3] =	sbarrier.arrive $0xFFFF  }
0x5d: {  	_ =	shalt  }

// kernel: kernel.15.cloned.1.call-start
scs
__scs_entry_jumppad:
0x0: {  	(pc) =	sbr.rel $0x88, $3  }
0x1: {  	(tag) =	ssettag $0x0;
	lr =	simm.s32 $0x1  }
0x2: {  	[smem:$0x3F91] =	sst lr;
	_ =	strace $0xD0000000  }
0x3: {  	_ = 	snop  }
0x4: {  	_ = 	snop  }
0x5: {  	_ = 	snop  }
0x6: {  	_ = 	snop  }
0x7: {  	_ = 	snop  }
__scs_overlays_trampoline_lowered:
0x8: {  	[smem:$0x3FA0] =	sst s0  }
0x9: {  	[smem:$0x3FA1] =	sst s1  }
0xa: {  	[smem:$0x3FA2] =	sst s2  }
0xb: {  	[smem:$0x3FA3] =	sst s3  }
0xc: {  	[smem:$0x3FA4] =	sst s4  }
0xd: {  	[smem:$0x3FA5] =	sst s5  }
0xe: {  	[smem:$0x3FA6] =	sst s6  }
0xf: {  	[smem:$0x3FA7] =	sst s7  }
0x10: {  	[smem:$0x3FA8] =	sst s8  }
0x11: {  	[smem:$0x3FA9] =	sst s9;
	s0 =	simm.s32 @!p0 $0x0  }
0x12: {  	s1 =	sld [smem:$0x3F8F];
	s0 =	simm.s32 @p0 $0x1  }
0x13: {  	[smem:$0x3FAA] =	sst s0;
	s0 =	simm.s32 @!p1 $0x0  }
0x14: {  	s2 =	sld [smem:$0x3F8E];
	s0 =	simm.s32 @p1 $0x1  }
0x15: {  	[smem:$0x3FAB] =	sst s0;
	s0 =	simm.s32 @!p2 $0x0  }
0x16: {  	s3 =	sld [smem:$0x3FDB];
	s0 =	simm.s32 @p2 $0x1  }
0x17: {  	s4 =	simm.s32 $0x1BF5;
	[smem:$0x3FAD] =	sst s0  }
0x18: {  	s0 =	sld [smem:$0x3F90];
	_ =	swait.ge [sflag:s4], $0x0  }
0x19: {  	s7 =	sld [smem:$0x3F91]  }
0x1a: {  	s8 =	sadd.s32 $0xFFFFE003, lr  }
0x1b: {  	s9 =	sadd.s32 $0xFFFFFEF7, lr;
	s5 =	simm.s32 $0xFFFFFFFF;
	p2 =	slt.u32 s8, $0xFFFFF086  }
0x1c: {  	p1 =	slt.u32 s9, $0xF7A;
	s5 =	simm.s32 @!p2 $0x0  }
0x1d: {  	s5 =	simm.s32 @p1 $0x1;
	p0 =	seq.s32 s7, s2  }
0x1e: {  	s7 =	smul.u32 @!p0 $0xF7A, s2;
	p2 =	seq.s32 @!p0 s5, $0x0  }
0x1f: {  	s9 =	smul.u32 $0xF7A, s1;
	s8 =	simm.s32 @!p0 $0x1BF5;
	p2 =	por !p2, p0  }
0x20: {  	[sflag:s8] =	ssyncset.s32 @!p0 $0xFFFFF086;
	s6 =	sadd.s32 @!p0 s3, s7;
	s7 =	simm.s32 @!p0 $0x108  }
0x21: {  	s3 =	sadd.s32 s3, s9;
	s6 =	sadd.s32 @!p0 $0x88, s6;
	s7 =	simm.s32 @p2 $0x1082  }
0x22: {  	[simem:s7], [sflag:s8] =	dma.local @!p0 [hbm:s6], $0xF7A  }
0x23: {  	s9 =	sor.u32 $0xD0000000, s2;
	s6 =	simm.s32 $0x108;
	_ =	swait.ge @!p0 [sflag:s8], $0x0  }
0x24: {  	s3 =	sadd.s32 $0x88, s3;
	s6 =	simm.s32 @!p1 $0x1082;
	[sflag:s4] =	ssyncset.s32 $0xFFFFF086  }
0x25: {  	[simem:s6], [sflag:s4] =	dma.local [hbm:s3], $0xF7A  }
0x26: {  	[smem:$0x3F91] =	sst s1;
	(tag) =	ssettag s2;
	_ =	strace s9  }
0x27: {  	s1 =	sld [smem:$0x3FA1]  }
0x28: {  	s2 =	sld [smem:$0x3FA2]  }
0x29: {  	s4 =	sld [smem:$0x3FA4]  }
0x2a: {  	p0 =	seq.s32 s5, $0x0;
	s5 =	sld [smem:$0x3FA5]  }
0x2b: {  	s6 =	sld [smem:$0x3FA6]  }
0x2c: {  	s7 =	sld [smem:$0x3FA7]  }
0x2d: {  	s3 =	simm.s32 $0x108;
	s8 =	sld [smem:$0x3FA8]  }
0x2e: {  	s3 =	simm.s32 @!p0 $0x1082;
	s9 =	sld [smem:$0x3FA9]  }
0x2f: {  	lr =	sadd.s32 s0, s3;
	s0 =	sld [smem:$0x3FA0]  }
0x30: {  	s3 =	sld [smem:$0x3FA3]  }
0x31: {  	[smem:$0x3FAC] =	sst s10  }
0x32: {  	s10 =	sld [smem:$0x3FAA];
	_ =	sdelay $0x3  }
0x33: {  	p0 =	seq.s32 s10, $0x1;
	s10 =	sld [smem:$0x3FAC];
	_ =	sdelay $0x3  }
0x34: {  	[smem:$0x3FAC] =	sst s10  }
0x35: {  	s10 =	sld [smem:$0x3FAB];
	_ =	sdelay $0x3  }
0x36: {  	p1 =	seq.s32 s10, $0x1;
	s10 =	sld [smem:$0x3FAC];
	_ =	sdelay $0x3  }
0x37: {  	[smem:$0x3FAC] =	sst s10  }
0x38: {  	s10 =	sld [smem:$0x3FAD]  }
0x39: {  	_ = 	snop;
	(pc) =	sbr.ind lr, $3  }
0x3a: {  	_ = 	snop  }
0x3b: {  	_ = 	snop  }
0x3c: {  	p2 =	seq.s32 s10, $0x1;
	s10 =	sld [smem:$0x3FAC]  }
0x3d: {  	_ =	shalt  }
0x3e: {  	_ =	shalt  }
0x3f: {  	_ =	shalt  }
0x40: {  	_ =	shalt  }
0x41: {  	_ =	shalt  }
0x42: {  	_ =	shalt  }
0x43: {  	_ =	shalt  }
0x44: {  	_ =	shalt  }
0x45: {  	_ =	shalt  }
0x46: {  	_ =	shalt  }
0x47: {  	_ =	shalt  }
0x48: {  	_ =	shalt  }
0x49: {  	_ =	shalt  }
0x4a: {  	_ =	shalt  }
0x4b: {  	_ =	shalt  }
0x4c: {  	_ =	shalt  }
0x4d: {  	_ =	shalt  }
0x4e: {  	_ =	shalt  }
0x4f: {  	_ =	shalt  }
0x50: {  	_ =	shalt  }
0x51: {  	_ =	shalt  }
0x52: {  	_ =	shalt  }
0x53: {  	_ =	shalt  }
0x54: {  	_ =	shalt  }
0x55: {  	_ =	shalt  }
0x56: {  	_ =	shalt  }
0x57: {  	_ =	shalt  }
0x58: {  	_ =	shalt  }
0x59: {  	_ =	shalt  }
0x5a: {  	_ =	shalt  }
0x5b: {  	_ =	shalt  }
0x5c: {  	_ =	shalt  }
0x5d: {  	_ =	shalt  }
0x5e: {  	_ =	shalt  }
0x5f: {  	_ =	shalt  }
0x60: {  	_ =	shalt  }
0x61: {  	_ =	shalt  }
0x62: {  	_ =	shalt  }
0x63: {  	_ =	shalt  }
0x64: {  	_ =	shalt  }
0x65: {  	_ =	shalt  }
0x66: {  	_ =	shalt  }
0x67: {  	_ =	shalt  }
0x68: {  	_ =	shalt  }
0x69: {  	_ =	shalt  }
0x6a: {  	_ =	shalt  }
0x6b: {  	_ =	shalt  }
0x6c: {  	_ =	shalt  }
0x6d: {  	_ =	shalt  }
0x6e: {  	_ =	shalt  }
0x6f: {  	_ =	shalt  }
0x70: {  	_ =	shalt  }
0x71: {  	_ =	shalt  }
0x72: {  	_ =	shalt  }
0x73: {  	_ =	shalt  }
0x74: {  	_ =	shalt  }
0x75: {  	_ =	shalt  }
0x76: {  	_ =	shalt  }
0x77: {  	_ =	shalt  }
0x78: {  	_ =	shalt  }
0x79: {  	_ =	shalt  }
0x7a: {  	_ =	shalt  }
0x7b: {  	_ =	shalt  }
0x7c: {  	_ =	shalt  }
0x7d: {  	_ =	shalt  }
0x7e: {  	_ =	shalt  }
0x7f: {  	_ =	shalt  }
0x80: {  	_ =	shalt  }
0x81: {  	_ =	shalt  }
0x82: {  	_ =	shalt  }
0x83: {  	_ =	shalt  }
0x84: {  	_ =	shalt  }
0x85: {  	_ =	shalt  }
0x86: {  	_ =	shalt  }
0x87: {  	_ =	shalt  }
.Lfunc_end0:
.L_simem_size_0:
called_computation.1_lowered:
.L_overlay_start_0:
0x88: {  	s2 =	sld [smem:$0x3FD9]  }
0x89: {  	s3 =	sld [smem:$0x3FFE];
	_ =	sdelay $0x1  }
0x8a: {  	s1 =	srdreg.scid  }
0x8b: {  	s0 =	sand.u32 $0x1, s1  }
0x8c: {  	s16 =	sshll.u32 s0, $0xA;
	s2 =	sadd.s32 s3, s2  }
0x8d: {  	s2 =	sadd.s32 s2, s16  }
0x8e: {  	[smem:$0x3FB8] =	sst s2  }
0x8f: {  	_ = 	snop  }
0x90: {  	(tm) =	ssettm $0x1  }
0x91: {  	s17 =	sld [smem:$0x3FFB];
	_ =	sdelay $0x3  }
0x92: {  	_ =	strace s17  }
0x93: {  	s2 =	sld [smem:$0x3FFC];
	_ =	sdelay $0x3  }
0x94: {  	_ =	strace s2  }
0x95: {  	s2 =	sld [smem:$0x3FFD];
	_ =	sdelay $0x3  }
0x96: {  	_ =	strace s2  }
0x97: {  	_ =	strace $0x8FFFFFFF  }
0x98: {  	s18 =	sld [smem:$0x3FDB];
	_ =	sdelay $0x1  }
0x99: {  	s19 =	simm.s32 $_scs_section_size  }
0x9a: {  	s4 =	simm.s32 $_size__tile_overlayer_lowered;
	s5 =	simm.s32 $_tile_overlayer_lowered  }
0x9b: {  	s22 =	simm.s32 $0x1BFF;
	s21 =	sshll.u32 s5, $0x1;
	s2 =	sadd.s32 s19, s18  }
0x9c: {  	s6 =	simm.s32 $0x0;
	s20 =	sshll.u32 s4, $0x1;
	s4 =	sadd.s32 s21, s2  }
0x9d: {  	[timem:s6], [sflag:s22] =	dma.local [hbm:s4], s20  }
0x9e: {  	_ =	swait.ge [sflag:s22], s20  }
0x9f: {  	s3 =	ssub.s32 $0x0, s20;
	[sflag:s22] =	ssyncset.done $0x0  }
0xa0: {  	[sflag:s22] =	ssyncadd.s32 s3;
	_ =	sdelay $0x1  }
0xa1: {  	s23 =	simm.s32 $0x1B8B  }
0xa2: {  	_ =	swait.ge [sflag:s23], $0x1  }
0xa3: {  	[sflag:s23] =	ssyncset.done $0x0  }
0xa4: {  	s25 =	simm.s32 $0x1B8E;
	s24 =	sld [smem:$0x3FFE];
	[sflag:s23] =	ssyncadd.s32 $0xFFFFFFFF  }
0xa5: {  	s26 =	simm.s32 $execute0_lowered;
	[smem:$0x3FD2] =	sst s25  }
0xa6: {  	s4 =	sshll.u32 s26, $0x1;
	_ =	strace $0x80000046;
	[dreg:$0x1] =	wrdreg $0xFFFFFFFF  }
0xa7: {  	s28 =	simm.s32 $_size_execute0_lowered;
	s2 =	sadd.s32 s2, s4;
	[dreg:$0x0] =	wrdreg $0x0  }
0xa8: {  	s4 =	sshll.u32 s28, $0x1;
	[dreg:$0x2] =	wrdreg s2  }
0xa9: {  	[dreg:$0x3] =	wrdreg s4  }
0xaa: {  	[dreg:$0x4] =	wrdreg $0xC0  }
0xab: {  	_ =	task [dreg:s6], $0x5FFFF  }
0xac: {  	[dreg:$0x1] =	wrdreg $0xFFFFFFFF  }
0xad: {  	[dreg:$0x0] =	wrdreg $0x60  }
0xae: {  	[dreg:$0x2] =	wrdreg s24  }
0xaf: {  	[dreg:$0x3] =	wrdreg $0xFD000  }
0xb0: {  	[dreg:$0x4] =	wrdreg $0xA  }
0xb1: {  	_ =	task.clear_ibuf [dreg:s6], $0x5FFFF;
	_ =	strace $0x90000046  }
0xb2: {  	s29 =	simm.s32 $0xA;
	_ =	strace $0x80000048  }
0xb3: {  	_ =	swait.ge [sflag:s29], $0x1  }
0xb4: {  	[sflag:s29] =	ssyncadd.s32 $0xFFFFFFFF  }
0xb5: {  	_ =	strace $0x90000048  }
0xb6: {  	_ =	sfence  }
0xb7: {  	s30 =	sld [smem:$0x0];
	_ =	sdelay $0x2  }
0xb8: {  	s31 =	sshll.u32 s1, $0xD;
	s1 =	sshrl.u32 s1, $0x2  }
0xb9: {  	s3 =	sand.u32 $0x4000, s31;
	s1 =	sadd.s32 s1, s30  }
0xba: {  	s0 =	sor.u32 s3, s0;
	s1 =	sshll.u32 s1, $0x11  }
0xbb: {  	s0 =	sor.u32 s1, s0  }
0xbc: {  	s0 =	sadd.s32 $0x8F2B, s0  }
0xbd: {  	[sflag:s0] =	ssyncadd.remote.s32 $0x1  }
0xbe: {  	_ =	sfence.sel $0xFFFF  }
0xbf: {  	[dreg:$0x0] =	wrdreg $0xFFFFFFFF;
	(pc) =	sbr.abs _section_cstart, $3  }
0xc0: {  	[dreg:$0x1] =	wrdreg $0xFFFFFFFF  }
0xc1: {  	_ =	task.clear_ibuf [dreg:s6], $0x2FFFF;
	_ =	strace $0x9FFFFFFF  }
0xc2: {  	(tm) =	ssettm $0x7FFFFFFF  }
0xc3: {  	_ =	shalt  }
tec
execute0_lowered:
.L_overlay_start_1:
0x0: {  	(tag) =	ssettag $0x1  }
0x1: {  	s5 =	rddreg [dreg:$0x0]  }
0x2: {  	s2 =	rddreg [dreg:$0x1]  }
0x3: {  	s0 =	rddreg [dreg:$0x2]  }
0x4: {  	s4 =	srdreg.scid;
	s1 =	stileid.u32;
	s3 =	simm.s32 $0x0  }
0x5: {  	s16 =	simm.s32 $0x4E80;
	s17 =	simm.s32 $0x80;
	s7 =	smul.u32 $0x4E80, s1  }
0x6: {  	s18 =	simm.s32 $0xCD00;
	s19 =	simm.s32 $0x1;
	s9 =	smul.u32 $0xED00, s1  }
0x7: {  	s20 =	simm.s32 $0x2;
	s6 =	sand.u32 $0x1, s4;
	s11 =	smul.u32 $0x3B400, s1  }
0x8: {  	s21 =	simm.s32 $0x9C80;
	[smem:$0x7FF] =	sst s3;
	s8 =	smul.u32 $0x4E800, s6  }
0x9: {  	s4 =	sadd.s32 $0x53400, s5;
	s10 =	smul.u32 $0xED000, s6;
	s6 =	ssub.s32 $0x2, s6  }
0xa: {  	_ =	strace $0x80000047;
	s29 =	sshrl.u32 s11, $0x2;
	s30 =	sshrl.u32 s6, $0x1  }
0xb: {  	s8 =	sadd.s32 s7, s8;
	s7 =	sshrl.u32 s7, $0x3;
	s28 =	sadd.s32 s9, s10  }
0xc: {  	s31 =	sadd.s32 s29, s2;
	s15 =	ssub.s32 s6, s30;
	s8 =	sshrl.u32 s8, $0x3  }
0xd: {  	s13 =	sadd.s32 s7, s5;
	s7 =	sshrl.u32 s28, $0x3;
	s6 =	sadd.s32 $0x3000, s31  }
0xe: {  	s12 =	sadd.s32 s8, s5;
	s14 =	sadd.s32 s7, s5;
	s5 =	sadd.s32 s9, s2  }
0xf: {  	s7 =	sadd.s32 $0x6000, s31;
	s8 =	sadd.s32 $0x9000, s31;
	s9 =	sadd.s32 $0xC000, s31  }
0x10: {  	s11 =	sadd.s32 $0x97C00, s13;
	s13 =	smax.u32 s15, $0x1;
	s15 =	simm.s32 $0x3  }
0x11: {  	v0 =	vimm.f32 $0.0e+00;
	s10 =	sadd.s32 $0xA1A00, s12;
	s12 =	sadd.s32 $0xB5400, s14;
	s14 =	simm.s32 $0x9D00  }
.LBB2_1:
0x12: {  	s22 =	simm.s32 $0x0  }
0x13: {  	[tilespmem:s22+$0x9D50] =	vst v0  }
0x14: {  	[tilespmem:s22+$0x9D00] =	vst v0  }
0x15: {  	[tilespmem:s22+$0x9D10] =	vst v0  }
0x16: {  	[tilespmem:s22+$0x9D20] =	vst v0  }
0x17: {  	s23 =	simm.s32 $0x180;
	[tilespmem:s22+$0x9D30] =	vst v0  }
.LBB2_2:
0x18: {  	p0 =	sne.s32 s23, $0xBE80;
	[tilespmem:s22+$0x9D40] =	vst v0;
	s22 =	sshra.s32 s23, $0x2;
	s23 =	sadd.s32 $0x180, s23  }
.Ltmp0:
0x19: {  	[tilespmem:s22+$0x9D50] =	vst v0;
	(pc) =	sbr.rel @p0 .LBB2_2-.Ltmp0, $4  }
0x1a: {  	[tilespmem:s22+$0x9D00] =	vst v0  }
0x1b: {  	[tilespmem:s22+$0x9D10] =	vst v0  }
0x1c: {  	[tilespmem:s22+$0x9D20] =	vst v0  }
0x1d: {  	[tilespmem:s22+$0x9D30] =	vst v0  }
0x1e: {  	[tilespmem:s22+$0x9D40] =	vst v0  }
0x1f: {  	[spmem:s5] =	stream.linear.scatter [tilespmem:s14], [sflag:$0x3], $0x3000, $0x38;
	[tilespmem:$0x1EA00] =	vst v63  }
0x20: {  	_ =	swait.ge [sflag:s15], $0x3000  }
0x21: {  	[sflag:s15] =	ssyncset.done $0x0  }
0x22: {  	[sflag:s15] =	ssyncadd.s32 $0xFFFFD000  }
0x23: {  	[spmem:s6] =	stream.linear.scatter [tilespmem:s14], [sflag:$0x3], $0x3000, $0x38;
	[tilespmem:$0x1EA00] =	vst v63  }
0x24: {  	_ =	swait.ge [sflag:s15], $0x3000  }
0x25: {  	[sflag:s15] =	ssyncset.done $0x0  }
0x26: {  	[sflag:s15] =	ssyncadd.s32 $0xFFFFD000  }
0x27: {  	[spmem:s7] =	stream.linear.scatter [tilespmem:s14], [sflag:$0x3], $0x3000, $0x38;
	[tilespmem:$0x1EA00] =	vst v63  }
0x28: {  	_ =	swait.ge [sflag:s15], $0x3000  }
0x29: {  	[sflag:s15] =	ssyncset.done $0x0  }
0x2a: {  	[sflag:s15] =	ssyncadd.s32 $0xFFFFD000  }
0x2b: {  	[spmem:s8] =	stream.linear.scatter [tilespmem:s14], [sflag:$0x3], $0x3000, $0x38;
	[tilespmem:$0x1EA00] =	vst v63  }
0x2c: {  	_ =	swait.ge [sflag:s15], $0x3000  }
0x2d: {  	[sflag:s15] =	ssyncset.done $0x0  }
0x2e: {  	[sflag:s15] =	ssyncadd.s32 $0xFFFFD000  }
0x2f: {  	[spmem:s9] =	stream.linear.scatter [tilespmem:s14], [sflag:$0x3], $0x2D00, $0x38;
	[tilespmem:$0x1EA00] =	vst v63  }
0x30: {  	_ =	swait.ge [sflag:s15], $0x2D00  }
0x31: {  	[sflag:s15] =	ssyncset.done $0x0  }
0x32: {  	[sflag:s15] =	ssyncadd.s32 $0xFFFFD300  }
0x33: {  	s26 =	simm.s32 $0x0;
	[bflag:$0x0] =	sbarrier.arrive $0xFFFF  }
0x34: {  	[tilespmem:s26], [sflag:$0x3] =	stream.linear.gather [hbm4b:s10+s26], $0x4E80, $0x38;
	[tilespmem:$0x1EA00] =	vst v63  }
0x35: {  	_ =	swait.ge [sflag:s15], $0x4E80  }
0x36: {  	[sflag:s15] =	ssyncset.done $0x0  }
0x37: {  	[sflag:s15] =	ssyncadd.s32 $0xFFFFB180  }
0x38: {  	[tilespmem:s16], [sflag:$0x3] =	stream.linear.gather [hbm4b:s11+s26], $0x4E80, $0x38;
	[tilespmem:$0x1EA00] =	vst v63  }
0x39: {  	_ =	swait.ge [sflag:s15], $0x4E80  }
0x3a: {  	[sflag:s15] =	ssyncset.done $0x0  }
0x3b: {  	[sflag:s15] =	ssyncadd.s32 $0xFFFFB180  }
0x3c: {  	[tilespmem:s14], [sflag:$0x1] =	stream.indirect.gather [hbm4b:s4+s17], $0x60, s26, s17, $0xb8;
	[tilespmem:$0x1EA00] =	vst v63  }
0x3d: {  	s28 =	simm.s32 $0x80  }
0x3e: {  	[tilespmem:s18], [sflag:$0x2] =	stream.indirect.gather [hbm4b:s4+s17], $0x60, s28, s17, $0xb8;
	[tilespmem:$0x1EA00] =	vst v63  }
0x3f: {  	_ =	swait.ge [sflag:s19], $0x3000  }
0x40: {  	[sflag:s19] =	ssyncset.done $0x0  }
0x41: {  	s29 =	simm.s32 $0x4E80;
	[sflag:s19] =	ssyncadd.s32 $0xFFFFD000  }
0x42: {  	[spmem:s2] =	stream.indirect.scatter.add.f32 [tilespmem:s14], [sflag:$0x3], $0x60, s29, s17, $0xb8;
	[tilespmem:$0x1EA00] =	vst v63  }
0x43: {  	_ =	swait.ge [sflag:s15], $0x3000  }
0x44: {  	[sflag:s15] =	ssyncset.done $0x0  }
0x45: {  	s30 =	simm.s32 $0x100;
	[sflag:s15] =	ssyncadd.s32 $0xFFFFD000  }
0x46: {  	[tilespmem:s14], [sflag:$0x1] =	stream.indirect.gather [hbm4b:s4+s17], $0x60, s30, s17, $0xb8;
	[tilespmem:$0x1EA00] =	vst v63  }
0x47: {  	_ =	swait.ge [sflag:s20], $0x3000  }
0x48: {  	[sflag:s20] =	ssyncset.done $0x0  }
0x49: {  	s31 =	simm.s32 $0x4F00;
	[sflag:s20] =	ssyncadd.s32 $0xFFFFD000  }
0x4a: {  	[spmem:s2] =	stream.indirect.scatter.add.f32 [tilespmem:s18], [sflag:$0x3], $0x60, s31, s17, $0xb8;
	[tilespmem:$0x1EA00] =	vst v63  }
0x4b: {  	_ =	swait.ge [sflag:s15], $0x3000  }
0x4c: {  	s23 =	simm.s32 $0x800;
	s22 =	simm.s32 $0x100;
	[sflag:s15] =	ssyncset.done $0x0  }
.LBB2_4:
0x4d: {  	s24 =	sadd.s32 $0x80, s22  }
0x4e: {  	[sflag:s15] =	ssyncadd.s32 $0xFFFFD000;
	s25 =	smov.u32 s23;
	s26 =	sadd.s32 $0x400, s23  }
0x4f: {  	[tilespmem:s18], [sflag:$0x2] =	stream.indirect.gather [hbm4b:s4+s17], $0x60, s24, s17, $0xb8;
	[tilespmem:$0x1EA00] =	vst v63  }
0x50: {  	p0 =	sne.s32 s23, $0x13400;
	_ =	swait.ge [sflag:s19], $0x3000  }
0x51: {  	[sflag:s19] =	ssyncset.done $0x0  }
0x52: {  	s23 =	sadd.s32 $0x4E80, s22;
	[sflag:s19] =	ssyncadd.s32 $0xFFFFD000  }
0x53: {  	[spmem:s2] =	stream.indirect.scatter.add.f32 [tilespmem:s14], [sflag:$0x3], $0x60, s23, s17, $0xb8;
	[tilespmem:$0x1EA00] =	vst v63  }
0x54: {  	_ =	swait.ge [sflag:s15], $0x3000  }
0x55: {  	[sflag:s15] =	ssyncset.done $0x0  }
0x56: {  	s23 =	sadd.s32 $0x100, s22;
	[sflag:s15] =	ssyncadd.s32 $0xFFFFD000  }
0x57: {  	[tilespmem:s14], [sflag:$0x1] =	stream.indirect.gather [hbm4b:s4+s17], $0x60, s23, s17, $0xb8;
	[tilespmem:$0x1EA00] =	vst v63  }
0x58: {  	_ =	swait.ge [sflag:s20], $0x3000  }
.Ltmp1:
0x59: {  	[sflag:s20] =	ssyncset.done $0x0;
	(pc) =	sbr.rel @p0 .LBB2_4-.Ltmp1, $4  }
0x5a: {  	s22 =	sadd.s32 $0x4F00, s22;
	[sflag:s20] =	ssyncadd.s32 $0xFFFFD000  }
0x5b: {  	[spmem:s2] =	stream.indirect.scatter.add.f32 [tilespmem:s18], [sflag:$0x3], $0x60, s22, s17, $0xb8;
	[tilespmem:$0x1EA00] =	vst v63  }
0x5c: {  	_ =	swait.ge [sflag:s15], $0x3000  }
0x5d: {  	s23 =	smov.u32 s26;
	s22 =	sshra.s32 s25, $0x2;
	[sflag:s15] =	ssyncset.done $0x0  }
0x5e: {  	s23 =	sadd.s32 $0x80, s22;
	[sflag:s15] =	ssyncadd.s32 $0xFFFFD000  }
0x5f: {  	[tilespmem:s18], [sflag:$0x2] =	stream.indirect.gather [hbm4b:s4+s17], $0x60, s23, s17, $0xb8;
	[tilespmem:$0x1EA00] =	vst v63  }
0x60: {  	_ =	swait.ge [sflag:s19], $0x3000  }
0x61: {  	[sflag:s19] =	ssyncset.done $0x0  }
0x62: {  	s26 =	sadd.s32 $0x4E80, s22;
	[sflag:s19] =	ssyncadd.s32 $0xFFFFD000  }
0x63: {  	[spmem:s2] =	stream.indirect.scatter.add.f32 [tilespmem:s14], [sflag:$0x3], $0x60, s26, s17, $0xb8;
	[tilespmem:$0x1EA00] =	vst v63  }
0x64: {  	_ =	swait.ge [sflag:s15], $0x3000  }
0x65: {  	[sflag:s15] =	ssyncset.done $0x0  }
0x66: {  	s28 =	sadd.s32 $0x100, s22;
	[sflag:s15] =	ssyncadd.s32 $0xFFFFD000  }
0x67: {  	[tilespmem:s14], [sflag:$0x1] =	stream.indirect.gather [hbm4b:s4+s17], $0x60, s28, s17, $0xb8;
	[tilespmem:$0x1EA00] =	vst v63  }
0x68: {  	_ =	swait.ge [sflag:s20], $0x3000  }
0x69: {  	[sflag:s20] =	ssyncset.done $0x0  }
0x6a: {  	s29 =	sadd.s32 $0x4F00, s22;
	[sflag:s20] =	ssyncadd.s32 $0xFFFFD000  }
0x6b: {  	[spmem:s2] =	stream.indirect.scatter.add.f32 [tilespmem:s18], [sflag:$0x3], $0x60, s29, s17, $0xb8;
	[tilespmem:$0x1EA00] =	vst v63  }
0x6c: {  	_ =	swait.ge [sflag:s15], $0x3000  }
0x6d: {  	[sflag:s15] =	ssyncset.done $0x0  }
0x6e: {  	[sflag:s15] =	ssyncadd.s32 $0xFFFFD000  }
0x6f: {  	_ =	swait.ge [sflag:s19], $0x3000  }
0x70: {  	[sflag:s19] =	ssyncset.done $0x0  }
0x71: {  	[sflag:s19] =	ssyncadd.s32 $0xFFFFD000  }
0x72: {  	[spmem:s2] =	stream.indirect.scatter.add.f32 [tilespmem:s14], [sflag:$0x3], $0x60, s21, s17, $0xb8;
	[tilespmem:$0x1EA00] =	vst v63  }
0x73: {  	_ =	swait.ge [sflag:s15], $0x3000  }
0x74: {  	s30 =	sshll.u32 s1, $0x6;
	s3 =	sadd.s32 $0x1, s3;
	[sflag:s15] =	ssyncset.done $0x0  }
0x75: {  	s31 =	sshrl.u32 s5, $0x3;
	p0 =	sne.s32 s3, s13;
	[sflag:s15] =	ssyncadd.s32 $0xFFFFD000  }
.Ltmp2:
0x76: {  	s22 =	sor.u32 $0x1C03, s30;
	[bflag:$0x0] =	sbarrier.arrive $0xFFFF;
	(pc) =	sbr.rel @p0 .LBB2_1-.Ltmp2, $4  }
0x77: {  	[hbm:s12], [sflag:s22] =	dma.local [spmem:s31], $0x1DA0  }
0x78: {  	_ =	swait.ge [sflag:s15], $0x1DA0  }
0x79: {  	[sflag:s15] =	ssyncset.done $0x0  }
0x7a: {  	[sflag:s15] =	ssyncadd.s32 $0xFFFFE260  }
0x7b: {  	_ =	sfence.sel $0x180000  }
0x7c: {  	[bflag:$0x0] =	sbarrier.arrive $0xFFFF  }
0x7d: {  	p0 =	sne.s32 s1, $0x0;
	_ =	strace $0x90000047  }
0x7e: {  	s0 =	sadd.s32 @!p0 $0x100000, s0;
	[bflag:$0x2] =	sbarrier.arrive $0xFFFF  }
0x7f: {  	[sflag:s0] =	ssyncadd.tile.s32 @!p0 $0x1;
	_ =	shalt  }
.Lfunc_end2:
_tile_overlayer_lowered:
.L_overlay_start_2:
0x80: {  	(tag) =	ssettag $0x2  }
0x81: {  	s0 =	rddreg [dreg:$0x0];
	s2 =	stileid.u32  }
0x82: {  	s1 =	rddreg [dreg:$0x1];
	p0 =	sne.s32 s2, $0x0  }
0x83: {  	s3 =	rddreg [dreg:$0x2];
	[bflag:$0x3] =	sbarrier.arrive $0xFFFF;
	s2 =	simm.s32 @!p0 $0x1C03  }
0x84: {  	[timem:s3], [sflag:s2] =	dma.local @!p0 [hbm:s0], s1  }
0x85: {  	s0 =	simm.s32 @!p0 $0x3  }
0x86: {  	_ =	swait.ge @!p0 [sflag:s0], s1  }
0x87: {  	s1 =	ssub.s32 @!p0 $0x0, s1;
	[sflag:s0] =	ssyncset.done @!p0 $0x0  }
0x88: {  	[sflag:s0] =	ssyncadd.s32 @!p0 s1  }
0x89: {  	[bflag:$0x3] =	sbarrier.arrive $0xFFFF  }
0x8a: {  	_ =	shalt  }

// kernel: kernel.18.cloned.1.call-start
scs
__scs_entry_jumppad:
0x0: {  	(pc) =	sbr.rel $0x88, $3  }
0x1: {  	(tag) =	ssettag $0x0;
	lr =	simm.s32 $0x1  }
0x2: {  	[smem:$0x3F91] =	sst lr;
	_ =	strace $0xD0000000  }
0x3: {  	_ = 	snop  }
0x4: {  	_ = 	snop  }
0x5: {  	_ = 	snop  }
0x6: {  	_ = 	snop  }
0x7: {  	_ = 	snop  }
__scs_overlays_trampoline_lowered:
0x8: {  	[smem:$0x3FA0] =	sst s0  }
0x9: {  	[smem:$0x3FA1] =	sst s1  }
0xa: {  	[smem:$0x3FA2] =	sst s2  }
0xb: {  	[smem:$0x3FA3] =	sst s3  }
0xc: {  	[smem:$0x3FA4] =	sst s4  }
0xd: {  	[smem:$0x3FA5] =	sst s5  }
0xe: {  	[smem:$0x3FA6] =	sst s6  }
0xf: {  	[smem:$0x3FA7] =	sst s7  }
0x10: {  	[smem:$0x3FA8] =	sst s8  }
0x11: {  	[smem:$0x3FA9] =	sst s9;
	s0 =	simm.s32 @!p0 $0x0  }
0x12: {  	s1 =	sld [smem:$0x3F8F];
	s0 =	simm.s32 @p0 $0x1  }
0x13: {  	[smem:$0x3FAA] =	sst s0;
	s0 =	simm.s32 @!p1 $0x0  }
0x14: {  	s2 =	sld [smem:$0x3F8E];
	s0 =	simm.s32 @p1 $0x1  }
0x15: {  	[smem:$0x3FAB] =	sst s0;
	s0 =	simm.s32 @!p2 $0x0  }
0x16: {  	s3 =	sld [smem:$0x3FDB];
	s0 =	simm.s32 @p2 $0x1  }
0x17: {  	s4 =	simm.s32 $0x1BF5;
	[smem:$0x3FAD] =	sst s0  }
0x18: {  	s0 =	sld [smem:$0x3F90];
	_ =	swait.ge [sflag:s4], $0x0  }
0x19: {  	s7 =	sld [smem:$0x3F91]  }
0x1a: {  	s8 =	sadd.s32 $0xFFFFE003, lr  }
0x1b: {  	s9 =	sadd.s32 $0xFFFFFEF7, lr;
	s5 =	simm.s32 $0xFFFFFFFF;
	p2 =	slt.u32 s8, $0xFFFFF086  }
0x1c: {  	p1 =	slt.u32 s9, $0xF7A;
	s5 =	simm.s32 @!p2 $0x0  }
0x1d: {  	s5 =	simm.s32 @p1 $0x1;
	p0 =	seq.s32 s7, s2  }
0x1e: {  	s7 =	smul.u32 @!p0 $0xF7A, s2;
	p2 =	seq.s32 @!p0 s5, $0x0  }
0x1f: {  	s9 =	smul.u32 $0xF7A, s1;
	s8 =	simm.s32 @!p0 $0x1BF5;
	p2 =	por !p2, p0  }
0x20: {  	[sflag:s8] =	ssyncset.s32 @!p0 $0xFFFFF086;
	s6 =	sadd.s32 @!p0 s3, s7;
	s7 =	simm.s32 @!p0 $0x108  }
0x21: {  	s3 =	sadd.s32 s3, s9;
	s6 =	sadd.s32 @!p0 $0x88, s6;
	s7 =	simm.s32 @p2 $0x1082  }
0x22: {  	[simem:s7], [sflag:s8] =	dma.local @!p0 [hbm:s6], $0xF7A  }
0x23: {  	s9 =	sor.u32 $0xD0000000, s2;
	s6 =	simm.s32 $0x108;
	_ =	swait.ge @!p0 [sflag:s8], $0x0  }
0x24: {  	s3 =	sadd.s32 $0x88, s3;
	s6 =	simm.s32 @!p1 $0x1082;
	[sflag:s4] =	ssyncset.s32 $0xFFFFF086  }
0x25: {  	[simem:s6], [sflag:s4] =	dma.local [hbm:s3], $0xF7A  }
0x26: {  	[smem:$0x3F91] =	sst s1;
	(tag) =	ssettag s2;
	_ =	strace s9  }
0x27: {  	s1 =	sld [smem:$0x3FA1]  }
0x28: {  	s2 =	sld [smem:$0x3FA2]  }
0x29: {  	s4 =	sld [smem:$0x3FA4]  }
0x2a: {  	p0 =	seq.s32 s5, $0x0;
	s5 =	sld [smem:$0x3FA5]  }
0x2b: {  	s6 =	sld [smem:$0x3FA6]  }
0x2c: {  	s7 =	sld [smem:$0x3FA7]  }
0x2d: {  	s3 =	simm.s32 $0x108;
	s8 =	sld [smem:$0x3FA8]  }
0x2e: {  	s3 =	simm.s32 @!p0 $0x1082;
	s9 =	sld [smem:$0x3FA9]  }
0x2f: {  	lr =	sadd.s32 s0, s3;
	s0 =	sld [smem:$0x3FA0]  }
0x30: {  	s3 =	sld [smem:$0x3FA3]  }
0x31: {  	[smem:$0x3FAC] =	sst s10  }
0x32: {  	s10 =	sld [smem:$0x3FAA];
	_ =	sdelay $0x3  }
0x33: {  	p0 =	seq.s32 s10, $0x1;
	s10 =	sld [smem:$0x3FAC];
	_ =	sdelay $0x3  }
0x34: {  	[smem:$0x3FAC] =	sst s10  }
0x35: {  	s10 =	sld [smem:$0x3FAB];
	_ =	sdelay $0x3  }
0x36: {  	p1 =	seq.s32 s10, $0x1;
	s10 =	sld [smem:$0x3FAC];
	_ =	sdelay $0x3  }
0x37: {  	[smem:$0x3FAC] =	sst s10  }
0x38: {  	s10 =	sld [smem:$0x3FAD]  }
0x39: {  	_ = 	snop;
	(pc) =	sbr.ind lr, $3  }
0x3a: {  	_ = 	snop  }
0x3b: {  	_ = 	snop  }
0x3c: {  	p2 =	seq.s32 s10, $0x1;
	s10 =	sld [smem:$0x3FAC]  }
0x3d: {  	_ =	shalt  }
0x3e: {  	_ =	shalt  }
0x3f: {  	_ =	shalt  }
0x40: {  	_ =	shalt  }
0x41: {  	_ =	shalt  }
0x42: {  	_ =	shalt  }
0x43: {  	_ =	shalt  }
0x44: {  	_ =	shalt  }
0x45: {  	_ =	shalt  }
0x46: {  	_ =	shalt  }
0x47: {  	_ =	shalt  }
0x48: {  	_ =	shalt  }
0x49: {  	_ =	shalt  }
0x4a: {  	_ =	shalt  }
0x4b: {  	_ =	shalt  }
0x4c: {  	_ =	shalt  }
0x4d: {  	_ =	shalt  }
0x4e: {  	_ =	shalt  }
0x4f: {  	_ =	shalt  }
0x50: {  	_ =	shalt  }
0x51: {  	_ =	shalt  }
0x52: {  	_ =	shalt  }
0x53: {  	_ =	shalt  }
0x54: {  	_ =	shalt  }
0x55: {  	_ =	shalt  }
0x56: {  	_ =	shalt  }
0x57: {  	_ =	shalt  }
0x58: {  	_ =	shalt  }
0x59: {  	_ =	shalt  }
0x5a: {  	_ =	shalt  }
0x5b: {  	_ =	shalt  }
0x5c: {  	_ =	shalt  }
0x5d: {  	_ =	shalt  }
0x5e: {  	_ =	shalt  }
0x5f: {  	_ =	shalt  }
0x60: {  	_ =	shalt  }
0x61: {  	_ =	shalt  }
0x62: {  	_ =	shalt  }
0x63: {  	_ =	shalt  }
0x64: {  	_ =	shalt  }
0x65: {  	_ =	shalt  }
0x66: {  	_ =	shalt  }
0x67: {  	_ =	shalt  }
0x68: {  	_ =	shalt  }
0x69: {  	_ =	shalt  }
0x6a: {  	_ =	shalt  }
0x6b: {  	_ =	shalt  }
0x6c: {  	_ =	shalt  }
0x6d: {  	_ =	shalt  }
0x6e: {  	_ =	shalt  }
0x6f: {  	_ =	shalt  }
0x70: {  	_ =	shalt  }
0x71: {  	_ =	shalt  }
0x72: {  	_ =	shalt  }
0x73: {  	_ =	shalt  }
0x74: {  	_ =	shalt  }
0x75: {  	_ =	shalt  }
0x76: {  	_ =	shalt  }
0x77: {  	_ =	shalt  }
0x78: {  	_ =	shalt  }
0x79: {  	_ =	shalt  }
0x7a: {  	_ =	shalt  }
0x7b: {  	_ =	shalt  }
0x7c: {  	_ =	shalt  }
0x7d: {  	_ =	shalt  }
0x7e: {  	_ =	shalt  }
0x7f: {  	_ =	shalt  }
0x80: {  	_ =	shalt  }
0x81: {  	_ =	shalt  }
0x82: {  	_ =	shalt  }
0x83: {  	_ =	shalt  }
0x84: {  	_ =	shalt  }
0x85: {  	_ =	shalt  }
0x86: {  	_ =	shalt  }
0x87: {  	_ =	shalt  }
.Lfunc_end0:
.L_simem_size_0:
called_computation.2_lowered:
.L_overlay_start_0:
0x88: {  	s2 =	sld [smem:$0x3FD9]  }
0x89: {  	s3 =	sld [smem:$0x3FFE];
	_ =	sdelay $0x1  }
0x8a: {  	s1 =	srdreg.scid  }
0x8b: {  	s0 =	sand.u32 $0x1, s1  }
0x8c: {  	s16 =	sshll.u32 s0, $0xA;
	s2 =	sadd.s32 s3, s2  }
0x8d: {  	s2 =	sadd.s32 s2, s16  }
0x8e: {  	[smem:$0x3FB8] =	sst s2  }
0x8f: {  	_ = 	snop  }
0x90: {  	(tm) =	ssettm $0x1  }
0x91: {  	s17 =	sld [smem:$0x3FFB];
	_ =	sdelay $0x3  }
0x92: {  	_ =	strace s17  }
0x93: {  	s2 =	sld [smem:$0x3FFC];
	_ =	sdelay $0x3  }
0x94: {  	_ =	strace s2  }
0x95: {  	s2 =	sld [smem:$0x3FFD];
	_ =	sdelay $0x3  }
0x96: {  	_ =	strace s2  }
0x97: {  	_ =	strace $0x8FFFFFFF  }
0x98: {  	s18 =	sld [smem:$0x3FDB];
	_ =	sdelay $0x1  }
0x99: {  	s19 =	simm.s32 $_scs_section_size  }
0x9a: {  	s4 =	simm.s32 $_size__tile_overlayer_lowered;
	s5 =	simm.s32 $_tile_overlayer_lowered  }
0x9b: {  	s22 =	simm.s32 $0x1BFF;
	s21 =	sshll.u32 s5, $0x1;
	s2 =	sadd.s32 s19, s18  }
0x9c: {  	s6 =	simm.s32 $0x0;
	s20 =	sshll.u32 s4, $0x1;
	s4 =	sadd.s32 s21, s2  }
0x9d: {  	[timem:s6], [sflag:s22] =	dma.local [hbm:s4], s20  }
0x9e: {  	_ =	swait.ge [sflag:s22], s20  }
0x9f: {  	s3 =	ssub.s32 $0x0, s20;
	[sflag:s22] =	ssyncset.done $0x0  }
0xa0: {  	[sflag:s22] =	ssyncadd.s32 s3;
	_ =	sdelay $0x1  }
0xa1: {  	s23 =	simm.s32 $0x1B8B  }
0xa2: {  	_ =	swait.ge [sflag:s23], $0x1  }
0xa3: {  	[sflag:s23] =	ssyncset.done $0x0  }
0xa4: {  	s25 =	simm.s32 $0x1B8E;
	s24 =	sld [smem:$0x3FFE];
	[sflag:s23] =	ssyncadd.s32 $0xFFFFFFFF  }
0xa5: {  	s26 =	simm.s32 $execute0_lowered;
	[smem:$0x3FD2] =	sst s25  }
0xa6: {  	s4 =	sshll.u32 s26, $0x1;
	_ =	strace $0x8000004C;
	[dreg:$0x1] =	wrdreg $0xFFFFFFFF  }
0xa7: {  	s28 =	simm.s32 $_size_execute0_lowered;
	s2 =	sadd.s32 s2, s4;
	[dreg:$0x0] =	wrdreg $0x0  }
0xa8: {  	s4 =	sshll.u32 s28, $0x1;
	[dreg:$0x2] =	wrdreg s2  }
0xa9: {  	[dreg:$0x3] =	wrdreg s4  }
0xaa: {  	[dreg:$0x4] =	wrdreg $0xC0  }
0xab: {  	_ =	task [dreg:s6], $0x5FFFF  }
0xac: {  	[dreg:$0x1] =	wrdreg $0xFFFFFFFF  }
0xad: {  	[dreg:$0x0] =	wrdreg $0x60  }
0xae: {  	[dreg:$0x2] =	wrdreg s24  }
0xaf: {  	[dreg:$0x3] =	wrdreg $0xFD000  }
0xb0: {  	[dreg:$0x4] =	wrdreg $0x9  }
0xb1: {  	_ =	task.clear_ibuf [dreg:s6], $0x5FFFF;
	_ =	strace $0x9000004C  }
0xb2: {  	s29 =	simm.s32 $0x9;
	_ =	strace $0x8000004E  }
0xb3: {  	_ =	swait.ge [sflag:s29], $0x1  }
0xb4: {  	[sflag:s29] =	ssyncadd.s32 $0xFFFFFFFF  }
0xb5: {  	_ =	strace $0x9000004E  }
0xb6: {  	_ =	sfence  }
0xb7: {  	s30 =	sld [smem:$0x0];
	_ =	sdelay $0x2  }
0xb8: {  	s31 =	sshll.u32 s1, $0xD;
	s1 =	sshrl.u32 s1, $0x2  }
0xb9: {  	s3 =	sand.u32 $0x4000, s31;
	s1 =	sadd.s32 s1, s30  }
0xba: {  	s0 =	sor.u32 s3, s0;
	s1 =	sshll.u32 s1, $0x11  }
0xbb: {  	s0 =	sor.u32 s1, s0  }
0xbc: {  	s0 =	sadd.s32 $0x8F2B, s0  }
0xbd: {  	[sflag:s0] =	ssyncadd.remote.s32 $0x1  }
0xbe: {  	_ =	sfence.sel $0xFFFF  }
0xbf: {  	[dreg:$0x0] =	wrdreg $0xFFFFFFFF;
	(pc) =	sbr.abs _section_cstart, $3  }
0xc0: {  	[dreg:$0x1] =	wrdreg $0xFFFFFFFF  }
0xc1: {  	_ =	task.clear_ibuf [dreg:s6], $0x2FFFF;
	_ =	strace $0x9FFFFFFF  }
0xc2: {  	(tm) =	ssettm $0x7FFFFFFF  }
0xc3: {  	_ =	shalt  }
tec
execute0_lowered:
.L_overlay_start_1:
0x0: {  	(tag) =	ssettag $0x1  }
0x1: {  	s5 =	rddreg [dreg:$0x0]  }
0x2: {  	s2 =	rddreg [dreg:$0x1]  }
0x3: {  	s0 =	rddreg [dreg:$0x2]  }
0x4: {  	s4 =	srdreg.scid;
	s1 =	stileid.u32;
	s3 =	simm.s32 $0x0  }
0x5: {  	s16 =	simm.s32 $0x4E80;
	s17 =	simm.s32 $0x80;
	s7 =	smul.u32 $0x4E80, s1  }
0x6: {  	s18 =	simm.s32 $0xCD00;
	s19 =	simm.s32 $0x1;
	s9 =	smul.u32 $0xED00, s1  }
0x7: {  	s20 =	simm.s32 $0x2;
	s6 =	sand.u32 $0x1, s4;
	s11 =	smul.u32 $0x3B400, s1  }
0x8: {  	s21 =	simm.s32 $0x9C80;
	[smem:$0x7FF] =	sst s3;
	s8 =	smul.u32 $0x4E800, s6  }
0x9: {  	s4 =	sadd.s32 $0x5200, s5;
	s10 =	smul.u32 $0xED000, s6;
	s6 =	ssub.s32 $0x2, s6  }
0xa: {  	_ =	strace $0x8000004D;
	s29 =	sshrl.u32 s11, $0x2;
	s30 =	sshrl.u32 s6, $0x1  }
0xb: {  	s8 =	sadd.s32 s7, s8;
	s7 =	sshrl.u32 s7, $0x3;
	s28 =	sadd.s32 s9, s10  }
0xc: {  	s31 =	sadd.s32 s29, s2;
	s15 =	ssub.s32 s6, s30;
	s8 =	sshrl.u32 s8, $0x3  }
0xd: {  	s13 =	sadd.s32 s7, s5;
	s7 =	sshrl.u32 s28, $0x3;
	s6 =	sadd.s32 $0x3000, s31  }
0xe: {  	s12 =	sadd.s32 s8, s5;
	s14 =	sadd.s32 s7, s5;
	s5 =	sadd.s32 s9, s2  }
0xf: {  	s7 =	sadd.s32 $0x6000, s31;
	s8 =	sadd.s32 $0x9000, s31;
	s9 =	sadd.s32 $0xC000, s31  }
0x10: {  	s11 =	sadd.s32 $0x97C00, s13;
	s13 =	smax.u32 s15, $0x1;
	s15 =	simm.s32 $0x3  }
0x11: {  	v0 =	vimm.f32 $0.0e+00;
	s10 =	sadd.s32 $0xA1A00, s12;
	s12 =	sadd.s32 $0x3FC00, s14;
	s14 =	simm.s32 $0x9D00  }
.LBB2_1:
0x12: {  	s22 =	simm.s32 $0x0  }
0x13: {  	[tilespmem:s22+$0x9D50] =	vst v0  }
0x14: {  	[tilespmem:s22+$0x9D00] =	vst v0  }
0x15: {  	[tilespmem:s22+$0x9D10] =	vst v0  }
0x16: {  	[tilespmem:s22+$0x9D20] =	vst v0  }
0x17: {  	s23 =	simm.s32 $0x180;
	[tilespmem:s22+$0x9D30] =	vst v0  }
.LBB2_2:
0x18: {  	p0 =	sne.s32 s23, $0xBE80;
	[tilespmem:s22+$0x9D40] =	vst v0;
	s22 =	sshra.s32 s23, $0x2;
	s23 =	sadd.s32 $0x180, s23  }
.Ltmp0:
0x19: {  	[tilespmem:s22+$0x9D50] =	vst v0;
	(pc) =	sbr.rel @p0 .LBB2_2-.Ltmp0, $4  }
0x1a: {  	[tilespmem:s22+$0x9D00] =	vst v0  }
0x1b: {  	[tilespmem:s22+$0x9D10] =	vst v0  }
0x1c: {  	[tilespmem:s22+$0x9D20] =	vst v0  }
0x1d: {  	[tilespmem:s22+$0x9D30] =	vst v0  }
0x1e: {  	[tilespmem:s22+$0x9D40] =	vst v0  }
0x1f: {  	[spmem:s5] =	stream.linear.scatter [tilespmem:s14], [sflag:$0x3], $0x3000, $0x38;
	[tilespmem:$0x1EA00] =	vst v63  }
0x20: {  	_ =	swait.ge [sflag:s15], $0x3000  }
0x21: {  	[sflag:s15] =	ssyncset.done $0x0  }
0x22: {  	[sflag:s15] =	ssyncadd.s32 $0xFFFFD000  }
0x23: {  	[spmem:s6] =	stream.linear.scatter [tilespmem:s14], [sflag:$0x3], $0x3000, $0x38;
	[tilespmem:$0x1EA00] =	vst v63  }
0x24: {  	_ =	swait.ge [sflag:s15], $0x3000  }
0x25: {  	[sflag:s15] =	ssyncset.done $0x0  }
0x26: {  	[sflag:s15] =	ssyncadd.s32 $0xFFFFD000  }
0x27: {  	[spmem:s7] =	stream.linear.scatter [tilespmem:s14], [sflag:$0x3], $0x3000, $0x38;
	[tilespmem:$0x1EA00] =	vst v63  }
0x28: {  	_ =	swait.ge [sflag:s15], $0x3000  }
0x29: {  	[sflag:s15] =	ssyncset.done $0x0  }
0x2a: {  	[sflag:s15] =	ssyncadd.s32 $0xFFFFD000  }
0x2b: {  	[spmem:s8] =	stream.linear.scatter [tilespmem:s14], [sflag:$0x3], $0x3000, $0x38;
	[tilespmem:$0x1EA00] =	vst v63  }
0x2c: {  	_ =	swait.ge [sflag:s15], $0x3000  }
0x2d: {  	[sflag:s15] =	ssyncset.done $0x0  }
0x2e: {  	[sflag:s15] =	ssyncadd.s32 $0xFFFFD000  }
0x2f: {  	[spmem:s9] =	stream.linear.scatter [tilespmem:s14], [sflag:$0x3], $0x2D00, $0x38;
	[tilespmem:$0x1EA00] =	vst v63  }
0x30: {  	_ =	swait.ge [sflag:s15], $0x2D00  }
0x31: {  	[sflag:s15] =	ssyncset.done $0x0  }
0x32: {  	[sflag:s15] =	ssyncadd.s32 $0xFFFFD300  }
0x33: {  	s26 =	simm.s32 $0x0;
	[bflag:$0x0] =	sbarrier.arrive $0xFFFF  }
0x34: {  	[tilespmem:s26], [sflag:$0x3] =	stream.linear.gather [hbm4b:s10+s26], $0x4E80, $0x38;
	[tilespmem:$0x1EA00] =	vst v63  }
0x35: {  	_ =	swait.ge [sflag:s15], $0x4E80  }
0x36: {  	[sflag:s15] =	ssyncset.done $0x0  }
0x37: {  	[sflag:s15] =	ssyncadd.s32 $0xFFFFB180  }
0x38: {  	[tilespmem:s16], [sflag:$0x3] =	stream.linear.gather [hbm4b:s11+s26], $0x4E80, $0x38;
	[tilespmem:$0x1EA00] =	vst v63  }
0x39: {  	_ =	swait.ge [sflag:s15], $0x4E80  }
0x3a: {  	[sflag:s15] =	ssyncset.done $0x0  }
0x3b: {  	[sflag:s15] =	ssyncadd.s32 $0xFFFFB180  }
0x3c: {  	[tilespmem:s14], [sflag:$0x1] =	stream.indirect.gather [hbm4b:s4+s17], $0x60, s26, s17, $0xb8;
	[tilespmem:$0x1EA00] =	vst v63  }
0x3d: {  	s28 =	simm.s32 $0x80  }
0x3e: {  	[tilespmem:s18], [sflag:$0x2] =	stream.indirect.gather [hbm4b:s4+s17], $0x60, s28, s17, $0xb8;
	[tilespmem:$0x1EA00] =	vst v63  }
0x3f: {  	_ =	swait.ge [sflag:s19], $0x3000  }
0x40: {  	[sflag:s19] =	ssyncset.done $0x0  }
0x41: {  	s29 =	simm.s32 $0x4E80;
	[sflag:s19] =	ssyncadd.s32 $0xFFFFD000  }
0x42: {  	[spmem:s2] =	stream.indirect.scatter.add.f32 [tilespmem:s14], [sflag:$0x3], $0x60, s29, s17, $0xb8;
	[tilespmem:$0x1EA00] =	vst v63  }
0x43: {  	_ =	swait.ge [sflag:s15], $0x3000  }
0x44: {  	[sflag:s15] =	ssyncset.done $0x0  }
0x45: {  	s30 =	simm.s32 $0x100;
	[sflag:s15] =	ssyncadd.s32 $0xFFFFD000  }
0x46: {  	[tilespmem:s14], [sflag:$0x1] =	stream.indirect.gather [hbm4b:s4+s17], $0x60, s30, s17, $0xb8;
	[tilespmem:$0x1EA00] =	vst v63  }
0x47: {  	_ =	swait.ge [sflag:s20], $0x3000  }
0x48: {  	[sflag:s20] =	ssyncset.done $0x0  }
0x49: {  	s31 =	simm.s32 $0x4F00;
	[sflag:s20] =	ssyncadd.s32 $0xFFFFD000  }
0x4a: {  	[spmem:s2] =	stream.indirect.scatter.add.f32 [tilespmem:s18], [sflag:$0x3], $0x60, s31, s17, $0xb8;
	[tilespmem:$0x1EA00] =	vst v63  }
0x4b: {  	_ =	swait.ge [sflag:s15], $0x3000  }
0x4c: {  	s23 =	simm.s32 $0x800;
	s22 =	simm.s32 $0x100;
	[sflag:s15] =	ssyncset.done $0x0  }
.LBB2_4:
0x4d: {  	s24 =	sadd.s32 $0x80, s22  }
0x4e: {  	[sflag:s15] =	ssyncadd.s32 $0xFFFFD000;
	s25 =	smov.u32 s23;
	s26 =	sadd.s32 $0x400, s23  }
0x4f: {  	[tilespmem:s18], [sflag:$0x2] =	stream.indirect.gather [hbm4b:s4+s17], $0x60, s24, s17, $0xb8;
	[tilespmem:$0x1EA00] =	vst v63  }
0x50: {  	p0 =	sne.s32 s23, $0x13400;
	_ =	swait.ge [sflag:s19], $0x3000  }
0x51: {  	[sflag:s19] =	ssyncset.done $0x0  }
0x52: {  	s23 =	sadd.s32 $0x4E80, s22;
	[sflag:s19] =	ssyncadd.s32 $0xFFFFD000  }
0x53: {  	[spmem:s2] =	stream.indirect.scatter.add.f32 [tilespmem:s14], [sflag:$0x3], $0x60, s23, s17, $0xb8;
	[tilespmem:$0x1EA00] =	vst v63  }
0x54: {  	_ =	swait.ge [sflag:s15], $0x3000  }
0x55: {  	[sflag:s15] =	ssyncset.done $0x0  }
0x56: {  	s23 =	sadd.s32 $0x100, s22;
	[sflag:s15] =	ssyncadd.s32 $0xFFFFD000  }
0x57: {  	[tilespmem:s14], [sflag:$0x1] =	stream.indirect.gather [hbm4b:s4+s17], $0x60, s23, s17, $0xb8;
	[tilespmem:$0x1EA00] =	vst v63  }
0x58: {  	_ =	swait.ge [sflag:s20], $0x3000  }
.Ltmp1:
0x59: {  	[sflag:s20] =	ssyncset.done $0x0;
	(pc) =	sbr.rel @p0 .LBB2_4-.Ltmp1, $4  }
0x5a: {  	s22 =	sadd.s32 $0x4F00, s22;
	[sflag:s20] =	ssyncadd.s32 $0xFFFFD000  }
0x5b: {  	[spmem:s2] =	stream.indirect.scatter.add.f32 [tilespmem:s18], [sflag:$0x3], $0x60, s22, s17, $0xb8;
	[tilespmem:$0x1EA00] =	vst v63  }
0x5c: {  	_ =	swait.ge [sflag:s15], $0x3000  }
0x5d: {  	s23 =	smov.u32 s26;
	s22 =	sshra.s32 s25, $0x2;
	[sflag:s15] =	ssyncset.done $0x0  }
0x5e: {  	s23 =	sadd.s32 $0x80, s22;
	[sflag:s15] =	ssyncadd.s32 $0xFFFFD000  }
0x5f: {  	[tilespmem:s18], [sflag:$0x2] =	stream.indirect.gather [hbm4b:s4+s17], $0x60, s23, s17, $0xb8;
	[tilespmem:$0x1EA00] =	vst v63  }
0x60: {  	_ =	swait.ge [sflag:s19], $0x3000  }
0x61: {  	[sflag:s19] =	ssyncset.done $0x0  }
0x62: {  	s26 =	sadd.s32 $0x4E80, s22;
	[sflag:s19] =	ssyncadd.s32 $0xFFFFD000  }
0x63: {  	[spmem:s2] =	stream.indirect.scatter.add.f32 [tilespmem:s14], [sflag:$0x3], $0x60, s26, s17, $0xb8;
	[tilespmem:$0x1EA00] =	vst v63  }
0x64: {  	_ =	swait.ge [sflag:s15], $0x3000  }
0x65: {  	[sflag:s15] =	ssyncset.done $0x0  }
0x66: {  	s28 =	sadd.s32 $0x100, s22;
	[sflag:s15] =	ssyncadd.s32 $0xFFFFD000  }
0x67: {  	[tilespmem:s14], [sflag:$0x1] =	stream.indirect.gather [hbm4b:s4+s17], $0x60, s28, s17, $0xb8;
	[tilespmem:$0x1EA00] =	vst v63  }
0x68: {  	_ =	swait.ge [sflag:s20], $0x3000  }
0x69: {  	[sflag:s20] =	ssyncset.done $0x0  }
0x6a: {  	s29 =	sadd.s32 $0x4F00, s22;
	[sflag:s20] =	ssyncadd.s32 $0xFFFFD000  }
0x6b: {  	[spmem:s2] =	stream.indirect.scatter.add.f32 [tilespmem:s18], [sflag:$0x3], $0x60, s29, s17, $0xb8;
	[tilespmem:$0x1EA00] =	vst v63  }
0x6c: {  	_ =	swait.ge [sflag:s15], $0x3000  }
0x6d: {  	[sflag:s15] =	ssyncset.done $0x0  }
0x6e: {  	[sflag:s15] =	ssyncadd.s32 $0xFFFFD000  }
0x6f: {  	_ =	swait.ge [sflag:s19], $0x3000  }
0x70: {  	[sflag:s19] =	ssyncset.done $0x0  }
0x71: {  	[sflag:s19] =	ssyncadd.s32 $0xFFFFD000  }
0x72: {  	[spmem:s2] =	stream.indirect.scatter.add.f32 [tilespmem:s14], [sflag:$0x3], $0x60, s21, s17, $0xb8;
	[tilespmem:$0x1EA00] =	vst v63  }
0x73: {  	_ =	swait.ge [sflag:s15], $0x3000  }
0x74: {  	s30 =	sshll.u32 s1, $0x6;
	s3 =	sadd.s32 $0x1, s3;
	[sflag:s15] =	ssyncset.done $0x0  }
0x75: {  	s31 =	sshrl.u32 s5, $0x3;
	p0 =	sne.s32 s3, s13;
	[sflag:s15] =	ssyncadd.s32 $0xFFFFD000  }
.Ltmp2:
0x76: {  	s22 =	sor.u32 $0x1C03, s30;
	[bflag:$0x0] =	sbarrier.arrive $0xFFFF;
	(pc) =	sbr.rel @p0 .LBB2_1-.Ltmp2, $4  }
0x77: {  	[hbm:s12], [sflag:s22] =	dma.local [spmem:s31], $0x1DA0  }
0x78: {  	_ =	swait.ge [sflag:s15], $0x1DA0  }
0x79: {  	[sflag:s15] =	ssyncset.done $0x0  }
0x7a: {  	[sflag:s15] =	ssyncadd.s32 $0xFFFFE260  }
0x7b: {  	_ =	sfence.sel $0x180000  }
0x7c: {  	[bflag:$0x0] =	sbarrier.arrive $0xFFFF  }
0x7d: {  	p0 =	sne.s32 s1, $0x0;
	_ =	strace $0x9000004D  }
0x7e: {  	s0 =	sadd.s32 @!p0 $0x100000, s0;
	[bflag:$0x2] =	sbarrier.arrive $0xFFFF  }
0x7f: {  	[sflag:s0] =	ssyncadd.tile.s32 @!p0 $0x1;
	_ =	shalt  }
.Lfunc_end2:
_tile_overlayer_lowered:
.L_overlay_start_2:
0x80: {  	(tag) =	ssettag $0x2  }
0x81: {  	s0 =	rddreg [dreg:$0x0];
	s2 =	stileid.u32  }
0x82: {  	s1 =	rddreg [dreg:$0x1];
	p0 =	sne.s32 s2, $0x0  }
0x83: {  	s3 =	rddreg [dreg:$0x2];
	[bflag:$0x3] =	sbarrier.arrive $0xFFFF;
	s2 =	simm.s32 @!p0 $0x1C03  }
0x84: {  	[timem:s3], [sflag:s2] =	dma.local @!p0 [hbm:s0], s1  }
0x85: {  	s0 =	simm.s32 @!p0 $0x3  }
0x86: {  	_ =	swait.ge @!p0 [sflag:s0], s1  }
0x87: {  	s1 =	ssub.s32 @!p0 $0x0, s1;
	[sflag:s0] =	ssyncset.done @!p0 $0x0  }
0x88: {  	[sflag:s0] =	ssyncadd.s32 @!p0 s1  }
0x89: {  	[bflag:$0x3] =	sbarrier.arrive $0xFFFF  }
0x8a: {  	_ =	shalt  }

// kernel: kernel.21.cloned.1.call-start
scs
__scs_entry_jumppad:
0x0: {  	(pc) =	sbr.rel $0x88, $3  }
0x1: {  	(tag) =	ssettag $0x0;
	lr =	simm.s32 $0x1  }
0x2: {  	[smem:$0x3F91] =	sst lr;
	_ =	strace $0xD0000000  }
0x3: {  	_ = 	snop  }
0x4: {  	_ = 	snop  }
0x5: {  	_ = 	snop  }
0x6: {  	_ = 	snop  }
0x7: {  	_ = 	snop  }
__scs_overlays_trampoline_lowered:
0x8: {  	[smem:$0x3FA0] =	sst s0  }
0x9: {  	[smem:$0x3FA1] =	sst s1  }
0xa: {  	[smem:$0x3FA2] =	sst s2  }
0xb: {  	[smem:$0x3FA3] =	sst s3  }
0xc: {  	[smem:$0x3FA4] =	sst s4  }
0xd: {  	[smem:$0x3FA5] =	sst s5  }
0xe: {  	[smem:$0x3FA6] =	sst s6  }
0xf: {  	[smem:$0x3FA7] =	sst s7  }
0x10: {  	[smem:$0x3FA8] =	sst s8  }
0x11: {  	[smem:$0x3FA9] =	sst s9;
	s0 =	simm.s32 @!p0 $0x0  }
0x12: {  	s1 =	sld [smem:$0x3F8F];
	s0 =	simm.s32 @p0 $0x1  }
0x13: {  	[smem:$0x3FAA] =	sst s0;
	s0 =	simm.s32 @!p1 $0x0  }
0x14: {  	s2 =	sld [smem:$0x3F8E];
	s0 =	simm.s32 @p1 $0x1  }
0x15: {  	[smem:$0x3FAB] =	sst s0;
	s0 =	simm.s32 @!p2 $0x0  }
0x16: {  	s3 =	sld [smem:$0x3FDB];
	s0 =	simm.s32 @p2 $0x1  }
0x17: {  	s4 =	simm.s32 $0x1BF5;
	[smem:$0x3FAD] =	sst s0  }
0x18: {  	s0 =	sld [smem:$0x3F90];
	_ =	swait.ge [sflag:s4], $0x0  }
0x19: {  	s7 =	sld [smem:$0x3F91]  }
0x1a: {  	s8 =	sadd.s32 $0xFFFFE003, lr  }
0x1b: {  	s9 =	sadd.s32 $0xFFFFFEF7, lr;
	s5 =	simm.s32 $0xFFFFFFFF;
	p2 =	slt.u32 s8, $0xFFFFF086  }
0x1c: {  	p1 =	slt.u32 s9, $0xF7A;
	s5 =	simm.s32 @!p2 $0x0  }
0x1d: {  	s5 =	simm.s32 @p1 $0x1;
	p0 =	seq.s32 s7, s2  }
0x1e: {  	s7 =	smul.u32 @!p0 $0xF7A, s2;
	p2 =	seq.s32 @!p0 s5, $0x0  }
0x1f: {  	s9 =	smul.u32 $0xF7A, s1;
	s8 =	simm.s32 @!p0 $0x1BF5;
	p2 =	por !p2, p0  }
0x20: {  	[sflag:s8] =	ssyncset.s32 @!p0 $0xFFFFF086;
	s6 =	sadd.s32 @!p0 s3, s7;
	s7 =	simm.s32 @!p0 $0x108  }
0x21: {  	s3 =	sadd.s32 s3, s9;
	s6 =	sadd.s32 @!p0 $0x88, s6;
	s7 =	simm.s32 @p2 $0x1082  }
0x22: {  	[simem:s7], [sflag:s8] =	dma.local @!p0 [hbm:s6], $0xF7A  }
0x23: {  	s9 =	sor.u32 $0xD0000000, s2;
	s6 =	simm.s32 $0x108;
	_ =	swait.ge @!p0 [sflag:s8], $0x0  }
0x24: {  	s3 =	sadd.s32 $0x88, s3;
	s6 =	simm.s32 @!p1 $0x1082;
	[sflag:s4] =	ssyncset.s32 $0xFFFFF086  }
0x25: {  	[simem:s6], [sflag:s4] =	dma.local [hbm:s3], $0xF7A  }
0x26: {  	[smem:$0x3F91] =	sst s1;
	(tag) =	ssettag s2;
	_ =	strace s9  }
0x27: {  	s1 =	sld [smem:$0x3FA1]  }
0x28: {  	s2 =	sld [smem:$0x3FA2]  }
0x29: {  	s4 =	sld [smem:$0x3FA4]  }
0x2a: {  	p0 =	seq.s32 s5, $0x0;
	s5 =	sld [smem:$0x3FA5]  }
0x2b: {  	s6 =	sld [smem:$0x3FA6]  }
0x2c: {  	s7 =	sld [smem:$0x3FA7]  }
0x2d: {  	s3 =	simm.s32 $0x108;
	s8 =	sld [smem:$0x3FA8]  }
0x2e: {  	s3 =	simm.s32 @!p0 $0x1082;
	s9 =	sld [smem:$0x3FA9]  }
0x2f: {  	lr =	sadd.s32 s0, s3;
	s0 =	sld [smem:$0x3FA0]  }
0x30: {  	s3 =	sld [smem:$0x3FA3]  }
0x31: {  	[smem:$0x3FAC] =	sst s10  }
0x32: {  	s10 =	sld [smem:$0x3FAA];
	_ =	sdelay $0x3  }
0x33: {  	p0 =	seq.s32 s10, $0x1;
	s10 =	sld [smem:$0x3FAC];
	_ =	sdelay $0x3  }
0x34: {  	[smem:$0x3FAC] =	sst s10  }
0x35: {  	s10 =	sld [smem:$0x3FAB];
	_ =	sdelay $0x3  }
0x36: {  	p1 =	seq.s32 s10, $0x1;
	s10 =	sld [smem:$0x3FAC];
	_ =	sdelay $0x3  }
0x37: {  	[smem:$0x3FAC] =	sst s10  }
0x38: {  	s10 =	sld [smem:$0x3FAD]  }
0x39: {  	_ = 	snop;
	(pc) =	sbr.ind lr, $3  }
0x3a: {  	_ = 	snop  }
0x3b: {  	_ = 	snop  }
0x3c: {  	p2 =	seq.s32 s10, $0x1;
	s10 =	sld [smem:$0x3FAC]  }
0x3d: {  	_ =	shalt  }
0x3e: {  	_ =	shalt  }
0x3f: {  	_ =	shalt  }
0x40: {  	_ =	shalt  }
0x41: {  	_ =	shalt  }
0x42: {  	_ =	shalt  }
0x43: {  	_ =	shalt  }
0x44: {  	_ =	shalt  }
0x45: {  	_ =	shalt  }
0x46: {  	_ =	shalt  }
0x47: {  	_ =	shalt  }
0x48: {  	_ =	shalt  }
0x49: {  	_ =	shalt  }
0x4a: {  	_ =	shalt  }
0x4b: {  	_ =	shalt  }
0x4c: {  	_ =	shalt  }
0x4d: {  	_ =	shalt  }
0x4e: {  	_ =	shalt  }
0x4f: {  	_ =	shalt  }
0x50: {  	_ =	shalt  }
0x51: {  	_ =	shalt  }
0x52: {  	_ =	shalt  }
0x53: {  	_ =	shalt  }
0x54: {  	_ =	shalt  }
0x55: {  	_ =	shalt  }
0x56: {  	_ =	shalt  }
0x57: {  	_ =	shalt  }
0x58: {  	_ =	shalt  }
0x59: {  	_ =	shalt  }
0x5a: {  	_ =	shalt  }
0x5b: {  	_ =	shalt  }
0x5c: {  	_ =	shalt  }
0x5d: {  	_ =	shalt  }
0x5e: {  	_ =	shalt  }
0x5f: {  	_ =	shalt  }
0x60: {  	_ =	shalt  }
0x61: {  	_ =	shalt  }
0x62: {  	_ =	shalt  }
0x63: {  	_ =	shalt  }
0x64: {  	_ =	shalt  }
0x65: {  	_ =	shalt  }
0x66: {  	_ =	shalt  }
0x67: {  	_ =	shalt  }
0x68: {  	_ =	shalt  }
0x69: {  	_ =	shalt  }
0x6a: {  	_ =	shalt  }
0x6b: {  	_ =	shalt  }
0x6c: {  	_ =	shalt  }
0x6d: {  	_ =	shalt  }
0x6e: {  	_ =	shalt  }
0x6f: {  	_ =	shalt  }
0x70: {  	_ =	shalt  }
0x71: {  	_ =	shalt  }
0x72: {  	_ =	shalt  }
0x73: {  	_ =	shalt  }
0x74: {  	_ =	shalt  }
0x75: {  	_ =	shalt  }
0x76: {  	_ =	shalt  }
0x77: {  	_ =	shalt  }
0x78: {  	_ =	shalt  }
0x79: {  	_ =	shalt  }
0x7a: {  	_ =	shalt  }
0x7b: {  	_ =	shalt  }
0x7c: {  	_ =	shalt  }
0x7d: {  	_ =	shalt  }
0x7e: {  	_ =	shalt  }
0x7f: {  	_ =	shalt  }
0x80: {  	_ =	shalt  }
0x81: {  	_ =	shalt  }
0x82: {  	_ =	shalt  }
0x83: {  	_ =	shalt  }
0x84: {  	_ =	shalt  }
0x85: {  	_ =	shalt  }
0x86: {  	_ =	shalt  }
0x87: {  	_ =	shalt  }
.Lfunc_end0:
.L_simem_size_0:
called_computation.3_lowered:
.L_overlay_start_0:
0x88: {  	s2 =	sld [smem:$0x3FD9]  }
0x89: {  	s3 =	sld [smem:$0x3FFE];
	_ =	sdelay $0x1  }
0x8a: {  	s1 =	srdreg.scid  }
0x8b: {  	s0 =	sand.u32 $0x1, s1  }
0x8c: {  	s16 =	sshll.u32 s0, $0xA;
	s2 =	sadd.s32 s3, s2  }
0x8d: {  	s2 =	sadd.s32 s2, s16  }
0x8e: {  	[smem:$0x3FB8] =	sst s2  }
0x8f: {  	_ = 	snop  }
0x90: {  	(tm) =	ssettm $0x1  }
0x91: {  	s17 =	sld [smem:$0x3FFB];
	_ =	sdelay $0x3  }
0x92: {  	_ =	strace s17  }
0x93: {  	s2 =	sld [smem:$0x3FFC];
	_ =	sdelay $0x3  }
0x94: {  	_ =	strace s2  }
0x95: {  	s2 =	sld [smem:$0x3FFD];
	_ =	sdelay $0x3  }
0x96: {  	_ =	strace s2  }
0x97: {  	_ =	strace $0x8FFFFFFF  }
0x98: {  	s18 =	sld [smem:$0x3FDB];
	_ =	sdelay $0x1  }
0x99: {  	s19 =	simm.s32 $_scs_section_size  }
0x9a: {  	s4 =	simm.s32 $_size__tile_overlayer_lowered;
	s5 =	simm.s32 $_tile_overlayer_lowered  }
0x9b: {  	s22 =	simm.s32 $0x1BFF;
	s21 =	sshll.u32 s5, $0x1;
	s2 =	sadd.s32 s19, s18  }
0x9c: {  	s6 =	simm.s32 $0x0;
	s20 =	sshll.u32 s4, $0x1;
	s4 =	sadd.s32 s21, s2  }
0x9d: {  	[timem:s6], [sflag:s22] =	dma.local [hbm:s4], s20  }
0x9e: {  	_ =	swait.ge [sflag:s22], s20  }
0x9f: {  	s3 =	ssub.s32 $0x0, s20;
	[sflag:s22] =	ssyncset.done $0x0  }
0xa0: {  	[sflag:s22] =	ssyncadd.s32 s3;
	_ =	sdelay $0x1  }
0xa1: {  	s23 =	simm.s32 $0x1B8B  }
0xa2: {  	_ =	swait.ge [sflag:s23], $0x1  }
0xa3: {  	[sflag:s23] =	ssyncset.done $0x0  }
0xa4: {  	s25 =	simm.s32 $0x1B8E;
	s24 =	sld [smem:$0x3FFE];
	[sflag:s23] =	ssyncadd.s32 $0xFFFFFFFF  }
0xa5: {  	s26 =	simm.s32 $execute0_lowered;
	[smem:$0x3FD2] =	sst s25  }
0xa6: {  	s4 =	sshll.u32 s26, $0x1;
	_ =	strace $0x8000004F;
	[dreg:$0x1] =	wrdreg $0xFFFFFFFF  }
0xa7: {  	s28 =	simm.s32 $_size_execute0_lowered;
	s2 =	sadd.s32 s2, s4;
	[dreg:$0x0] =	wrdreg $0x0  }
0xa8: {  	s4 =	sshll.u32 s28, $0x1;
	[dreg:$0x2] =	wrdreg s2  }
0xa9: {  	[dreg:$0x3] =	wrdreg s4  }
0xaa: {  	[dreg:$0x4] =	wrdreg $0xC0  }
0xab: {  	_ =	task [dreg:s6], $0x5FFFF  }
0xac: {  	[dreg:$0x1] =	wrdreg $0xFFFFFFFF  }
0xad: {  	[dreg:$0x0] =	wrdreg $0x60  }
0xae: {  	[dreg:$0x2] =	wrdreg s24  }
0xaf: {  	[dreg:$0x3] =	wrdreg $0xFD000  }
0xb0: {  	[dreg:$0x4] =	wrdreg $0x9  }
0xb1: {  	_ =	task.clear_ibuf [dreg:s6], $0x5FFFF;
	_ =	strace $0x9000004F  }
0xb2: {  	s29 =	simm.s32 $0x9;
	_ =	strace $0x80000051  }
0xb3: {  	_ =	swait.ge [sflag:s29], $0x1  }
0xb4: {  	[sflag:s29] =	ssyncadd.s32 $0xFFFFFFFF  }
0xb5: {  	_ =	strace $0x90000051  }
0xb6: {  	_ =	sfence  }
0xb7: {  	s30 =	sld [smem:$0x0];
	_ =	sdelay $0x2  }
0xb8: {  	s31 =	sshll.u32 s1, $0xD;
	s1 =	sshrl.u32 s1, $0x2  }
0xb9: {  	s3 =	sand.u32 $0x4000, s31;
	s1 =	sadd.s32 s1, s30  }
0xba: {  	s0 =	sor.u32 s3, s0;
	s1 =	sshll.u32 s1, $0x11  }
0xbb: {  	s0 =	sor.u32 s1, s0  }
0xbc: {  	s0 =	sadd.s32 $0x8F2B, s0  }
0xbd: {  	[sflag:s0] =	ssyncadd.remote.s32 $0x1  }
0xbe: {  	_ =	sfence.sel $0xFFFF  }
0xbf: {  	[dreg:$0x0] =	wrdreg $0xFFFFFFFF;
	(pc) =	sbr.abs _section_cstart, $3  }
0xc0: {  	[dreg:$0x1] =	wrdreg $0xFFFFFFFF  }
0xc1: {  	_ =	task.clear_ibuf [dreg:s6], $0x2FFFF;
	_ =	strace $0x9FFFFFFF  }
0xc2: {  	(tm) =	ssettm $0x7FFFFFFF  }
0xc3: {  	_ =	shalt  }
tec
execute0_lowered:
.L_overlay_start_1:
0x0: {  	(tag) =	ssettag $0x1  }
0x1: {  	s5 =	rddreg [dreg:$0x0]  }
0x2: {  	s2 =	rddreg [dreg:$0x1]  }
0x3: {  	s0 =	rddreg [dreg:$0x2]  }
0x4: {  	s4 =	srdreg.scid;
	s1 =	stileid.u32;
	s3 =	simm.s32 $0x0  }
0x5: {  	s16 =	simm.s32 $0x4E80;
	s17 =	simm.s32 $0x80;
	s7 =	smul.u32 $0x4E80, s1  }
0x6: {  	s18 =	simm.s32 $0xCD00;
	s19 =	simm.s32 $0x1;
	s9 =	smul.u32 $0xED00, s1  }
0x7: {  	s20 =	simm.s32 $0x2;
	s6 =	sand.u32 $0x1, s4;
	s11 =	smul.u32 $0x3B400, s1  }
0x8: {  	s21 =	simm.s32 $0x9C80;
	[smem:$0x7FF] =	sst s3;
	s8 =	smul.u32 $0x4E800, s6  }
0x9: {  	s4 =	sadd.s32 $0x5200, s5;
	s10 =	smul.u32 $0xED000, s6;
	s6 =	ssub.s32 $0x2, s6  }
0xa: {  	_ =	strace $0x80000050;
	s29 =	sshrl.u32 s11, $0x2;
	s30 =	sshrl.u32 s6, $0x1  }
0xb: {  	s8 =	sadd.s32 s7, s8;
	s7 =	sshrl.u32 s7, $0x3;
	s28 =	sadd.s32 s9, s10  }
0xc: {  	s31 =	sadd.s32 s29, s2;
	s15 =	ssub.s32 s6, s30;
	s8 =	sshrl.u32 s8, $0x3  }
0xd: {  	s13 =	sadd.s32 s7, s5;
	s7 =	sshrl.u32 s28, $0x3;
	s6 =	sadd.s32 $0x3000, s31  }
0xe: {  	s12 =	sadd.s32 s8, s5;
	s14 =	sadd.s32 s7, s5;
	s5 =	sadd.s32 s9, s2  }
0xf: {  	s7 =	sadd.s32 $0x6000, s31;
	s8 =	sadd.s32 $0x9000, s31;
	s9 =	sadd.s32 $0xC000, s31  }
0x10: {  	s11 =	sadd.s32 $0x97C00, s13;
	s13 =	smax.u32 s15, $0x1;
	s15 =	simm.s32 $0x3  }
0x11: {  	v0 =	vimm.f32 $0.0e+00;
	s10 =	sadd.s32 $0xA1A00, s12;
	s12 =	sadd.s32 $0x3FC00, s14;
	s14 =	simm.s32 $0x9D00  }
.LBB2_1:
0x12: {  	s22 =	simm.s32 $0x0  }
0x13: {  	[tilespmem:s22+$0x9D50] =	vst v0  }
0x14: {  	[tilespmem:s22+$0x9D00] =	vst v0  }
0x15: {  	[tilespmem:s22+$0x9D10] =	vst v0  }
0x16: {  	[tilespmem:s22+$0x9D20] =	vst v0  }
0x17: {  	s23 =	simm.s32 $0x180;
	[tilespmem:s22+$0x9D30] =	vst v0  }
.LBB2_2:
0x18: {  	p0 =	sne.s32 s23, $0xBE80;
	[tilespmem:s22+$0x9D40] =	vst v0;
	s22 =	sshra.s32 s23, $0x2;
	s23 =	sadd.s32 $0x180, s23  }
.Ltmp0:
0x19: {  	[tilespmem:s22+$0x9D50] =	vst v0;
	(pc) =	sbr.rel @p0 .LBB2_2-.Ltmp0, $4  }
0x1a: {  	[tilespmem:s22+$0x9D00] =	vst v0  }
0x1b: {  	[tilespmem:s22+$0x9D10] =	vst v0  }
0x1c: {  	[tilespmem:s22+$0x9D20] =	vst v0  }
0x1d: {  	[tilespmem:s22+$0x9D30] =	vst v0  }
0x1e: {  	[tilespmem:s22+$0x9D40] =	vst v0  }
0x1f: {  	[spmem:s5] =	stream.linear.scatter [tilespmem:s14], [sflag:$0x3], $0x3000, $0x38;
	[tilespmem:$0x1EA00] =	vst v63  }
0x20: {  	_ =	swait.ge [sflag:s15], $0x3000  }
0x21: {  	[sflag:s15] =	ssyncset.done $0x0  }
0x22: {  	[sflag:s15] =	ssyncadd.s32 $0xFFFFD000  }
0x23: {  	[spmem:s6] =	stream.linear.scatter [tilespmem:s14], [sflag:$0x3], $0x3000, $0x38;
	[tilespmem:$0x1EA00] =	vst v63  }
0x24: {  	_ =	swait.ge [sflag:s15], $0x3000  }
0x25: {  	[sflag:s15] =	ssyncset.done $0x0  }
0x26: {  	[sflag:s15] =	ssyncadd.s32 $0xFFFFD000  }
0x27: {  	[spmem:s7] =	stream.linear.scatter [tilespmem:s14], [sflag:$0x3], $0x3000, $0x38;
	[tilespmem:$0x1EA00] =	vst v63  }
0x28: {  	_ =	swait.ge [sflag:s15], $0x3000  }
0x29: {  	[sflag:s15] =	ssyncset.done $0x0  }
0x2a: {  	[sflag:s15] =	ssyncadd.s32 $0xFFFFD000  }
0x2b: {  	[spmem:s8] =	stream.linear.scatter [tilespmem:s14], [sflag:$0x3], $0x3000, $0x38;
	[tilespmem:$0x1EA00] =	vst v63  }
0x2c: {  	_ =	swait.ge [sflag:s15], $0x3000  }
0x2d: {  	[sflag:s15] =	ssyncset.done $0x0  }
0x2e: {  	[sflag:s15] =	ssyncadd.s32 $0xFFFFD000  }
0x2f: {  	[spmem:s9] =	stream.linear.scatter [tilespmem:s14], [sflag:$0x3], $0x2D00, $0x38;
	[tilespmem:$0x1EA00] =	vst v63  }
0x30: {  	_ =	swait.ge [sflag:s15], $0x2D00  }
0x31: {  	[sflag:s15] =	ssyncset.done $0x0  }
0x32: {  	[sflag:s15] =	ssyncadd.s32 $0xFFFFD300  }
0x33: {  	s26 =	simm.s32 $0x0;
	[bflag:$0x0] =	sbarrier.arrive $0xFFFF  }
0x34: {  	[tilespmem:s26], [sflag:$0x3] =	stream.linear.gather [hbm4b:s10+s26], $0x4E80, $0x38;
	[tilespmem:$0x1EA00] =	vst v63  }
0x35: {  	_ =	swait.ge [sflag:s15], $0x4E80  }
0x36: {  	[sflag:s15] =	ssyncset.done $0x0  }
0x37: {  	[sflag:s15] =	ssyncadd.s32 $0xFFFFB180  }
0x38: {  	[tilespmem:s16], [sflag:$0x3] =	stream.linear.gather [hbm4b:s11+s26], $0x4E80, $0x38;
	[tilespmem:$0x1EA00] =	vst v63  }
0x39: {  	_ =	swait.ge [sflag:s15], $0x4E80  }
0x3a: {  	[sflag:s15] =	ssyncset.done $0x0  }
0x3b: {  	[sflag:s15] =	ssyncadd.s32 $0xFFFFB180  }
0x3c: {  	[tilespmem:s14], [sflag:$0x1] =	stream.indirect.gather [hbm4b:s4+s17], $0x60, s26, s17, $0xb8;
	[tilespmem:$0x1EA00] =	vst v63  }
0x3d: {  	s28 =	simm.s32 $0x80  }
0x3e: {  	[tilespmem:s18], [sflag:$0x2] =	stream.indirect.gather [hbm4b:s4+s17], $0x60, s28, s17, $0xb8;
	[tilespmem:$0x1EA00] =	vst v63  }
0x3f: {  	_ =	swait.ge [sflag:s19], $0x3000  }
0x40: {  	[sflag:s19] =	ssyncset.done $0x0  }
0x41: {  	s29 =	simm.s32 $0x4E80;
	[sflag:s19] =	ssyncadd.s32 $0xFFFFD000  }
0x42: {  	[spmem:s2] =	stream.indirect.scatter.add.f32 [tilespmem:s14], [sflag:$0x3], $0x60, s29, s17, $0xb8;
	[tilespmem:$0x1EA00] =	vst v63  }
0x43: {  	_ =	swait.ge [sflag:s15], $0x3000  }
0x44: {  	[sflag:s15] =	ssyncset.done $0x0  }
0x45: {  	s30 =	simm.s32 $0x100;
	[sflag:s15] =	ssyncadd.s32 $0xFFFFD000  }
0x46: {  	[tilespmem:s14], [sflag:$0x1] =	stream.indirect.gather [hbm4b:s4+s17], $0x60, s30, s17, $0xb8;
	[tilespmem:$0x1EA00] =	vst v63  }
0x47: {  	_ =	swait.ge [sflag:s20], $0x3000  }
0x48: {  	[sflag:s20] =	ssyncset.done $0x0  }
0x49: {  	s31 =	simm.s32 $0x4F00;
	[sflag:s20] =	ssyncadd.s32 $0xFFFFD000  }
0x4a: {  	[spmem:s2] =	stream.indirect.scatter.add.f32 [tilespmem:s18], [sflag:$0x3], $0x60, s31, s17, $0xb8;
	[tilespmem:$0x1EA00] =	vst v63  }
0x4b: {  	_ =	swait.ge [sflag:s15], $0x3000  }
0x4c: {  	s23 =	simm.s32 $0x800;
	s22 =	simm.s32 $0x100;
	[sflag:s15] =	ssyncset.done $0x0  }
.LBB2_4:
0x4d: {  	s24 =	sadd.s32 $0x80, s22  }
0x4e: {  	[sflag:s15] =	ssyncadd.s32 $0xFFFFD000;
	s25 =	smov.u32 s23;
	s26 =	sadd.s32 $0x400, s23  }
0x4f: {  	[tilespmem:s18], [sflag:$0x2] =	stream.indirect.gather [hbm4b:s4+s17], $0x60, s24, s17, $0xb8;
	[tilespmem:$0x1EA00] =	vst v63  }
0x50: {  	p0 =	sne.s32 s23, $0x13400;
	_ =	swait.ge [sflag:s19], $0x3000  }
0x51: {  	[sflag:s19] =	ssyncset.done $0x0  }
0x52: {  	s23 =	sadd.s32 $0x4E80, s22;
	[sflag:s19] =	ssyncadd.s32 $0xFFFFD000  }
0x53: {  	[spmem:s2] =	stream.indirect.scatter.add.f32 [tilespmem:s14], [sflag:$0x3], $0x60, s23, s17, $0xb8;
	[tilespmem:$0x1EA00] =	vst v63  }
0x54: {  	_ =	swait.ge [sflag:s15], $0x3000  }
0x55: {  	[sflag:s15] =	ssyncset.done $0x0  }
0x56: {  	s23 =	sadd.s32 $0x100, s22;
	[sflag:s15] =	ssyncadd.s32 $0xFFFFD000  }
0x57: {  	[tilespmem:s14], [sflag:$0x1] =	stream.indirect.gather [hbm4b:s4+s17], $0x60, s23, s17, $0xb8;
	[tilespmem:$0x1EA00] =	vst v63  }
0x58: {  	_ =	swait.ge [sflag:s20], $0x3000  }
.Ltmp1:
0x59: {  	[sflag:s20] =	ssyncset.done $0x0;
	(pc) =	sbr.rel @p0 .LBB2_4-.Ltmp1, $4  }
0x5a: {  	s22 =	sadd.s32 $0x4F00, s22;
	[sflag:s20] =	ssyncadd.s32 $0xFFFFD000  }
0x5b: {  	[spmem:s2] =	stream.indirect.scatter.add.f32 [tilespmem:s18], [sflag:$0x3], $0x60, s22, s17, $0xb8;
	[tilespmem:$0x1EA00] =	vst v63  }
0x5c: {  	_ =	swait.ge [sflag:s15], $0x3000  }
0x5d: {  	s23 =	smov.u32 s26;
	s22 =	sshra.s32 s25, $0x2;
	[sflag:s15] =	ssyncset.done $0x0  }
0x5e: {  	s23 =	sadd.s32 $0x80, s22;
	[sflag:s15] =	ssyncadd.s32 $0xFFFFD000  }
0x5f: {  	[tilespmem:s18], [sflag:$0x2] =	stream.indirect.gather [hbm4b:s4+s17], $0x60, s23, s17, $0xb8;
	[tilespmem:$0x1EA00] =	vst v63  }
0x60: {  	_ =	swait.ge [sflag:s19], $0x3000  }
0x61: {  	[sflag:s19] =	ssyncset.done $0x0  }
0x62: {  	s26 =	sadd.s32 $0x4E80, s22;
	[sflag:s19] =	ssyncadd.s32 $0xFFFFD000  }
0x63: {  	[spmem:s2] =	stream.indirect.scatter.add.f32 [tilespmem:s14], [sflag:$0x3], $0x60, s26, s17, $0xb8;
	[tilespmem:$0x1EA00] =	vst v63  }
0x64: {  	_ =	swait.ge [sflag:s15], $0x3000  }
0x65: {  	[sflag:s15] =	ssyncset.done $0x0  }
0x66: {  	s28 =	sadd.s32 $0x100, s22;
	[sflag:s15] =	ssyncadd.s32 $0xFFFFD000  }
0x67: {  	[tilespmem:s14], [sflag:$0x1] =	stream.indirect.gather [hbm4b:s4+s17], $0x60, s28, s17, $0xb8;
	[tilespmem:$0x1EA00] =	vst v63  }
0x68: {  	_ =	swait.ge [sflag:s20], $0x3000  }
0x69: {  	[sflag:s20] =	ssyncset.done $0x0  }
0x6a: {  	s29 =	sadd.s32 $0x4F00, s22;
	[sflag:s20] =	ssyncadd.s32 $0xFFFFD000  }
0x6b: {  	[spmem:s2] =	stream.indirect.scatter.add.f32 [tilespmem:s18], [sflag:$0x3], $0x60, s29, s17, $0xb8;
	[tilespmem:$0x1EA00] =	vst v63  }
0x6c: {  	_ =	swait.ge [sflag:s15], $0x3000  }
0x6d: {  	[sflag:s15] =	ssyncset.done $0x0  }
0x6e: {  	[sflag:s15] =	ssyncadd.s32 $0xFFFFD000  }
0x6f: {  	_ =	swait.ge [sflag:s19], $0x3000  }
0x70: {  	[sflag:s19] =	ssyncset.done $0x0  }
0x71: {  	[sflag:s19] =	ssyncadd.s32 $0xFFFFD000  }
0x72: {  	[spmem:s2] =	stream.indirect.scatter.add.f32 [tilespmem:s14], [sflag:$0x3], $0x60, s21, s17, $0xb8;
	[tilespmem:$0x1EA00] =	vst v63  }
0x73: {  	_ =	swait.ge [sflag:s15], $0x3000  }
0x74: {  	s30 =	sshll.u32 s1, $0x6;
	s3 =	sadd.s32 $0x1, s3;
	[sflag:s15] =	ssyncset.done $0x0  }
0x75: {  	s31 =	sshrl.u32 s5, $0x3;
	p0 =	sne.s32 s3, s13;
	[sflag:s15] =	ssyncadd.s32 $0xFFFFD000  }
.Ltmp2:
0x76: {  	s22 =	sor.u32 $0x1C03, s30;
	[bflag:$0x0] =	sbarrier.arrive $0xFFFF;
	(pc) =	sbr.rel @p0 .LBB2_1-.Ltmp2, $4  }
0x77: {  	[hbm:s12], [sflag:s22] =	dma.local [spmem:s31], $0x1DA0  }
0x78: {  	_ =	swait.ge [sflag:s15], $0x1DA0  }
0x79: {  	[sflag:s15] =	ssyncset.done $0x0  }
0x7a: {  	[sflag:s15] =	ssyncadd.s32 $0xFFFFE260  }
0x7b: {  	_ =	sfence.sel $0x180000  }
0x7c: {  	[bflag:$0x0] =	sbarrier.arrive $0xFFFF  }
0x7d: {  	p0 =	sne.s32 s1, $0x0;
	_ =	strace $0x90000050  }
0x7e: {  	s0 =	sadd.s32 @!p0 $0x100000, s0;
	[bflag:$0x2] =	sbarrier.arrive $0xFFFF  }
0x7f: {  	[sflag:s0] =	ssyncadd.tile.s32 @!p0 $0x1;
	_ =	shalt  }
.Lfunc_end2:
_tile_overlayer_lowered:
.L_overlay_start_2:
0x80: {  	(tag) =	ssettag $0x2  }
0x81: {  	s0 =	rddreg [dreg:$0x0];
	s2 =	stileid.u32  }
0x82: {  	s1 =	rddreg [dreg:$0x1];
	p0 =	sne.s32 s2, $0x0  }
0x83: {  	s3 =	rddreg [dreg:$0x2];
	[bflag:$0x3] =	sbarrier.arrive $0xFFFF;
	s2 =	simm.s32 @!p0 $0x1C03  }
0x84: {  	[timem:s3], [sflag:s2] =	dma.local @!p0 [hbm:s0], s1  }
0x85: {  	s0 =	simm.s32 @!p0 $0x3  }
0x86: {  	_ =	swait.ge @!p0 [sflag:s0], s1  }
0x87: {  	s1 =	ssub.s32 @!p0 $0x0, s1;
	[sflag:s0] =	ssyncset.done @!p0 $0x0  }
0x88: {  	[sflag:s0] =	ssyncadd.s32 @!p0 s1  }
0x89: {  	[bflag:$0x3] =	sbarrier.arrive $0xFFFF  }
0x8a: {  	_ =	shalt  }

// kernel: kernel.24.cloned.1.call-start
scs
__scs_entry_jumppad:
0x0: {  	(pc) =	sbr.rel $0x88, $3  }
0x1: {  	(tag) =	ssettag $0x0;
	lr =	simm.s32 $0x1  }
0x2: {  	[smem:$0x3F91] =	sst lr;
	_ =	strace $0xD0000000  }
0x3: {  	_ = 	snop  }
0x4: {  	_ = 	snop  }
0x5: {  	_ = 	snop  }
0x6: {  	_ = 	snop  }
0x7: {  	_ = 	snop  }
__scs_overlays_trampoline_lowered:
0x8: {  	[smem:$0x3FA0] =	sst s0  }
0x9: {  	[smem:$0x3FA1] =	sst s1  }
0xa: {  	[smem:$0x3FA2] =	sst s2  }
0xb: {  	[smem:$0x3FA3] =	sst s3  }
0xc: {  	[smem:$0x3FA4] =	sst s4  }
0xd: {  	[smem:$0x3FA5] =	sst s5  }
0xe: {  	[smem:$0x3FA6] =	sst s6  }
0xf: {  	[smem:$0x3FA7] =	sst s7  }
0x10: {  	[smem:$0x3FA8] =	sst s8  }
0x11: {  	[smem:$0x3FA9] =	sst s9;
	s0 =	simm.s32 @!p0 $0x0  }
0x12: {  	s1 =	sld [smem:$0x3F8F];
	s0 =	simm.s32 @p0 $0x1  }
0x13: {  	[smem:$0x3FAA] =	sst s0;
	s0 =	simm.s32 @!p1 $0x0  }
0x14: {  	s2 =	sld [smem:$0x3F8E];
	s0 =	simm.s32 @p1 $0x1  }
0x15: {  	[smem:$0x3FAB] =	sst s0;
	s0 =	simm.s32 @!p2 $0x0  }
0x16: {  	s3 =	sld [smem:$0x3FDB];
	s0 =	simm.s32 @p2 $0x1  }
0x17: {  	s4 =	simm.s32 $0x1BF5;
	[smem:$0x3FAD] =	sst s0  }
0x18: {  	s0 =	sld [smem:$0x3F90];
	_ =	swait.ge [sflag:s4], $0x0  }
0x19: {  	s7 =	sld [smem:$0x3F91]  }
0x1a: {  	s8 =	sadd.s32 $0xFFFFE003, lr  }
0x1b: {  	s9 =	sadd.s32 $0xFFFFFEF7, lr;
	s5 =	simm.s32 $0xFFFFFFFF;
	p2 =	slt.u32 s8, $0xFFFFF086  }
0x1c: {  	p1 =	slt.u32 s9, $0xF7A;
	s5 =	simm.s32 @!p2 $0x0  }
0x1d: {  	s5 =	simm.s32 @p1 $0x1;
	p0 =	seq.s32 s7, s2  }
0x1e: {  	s7 =	smul.u32 @!p0 $0xF7A, s2;
	p2 =	seq.s32 @!p0 s5, $0x0  }
0x1f: {  	s9 =	smul.u32 $0xF7A, s1;
	s8 =	simm.s32 @!p0 $0x1BF5;
	p2 =	por !p2, p0  }
0x20: {  	[sflag:s8] =	ssyncset.s32 @!p0 $0xFFFFF086;
	s6 =	sadd.s32 @!p0 s3, s7;
	s7 =	simm.s32 @!p0 $0x108  }
0x21: {  	s3 =	sadd.s32 s3, s9;
	s6 =	sadd.s32 @!p0 $0x88, s6;
	s7 =	simm.s32 @p2 $0x1082  }
0x22: {  	[simem:s7], [sflag:s8] =	dma.local @!p0 [hbm:s6], $0xF7A  }
0x23: {  	s9 =	sor.u32 $0xD0000000, s2;
	s6 =	simm.s32 $0x108;
	_ =	swait.ge @!p0 [sflag:s8], $0x0  }
0x24: {  	s3 =	sadd.s32 $0x88, s3;
	s6 =	simm.s32 @!p1 $0x1082;
	[sflag:s4] =	ssyncset.s32 $0xFFFFF086  }
0x25: {  	[simem:s6], [sflag:s4] =	dma.local [hbm:s3], $0xF7A  }
0x26: {  	[smem:$0x3F91] =	sst s1;
	(tag) =	ssettag s2;
	_ =	strace s9  }
0x27: {  	s1 =	sld [smem:$0x3FA1]  }
0x28: {  	s2 =	sld [smem:$0x3FA2]  }
0x29: {  	s4 =	sld [smem:$0x3FA4]  }
0x2a: {  	p0 =	seq.s32 s5, $0x0;
	s5 =	sld [smem:$0x3FA5]  }
0x2b: {  	s6 =	sld [smem:$0x3FA6]  }
0x2c: {  	s7 =	sld [smem:$0x3FA7]  }
0x2d: {  	s3 =	simm.s32 $0x108;
	s8 =	sld [smem:$0x3FA8]  }
0x2e: {  	s3 =	simm.s32 @!p0 $0x1082;
	s9 =	sld [smem:$0x3FA9]  }
0x2f: {  	lr =	sadd.s32 s0, s3;
	s0 =	sld [smem:$0x3FA0]  }
0x30: {  	s3 =	sld [smem:$0x3FA3]  }
0x31: {  	[smem:$0x3FAC] =	sst s10  }
0x32: {  	s10 =	sld [smem:$0x3FAA];
	_ =	sdelay $0x3  }
0x33: {  	p0 =	seq.s32 s10, $0x1;
	s10 =	sld [smem:$0x3FAC];
	_ =	sdelay $0x3  }
0x34: {  	[smem:$0x3FAC] =	sst s10  }
0x35: {  	s10 =	sld [smem:$0x3FAB];
	_ =	sdelay $0x3  }
0x36: {  	p1 =	seq.s32 s10, $0x1;
	s10 =	sld [smem:$0x3FAC];
	_ =	sdelay $0x3  }
0x37: {  	[smem:$0x3FAC] =	sst s10  }
0x38: {  	s10 =	sld [smem:$0x3FAD]  }
0x39: {  	_ = 	snop;
	(pc) =	sbr.ind lr, $3  }
0x3a: {  	_ = 	snop  }
0x3b: {  	_ = 	snop  }
0x3c: {  	p2 =	seq.s32 s10, $0x1;
	s10 =	sld [smem:$0x3FAC]  }
0x3d: {  	_ =	shalt  }
0x3e: {  	_ =	shalt  }
0x3f: {  	_ =	shalt  }
0x40: {  	_ =	shalt  }
0x41: {  	_ =	shalt  }
0x42: {  	_ =	shalt  }
0x43: {  	_ =	shalt  }
0x44: {  	_ =	shalt  }
0x45: {  	_ =	shalt  }
0x46: {  	_ =	shalt  }
0x47: {  	_ =	shalt  }
0x48: {  	_ =	shalt  }
0x49: {  	_ =	shalt  }
0x4a: {  	_ =	shalt  }
0x4b: {  	_ =	shalt  }
0x4c: {  	_ =	shalt  }
0x4d: {  	_ =	shalt  }
0x4e: {  	_ =	shalt  }
0x4f: {  	_ =	shalt  }
0x50: {  	_ =	shalt  }
0x51: {  	_ =	shalt  }
0x52: {  	_ =	shalt  }
0x53: {  	_ =	shalt  }
0x54: {  	_ =	shalt  }
0x55: {  	_ =	shalt  }
0x56: {  	_ =	shalt  }
0x57: {  	_ =	shalt  }
0x58: {  	_ =	shalt  }
0x59: {  	_ =	shalt  }
0x5a: {  	_ =	shalt  }
0x5b: {  	_ =	shalt  }
0x5c: {  	_ =	shalt  }
0x5d: {  	_ =	shalt  }
0x5e: {  	_ =	shalt  }
0x5f: {  	_ =	shalt  }
0x60: {  	_ =	shalt  }
0x61: {  	_ =	shalt  }
0x62: {  	_ =	shalt  }
0x63: {  	_ =	shalt  }
0x64: {  	_ =	shalt  }
0x65: {  	_ =	shalt  }
0x66: {  	_ =	shalt  }
0x67: {  	_ =	shalt  }
0x68: {  	_ =	shalt  }
0x69: {  	_ =	shalt  }
0x6a: {  	_ =	shalt  }
0x6b: {  	_ =	shalt  }
0x6c: {  	_ =	shalt  }
0x6d: {  	_ =	shalt  }
0x6e: {  	_ =	shalt  }
0x6f: {  	_ =	shalt  }
0x70: {  	_ =	shalt  }
0x71: {  	_ =	shalt  }
0x72: {  	_ =	shalt  }
0x73: {  	_ =	shalt  }
0x74: {  	_ =	shalt  }
0x75: {  	_ =	shalt  }
0x76: {  	_ =	shalt  }
0x77: {  	_ =	shalt  }
0x78: {  	_ =	shalt  }
0x79: {  	_ =	shalt  }
0x7a: {  	_ =	shalt  }
0x7b: {  	_ =	shalt  }
0x7c: {  	_ =	shalt  }
0x7d: {  	_ =	shalt  }
0x7e: {  	_ =	shalt  }
0x7f: {  	_ =	shalt  }
0x80: {  	_ =	shalt  }
0x81: {  	_ =	shalt  }
0x82: {  	_ =	shalt  }
0x83: {  	_ =	shalt  }
0x84: {  	_ =	shalt  }
0x85: {  	_ =	shalt  }
0x86: {  	_ =	shalt  }
0x87: {  	_ =	shalt  }
.Lfunc_end0:
.L_simem_size_0:
called_computation.4_lowered:
.L_overlay_start_0:
0x88: {  	s2 =	sld [smem:$0x3FD9]  }
0x89: {  	s3 =	sld [smem:$0x3FFE];
	_ =	sdelay $0x1  }
0x8a: {  	s1 =	srdreg.scid  }
0x8b: {  	s0 =	sand.u32 $0x1, s1  }
0x8c: {  	s16 =	sshll.u32 s0, $0xA;
	s2 =	sadd.s32 s3, s2  }
0x8d: {  	s2 =	sadd.s32 s2, s16  }
0x8e: {  	[smem:$0x3FB8] =	sst s2  }
0x8f: {  	_ = 	snop  }
0x90: {  	(tm) =	ssettm $0x1  }
0x91: {  	s17 =	sld [smem:$0x3FFB];
	_ =	sdelay $0x3  }
0x92: {  	_ =	strace s17  }
0x93: {  	s2 =	sld [smem:$0x3FFC];
	_ =	sdelay $0x3  }
0x94: {  	_ =	strace s2  }
0x95: {  	s2 =	sld [smem:$0x3FFD];
	_ =	sdelay $0x3  }
0x96: {  	_ =	strace s2  }
0x97: {  	_ =	strace $0x8FFFFFFF  }
0x98: {  	s18 =	sld [smem:$0x3FDB];
	_ =	sdelay $0x1  }
0x99: {  	s19 =	simm.s32 $_scs_section_size  }
0x9a: {  	s4 =	simm.s32 $_size__tile_overlayer_lowered;
	s5 =	simm.s32 $_tile_overlayer_lowered  }
0x9b: {  	s22 =	simm.s32 $0x1BFF;
	s21 =	sshll.u32 s5, $0x1;
	s2 =	sadd.s32 s19, s18  }
0x9c: {  	s6 =	simm.s32 $0x0;
	s20 =	sshll.u32 s4, $0x1;
	s4 =	sadd.s32 s21, s2  }
0x9d: {  	[timem:s6], [sflag:s22] =	dma.local [hbm:s4], s20  }
0x9e: {  	_ =	swait.ge [sflag:s22], s20  }
0x9f: {  	s3 =	ssub.s32 $0x0, s20;
	[sflag:s22] =	ssyncset.done $0x0  }
0xa0: {  	[sflag:s22] =	ssyncadd.s32 s3;
	_ =	sdelay $0x1  }
0xa1: {  	s23 =	simm.s32 $0x1B8B  }
0xa2: {  	_ =	swait.ge [sflag:s23], $0x1  }
0xa3: {  	[sflag:s23] =	ssyncset.done $0x0  }
0xa4: {  	s25 =	simm.s32 $0x1B8E;
	s24 =	sld [smem:$0x3FFE];
	[sflag:s23] =	ssyncadd.s32 $0xFFFFFFFF  }
0xa5: {  	s26 =	simm.s32 $execute0_lowered;
	[smem:$0x3FD2] =	sst s25  }
0xa6: {  	s4 =	sshll.u32 s26, $0x1;
	_ =	strace $0x80000052;
	[dreg:$0x1] =	wrdreg $0xFFFFFFFF  }
0xa7: {  	s28 =	simm.s32 $_size_execute0_lowered;
	s2 =	sadd.s32 s2, s4;
	[dreg:$0x0] =	wrdreg $0x0  }
0xa8: {  	s4 =	sshll.u32 s28, $0x1;
	[dreg:$0x2] =	wrdreg s2  }
0xa9: {  	[dreg:$0x3] =	wrdreg s4  }
0xaa: {  	[dreg:$0x4] =	wrdreg $0xC0  }
0xab: {  	_ =	task [dreg:s6], $0x5FFFF  }
0xac: {  	[dreg:$0x1] =	wrdreg $0xFFFFFFFF  }
0xad: {  	[dreg:$0x0] =	wrdreg $0x60  }
0xae: {  	[dreg:$0x2] =	wrdreg s24  }
0xaf: {  	[dreg:$0x3] =	wrdreg $0xFD000  }
0xb0: {  	[dreg:$0x4] =	wrdreg $0x9  }
0xb1: {  	_ =	task.clear_ibuf [dreg:s6], $0x5FFFF;
	_ =	strace $0x90000052  }
0xb2: {  	s29 =	simm.s32 $0x9;
	_ =	strace $0x80000054  }
0xb3: {  	_ =	swait.ge [sflag:s29], $0x1  }
0xb4: {  	[sflag:s29] =	ssyncadd.s32 $0xFFFFFFFF  }
0xb5: {  	_ =	strace $0x90000054  }
0xb6: {  	_ =	sfence  }
0xb7: {  	s30 =	sld [smem:$0x0];
	_ =	sdelay $0x2  }
0xb8: {  	s31 =	sshll.u32 s1, $0xD;
	s1 =	sshrl.u32 s1, $0x2  }
0xb9: {  	s3 =	sand.u32 $0x4000, s31;
	s1 =	sadd.s32 s1, s30  }
0xba: {  	s0 =	sor.u32 s3, s0;
	s1 =	sshll.u32 s1, $0x11  }
0xbb: {  	s0 =	sor.u32 s1, s0  }
0xbc: {  	s0 =	sadd.s32 $0x8F2B, s0  }
0xbd: {  	[sflag:s0] =	ssyncadd.remote.s32 $0x1  }
0xbe: {  	_ =	sfence.sel $0xFFFF  }
0xbf: {  	[dreg:$0x0] =	wrdreg $0xFFFFFFFF;
	(pc) =	sbr.abs _section_cstart, $3  }
0xc0: {  	[dreg:$0x1] =	wrdreg $0xFFFFFFFF  }
0xc1: {  	_ =	task.clear_ibuf [dreg:s6], $0x2FFFF;
	_ =	strace $0x9FFFFFFF  }
0xc2: {  	(tm) =	ssettm $0x7FFFFFFF  }
0xc3: {  	_ =	shalt  }
tec
execute0_lowered:
.L_overlay_start_1:
0x0: {  	(tag) =	ssettag $0x1  }
0x1: {  	s5 =	rddreg [dreg:$0x0]  }
0x2: {  	s2 =	rddreg [dreg:$0x1]  }
0x3: {  	s0 =	rddreg [dreg:$0x2]  }
0x4: {  	s4 =	srdreg.scid;
	s1 =	stileid.u32;
	s3 =	simm.s32 $0x0  }
0x5: {  	s16 =	simm.s32 $0x4E80;
	s17 =	simm.s32 $0x80;
	s7 =	smul.u32 $0x4E80, s1  }
0x6: {  	s18 =	simm.s32 $0xCD00;
	s19 =	simm.s32 $0x1;
	s9 =	smul.u32 $0xED00, s1  }
0x7: {  	s20 =	simm.s32 $0x2;
	s6 =	sand.u32 $0x1, s4;
	s11 =	smul.u32 $0x3B400, s1  }
0x8: {  	s21 =	simm.s32 $0x9C80;
	[smem:$0x7FF] =	sst s3;
	s8 =	smul.u32 $0x4E800, s6  }
0x9: {  	s4 =	sadd.s32 $0x5200, s5;
	s10 =	smul.u32 $0xED000, s6;
	s6 =	ssub.s32 $0x2, s6  }
0xa: {  	_ =	strace $0x80000053;
	s29 =	sshrl.u32 s11, $0x2;
	s30 =	sshrl.u32 s6, $0x1  }
0xb: {  	s8 =	sadd.s32 s7, s8;
	s7 =	sshrl.u32 s7, $0x3;
	s28 =	sadd.s32 s9, s10  }
0xc: {  	s31 =	sadd.s32 s29, s2;
	s15 =	ssub.s32 s6, s30;
	s8 =	sshrl.u32 s8, $0x3  }
0xd: {  	s13 =	sadd.s32 s7, s5;
	s7 =	sshrl.u32 s28, $0x3;
	s6 =	sadd.s32 $0x3000, s31  }
0xe: {  	s12 =	sadd.s32 s8, s5;
	s14 =	sadd.s32 s7, s5;
	s5 =	sadd.s32 s9, s2  }
0xf: {  	s7 =	sadd.s32 $0x6000, s31;
	s8 =	sadd.s32 $0x9000, s31;
	s9 =	sadd.s32 $0xC000, s31  }
0x10: {  	s11 =	sadd.s32 $0x97C00, s13;
	s13 =	smax.u32 s15, $0x1;
	s15 =	simm.s32 $0x3  }
0x11: {  	v0 =	vimm.f32 $0.0e+00;
	s10 =	sadd.s32 $0xA1A00, s12;
	s12 =	sadd.s32 $0x3FC00, s14;
	s14 =	simm.s32 $0x9D00  }
.LBB2_1:
0x12: {  	s22 =	simm.s32 $0x0  }
0x13: {  	[tilespmem:s22+$0x9D50] =	vst v0  }
0x14: {  	[tilespmem:s22+$0x9D00] =	vst v0  }
0x15: {  	[tilespmem:s22+$0x9D10] =	vst v0  }
0x16: {  	[tilespmem:s22+$0x9D20] =	vst v0  }
0x17: {  	s23 =	simm.s32 $0x180;
	[tilespmem:s22+$0x9D30] =	vst v0  }
.LBB2_2:
0x18: {  	p0 =	sne.s32 s23, $0xBE80;
	[tilespmem:s22+$0x9D40] =	vst v0;
	s22 =	sshra.s32 s23, $0x2;
	s23 =	sadd.s32 $0x180, s23  }
.Ltmp0:
0x19: {  	[tilespmem:s22+$0x9D50] =	vst v0;
	(pc) =	sbr.rel @p0 .LBB2_2-.Ltmp0, $4  }
0x1a: {  	[tilespmem:s22+$0x9D00] =	vst v0  }
0x1b: {  	[tilespmem:s22+$0x9D10] =	vst v0  }
0x1c: {  	[tilespmem:s22+$0x9D20] =	vst v0  }
0x1d: {  	[tilespmem:s22+$0x9D30] =	vst v0  }
0x1e: {  	[tilespmem:s22+$0x9D40] =	vst v0  }
0x1f: {  	[spmem:s5] =	stream.linear.scatter [tilespmem:s14], [sflag:$0x3], $0x3000, $0x38;
	[tilespmem:$0x1EA00] =	vst v63  }
0x20: {  	_ =	swait.ge [sflag:s15], $0x3000  }
0x21: {  	[sflag:s15] =	ssyncset.done $0x0  }
0x22: {  	[sflag:s15] =	ssyncadd.s32 $0xFFFFD000  }
0x23: {  	[spmem:s6] =	stream.linear.scatter [tilespmem:s14], [sflag:$0x3], $0x3000, $0x38;
	[tilespmem:$0x1EA00] =	vst v63  }
0x24: {  	_ =	swait.ge [sflag:s15], $0x3000  }
0x25: {  	[sflag:s15] =	ssyncset.done $0x0  }
0x26: {  	[sflag:s15] =	ssyncadd.s32 $0xFFFFD000  }
0x27: {  	[spmem:s7] =	stream.linear.scatter [tilespmem:s14], [sflag:$0x3], $0x3000, $0x38;
	[tilespmem:$0x1EA00] =	vst v63  }
0x28: {  	_ =	swait.ge [sflag:s15], $0x3000  }
0x29: {  	[sflag:s15] =	ssyncset.done $0x0  }
0x2a: {  	[sflag:s15] =	ssyncadd.s32 $0xFFFFD000  }
0x2b: {  	[spmem:s8] =	stream.linear.scatter [tilespmem:s14], [sflag:$0x3], $0x3000, $0x38;
	[tilespmem:$0x1EA00] =	vst v63  }
0x2c: {  	_ =	swait.ge [sflag:s15], $0x3000  }
0x2d: {  	[sflag:s15] =	ssyncset.done $0x0  }
0x2e: {  	[sflag:s15] =	ssyncadd.s32 $0xFFFFD000  }
0x2f: {  	[spmem:s9] =	stream.linear.scatter [tilespmem:s14], [sflag:$0x3], $0x2D00, $0x38;
	[tilespmem:$0x1EA00] =	vst v63  }
0x30: {  	_ =	swait.ge [sflag:s15], $0x2D00  }
0x31: {  	[sflag:s15] =	ssyncset.done $0x0  }
0x32: {  	[sflag:s15] =	ssyncadd.s32 $0xFFFFD300  }
0x33: {  	s26 =	simm.s32 $0x0;
	[bflag:$0x0] =	sbarrier.arrive $0xFFFF  }
0x34: {  	[tilespmem:s26], [sflag:$0x3] =	stream.linear.gather [hbm4b:s10+s26], $0x4E80, $0x38;
	[tilespmem:$0x1EA00] =	vst v63  }
0x35: {  	_ =	swait.ge [sflag:s15], $0x4E80  }
0x36: {  	[sflag:s15] =	ssyncset.done $0x0  }
0x37: {  	[sflag:s15] =	ssyncadd.s32 $0xFFFFB180  }
0x38: {  	[tilespmem:s16], [sflag:$0x3] =	stream.linear.gather [hbm4b:s11+s26], $0x4E80, $0x38;
	[tilespmem:$0x1EA00] =	vst v63  }
0x39: {  	_ =	swait.ge [sflag:s15], $0x4E80  }
0x3a: {  	[sflag:s15] =	ssyncset.done $0x0  }
0x3b: {  	[sflag:s15] =	ssyncadd.s32 $0xFFFFB180  }
0x3c: {  	[tilespmem:s14], [sflag:$0x1] =	stream.indirect.gather [hbm4b:s4+s17], $0x60, s26, s17, $0xb8;
	[tilespmem:$0x1EA00] =	vst v63  }
0x3d: {  	s28 =	simm.s32 $0x80  }
0x3e: {  	[tilespmem:s18], [sflag:$0x2] =	stream.indirect.gather [hbm4b:s4+s17], $0x60, s28, s17, $0xb8;
	[tilespmem:$0x1EA00] =	vst v63  }
0x3f: {  	_ =	swait.ge [sflag:s19], $0x3000  }
0x40: {  	[sflag:s19] =	ssyncset.done $0x0  }
0x41: {  	s29 =	simm.s32 $0x4E80;
	[sflag:s19] =	ssyncadd.s32 $0xFFFFD000  }
0x42: {  	[spmem:s2] =	stream.indirect.scatter.add.f32 [tilespmem:s14], [sflag:$0x3], $0x60, s29, s17, $0xb8;
	[tilespmem:$0x1EA00] =	vst v63  }
0x43: {  	_ =	swait.ge [sflag:s15], $0x3000  }
0x44: {  	[sflag:s15] =	ssyncset.done $0x0  }
0x45: {  	s30 =	simm.s32 $0x100;
	[sflag:s15] =	ssyncadd.s32 $0xFFFFD000  }
0x46: {  	[tilespmem:s14], [sflag:$0x1] =	stream.indirect.gather [hbm4b:s4+s17], $0x60, s30, s17, $0xb8;
	[tilespmem:$0x1EA00] =	vst v63  }
0x47: {  	_ =	swait.ge [sflag:s20], $0x3000  }
0x48: {  	[sflag:s20] =	ssyncset.done $0x0  }
0x49: {  	s31 =	simm.s32 $0x4F00;
	[sflag:s20] =	ssyncadd.s32 $0xFFFFD000  }
0x4a: {  	[spmem:s2] =	stream.indirect.scatter.add.f32 [tilespmem:s18], [sflag:$0x3], $0x60, s31, s17, $0xb8;
	[tilespmem:$0x1EA00] =	vst v63  }
0x4b: {  	_ =	swait.ge [sflag:s15], $0x3000  }
0x4c: {  	s23 =	simm.s32 $0x800;
	s22 =	simm.s32 $0x100;
	[sflag:s15] =	ssyncset.done $0x0  }
.LBB2_4:
0x4d: {  	s24 =	sadd.s32 $0x80, s22  }
0x4e: {  	[sflag:s15] =	ssyncadd.s32 $0xFFFFD000;
	s25 =	smov.u32 s23;
	s26 =	sadd.s32 $0x400, s23  }
0x4f: {  	[tilespmem:s18], [sflag:$0x2] =	stream.indirect.gather [hbm4b:s4+s17], $0x60, s24, s17, $0xb8;
	[tilespmem:$0x1EA00] =	vst v63  }
0x50: {  	p0 =	sne.s32 s23, $0x13400;
	_ =	swait.ge [sflag:s19], $0x3000  }
0x51: {  	[sflag:s19] =	ssyncset.done $0x0  }
0x52: {  	s23 =	sadd.s32 $0x4E80, s22;
	[sflag:s19] =	ssyncadd.s32 $0xFFFFD000  }
0x53: {  	[spmem:s2] =	stream.indirect.scatter.add.f32 [tilespmem:s14], [sflag:$0x3], $0x60, s23, s17, $0xb8;
	[tilespmem:$0x1EA00] =	vst v63  }
0x54: {  	_ =	swait.ge [sflag:s15], $0x3000  }
0x55: {  	[sflag:s15] =	ssyncset.done $0x0  }
0x56: {  	s23 =	sadd.s32 $0x100, s22;
	[sflag:s15] =	ssyncadd.s32 $0xFFFFD000  }
0x57: {  	[tilespmem:s14], [sflag:$0x1] =	stream.indirect.gather [hbm4b:s4+s17], $0x60, s23, s17, $0xb8;
	[tilespmem:$0x1EA00] =	vst v63  }
0x58: {  	_ =	swait.ge [sflag:s20], $0x3000  }
.Ltmp1:
0x59: {  	[sflag:s20] =	ssyncset.done $0x0;
	(pc) =	sbr.rel @p0 .LBB2_4-.Ltmp1, $4  }
0x5a: {  	s22 =	sadd.s32 $0x4F00, s22;
	[sflag:s20] =	ssyncadd.s32 $0xFFFFD000  }
0x5b: {  	[spmem:s2] =	stream.indirect.scatter.add.f32 [tilespmem:s18], [sflag:$0x3], $0x60, s22, s17, $0xb8;
	[tilespmem:$0x1EA00] =	vst v63  }
0x5c: {  	_ =	swait.ge [sflag:s15], $0x3000  }
0x5d: {  	s23 =	smov.u32 s26;
	s22 =	sshra.s32 s25, $0x2;
	[sflag:s15] =	ssyncset.done $0x0  }
0x5e: {  	s23 =	sadd.s32 $0x80, s22;
	[sflag:s15] =	ssyncadd.s32 $0xFFFFD000  }
0x5f: {  	[tilespmem:s18], [sflag:$0x2] =	stream.indirect.gather [hbm4b:s4+s17], $0x60, s23, s17, $0xb8;
	[tilespmem:$0x1EA00] =	vst v63  }
0x60: {  	_ =	swait.ge [sflag:s19], $0x3000  }
0x61: {  	[sflag:s19] =	ssyncset.done $0x0  }
0x62: {  	s26 =	sadd.s32 $0x4E80, s22;
	[sflag:s19] =	ssyncadd.s32 $0xFFFFD000  }
0x63: {  	[spmem:s2] =	stream.indirect.scatter.add.f32 [tilespmem:s14], [sflag:$0x3], $0x60, s26, s17, $0xb8;
	[tilespmem:$0x1EA00] =	vst v63  }
0x64: {  	_ =	swait.ge [sflag:s15], $0x3000  }
0x65: {  	[sflag:s15] =	ssyncset.done $0x0  }
0x66: {  	s28 =	sadd.s32 $0x100, s22;
	[sflag:s15] =	ssyncadd.s32 $0xFFFFD000  }
0x67: {  	[tilespmem:s14], [sflag:$0x1] =	stream.indirect.gather [hbm4b:s4+s17], $0x60, s28, s17, $0xb8;
	[tilespmem:$0x1EA00] =	vst v63  }
0x68: {  	_ =	swait.ge [sflag:s20], $0x3000  }
0x69: {  	[sflag:s20] =	ssyncset.done $0x0  }
0x6a: {  	s29 =	sadd.s32 $0x4F00, s22;
	[sflag:s20] =	ssyncadd.s32 $0xFFFFD000  }
0x6b: {  	[spmem:s2] =	stream.indirect.scatter.add.f32 [tilespmem:s18], [sflag:$0x3], $0x60, s29, s17, $0xb8;
	[tilespmem:$0x1EA00] =	vst v63  }
0x6c: {  	_ =	swait.ge [sflag:s15], $0x3000  }
0x6d: {  	[sflag:s15] =	ssyncset.done $0x0  }
0x6e: {  	[sflag:s15] =	ssyncadd.s32 $0xFFFFD000  }
0x6f: {  	_ =	swait.ge [sflag:s19], $0x3000  }
0x70: {  	[sflag:s19] =	ssyncset.done $0x0  }
0x71: {  	[sflag:s19] =	ssyncadd.s32 $0xFFFFD000  }
0x72: {  	[spmem:s2] =	stream.indirect.scatter.add.f32 [tilespmem:s14], [sflag:$0x3], $0x60, s21, s17, $0xb8;
	[tilespmem:$0x1EA00] =	vst v63  }
0x73: {  	_ =	swait.ge [sflag:s15], $0x3000  }
0x74: {  	s30 =	sshll.u32 s1, $0x6;
	s3 =	sadd.s32 $0x1, s3;
	[sflag:s15] =	ssyncset.done $0x0  }
0x75: {  	s31 =	sshrl.u32 s5, $0x3;
	p0 =	sne.s32 s3, s13;
	[sflag:s15] =	ssyncadd.s32 $0xFFFFD000  }
.Ltmp2:
0x76: {  	s22 =	sor.u32 $0x1C03, s30;
	[bflag:$0x0] =	sbarrier.arrive $0xFFFF;
	(pc) =	sbr.rel @p0 .LBB2_1-.Ltmp2, $4  }
0x77: {  	[hbm:s12], [sflag:s22] =	dma.local [spmem:s31], $0x1DA0  }
0x78: {  	_ =	swait.ge [sflag:s15], $0x1DA0  }
0x79: {  	[sflag:s15] =	ssyncset.done $0x0  }
0x7a: {  	[sflag:s15] =	ssyncadd.s32 $0xFFFFE260  }
0x7b: {  	_ =	sfence.sel $0x180000  }
0x7c: {  	[bflag:$0x0] =	sbarrier.arrive $0xFFFF  }
0x7d: {  	p0 =	sne.s32 s1, $0x0;
	_ =	strace $0x90000053  }
0x7e: {  	s0 =	sadd.s32 @!p0 $0x100000, s0;
	[bflag:$0x2] =	sbarrier.arrive $0xFFFF  }
0x7f: {  	[sflag:s0] =	ssyncadd.tile.s32 @!p0 $0x1;
	_ =	shalt  }
.Lfunc_end2:
_tile_overlayer_lowered:
.L_overlay_start_2:
0x80: {  	(tag) =	ssettag $0x2  }
0x81: {  	s0 =	rddreg [dreg:$0x0];
	s2 =	stileid.u32  }
0x82: {  	s1 =	rddreg [dreg:$0x1];
	p0 =	sne.s32 s2, $0x0  }
0x83: {  	s3 =	rddreg [dreg:$0x2];
	[bflag:$0x3] =	sbarrier.arrive $0xFFFF;
	s2 =	simm.s32 @!p0 $0x1C03  }
0x84: {  	[timem:s3], [sflag:s2] =	dma.local @!p0 [hbm:s0], s1  }
0x85: {  	s0 =	simm.s32 @!p0 $0x3  }
0x86: {  	_ =	swait.ge @!p0 [sflag:s0], s1  }
0x87: {  	s1 =	ssub.s32 @!p0 $0x0, s1;
	[sflag:s0] =	ssyncset.done @!p0 $0x0  }
0x88: {  	[sflag:s0] =	ssyncadd.s32 @!p0 s1  }
0x89: {  	[bflag:$0x3] =	sbarrier.arrive $0xFFFF  }
0x8a: {  	_ =	shalt  }

</sc_bundles>
